<compile_context>
chip_gen: v7x
topology: tpu7x:2x2x1
jax: 0.10.2.dev20260603
libtpu: 0.0.44.dev20260713+nightly
codegen_flags: <defaults>
</compile_context>

<pallas_src>
import jax
import jax.numpy as jnp
from jax import lax
from jax.experimental import pallas as pl
from jax.experimental.pallas import tpu as pltpu
from jax.experimental.pallas import tpu_sc as plsc

N_BITS = 20
BATCH = 16384
TABLE_SIZE = 1 << N_BITS
FLAT = N_BITS * TABLE_SIZE

NC = 2
NS = 16
NW = NC * NS

CW = 2048
NCK = TABLE_SIZE // CW
CK_W = NCK // NW

TOK_W = BATCH // NW
CHUNK = 128
GROUP = 40
NGROUP = TOK_W * N_BITS // (CHUNK * GROUP)
CPR = TOK_W // CHUNK


def _relayout_body(table_ref, staging_ref, buf0, buf1, rsem, wsem):
    wid = lax.axis_index("s") * NC + lax.axis_index("c")
    ck0 = wid * CK_W
    bufs = (buf0, buf1)

    pltpu.async_copy(table_ref.at[:, pl.ds(ck0 * CW, CW)], buf0, rsem)
    pltpu.async_copy(table_ref.at[:, pl.ds((ck0 + 1) * CW, CW)], buf1, rsem)

    def step(k2, carry):
        for b in range(2):
            k = k2 * 2 + b
            cur = bufs[b]
            col = pl.multiple_of((ck0 + k) * CW, CW)
            pltpu.make_async_copy(
                table_ref.at[:, pl.ds(col, CW)], cur, rsem).wait()
            writes = []
            for p in range(N_BITS):
                writes.append(pltpu.async_copy(
                    cur.at[p],
                    staging_ref.at[
                        pl.ds(p * TABLE_SIZE + col, CW)],
                    wsem))
            for w in writes:
                w.wait()
            ncol = pl.multiple_of(
                (ck0 + lax.rem(k + 2, CK_W)) * CW, CW)
            pltpu.async_copy(table_ref.at[:, pl.ds(ncol, CW)], cur, rsem)
        return carry

    lax.fori_loop(0, CK_W // 2, step, 0)
    pltpu.make_async_copy(
        table_ref.at[:, pl.ds(ck0 * CW, CW)], buf0, rsem).wait()
    pltpu.make_async_copy(
        table_ref.at[:, pl.ds(ck0 * CW, CW)], buf1, rsem).wait()


def _tc_idx_body(bitst_ref, idx_ref):
    addr = jnp.zeros((1, BATCH), jnp.int32)
    for i in range(N_BITS):
        addr = addr + bitst_ref[pl.ds(i, 1), :] * (1 << i)
    for p in range(N_BITS):
        idx_ref[pl.ds(p, 1), :] = addr + (p << N_BITS)


def _gather_body(staging_ref, idxt_ref, out_ref, idx_v, vals_v, sem):
    wid = lax.axis_index("s") * NC + lax.axis_index("c")
    tok0 = wid * TOK_W
    pltpu.sync_copy(idxt_ref.at[:, pl.ds(tok0, TOK_W)], idx_v)

    def gather_group(t, carry):
        copies = []
        for u in range(GROUP):
            k = t * GROUP + u
            p = lax.div(k, CPR)
            c = lax.rem(k, CPR)
            o = pl.multiple_of(c * CHUNK, CHUNK)
            copies.append(pltpu.async_copy(
                staging_ref.at[idx_v.at[p, pl.ds(o, CHUNK)]],
                vals_v.at[p, pl.ds(o, CHUNK)], sem))
        for cp in copies:
            cp.wait()
        return carry

    lax.fori_loop(0, NGROUP, gather_group, 0)

    pltpu.sync_copy(vals_v, out_ref.at[:, pl.ds(tok0, TOK_W)])


def kernel(bits, tables):
    mesh = plsc.VectorSubcoreMesh(core_axis_name="c", subcore_axis_name="s")
    relayout = pl.kernel(
        _relayout_body,
        mesh=mesh,
        out_type=jax.ShapeDtypeStruct((FLAT,), jnp.float32),
        scratch_types=[
            pltpu.VMEM((N_BITS, CW), jnp.float32),
            pltpu.VMEM((N_BITS, CW), jnp.float32),
            pltpu.SemaphoreType.DMA,
            pltpu.SemaphoreType.DMA,
        ],
    )
    gather = pl.kernel(
        _gather_body,
        mesh=mesh,
        out_type=jax.ShapeDtypeStruct((N_BITS, BATCH), jnp.float32),
        scratch_types=[
            pltpu.VMEM((N_BITS, TOK_W), jnp.int32),
            pltpu.VMEM((N_BITS, TOK_W), jnp.float32),
            pltpu.SemaphoreType.DMA,
        ],
    )
    tc_idx = pl.pallas_call(
        _tc_idx_body,
        out_shape=jax.ShapeDtypeStruct((N_BITS, BATCH), jnp.int32),
    )
    staging = relayout(tables)
    idxt = tc_idx(bits.T)
    out_t = gather(staging, idxt)
    return out_t.T

# --- scband reference (transcript-rebuilt; emitter-appended) ---
"""Pipeline reference for scband-generalizing-projection-27668179321271 (READ-ONLY COPY).

The authoritative reference and input builder live on the scoring server;
editing this copy changes nothing except your own understanding.
"""

import jax, jax.numpy as jnp
import numpy as np

N_BITS = 20
BATCH = 16384
TABLE_SIZE = 2 ** N_BITS  # FULL context mode: each bit-mapper RAM sees all n_bits as its address


def setup_inputs(seed: int = 0) -> dict:
    key = jax.random.key(seed)
    k_bits, k_tab = jax.random.split(key)
    # forward arg per input_specs: binary token bits, values in {0, 1}
    bits = jax.random.randint(k_bits, (BATCH, N_BITS), 0, 2, dtype=jnp.int32)
    # learned parameters: one RAM lookup table per output bit position (OUTPUT mode
    # learns the output bit value directly as a stored cell, here relaxed to float32
    # so it behaves as a standard embedding-style lookup table).
    tables = jax.random.normal(k_tab, (N_BITS, TABLE_SIZE), dtype=jnp.float32)
    return {"bits": bits, "tables": tables}


def reference(bits, tables):
    # Faithful translation of BitLevelMapper/GeneralizingProjection forward in
    # FULL-context, OUTPUT mode: every output bit position queries its own RAM
    # table addressed by ALL input bits of the token.
    n_bits = bits.shape[1]
    # address = integer formed from the full bit pattern (context = all bits)
    powers = (2 ** jnp.arange(n_bits)).astype(jnp.int32)  # [n_bits]
    addr = jnp.dot(bits.astype(jnp.int32), powers)  # [batch], values in [0, 2^n_bits)
    # embedding-style gather: for each bit position p, look up tables[p, addr]
    gathered = jnp.take(tables, addr, axis=1)  # [n_bits, batch]
    outputs = gathered.T  # [batch, n_bits]
    return outputs

if __name__ == "__main__":
    import jax
    _d = setup_inputs()
    print(jax.jit(kernel)(*tuple(_d.values())))

</pallas_src>

<mosaic_0001>
#map = affine_map<(d0, d1) -> (0, 0)>
#map1 = affine_map<(d0, d1) -> (0)>
module attributes {stable_mosaic.version = 14 : i64} {
  func.func @_relayout_body(%arg0: i32, %arg1: i32, %arg2: memref<20x1048576xf32, #tpu.memory_space<hbm>>, %arg3: memref<20971520xf32, #tpu.memory_space<hbm>>, %arg4: memref<20x2048xf32, #tpu.memory_space<vmem>>, %arg5: memref<20x2048xf32, #tpu.memory_space<vmem>>, %arg6: memref<!tpu.dma_semaphore, #tpu.memory_space<semaphore_mem>>, %arg7: memref<!tpu.dma_semaphore, #tpu.memory_space<semaphore_mem>>) attributes {dimension_semantics = [#tpu.dimension_semantics<core_parallel>, #tpu.dimension_semantics<subcore_parallel>], iteration_bounds = array<i64: 2, 16>, scalar_prefetch = 0 : i64, scratch_operands = 4 : i64, tpu.core_type = #tpu.core_type<sc_vector_subcore>, window_params = [{transform_indices = #map}, {transform_indices = #map1}]} {
    %mul3A = arith.constant 2 : i32
    %mul3A_0 = arith.muli %arg1, %mul3A : i32
    %add3A = arith.addi %mul3A_0, %arg0 : i32
    %mul3A_1 = arith.constant 16 : i32
    %mul3A_2 = arith.muli %add3A, %mul3A_1 : i32
    %mul3A_3 = arith.constant 2048 : i32
    %mul3A_4 = arith.muli %mul3A_2, %mul3A_3 : i32
    %dma_start3A = arith.constant 0 : i32
    %dma_start3A_5 = tpu.memref_slice %arg2[%dma_start3A, %mul3A_4] : memref<20x1048576xf32, #tpu.memory_space<hbm>> -> memref<20x2048xf32, #tpu.memory_space<hbm>>
    %dma_start3A_6 = arith.constant 0 : i32
    %dma_start3A_7 = tpu.memref_slice %arg2[%dma_start3A_6, %mul3A_4] : memref<20x1048576xf32, #tpu.memory_space<hbm>> -> memref<20x2048xf32, #tpu.memory_space<hbm>>
    tpu.enqueue_dma source(%dma_start3A_7 : memref<20x2048xf32, #tpu.memory_space<hbm>>) target(%arg4 : memref<20x2048xf32, #tpu.memory_space<vmem>>) target_semaphore(%arg6 : memref<!tpu.dma_semaphore, #tpu.memory_space<semaphore_mem>>)
    %add3A_8 = arith.constant 1 : i32
    %add3A_9 = arith.addi %mul3A_2, %add3A_8 : i32
    %mul3A_10 = arith.constant 2048 : i32
    %mul3A_11 = arith.muli %add3A_9, %mul3A_10 : i32
    %dma_start3A_12 = arith.constant 0 : i32
    %dma_start3A_13 = tpu.memref_slice %arg2[%dma_start3A_12, %mul3A_11] : memref<20x1048576xf32, #tpu.memory_space<hbm>> -> memref<20x2048xf32, #tpu.memory_space<hbm>>
    %dma_start3A_14 = arith.constant 0 : i32
    %dma_start3A_15 = tpu.memref_slice %arg2[%dma_start3A_14, %mul3A_11] : memref<20x1048576xf32, #tpu.memory_space<hbm>> -> memref<20x2048xf32, #tpu.memory_space<hbm>>
    tpu.enqueue_dma source(%dma_start3A_15 : memref<20x2048xf32, #tpu.memory_space<hbm>>) target(%arg5 : memref<20x2048xf32, #tpu.memory_space<vmem>>) target_semaphore(%arg6 : memref<!tpu.dma_semaphore, #tpu.memory_space<semaphore_mem>>)
    %scan3A = arith.constant 0 : i32
    %scan3A_16 = arith.constant 0 : i32
    %scan3A_17 = arith.constant 8 : i32
    %scan3A_18 = arith.addi %scan3A_16, %scan3A_17 : i32
    %scan3A_19 = arith.constant 1 : i32
    scf.for %scan3A_32 = %scan3A_16 to %scan3A_18 step %scan3A_19  : i32 {
      %mul3A_33 = arith.constant 2 : i32
      %mul3A_34 = arith.muli %scan3A_32, %mul3A_33 : i32
      %add3A_35 = arith.constant 0 : i32
      %add3A_36 = arith.addi %mul3A_34, %add3A_35 : i32
      %add3A_37 = arith.addi %mul3A_2, %add3A_36 : i32
      %mul3A_38 = arith.constant 2048 : i32
      %mul3A_39 = arith.muli %add3A_37, %mul3A_38 : i32
      %multiple_of3A = tpu.assume_multiple %mul3A_39, 2048 : i32
      %dma_wait3A_40 = arith.constant 0 : i32
      %dma_wait3A_41 = tpu.memref_slice %arg2[%dma_wait3A_40, %multiple_of3A] : memref<20x1048576xf32, #tpu.memory_space<hbm>> -> memref<20x2048xf32, #tpu.memory_space<hbm>>
      %dma_wait3A_42 = arith.constant 0 : i32
      %dma_wait3A_43 = tpu.memref_slice %arg2[%dma_wait3A_42, %multiple_of3A] : memref<20x1048576xf32, #tpu.memory_space<hbm>> -> memref<20x2048xf32, #tpu.memory_space<hbm>>
      tpu.wait_dma2 semaphore(%arg6 : memref<!tpu.dma_semaphore, #tpu.memory_space<semaphore_mem>>) src(%dma_wait3A_43 : memref<20x2048xf32, #tpu.memory_space<hbm>>) dst(%arg4 : memref<20x2048xf32, #tpu.memory_space<vmem>>)
      %add3A_44 = arith.constant 0 : i32
      %add3A_45 = arith.addi %add3A_44, %multiple_of3A : i32
      %dma_start3A_46 = arith.constant 0 : i32
      %dma_start3A_47 = arith.constant 0 : i32
      %dma_start3A_48 = tpu.memref_slice %arg4[%dma_start3A_46, %dma_start3A_47] : memref<20x2048xf32, #tpu.memory_space<vmem>> -> memref<1x2048xf32, #tpu.memory_space<vmem>>
      %dma_start3A_49 = tpu.memref_squeeze %dma_start3A_48 : memref<1x2048xf32, #tpu.memory_space<vmem>> -> memref<2048xf32, #tpu.memory_space<vmem>>
      %dma_start3A_50 = tpu.memref_slice %arg3[%add3A_45] : memref<20971520xf32, #tpu.memory_space<hbm>> -> memref<2048xf32, #tpu.memory_space<hbm>>
      %dma_start3A_51 = tpu.memref_slice %arg3[%add3A_45] : memref<20971520xf32, #tpu.memory_space<hbm>> -> memref<2048xf32, #tpu.memory_space<hbm>>
      %dma_start3A_52 = arith.constant 0 : i32
      %dma_start3A_53 = tpu.memref_slice %arg4[%dma_start3A_46, %dma_start3A_52] : memref<20x2048xf32, #tpu.memory_space<vmem>> -> memref<1x2048xf32, #tpu.memory_space<vmem>>
      %dma_start3A_54 = tpu.memref_squeeze %dma_start3A_53 : memref<1x2048xf32, #tpu.memory_space<vmem>> -> memref<2048xf32, #tpu.memory_space<vmem>>
      tpu.enqueue_dma source(%dma_start3A_54 : memref<2048xf32, #tpu.memory_space<vmem>>) target(%dma_start3A_51 : memref<2048xf32, #tpu.memory_space<hbm>>) target_semaphore(%arg7 : memref<!tpu.dma_semaphore, #tpu.memory_space<semaphore_mem>>)
      %add3A_55 = arith.constant 1048576 : i32
      %add3A_56 = arith.addi %add3A_55, %multiple_of3A : i32
      %dma_start3A_57 = arith.constant 1 : i32
      %dma_start3A_58 = arith.constant 0 : i32
      %dma_start3A_59 = tpu.memref_slice %arg4[%dma_start3A_57, %dma_start3A_58] : memref<20x2048xf32, #tpu.memory_space<vmem>> -> memref<1x2048xf32, #tpu.memory_space<vmem>>
      %dma_start3A_60 = tpu.memref_squeeze %dma_start3A_59 : memref<1x2048xf32, #tpu.memory_space<vmem>> -> memref<2048xf32, #tpu.memory_space<vmem>>
      %dma_start3A_61 = tpu.memref_slice %arg3[%add3A_56] : memref<20971520xf32, #tpu.memory_space<hbm>> -> memref<2048xf32, #tpu.memory_space<hbm>>
      %dma_start3A_62 = tpu.memref_slice %arg3[%add3A_56] : memref<20971520xf32, #tpu.memory_space<hbm>> -> memref<2048xf32, #tpu.memory_space<hbm>>
      %dma_start3A_63 = arith.constant 0 : i32
      %dma_start3A_64 = tpu.memref_slice %arg4[%dma_start3A_57, %dma_start3A_63] : memref<20x2048xf32, #tpu.memory_space<vmem>> -> memref<1x2048xf32, #tpu.memory_space<vmem>>
      %dma_start3A_65 = tpu.memref_squeeze %dma_start3A_64 : memref<1x2048xf32, #tpu.memory_space<vmem>> -> memref<2048xf32, #tpu.memory_space<vmem>>
      tpu.enqueue_dma source(%dma_start3A_65 : memref<2048xf32, #tpu.memory_space<vmem>>) target(%dma_start3A_62 : memref<2048xf32, #tpu.memory_space<hbm>>) target_semaphore(%arg7 : memref<!tpu.dma_semaphore, #tpu.memory_space<semaphore_mem>>)
      %add3A_66 = arith.constant 2097152 : i32
      %add3A_67 = arith.addi %add3A_66, %multiple_of3A : i32
      %dma_start3A_68 = arith.constant 2 : i32
      %dma_start3A_69 = arith.constant 0 : i32
      %dma_start3A_70 = tpu.memref_slice %arg4[%dma_start3A_68, %dma_start3A_69] : memref<20x2048xf32, #tpu.memory_space<vmem>> -> memref<1x2048xf32, #tpu.memory_space<vmem>>
      %dma_start3A_71 = tpu.memref_squeeze %dma_start3A_70 : memref<1x2048xf32, #tpu.memory_space<vmem>> -> memref<2048xf32, #tpu.memory_space<vmem>>
      %dma_start3A_72 = tpu.memref_slice %arg3[%add3A_67] : memref<20971520xf32, #tpu.memory_space<hbm>> -> memref<2048xf32, #tpu.memory_space<hbm>>
      %dma_start3A_73 = tpu.memref_slice %arg3[%add3A_67] : memref<20971520xf32, #tpu.memory_space<hbm>> -> memref<2048xf32, #tpu.memory_space<hbm>>
      %dma_start3A_74 = arith.constant 0 : i32
      %dma_start3A_75 = tpu.memref_slice %arg4[%dma_start3A_68, %dma_start3A_74] : memref<20x2048xf32, #tpu.memory_space<vmem>> -> memref<1x2048xf32, #tpu.memory_space<vmem>>
      %dma_start3A_76 = tpu.memref_squeeze %dma_start3A_75 : memref<1x2048xf32, #tpu.memory_space<vmem>> -> memref<2048xf32, #tpu.memory_space<vmem>>
      tpu.enqueue_dma source(%dma_start3A_76 : memref<2048xf32, #tpu.memory_space<vmem>>) target(%dma_start3A_73 : memref<2048xf32, #tpu.memory_space<hbm>>) target_semaphore(%arg7 : memref<!tpu.dma_semaphore, #tpu.memory_space<semaphore_mem>>)
      %add3A_77 = arith.constant 3145728 : i32
      %add3A_78 = arith.addi %add3A_77, %multiple_of3A : i32
      %dma_start3A_79 = arith.constant 3 : i32
      %dma_start3A_80 = arith.constant 0 : i32
      %dma_start3A_81 = tpu.memref_slice %arg4[%dma_start3A_79, %dma_start3A_80] : memref<20x2048xf32, #tpu.memory_space<vmem>> -> memref<1x2048xf32, #tpu.memory_space<vmem>>
      %dma_start3A_82 = tpu.memref_squeeze %dma_start3A_81 : memref<1x2048xf32, #tpu.memory_space<vmem>> -> memref<2048xf32, #tpu.memory_space<vmem>>
      %dma_start3A_83 = tpu.memref_slice %arg3[%add3A_78] : memref<20971520xf32, #tpu.memory_space<hbm>> -> memref<2048xf32, #tpu.memory_space<hbm>>
      %dma_start3A_84 = tpu.memref_slice %arg3[%add3A_78] : memref<20971520xf32, #tpu.memory_space<hbm>> -> memref<2048xf32, #tpu.memory_space<hbm>>
      %dma_start3A_85 = arith.constant 0 : i32
      %dma_start3A_86 = tpu.memref_slice %arg4[%dma_start3A_79, %dma_start3A_85] : memref<20x2048xf32, #tpu.memory_space<vmem>> -> memref<1x2048xf32, #tpu.memory_space<vmem>>
      %dma_start3A_87 = tpu.memref_squeeze %dma_start3A_86 : memref<1x2048xf32, #tpu.memory_space<vmem>> -> memref<2048xf32, #tpu.memory_space<vmem>>
      tpu.enqueue_dma source(%dma_start3A_87 : memref<2048xf32, #tpu.memory_space<vmem>>) target(%dma_start3A_84 : memref<2048xf32, #tpu.memory_space<hbm>>) target_semaphore(%arg7 : memref<!tpu.dma_semaphore, #tpu.memory_space<semaphore_mem>>)
      %add3A_88 = arith.constant 4194304 : i32
      %add3A_89 = arith.addi %add3A_88, %multiple_of3A : i32
      %dma_start3A_90 = arith.constant 4 : i32
      %dma_start3A_91 = arith.constant 0 : i32
      %dma_start3A_92 = tpu.memref_slice %arg4[%dma_start3A_90, %dma_start3A_91] : memref<20x2048xf32, #tpu.memory_space<vmem>> -> memref<1x2048xf32, #tpu.memory_space<vmem>>
      %dma_start3A_93 = tpu.memref_squeeze %dma_start3A_92 : memref<1x2048xf32, #tpu.memory_space<vmem>> -> memref<2048xf32, #tpu.memory_space<vmem>>
      %dma_start3A_94 = tpu.memref_slice %arg3[%add3A_89] : memref<20971520xf32, #tpu.memory_space<hbm>> -> memref<2048xf32, #tpu.memory_space<hbm>>
      %dma_start3A_95 = tpu.memref_slice %arg3[%add3A_89] : memref<20971520xf32, #tpu.memory_space<hbm>> -> memref<2048xf32, #tpu.memory_space<hbm>>
      %dma_start3A_96 = arith.constant 0 : i32
      %dma_start3A_97 = tpu.memref_slice %arg4[%dma_start3A_90, %dma_start3A_96] : memref<20x2048xf32, #tpu.memory_space<vmem>> -> memref<1x2048xf32, #tpu.memory_space<vmem>>
      %dma_start3A_98 = tpu.memref_squeeze %dma_start3A_97 : memref<1x2048xf32, #tpu.memory_space<vmem>> -> memref<2048xf32, #tpu.memory_space<vmem>>
      tpu.enqueue_dma source(%dma_start3A_98 : memref<2048xf32, #tpu.memory_space<vmem>>) target(%dma_start3A_95 : memref<2048xf32, #tpu.memory_space<hbm>>) target_semaphore(%arg7 : memref<!tpu.dma_semaphore, #tpu.memory_space<semaphore_mem>>)
      %add3A_99 = arith.constant 5242880 : i32
      %add3A_100 = arith.addi %add3A_99, %multiple_of3A : i32
      %dma_start3A_101 = arith.constant 5 : i32
      %dma_start3A_102 = arith.constant 0 : i32
      %dma_start3A_103 = tpu.memref_slice %arg4[%dma_start3A_101, %dma_start3A_102] : memref<20x2048xf32, #tpu.memory_space<vmem>> -> memref<1x2048xf32, #tpu.memory_space<vmem>>
      %dma_start3A_104 = tpu.memref_squeeze %dma_start3A_103 : memref<1x2048xf32, #tpu.memory_space<vmem>> -> memref<2048xf32, #tpu.memory_space<vmem>>
      %dma_start3A_105 = tpu.memref_slice %arg3[%add3A_100] : memref<20971520xf32, #tpu.memory_space<hbm>> -> memref<2048xf32, #tpu.memory_space<hbm>>
      %dma_start3A_106 = tpu.memref_slice %arg3[%add3A_100] : memref<20971520xf32, #tpu.memory_space<hbm>> -> memref<2048xf32, #tpu.memory_space<hbm>>
      %dma_start3A_107 = arith.constant 0 : i32
      %dma_start3A_108 = tpu.memref_slice %arg4[%dma_start3A_101, %dma_start3A_107] : memref<20x2048xf32, #tpu.memory_space<vmem>> -> memref<1x2048xf32, #tpu.memory_space<vmem>>
      %dma_start3A_109 = tpu.memref_squeeze %dma_start3A_108 : memref<1x2048xf32, #tpu.memory_space<vmem>> -> memref<2048xf32, #tpu.memory_space<vmem>>
      tpu.enqueue_dma source(%dma_start3A_109 : memref<2048xf32, #tpu.memory_space<vmem>>) target(%dma_start3A_106 : memref<2048xf32, #tpu.memory_space<hbm>>) target_semaphore(%arg7 : memref<!tpu.dma_semaphore, #tpu.memory_space<semaphore_mem>>)
      %add3A_110 = arith.constant 6291456 : i32
      %add3A_111 = arith.addi %add3A_110, %multiple_of3A : i32
      %dma_start3A_112 = arith.constant 6 : i32
      %dma_start3A_113 = arith.constant 0 : i32
      %dma_start3A_114 = tpu.memref_slice %arg4[%dma_start3A_112, %dma_start3A_113] : memref<20x2048xf32, #tpu.memory_space<vmem>> -> memref<1x2048xf32, #tpu.memory_space<vmem>>
      %dma_start3A_115 = tpu.memref_squeeze %dma_start3A_114 : memref<1x2048xf32, #tpu.memory_space<vmem>> -> memref<2048xf32, #tpu.memory_space<vmem>>
      %dma_start3A_116 = tpu.memref_slice %arg3[%add3A_111] : memref<20971520xf32, #tpu.memory_space<hbm>> -> memref<2048xf32, #tpu.memory_space<hbm>>
      %dma_start3A_117 = tpu.memref_slice %arg3[%add3A_111] : memref<20971520xf32, #tpu.memory_space<hbm>> -> memref<2048xf32, #tpu.memory_space<hbm>>
      %dma_start3A_118 = arith.constant 0 : i32
      %dma_start3A_119 = tpu.memref_slice %arg4[%dma_start3A_112, %dma_start3A_118] : memref<20x2048xf32, #tpu.memory_space<vmem>> -> memref<1x2048xf32, #tpu.memory_space<vmem>>
      %dma_start3A_120 = tpu.memref_squeeze %dma_start3A_119 : memref<1x2048xf32, #tpu.memory_space<vmem>> -> memref<2048xf32, #tpu.memory_space<vmem>>
      tpu.enqueue_dma source(%dma_start3A_120 : memref<2048xf32, #tpu.memory_space<vmem>>) target(%dma_start3A_117 : memref<2048xf32, #tpu.memory_space<hbm>>) target_semaphore(%arg7 : memref<!tpu.dma_semaphore, #tpu.memory_space<semaphore_mem>>)
      %add3A_121 = arith.constant 7340032 : i32
      %add3A_122 = arith.addi %add3A_121, %multiple_of3A : i32
      %dma_start3A_123 = arith.constant 7 : i32
      %dma_start3A_124 = arith.constant 0 : i32
      %dma_start3A_125 = tpu.memref_slice %arg4[%dma_start3A_123, %dma_start3A_124] : memref<20x2048xf32, #tpu.memory_space<vmem>> -> memref<1x2048xf32, #tpu.memory_space<vmem>>
      %dma_start3A_126 = tpu.memref_squeeze %dma_start3A_125 : memref<1x2048xf32, #tpu.memory_space<vmem>> -> memref<2048xf32, #tpu.memory_space<vmem>>
      %dma_start3A_127 = tpu.memref_slice %arg3[%add3A_122] : memref<20971520xf32, #tpu.memory_space<hbm>> -> memref<2048xf32, #tpu.memory_space<hbm>>
      %dma_start3A_128 = tpu.memref_slice %arg3[%add3A_122] : memref<20971520xf32, #tpu.memory_space<hbm>> -> memref<2048xf32, #tpu.memory_space<hbm>>
      %dma_start3A_129 = arith.constant 0 : i32
      %dma_start3A_130 = tpu.memref_slice %arg4[%dma_start3A_123, %dma_start3A_129] : memref<20x2048xf32, #tpu.memory_space<vmem>> -> memref<1x2048xf32, #tpu.memory_space<vmem>>
      %dma_start3A_131 = tpu.memref_squeeze %dma_start3A_130 : memref<1x2048xf32, #tpu.memory_space<vmem>> -> memref<2048xf32, #tpu.memory_space<vmem>>
      tpu.enqueue_dma source(%dma_start3A_131 : memref<2048xf32, #tpu.memory_space<vmem>>) target(%dma_start3A_128 : memref<2048xf32, #tpu.memory_space<hbm>>) target_semaphore(%arg7 : memref<!tpu.dma_semaphore, #tpu.memory_space<semaphore_mem>>)
      %add3A_132 = arith.constant 8388608 : i32
      %add3A_133 = arith.addi %add3A_132, %multiple_of3A : i32
      %dma_start3A_134 = arith.constant 8 : i32
      %dma_start3A_135 = arith.constant 0 : i32
      %dma_start3A_136 = tpu.memref_slice %arg4[%dma_start3A_134, %dma_start3A_135] : memref<20x2048xf32, #tpu.memory_space<vmem>> -> memref<1x2048xf32, #tpu.memory_space<vmem>>
      %dma_start3A_137 = tpu.memref_squeeze %dma_start3A_136 : memref<1x2048xf32, #tpu.memory_space<vmem>> -> memref<2048xf32, #tpu.memory_space<vmem>>
      %dma_start3A_138 = tpu.memref_slice %arg3[%add3A_133] : memref<20971520xf32, #tpu.memory_space<hbm>> -> memref<2048xf32, #tpu.memory_space<hbm>>
      %dma_start3A_139 = tpu.memref_slice %arg3[%add3A_133] : memref<20971520xf32, #tpu.memory_space<hbm>> -> memref<2048xf32, #tpu.memory_space<hbm>>
      %dma_start3A_140 = arith.constant 0 : i32
      %dma_start3A_141 = tpu.memref_slice %arg4[%dma_start3A_134, %dma_start3A_140] : memref<20x2048xf32, #tpu.memory_space<vmem>> -> memref<1x2048xf32, #tpu.memory_space<vmem>>
      %dma_start3A_142 = tpu.memref_squeeze %dma_start3A_141 : memref<1x2048xf32, #tpu.memory_space<vmem>> -> memref<2048xf32, #tpu.memory_space<vmem>>
      tpu.enqueue_dma source(%dma_start3A_142 : memref<2048xf32, #tpu.memory_space<vmem>>) target(%dma_start3A_139 : memref<2048xf32, #tpu.memory_space<hbm>>) target_semaphore(%arg7 : memref<!tpu.dma_semaphore, #tpu.memory_space<semaphore_mem>>)
      %add3A_143 = arith.constant 9437184 : i32
      %add3A_144 = arith.addi %add3A_143, %multiple_of3A : i32
      %dma_start3A_145 = arith.constant 9 : i32
      %dma_start3A_146 = arith.constant 0 : i32
      %dma_start3A_147 = tpu.memref_slice %arg4[%dma_start3A_145, %dma_start3A_146] : memref<20x2048xf32, #tpu.memory_space<vmem>> -> memref<1x2048xf32, #tpu.memory_space<vmem>>
      %dma_start3A_148 = tpu.memref_squeeze %dma_start3A_147 : memref<1x2048xf32, #tpu.memory_space<vmem>> -> memref<2048xf32, #tpu.memory_space<vmem>>
      %dma_start3A_149 = tpu.memref_slice %arg3[%add3A_144] : memref<20971520xf32, #tpu.memory_space<hbm>> -> memref<2048xf32, #tpu.memory_space<hbm>>
      %dma_start3A_150 = tpu.memref_slice %arg3[%add3A_144] : memref<20971520xf32, #tpu.memory_space<hbm>> -> memref<2048xf32, #tpu.memory_space<hbm>>
      %dma_start3A_151 = arith.constant 0 : i32
      %dma_start3A_152 = tpu.memref_slice %arg4[%dma_start3A_145, %dma_start3A_151] : memref<20x2048xf32, #tpu.memory_space<vmem>> -> memref<1x2048xf32, #tpu.memory_space<vmem>>
      %dma_start3A_153 = tpu.memref_squeeze %dma_start3A_152 : memref<1x2048xf32, #tpu.memory_space<vmem>> -> memref<2048xf32, #tpu.memory_space<vmem>>
      tpu.enqueue_dma source(%dma_start3A_153 : memref<2048xf32, #tpu.memory_space<vmem>>) target(%dma_start3A_150 : memref<2048xf32, #tpu.memory_space<hbm>>) target_semaphore(%arg7 : memref<!tpu.dma_semaphore, #tpu.memory_space<semaphore_mem>>)
      %add3A_154 = arith.constant 10485760 : i32
      %add3A_155 = arith.addi %add3A_154, %multiple_of3A : i32
      %dma_start3A_156 = arith.constant 10 : i32
      %dma_start3A_157 = arith.constant 0 : i32
      %dma_start3A_158 = tpu.memref_slice %arg4[%dma_start3A_156, %dma_start3A_157] : memref<20x2048xf32, #tpu.memory_space<vmem>> -> memref<1x2048xf32, #tpu.memory_space<vmem>>
      %dma_start3A_159 = tpu.memref_squeeze %dma_start3A_158 : memref<1x2048xf32, #tpu.memory_space<vmem>> -> memref<2048xf32, #tpu.memory_space<vmem>>
      %dma_start3A_160 = tpu.memref_slice %arg3[%add3A_155] : memref<20971520xf32, #tpu.memory_space<hbm>> -> memref<2048xf32, #tpu.memory_space<hbm>>
      %dma_start3A_161 = tpu.memref_slice %arg3[%add3A_155] : memref<20971520xf32, #tpu.memory_space<hbm>> -> memref<2048xf32, #tpu.memory_space<hbm>>
      %dma_start3A_162 = arith.constant 0 : i32
      %dma_start3A_163 = tpu.memref_slice %arg4[%dma_start3A_156, %dma_start3A_162] : memref<20x2048xf32, #tpu.memory_space<vmem>> -> memref<1x2048xf32, #tpu.memory_space<vmem>>
      %dma_start3A_164 = tpu.memref_squeeze %dma_start3A_163 : memref<1x2048xf32, #tpu.memory_space<vmem>> -> memref<2048xf32, #tpu.memory_space<vmem>>
      tpu.enqueue_dma source(%dma_start3A_164 : memref<2048xf32, #tpu.memory_space<vmem>>) target(%dma_start3A_161 : memref<2048xf32, #tpu.memory_space<hbm>>) target_semaphore(%arg7 : memref<!tpu.dma_semaphore, #tpu.memory_space<semaphore_mem>>)
      %add3A_165 = arith.constant 11534336 : i32
      %add3A_166 = arith.addi %add3A_165, %multiple_of3A : i32
      %dma_start3A_167 = arith.constant 11 : i32
      %dma_start3A_168 = arith.constant 0 : i32
      %dma_start3A_169 = tpu.memref_slice %arg4[%dma_start3A_167, %dma_start3A_168] : memref<20x2048xf32, #tpu.memory_space<vmem>> -> memref<1x2048xf32, #tpu.memory_space<vmem>>
      %dma_start3A_170 = tpu.memref_squeeze %dma_start3A_169 : memref<1x2048xf32, #tpu.memory_space<vmem>> -> memref<2048xf32, #tpu.memory_space<vmem>>
      %dma_start3A_171 = tpu.memref_slice %arg3[%add3A_166] : memref<20971520xf32, #tpu.memory_space<hbm>> -> memref<2048xf32, #tpu.memory_space<hbm>>
      %dma_start3A_172 = tpu.memref_slice %arg3[%add3A_166] : memref<20971520xf32, #tpu.memory_space<hbm>> -> memref<2048xf32, #tpu.memory_space<hbm>>
      %dma_start3A_173 = arith.constant 0 : i32
      %dma_start3A_174 = tpu.memref_slice %arg4[%dma_start3A_167, %dma_start3A_173] : memref<20x2048xf32, #tpu.memory_space<vmem>> -> memref<1x2048xf32, #tpu.memory_space<vmem>>
      %dma_start3A_175 = tpu.memref_squeeze %dma_start3A_174 : memref<1x2048xf32, #tpu.memory_space<vmem>> -> memref<2048xf32, #tpu.memory_space<vmem>>
      tpu.enqueue_dma source(%dma_start3A_175 : memref<2048xf32, #tpu.memory_space<vmem>>) target(%dma_start3A_172 : memref<2048xf32, #tpu.memory_space<hbm>>) target_semaphore(%arg7 : memref<!tpu.dma_semaphore, #tpu.memory_space<semaphore_mem>>)
      %add3A_176 = arith.constant 12582912 : i32
      %add3A_177 = arith.addi %add3A_176, %multiple_of3A : i32
      %dma_start3A_178 = arith.constant 12 : i32
      %dma_start3A_179 = arith.constant 0 : i32
      %dma_start3A_180 = tpu.memref_slice %arg4[%dma_start3A_178, %dma_start3A_179] : memref<20x2048xf32, #tpu.memory_space<vmem>> -> memref<1x2048xf32, #tpu.memory_space<vmem>>
      %dma_start3A_181 = tpu.memref_squeeze %dma_start3A_180 : memref<1x2048xf32, #tpu.memory_space<vmem>> -> memref<2048xf32, #tpu.memory_space<vmem>>
      %dma_start3A_182 = tpu.memref_slice %arg3[%add3A_177] : memref<20971520xf32, #tpu.memory_space<hbm>> -> memref<2048xf32, #tpu.memory_space<hbm>>
      %dma_start3A_183 = tpu.memref_slice %arg3[%add3A_177] : memref<20971520xf32, #tpu.memory_space<hbm>> -> memref<2048xf32, #tpu.memory_space<hbm>>
      %dma_start3A_184 = arith.constant 0 : i32
      %dma_start3A_185 = tpu.memref_slice %arg4[%dma_start3A_178, %dma_start3A_184] : memref<20x2048xf32, #tpu.memory_space<vmem>> -> memref<1x2048xf32, #tpu.memory_space<vmem>>
      %dma_start3A_186 = tpu.memref_squeeze %dma_start3A_185 : memref<1x2048xf32, #tpu.memory_space<vmem>> -> memref<2048xf32, #tpu.memory_space<vmem>>
      tpu.enqueue_dma source(%dma_start3A_186 : memref<2048xf32, #tpu.memory_space<vmem>>) target(%dma_start3A_183 : memref<2048xf32, #tpu.memory_space<hbm>>) target_semaphore(%arg7 : memref<!tpu.dma_semaphore, #tpu.memory_space<semaphore_mem>>)
      %add3A_187 = arith.constant 13631488 : i32
      %add3A_188 = arith.addi %add3A_187, %multiple_of3A : i32
      %dma_start3A_189 = arith.constant 13 : i32
      %dma_start3A_190 = arith.constant 0 : i32
      %dma_start3A_191 = tpu.memref_slice %arg4[%dma_start3A_189, %dma_start3A_190] : memref<20x2048xf32, #tpu.memory_space<vmem>> -> memref<1x2048xf32, #tpu.memory_space<vmem>>
      %dma_start3A_192 = tpu.memref_squeeze %dma_start3A_191 : memref<1x2048xf32, #tpu.memory_space<vmem>> -> memref<2048xf32, #tpu.memory_space<vmem>>
      %dma_start3A_193 = tpu.memref_slice %arg3[%add3A_188] : memref<20971520xf32, #tpu.memory_space<hbm>> -> memref<2048xf32, #tpu.memory_space<hbm>>
      %dma_start3A_194 = tpu.memref_slice %arg3[%add3A_188] : memref<20971520xf32, #tpu.memory_space<hbm>> -> memref<2048xf32, #tpu.memory_space<hbm>>
      %dma_start3A_195 = arith.constant 0 : i32
      %dma_start3A_196 = tpu.memref_slice %arg4[%dma_start3A_189, %dma_start3A_195] : memref<20x2048xf32, #tpu.memory_space<vmem>> -> memref<1x2048xf32, #tpu.memory_space<vmem>>
      %dma_start3A_197 = tpu.memref_squeeze %dma_start3A_196 : memref<1x2048xf32, #tpu.memory_space<vmem>> -> memref<2048xf32, #tpu.memory_space<vmem>>
      tpu.enqueue_dma source(%dma_start3A_197 : memref<2048xf32, #tpu.memory_space<vmem>>) target(%dma_start3A_194 : memref<2048xf32, #tpu.memory_space<hbm>>) target_semaphore(%arg7 : memref<!tpu.dma_semaphore, #tpu.memory_space<semaphore_mem>>)
      %add3A_198 = arith.constant 14680064 : i32
      %add3A_199 = arith.addi %add3A_198, %multiple_of3A : i32
      %dma_start3A_200 = arith.constant 14 : i32
      %dma_start3A_201 = arith.constant 0 : i32
      %dma_start3A_202 = tpu.memref_slice %arg4[%dma_start3A_200, %dma_start3A_201] : memref<20x2048xf32, #tpu.memory_space<vmem>> -> memref<1x2048xf32, #tpu.memory_space<vmem>>
      %dma_start3A_203 = tpu.memref_squeeze %dma_start3A_202 : memref<1x2048xf32, #tpu.memory_space<vmem>> -> memref<2048xf32, #tpu.memory_space<vmem>>
      %dma_start3A_204 = tpu.memref_slice %arg3[%add3A_199] : memref<20971520xf32, #tpu.memory_space<hbm>> -> memref<2048xf32, #tpu.memory_space<hbm>>
      %dma_start3A_205 = tpu.memref_slice %arg3[%add3A_199] : memref<20971520xf32, #tpu.memory_space<hbm>> -> memref<2048xf32, #tpu.memory_space<hbm>>
      %dma_start3A_206 = arith.constant 0 : i32
      %dma_start3A_207 = tpu.memref_slice %arg4[%dma_start3A_200, %dma_start3A_206] : memref<20x2048xf32, #tpu.memory_space<vmem>> -> memref<1x2048xf32, #tpu.memory_space<vmem>>
      %dma_start3A_208 = tpu.memref_squeeze %dma_start3A_207 : memref<1x2048xf32, #tpu.memory_space<vmem>> -> memref<2048xf32, #tpu.memory_space<vmem>>
      tpu.enqueue_dma source(%dma_start3A_208 : memref<2048xf32, #tpu.memory_space<vmem>>) target(%dma_start3A_205 : memref<2048xf32, #tpu.memory_space<hbm>>) target_semaphore(%arg7 : memref<!tpu.dma_semaphore, #tpu.memory_space<semaphore_mem>>)
      %add3A_209 = arith.constant 15728640 : i32
      %add3A_210 = arith.addi %add3A_209, %multiple_of3A : i32
      %dma_start3A_211 = arith.constant 15 : i32
      %dma_start3A_212 = arith.constant 0 : i32
      %dma_start3A_213 = tpu.memref_slice %arg4[%dma_start3A_211, %dma_start3A_212] : memref<20x2048xf32, #tpu.memory_space<vmem>> -> memref<1x2048xf32, #tpu.memory_space<vmem>>
      %dma_start3A_214 = tpu.memref_squeeze %dma_start3A_213 : memref<1x2048xf32, #tpu.memory_space<vmem>> -> memref<2048xf32, #tpu.memory_space<vmem>>
      %dma_start3A_215 = tpu.memref_slice %arg3[%add3A_210] : memref<20971520xf32, #tpu.memory_space<hbm>> -> memref<2048xf32, #tpu.memory_space<hbm>>
      %dma_start3A_216 = tpu.memref_slice %arg3[%add3A_210] : memref<20971520xf32, #tpu.memory_space<hbm>> -> memref<2048xf32, #tpu.memory_space<hbm>>
      %dma_start3A_217 = arith.constant 0 : i32
      %dma_start3A_218 = tpu.memref_slice %arg4[%dma_start3A_211, %dma_start3A_217] : memref<20x2048xf32, #tpu.memory_space<vmem>> -> memref<1x2048xf32, #tpu.memory_space<vmem>>
      %dma_start3A_219 = tpu.memref_squeeze %dma_start3A_218 : memref<1x2048xf32, #tpu.memory_space<vmem>> -> memref<2048xf32, #tpu.memory_space<vmem>>
      tpu.enqueue_dma source(%dma_start3A_219 : memref<2048xf32, #tpu.memory_space<vmem>>) target(%dma_start3A_216 : memref<2048xf32, #tpu.memory_space<hbm>>) target_semaphore(%arg7 : memref<!tpu.dma_semaphore, #tpu.memory_space<semaphore_mem>>)
      %add3A_220 = arith.constant 16777216 : i32
      %add3A_221 = arith.addi %add3A_220, %multiple_of3A : i32
      %dma_start3A_222 = arith.constant 16 : i32
      %dma_start3A_223 = arith.constant 0 : i32
      %dma_start3A_224 = tpu.memref_slice %arg4[%dma_start3A_222, %dma_start3A_223] : memref<20x2048xf32, #tpu.memory_space<vmem>> -> memref<1x2048xf32, #tpu.memory_space<vmem>>
      %dma_start3A_225 = tpu.memref_squeeze %dma_start3A_224 : memref<1x2048xf32, #tpu.memory_space<vmem>> -> memref<2048xf32, #tpu.memory_space<vmem>>
      %dma_start3A_226 = tpu.memref_slice %arg3[%add3A_221] : memref<20971520xf32, #tpu.memory_space<hbm>> -> memref<2048xf32, #tpu.memory_space<hbm>>
      %dma_start3A_227 = tpu.memref_slice %arg3[%add3A_221] : memref<20971520xf32, #tpu.memory_space<hbm>> -> memref<2048xf32, #tpu.memory_space<hbm>>
      %dma_start3A_228 = arith.constant 0 : i32
      %dma_start3A_229 = tpu.memref_slice %arg4[%dma_start3A_222, %dma_start3A_228] : memref<20x2048xf32, #tpu.memory_space<vmem>> -> memref<1x2048xf32, #tpu.memory_space<vmem>>
      %dma_start3A_230 = tpu.memref_squeeze %dma_start3A_229 : memref<1x2048xf32, #tpu.memory_space<vmem>> -> memref<2048xf32, #tpu.memory_space<vmem>>
      tpu.enqueue_dma source(%dma_start3A_230 : memref<2048xf32, #tpu.memory_space<vmem>>) target(%dma_start3A_227 : memref<2048xf32, #tpu.memory_space<hbm>>) target_semaphore(%arg7 : memref<!tpu.dma_semaphore, #tpu.memory_space<semaphore_mem>>)
      %add3A_231 = arith.constant 17825792 : i32
      %add3A_232 = arith.addi %add3A_231, %multiple_of3A : i32
      %dma_start3A_233 = arith.constant 17 : i32
      %dma_start3A_234 = arith.constant 0 : i32
      %dma_start3A_235 = tpu.memref_slice %arg4[%dma_start3A_233, %dma_start3A_234] : memref<20x2048xf32, #tpu.memory_space<vmem>> -> memref<1x2048xf32, #tpu.memory_space<vmem>>
      %dma_start3A_236 = tpu.memref_squeeze %dma_start3A_235 : memref<1x2048xf32, #tpu.memory_space<vmem>> -> memref<2048xf32, #tpu.memory_space<vmem>>
      %dma_start3A_237 = tpu.memref_slice %arg3[%add3A_232] : memref<20971520xf32, #tpu.memory_space<hbm>> -> memref<2048xf32, #tpu.memory_space<hbm>>
      %dma_start3A_238 = tpu.memref_slice %arg3[%add3A_232] : memref<20971520xf32, #tpu.memory_space<hbm>> -> memref<2048xf32, #tpu.memory_space<hbm>>
      %dma_start3A_239 = arith.constant 0 : i32
      %dma_start3A_240 = tpu.memref_slice %arg4[%dma_start3A_233, %dma_start3A_239] : memref<20x2048xf32, #tpu.memory_space<vmem>> -> memref<1x2048xf32, #tpu.memory_space<vmem>>
      %dma_start3A_241 = tpu.memref_squeeze %dma_start3A_240 : memref<1x2048xf32, #tpu.memory_space<vmem>> -> memref<2048xf32, #tpu.memory_space<vmem>>
      tpu.enqueue_dma source(%dma_start3A_241 : memref<2048xf32, #tpu.memory_space<vmem>>) target(%dma_start3A_238 : memref<2048xf32, #tpu.memory_space<hbm>>) target_semaphore(%arg7 : memref<!tpu.dma_semaphore, #tpu.memory_space<semaphore_mem>>)
      %add3A_242 = arith.constant 18874368 : i32
      %add3A_243 = arith.addi %add3A_242, %multiple_of3A : i32
      %dma_start3A_244 = arith.constant 18 : i32
      %dma_start3A_245 = arith.constant 0 : i32
      %dma_start3A_246 = tpu.memref_slice %arg4[%dma_start3A_244, %dma_start3A_245] : memref<20x2048xf32, #tpu.memory_space<vmem>> -> memref<1x2048xf32, #tpu.memory_space<vmem>>
      %dma_start3A_247 = tpu.memref_squeeze %dma_start3A_246 : memref<1x2048xf32, #tpu.memory_space<vmem>> -> memref<2048xf32, #tpu.memory_space<vmem>>
      %dma_start3A_248 = tpu.memref_slice %arg3[%add3A_243] : memref<20971520xf32, #tpu.memory_space<hbm>> -> memref<2048xf32, #tpu.memory_space<hbm>>
      %dma_start3A_249 = tpu.memref_slice %arg3[%add3A_243] : memref<20971520xf32, #tpu.memory_space<hbm>> -> memref<2048xf32, #tpu.memory_space<hbm>>
      %dma_start3A_250 = arith.constant 0 : i32
      %dma_start3A_251 = tpu.memref_slice %arg4[%dma_start3A_244, %dma_start3A_250] : memref<20x2048xf32, #tpu.memory_space<vmem>> -> memref<1x2048xf32, #tpu.memory_space<vmem>>
      %dma_start3A_252 = tpu.memref_squeeze %dma_start3A_251 : memref<1x2048xf32, #tpu.memory_space<vmem>> -> memref<2048xf32, #tpu.memory_space<vmem>>
      tpu.enqueue_dma source(%dma_start3A_252 : memref<2048xf32, #tpu.memory_space<vmem>>) target(%dma_start3A_249 : memref<2048xf32, #tpu.memory_space<hbm>>) target_semaphore(%arg7 : memref<!tpu.dma_semaphore, #tpu.memory_space<semaphore_mem>>)
      %add3A_253 = arith.constant 19922944 : i32
      %add3A_254 = arith.addi %add3A_253, %multiple_of3A : i32
      %dma_start3A_255 = arith.constant 19 : i32
      %dma_start3A_256 = arith.constant 0 : i32
      %dma_start3A_257 = tpu.memref_slice %arg4[%dma_start3A_255, %dma_start3A_256] : memref<20x2048xf32, #tpu.memory_space<vmem>> -> memref<1x2048xf32, #tpu.memory_space<vmem>>
      %dma_start3A_258 = tpu.memref_squeeze %dma_start3A_257 : memref<1x2048xf32, #tpu.memory_space<vmem>> -> memref<2048xf32, #tpu.memory_space<vmem>>
      %dma_start3A_259 = tpu.memref_slice %arg3[%add3A_254] : memref<20971520xf32, #tpu.memory_space<hbm>> -> memref<2048xf32, #tpu.memory_space<hbm>>
      %dma_start3A_260 = tpu.memref_slice %arg3[%add3A_254] : memref<20971520xf32, #tpu.memory_space<hbm>> -> memref<2048xf32, #tpu.memory_space<hbm>>
      %dma_start3A_261 = arith.constant 0 : i32
      %dma_start3A_262 = tpu.memref_slice %arg4[%dma_start3A_255, %dma_start3A_261] : memref<20x2048xf32, #tpu.memory_space<vmem>> -> memref<1x2048xf32, #tpu.memory_space<vmem>>
      %dma_start3A_263 = tpu.memref_squeeze %dma_start3A_262 : memref<1x2048xf32, #tpu.memory_space<vmem>> -> memref<2048xf32, #tpu.memory_space<vmem>>
      tpu.enqueue_dma source(%dma_start3A_263 : memref<2048xf32, #tpu.memory_space<vmem>>) target(%dma_start3A_260 : memref<2048xf32, #tpu.memory_space<hbm>>) target_semaphore(%arg7 : memref<!tpu.dma_semaphore, #tpu.memory_space<semaphore_mem>>)
      %dma_wait3A_264 = arith.constant 0 : i32
      %dma_wait3A_265 = arith.constant 0 : i32
      %dma_wait3A_266 = tpu.memref_slice %arg4[%dma_wait3A_264, %dma_wait3A_265] : memref<20x2048xf32, #tpu.memory_space<vmem>> -> memref<1x2048xf32, #tpu.memory_space<vmem>>
      %dma_wait3A_267 = tpu.memref_squeeze %dma_wait3A_266 : memref<1x2048xf32, #tpu.memory_space<vmem>> -> memref<2048xf32, #tpu.memory_space<vmem>>
      %dma_wait3A_268 = tpu.memref_slice %arg3[%add3A_45] : memref<20971520xf32, #tpu.memory_space<hbm>> -> memref<2048xf32, #tpu.memory_space<hbm>>
      %dma_wait3A_269 = tpu.memref_slice %arg3[%add3A_45] : memref<20971520xf32, #tpu.memory_space<hbm>> -> memref<2048xf32, #tpu.memory_space<hbm>>
      %dma_wait3A_270 = arith.constant 0 : i32
      %dma_wait3A_271 = tpu.memref_slice %arg4[%dma_wait3A_264, %dma_wait3A_270] : memref<20x2048xf32, #tpu.memory_space<vmem>> -> memref<1x2048xf32, #tpu.memory_space<vmem>>
      %dma_wait3A_272 = tpu.memref_squeeze %dma_wait3A_271 : memref<1x2048xf32, #tpu.memory_space<vmem>> -> memref<2048xf32, #tpu.memory_space<vmem>>
      tpu.wait_dma2 semaphore(%arg7 : memref<!tpu.dma_semaphore, #tpu.memory_space<semaphore_mem>>) src(%dma_wait3A_272 : memref<2048xf32, #tpu.memory_space<vmem>>) dst(%dma_wait3A_269 : memref<2048xf32, #tpu.memory_space<hbm>>)
      %dma_wait3A_273 = arith.constant 1 : i32
      %dma_wait3A_274 = arith.constant 0 : i32
      %dma_wait3A_275 = tpu.memref_slice %arg4[%dma_wait3A_273, %dma_wait3A_274] : memref<20x2048xf32, #tpu.memory_space<vmem>> -> memref<1x2048xf32, #tpu.memory_space<vmem>>
      %dma_wait3A_276 = tpu.memref_squeeze %dma_wait3A_275 : memref<1x2048xf32, #tpu.memory_space<vmem>> -> memref<2048xf32, #tpu.memory_space<vmem>>
      %dma_wait3A_277 = tpu.memref_slice %arg3[%add3A_56] : memref<20971520xf32, #tpu.memory_space<hbm>> -> memref<2048xf32, #tpu.memory_space<hbm>>
      %dma_wait3A_278 = tpu.memref_slice %arg3[%add3A_56] : memref<20971520xf32, #tpu.memory_space<hbm>> -> memref<2048xf32, #tpu.memory_space<hbm>>
      %dma_wait3A_279 = arith.constant 0 : i32
      %dma_wait3A_280 = tpu.memref_slice %arg4[%dma_wait3A_273, %dma_wait3A_279] : memref<20x2048xf32, #tpu.memory_space<vmem>> -> memref<1x2048xf32, #tpu.memory_space<vmem>>
      %dma_wait3A_281 = tpu.memref_squeeze %dma_wait3A_280 : memref<1x2048xf32, #tpu.memory_space<vmem>> -> memref<2048xf32, #tpu.memory_space<vmem>>
      tpu.wait_dma2 semaphore(%arg7 : memref<!tpu.dma_semaphore, #tpu.memory_space<semaphore_mem>>) src(%dma_wait3A_281 : memref<2048xf32, #tpu.memory_space<vmem>>) dst(%dma_wait3A_278 : memref<2048xf32, #tpu.memory_space<hbm>>)
      %dma_wait3A_282 = arith.constant 2 : i32
      %dma_wait3A_283 = arith.constant 0 : i32
      %dma_wait3A_284 = tpu.memref_slice %arg4[%dma_wait3A_282, %dma_wait3A_283] : memref<20x2048xf32, #tpu.memory_space<vmem>> -> memref<1x2048xf32, #tpu.memory_space<vmem>>
      %dma_wait3A_285 = tpu.memref_squeeze %dma_wait3A_284 : memref<1x2048xf32, #tpu.memory_space<vmem>> -> memref<2048xf32, #tpu.memory_space<vmem>>
      %dma_wait3A_286 = tpu.memref_slice %arg3[%add3A_67] : memref<20971520xf32, #tpu.memory_space<hbm>> -> memref<2048xf32, #tpu.memory_space<hbm>>
      %dma_wait3A_287 = tpu.memref_slice %arg3[%add3A_67] : memref<20971520xf32, #tpu.memory_space<hbm>> -> memref<2048xf32, #tpu.memory_space<hbm>>
      %dma_wait3A_288 = arith.constant 0 : i32
      %dma_wait3A_289 = tpu.memref_slice %arg4[%dma_wait3A_282, %dma_wait3A_288] : memref<20x2048xf32, #tpu.memory_space<vmem>> -> memref<1x2048xf32, #tpu.memory_space<vmem>>
      %dma_wait3A_290 = tpu.memref_squeeze %dma_wait3A_289 : memref<1x2048xf32, #tpu.memory_space<vmem>> -> memref<2048xf32, #tpu.memory_space<vmem>>
      tpu.wait_dma2 semaphore(%arg7 : memref<!tpu.dma_semaphore, #tpu.memory_space<semaphore_mem>>) src(%dma_wait3A_290 : memref<2048xf32, #tpu.memory_space<vmem>>) dst(%dma_wait3A_287 : memref<2048xf32, #tpu.memory_space<hbm>>)
      %dma_wait3A_291 = arith.constant 3 : i32
      %dma_wait3A_292 = arith.constant 0 : i32
      %dma_wait3A_293 = tpu.memref_slice %arg4[%dma_wait3A_291, %dma_wait3A_292] : memref<20x2048xf32, #tpu.memory_space<vmem>> -> memref<1x2048xf32, #tpu.memory_space<vmem>>
      %dma_wait3A_294 = tpu.memref_squeeze %dma_wait3A_293 : memref<1x2048xf32, #tpu.memory_space<vmem>> -> memref<2048xf32, #tpu.memory_space<vmem>>
      %dma_wait3A_295 = tpu.memref_slice %arg3[%add3A_78] : memref<20971520xf32, #tpu.memory_space<hbm>> -> memref<2048xf32, #tpu.memory_space<hbm>>
      %dma_wait3A_296 = tpu.memref_slice %arg3[%add3A_78] : memref<20971520xf32, #tpu.memory_space<hbm>> -> memref<2048xf32, #tpu.memory_space<hbm>>
      %dma_wait3A_297 = arith.constant 0 : i32
      %dma_wait3A_298 = tpu.memref_slice %arg4[%dma_wait3A_291, %dma_wait3A_297] : memref<20x2048xf32, #tpu.memory_space<vmem>> -> memref<1x2048xf32, #tpu.memory_space<vmem>>
      %dma_wait3A_299 = tpu.memref_squeeze %dma_wait3A_298 : memref<1x2048xf32, #tpu.memory_space<vmem>> -> memref<2048xf32, #tpu.memory_space<vmem>>
      tpu.wait_dma2 semaphore(%arg7 : memref<!tpu.dma_semaphore, #tpu.memory_space<semaphore_mem>>) src(%dma_wait3A_299 : memref<2048xf32, #tpu.memory_space<vmem>>) dst(%dma_wait3A_296 : memref<2048xf32, #tpu.memory_space<hbm>>)
      %dma_wait3A_300 = arith.constant 4 : i32
      %dma_wait3A_301 = arith.constant 0 : i32
      %dma_wait3A_302 = tpu.memref_slice %arg4[%dma_wait3A_300, %dma_wait3A_301] : memref<20x2048xf32, #tpu.memory_space<vmem>> -> memref<1x2048xf32, #tpu.memory_space<vmem>>
      %dma_wait3A_303 = tpu.memref_squeeze %dma_wait3A_302 : memref<1x2048xf32, #tpu.memory_space<vmem>> -> memref<2048xf32, #tpu.memory_space<vmem>>
      %dma_wait3A_304 = tpu.memref_slice %arg3[%add3A_89] : memref<20971520xf32, #tpu.memory_space<hbm>> -> memref<2048xf32, #tpu.memory_space<hbm>>
      %dma_wait3A_305 = tpu.memref_slice %arg3[%add3A_89] : memref<20971520xf32, #tpu.memory_space<hbm>> -> memref<2048xf32, #tpu.memory_space<hbm>>
      %dma_wait3A_306 = arith.constant 0 : i32
      %dma_wait3A_307 = tpu.memref_slice %arg4[%dma_wait3A_300, %dma_wait3A_306] : memref<20x2048xf32, #tpu.memory_space<vmem>> -> memref<1x2048xf32, #tpu.memory_space<vmem>>
      %dma_wait3A_308 = tpu.memref_squeeze %dma_wait3A_307 : memref<1x2048xf32, #tpu.memory_space<vmem>> -> memref<2048xf32, #tpu.memory_space<vmem>>
      tpu.wait_dma2 semaphore(%arg7 : memref<!tpu.dma_semaphore, #tpu.memory_space<semaphore_mem>>) src(%dma_wait3A_308 : memref<2048xf32, #tpu.memory_space<vmem>>) dst(%dma_wait3A_305 : memref<2048xf32, #tpu.memory_space<hbm>>)
      %dma_wait3A_309 = arith.constant 5 : i32
      %dma_wait3A_310 = arith.constant 0 : i32
      %dma_wait3A_311 = tpu.memref_slice %arg4[%dma_wait3A_309, %dma_wait3A_310] : memref<20x2048xf32, #tpu.memory_space<vmem>> -> memref<1x2048xf32, #tpu.memory_space<vmem>>
      %dma_wait3A_312 = tpu.memref_squeeze %dma_wait3A_311 : memref<1x2048xf32, #tpu.memory_space<vmem>> -> memref<2048xf32, #tpu.memory_space<vmem>>
      %dma_wait3A_313 = tpu.memref_slice %arg3[%add3A_100] : memref<20971520xf32, #tpu.memory_space<hbm>> -> memref<2048xf32, #tpu.memory_space<hbm>>
      %dma_wait3A_314 = tpu.memref_slice %arg3[%add3A_100] : memref<20971520xf32, #tpu.memory_space<hbm>> -> memref<2048xf32, #tpu.memory_space<hbm>>
      %dma_wait3A_315 = arith.constant 0 : i32
      %dma_wait3A_316 = tpu.memref_slice %arg4[%dma_wait3A_309, %dma_wait3A_315] : memref<20x2048xf32, #tpu.memory_space<vmem>> -> memref<1x2048xf32, #tpu.memory_space<vmem>>
      %dma_wait3A_317 = tpu.memref_squeeze %dma_wait3A_316 : memref<1x2048xf32, #tpu.memory_space<vmem>> -> memref<2048xf32, #tpu.memory_space<vmem>>
      tpu.wait_dma2 semaphore(%arg7 : memref<!tpu.dma_semaphore, #tpu.memory_space<semaphore_mem>>) src(%dma_wait3A_317 : memref<2048xf32, #tpu.memory_space<vmem>>) dst(%dma_wait3A_314 : memref<2048xf32, #tpu.memory_space<hbm>>)
      %dma_wait3A_318 = arith.constant 6 : i32
      %dma_wait3A_319 = arith.constant 0 : i32
      %dma_wait3A_320 = tpu.memref_slice %arg4[%dma_wait3A_318, %dma_wait3A_319] : memref<20x2048xf32, #tpu.memory_space<vmem>> -> memref<1x2048xf32, #tpu.memory_space<vmem>>
      %dma_wait3A_321 = tpu.memref_squeeze %dma_wait3A_320 : memref<1x2048xf32, #tpu.memory_space<vmem>> -> memref<2048xf32, #tpu.memory_space<vmem>>
      %dma_wait3A_322 = tpu.memref_slice %arg3[%add3A_111] : memref<20971520xf32, #tpu.memory_space<hbm>> -> memref<2048xf32, #tpu.memory_space<hbm>>
      %dma_wait3A_323 = tpu.memref_slice %arg3[%add3A_111] : memref<20971520xf32, #tpu.memory_space<hbm>> -> memref<2048xf32, #tpu.memory_space<hbm>>
      %dma_wait3A_324 = arith.constant 0 : i32
      %dma_wait3A_325 = tpu.memref_slice %arg4[%dma_wait3A_318, %dma_wait3A_324] : memref<20x2048xf32, #tpu.memory_space<vmem>> -> memref<1x2048xf32, #tpu.memory_space<vmem>>
      %dma_wait3A_326 = tpu.memref_squeeze %dma_wait3A_325 : memref<1x2048xf32, #tpu.memory_space<vmem>> -> memref<2048xf32, #tpu.memory_space<vmem>>
      tpu.wait_dma2 semaphore(%arg7 : memref<!tpu.dma_semaphore, #tpu.memory_space<semaphore_mem>>) src(%dma_wait3A_326 : memref<2048xf32, #tpu.memory_space<vmem>>) dst(%dma_wait3A_323 : memref<2048xf32, #tpu.memory_space<hbm>>)
      %dma_wait3A_327 = arith.constant 7 : i32
      %dma_wait3A_328 = arith.constant 0 : i32
      %dma_wait3A_329 = tpu.memref_slice %arg4[%dma_wait3A_327, %dma_wait3A_328] : memref<20x2048xf32, #tpu.memory_space<vmem>> -> memref<1x2048xf32, #tpu.memory_space<vmem>>
      %dma_wait3A_330 = tpu.memref_squeeze %dma_wait3A_329 : memref<1x2048xf32, #tpu.memory_space<vmem>> -> memref<2048xf32, #tpu.memory_space<vmem>>
      %dma_wait3A_331 = tpu.memref_slice %arg3[%add3A_122] : memref<20971520xf32, #tpu.memory_space<hbm>> -> memref<2048xf32, #tpu.memory_space<hbm>>
      %dma_wait3A_332 = tpu.memref_slice %arg3[%add3A_122] : memref<20971520xf32, #tpu.memory_space<hbm>> -> memref<2048xf32, #tpu.memory_space<hbm>>
      %dma_wait3A_333 = arith.constant 0 : i32
      %dma_wait3A_334 = tpu.memref_slice %arg4[%dma_wait3A_327, %dma_wait3A_333] : memref<20x2048xf32, #tpu.memory_space<vmem>> -> memref<1x2048xf32, #tpu.memory_space<vmem>>
      %dma_wait3A_335 = tpu.memref_squeeze %dma_wait3A_334 : memref<1x2048xf32, #tpu.memory_space<vmem>> -> memref<2048xf32, #tpu.memory_space<vmem>>
      tpu.wait_dma2 semaphore(%arg7 : memref<!tpu.dma_semaphore, #tpu.memory_space<semaphore_mem>>) src(%dma_wait3A_335 : memref<2048xf32, #tpu.memory_space<vmem>>) dst(%dma_wait3A_332 : memref<2048xf32, #tpu.memory_space<hbm>>)
      %dma_wait3A_336 = arith.constant 8 : i32
      %dma_wait3A_337 = arith.constant 0 : i32
      %dma_wait3A_338 = tpu.memref_slice %arg4[%dma_wait3A_336, %dma_wait3A_337] : memref<20x2048xf32, #tpu.memory_space<vmem>> -> memref<1x2048xf32, #tpu.memory_space<vmem>>
      %dma_wait3A_339 = tpu.memref_squeeze %dma_wait3A_338 : memref<1x2048xf32, #tpu.memory_space<vmem>> -> memref<2048xf32, #tpu.memory_space<vmem>>
      %dma_wait3A_340 = tpu.memref_slice %arg3[%add3A_133] : memref<20971520xf32, #tpu.memory_space<hbm>> -> memref<2048xf32, #tpu.memory_space<hbm>>
      %dma_wait3A_341 = tpu.memref_slice %arg3[%add3A_133] : memref<20971520xf32, #tpu.memory_space<hbm>> -> memref<2048xf32, #tpu.memory_space<hbm>>
      %dma_wait3A_342 = arith.constant 0 : i32
      %dma_wait3A_343 = tpu.memref_slice %arg4[%dma_wait3A_336, %dma_wait3A_342] : memref<20x2048xf32, #tpu.memory_space<vmem>> -> memref<1x2048xf32, #tpu.memory_space<vmem>>
      %dma_wait3A_344 = tpu.memref_squeeze %dma_wait3A_343 : memref<1x2048xf32, #tpu.memory_space<vmem>> -> memref<2048xf32, #tpu.memory_space<vmem>>
      tpu.wait_dma2 semaphore(%arg7 : memref<!tpu.dma_semaphore, #tpu.memory_space<semaphore_mem>>) src(%dma_wait3A_344 : memref<2048xf32, #tpu.memory_space<vmem>>) dst(%dma_wait3A_341 : memref<2048xf32, #tpu.memory_space<hbm>>)
      %dma_wait3A_345 = arith.constant 9 : i32
      %dma_wait3A_346 = arith.constant 0 : i32
      %dma_wait3A_347 = tpu.memref_slice %arg4[%dma_wait3A_345, %dma_wait3A_346] : memref<20x2048xf32, #tpu.memory_space<vmem>> -> memref<1x2048xf32, #tpu.memory_space<vmem>>
      %dma_wait3A_348 = tpu.memref_squeeze %dma_wait3A_347 : memref<1x2048xf32, #tpu.memory_space<vmem>> -> memref<2048xf32, #tpu.memory_space<vmem>>
      %dma_wait3A_349 = tpu.memref_slice %arg3[%add3A_144] : memref<20971520xf32, #tpu.memory_space<hbm>> -> memref<2048xf32, #tpu.memory_space<hbm>>
      %dma_wait3A_350 = tpu.memref_slice %arg3[%add3A_144] : memref<20971520xf32, #tpu.memory_space<hbm>> -> memref<2048xf32, #tpu.memory_space<hbm>>
      %dma_wait3A_351 = arith.constant 0 : i32
      %dma_wait3A_352 = tpu.memref_slice %arg4[%dma_wait3A_345, %dma_wait3A_351] : memref<20x2048xf32, #tpu.memory_space<vmem>> -> memref<1x2048xf32, #tpu.memory_space<vmem>>
      %dma_wait3A_353 = tpu.memref_squeeze %dma_wait3A_352 : memref<1x2048xf32, #tpu.memory_space<vmem>> -> memref<2048xf32, #tpu.memory_space<vmem>>
      tpu.wait_dma2 semaphore(%arg7 : memref<!tpu.dma_semaphore, #tpu.memory_space<semaphore_mem>>) src(%dma_wait3A_353 : memref<2048xf32, #tpu.memory_space<vmem>>) dst(%dma_wait3A_350 : memref<2048xf32, #tpu.memory_space<hbm>>)
      %dma_wait3A_354 = arith.constant 10 : i32
      %dma_wait3A_355 = arith.constant 0 : i32
      %dma_wait3A_356 = tpu.memref_slice %arg4[%dma_wait3A_354, %dma_wait3A_355] : memref<20x2048xf32, #tpu.memory_space<vmem>> -> memref<1x2048xf32, #tpu.memory_space<vmem>>
      %dma_wait3A_357 = tpu.memref_squeeze %dma_wait3A_356 : memref<1x2048xf32, #tpu.memory_space<vmem>> -> memref<2048xf32, #tpu.memory_space<vmem>>
      %dma_wait3A_358 = tpu.memref_slice %arg3[%add3A_155] : memref<20971520xf32, #tpu.memory_space<hbm>> -> memref<2048xf32, #tpu.memory_space<hbm>>
      %dma_wait3A_359 = tpu.memref_slice %arg3[%add3A_155] : memref<20971520xf32, #tpu.memory_space<hbm>> -> memref<2048xf32, #tpu.memory_space<hbm>>
      %dma_wait3A_360 = arith.constant 0 : i32
      %dma_wait3A_361 = tpu.memref_slice %arg4[%dma_wait3A_354, %dma_wait3A_360] : memref<20x2048xf32, #tpu.memory_space<vmem>> -> memref<1x2048xf32, #tpu.memory_space<vmem>>
      %dma_wait3A_362 = tpu.memref_squeeze %dma_wait3A_361 : memref<1x2048xf32, #tpu.memory_space<vmem>> -> memref<2048xf32, #tpu.memory_space<vmem>>
      tpu.wait_dma2 semaphore(%arg7 : memref<!tpu.dma_semaphore, #tpu.memory_space<semaphore_mem>>) src(%dma_wait3A_362 : memref<2048xf32, #tpu.memory_space<vmem>>) dst(%dma_wait3A_359 : memref<2048xf32, #tpu.memory_space<hbm>>)
      %dma_wait3A_363 = arith.constant 11 : i32
      %dma_wait3A_364 = arith.constant 0 : i32
      %dma_wait3A_365 = tpu.memref_slice %arg4[%dma_wait3A_363, %dma_wait3A_364] : memref<20x2048xf32, #tpu.memory_space<vmem>> -> memref<1x2048xf32, #tpu.memory_space<vmem>>
      %dma_wait3A_366 = tpu.memref_squeeze %dma_wait3A_365 : memref<1x2048xf32, #tpu.memory_space<vmem>> -> memref<2048xf32, #tpu.memory_space<vmem>>
      %dma_wait3A_367 = tpu.memref_slice %arg3[%add3A_166] : memref<20971520xf32, #tpu.memory_space<hbm>> -> memref<2048xf32, #tpu.memory_space<hbm>>
      %dma_wait3A_368 = tpu.memref_slice %arg3[%add3A_166] : memref<20971520xf32, #tpu.memory_space<hbm>> -> memref<2048xf32, #tpu.memory_space<hbm>>
      %dma_wait3A_369 = arith.constant 0 : i32
      %dma_wait3A_370 = tpu.memref_slice %arg4[%dma_wait3A_363, %dma_wait3A_369] : memref<20x2048xf32, #tpu.memory_space<vmem>> -> memref<1x2048xf32, #tpu.memory_space<vmem>>
      %dma_wait3A_371 = tpu.memref_squeeze %dma_wait3A_370 : memref<1x2048xf32, #tpu.memory_space<vmem>> -> memref<2048xf32, #tpu.memory_space<vmem>>
      tpu.wait_dma2 semaphore(%arg7 : memref<!tpu.dma_semaphore, #tpu.memory_space<semaphore_mem>>) src(%dma_wait3A_371 : memref<2048xf32, #tpu.memory_space<vmem>>) dst(%dma_wait3A_368 : memref<2048xf32, #tpu.memory_space<hbm>>)
      %dma_wait3A_372 = arith.constant 12 : i32
      %dma_wait3A_373 = arith.constant 0 : i32
      %dma_wait3A_374 = tpu.memref_slice %arg4[%dma_wait3A_372, %dma_wait3A_373] : memref<20x2048xf32, #tpu.memory_space<vmem>> -> memref<1x2048xf32, #tpu.memory_space<vmem>>
      %dma_wait3A_375 = tpu.memref_squeeze %dma_wait3A_374 : memref<1x2048xf32, #tpu.memory_space<vmem>> -> memref<2048xf32, #tpu.memory_space<vmem>>
      %dma_wait3A_376 = tpu.memref_slice %arg3[%add3A_177] : memref<20971520xf32, #tpu.memory_space<hbm>> -> memref<2048xf32, #tpu.memory_space<hbm>>
      %dma_wait3A_377 = tpu.memref_slice %arg3[%add3A_177] : memref<20971520xf32, #tpu.memory_space<hbm>> -> memref<2048xf32, #tpu.memory_space<hbm>>
      %dma_wait3A_378 = arith.constant 0 : i32
      %dma_wait3A_379 = tpu.memref_slice %arg4[%dma_wait3A_372, %dma_wait3A_378] : memref<20x2048xf32, #tpu.memory_space<vmem>> -> memref<1x2048xf32, #tpu.memory_space<vmem>>
      %dma_wait3A_380 = tpu.memref_squeeze %dma_wait3A_379 : memref<1x2048xf32, #tpu.memory_space<vmem>> -> memref<2048xf32, #tpu.memory_space<vmem>>
      tpu.wait_dma2 semaphore(%arg7 : memref<!tpu.dma_semaphore, #tpu.memory_space<semaphore_mem>>) src(%dma_wait3A_380 : memref<2048xf32, #tpu.memory_space<vmem>>) dst(%dma_wait3A_377 : memref<2048xf32, #tpu.memory_space<hbm>>)
      %dma_wait3A_381 = arith.constant 13 : i32
      %dma_wait3A_382 = arith.constant 0 : i32
      %dma_wait3A_383 = tpu.memref_slice %arg4[%dma_wait3A_381, %dma_wait3A_382] : memref<20x2048xf32, #tpu.memory_space<vmem>> -> memref<1x2048xf32, #tpu.memory_space<vmem>>
      %dma_wait3A_384 = tpu.memref_squeeze %dma_wait3A_383 : memref<1x2048xf32, #tpu.memory_space<vmem>> -> memref<2048xf32, #tpu.memory_space<vmem>>
      %dma_wait3A_385 = tpu.memref_slice %arg3[%add3A_188] : memref<20971520xf32, #tpu.memory_space<hbm>> -> memref<2048xf32, #tpu.memory_space<hbm>>
      %dma_wait3A_386 = tpu.memref_slice %arg3[%add3A_188] : memref<20971520xf32, #tpu.memory_space<hbm>> -> memref<2048xf32, #tpu.memory_space<hbm>>
      %dma_wait3A_387 = arith.constant 0 : i32
      %dma_wait3A_388 = tpu.memref_slice %arg4[%dma_wait3A_381, %dma_wait3A_387] : memref<20x2048xf32, #tpu.memory_space<vmem>> -> memref<1x2048xf32, #tpu.memory_space<vmem>>
      %dma_wait3A_389 = tpu.memref_squeeze %dma_wait3A_388 : memref<1x2048xf32, #tpu.memory_space<vmem>> -> memref<2048xf32, #tpu.memory_space<vmem>>
      tpu.wait_dma2 semaphore(%arg7 : memref<!tpu.dma_semaphore, #tpu.memory_space<semaphore_mem>>) src(%dma_wait3A_389 : memref<2048xf32, #tpu.memory_space<vmem>>) dst(%dma_wait3A_386 : memref<2048xf32, #tpu.memory_space<hbm>>)
      %dma_wait3A_390 = arith.constant 14 : i32
      %dma_wait3A_391 = arith.constant 0 : i32
      %dma_wait3A_392 = tpu.memref_slice %arg4[%dma_wait3A_390, %dma_wait3A_391] : memref<20x2048xf32, #tpu.memory_space<vmem>> -> memref<1x2048xf32, #tpu.memory_space<vmem>>
      %dma_wait3A_393 = tpu.memref_squeeze %dma_wait3A_392 : memref<1x2048xf32, #tpu.memory_space<vmem>> -> memref<2048xf32, #tpu.memory_space<vmem>>
      %dma_wait3A_394 = tpu.memref_slice %arg3[%add3A_199] : memref<20971520xf32, #tpu.memory_space<hbm>> -> memref<2048xf32, #tpu.memory_space<hbm>>
      %dma_wait3A_395 = tpu.memref_slice %arg3[%add3A_199] : memref<20971520xf32, #tpu.memory_space<hbm>> -> memref<2048xf32, #tpu.memory_space<hbm>>
      %dma_wait3A_396 = arith.constant 0 : i32
      %dma_wait3A_397 = tpu.memref_slice %arg4[%dma_wait3A_390, %dma_wait3A_396] : memref<20x2048xf32, #tpu.memory_space<vmem>> -> memref<1x2048xf32, #tpu.memory_space<vmem>>
      %dma_wait3A_398 = tpu.memref_squeeze %dma_wait3A_397 : memref<1x2048xf32, #tpu.memory_space<vmem>> -> memref<2048xf32, #tpu.memory_space<vmem>>
      tpu.wait_dma2 semaphore(%arg7 : memref<!tpu.dma_semaphore, #tpu.memory_space<semaphore_mem>>) src(%dma_wait3A_398 : memref<2048xf32, #tpu.memory_space<vmem>>) dst(%dma_wait3A_395 : memref<2048xf32, #tpu.memory_space<hbm>>)
      %dma_wait3A_399 = arith.constant 15 : i32
      %dma_wait3A_400 = arith.constant 0 : i32
      %dma_wait3A_401 = tpu.memref_slice %arg4[%dma_wait3A_399, %dma_wait3A_400] : memref<20x2048xf32, #tpu.memory_space<vmem>> -> memref<1x2048xf32, #tpu.memory_space<vmem>>
      %dma_wait3A_402 = tpu.memref_squeeze %dma_wait3A_401 : memref<1x2048xf32, #tpu.memory_space<vmem>> -> memref<2048xf32, #tpu.memory_space<vmem>>
      %dma_wait3A_403 = tpu.memref_slice %arg3[%add3A_210] : memref<20971520xf32, #tpu.memory_space<hbm>> -> memref<2048xf32, #tpu.memory_space<hbm>>
      %dma_wait3A_404 = tpu.memref_slice %arg3[%add3A_210] : memref<20971520xf32, #tpu.memory_space<hbm>> -> memref<2048xf32, #tpu.memory_space<hbm>>
      %dma_wait3A_405 = arith.constant 0 : i32
      %dma_wait3A_406 = tpu.memref_slice %arg4[%dma_wait3A_399, %dma_wait3A_405] : memref<20x2048xf32, #tpu.memory_space<vmem>> -> memref<1x2048xf32, #tpu.memory_space<vmem>>
      %dma_wait3A_407 = tpu.memref_squeeze %dma_wait3A_406 : memref<1x2048xf32, #tpu.memory_space<vmem>> -> memref<2048xf32, #tpu.memory_space<vmem>>
      tpu.wait_dma2 semaphore(%arg7 : memref<!tpu.dma_semaphore, #tpu.memory_space<semaphore_mem>>) src(%dma_wait3A_407 : memref<2048xf32, #tpu.memory_space<vmem>>) dst(%dma_wait3A_404 : memref<2048xf32, #tpu.memory_space<hbm>>)
      %dma_wait3A_408 = arith.constant 16 : i32
      %dma_wait3A_409 = arith.constant 0 : i32
      %dma_wait3A_410 = tpu.memref_slice %arg4[%dma_wait3A_408, %dma_wait3A_409] : memref<20x2048xf32, #tpu.memory_space<vmem>> -> memref<1x2048xf32, #tpu.memory_space<vmem>>
      %dma_wait3A_411 = tpu.memref_squeeze %dma_wait3A_410 : memref<1x2048xf32, #tpu.memory_space<vmem>> -> memref<2048xf32, #tpu.memory_space<vmem>>
      %dma_wait3A_412 = tpu.memref_slice %arg3[%add3A_221] : memref<20971520xf32, #tpu.memory_space<hbm>> -> memref<2048xf32, #tpu.memory_space<hbm>>
      %dma_wait3A_413 = tpu.memref_slice %arg3[%add3A_221] : memref<20971520xf32, #tpu.memory_space<hbm>> -> memref<2048xf32, #tpu.memory_space<hbm>>
      %dma_wait3A_414 = arith.constant 0 : i32
      %dma_wait3A_415 = tpu.memref_slice %arg4[%dma_wait3A_408, %dma_wait3A_414] : memref<20x2048xf32, #tpu.memory_space<vmem>> -> memref<1x2048xf32, #tpu.memory_space<vmem>>
      %dma_wait3A_416 = tpu.memref_squeeze %dma_wait3A_415 : memref<1x2048xf32, #tpu.memory_space<vmem>> -> memref<2048xf32, #tpu.memory_space<vmem>>
      tpu.wait_dma2 semaphore(%arg7 : memref<!tpu.dma_semaphore, #tpu.memory_space<semaphore_mem>>) src(%dma_wait3A_416 : memref<2048xf32, #tpu.memory_space<vmem>>) dst(%dma_wait3A_413 : memref<2048xf32, #tpu.memory_space<hbm>>)
      %dma_wait3A_417 = arith.constant 17 : i32
      %dma_wait3A_418 = arith.constant 0 : i32
      %dma_wait3A_419 = tpu.memref_slice %arg4[%dma_wait3A_417, %dma_wait3A_418] : memref<20x2048xf32, #tpu.memory_space<vmem>> -> memref<1x2048xf32, #tpu.memory_space<vmem>>
      %dma_wait3A_420 = tpu.memref_squeeze %dma_wait3A_419 : memref<1x2048xf32, #tpu.memory_space<vmem>> -> memref<2048xf32, #tpu.memory_space<vmem>>
      %dma_wait3A_421 = tpu.memref_slice %arg3[%add3A_232] : memref<20971520xf32, #tpu.memory_space<hbm>> -> memref<2048xf32, #tpu.memory_space<hbm>>
      %dma_wait3A_422 = tpu.memref_slice %arg3[%add3A_232] : memref<20971520xf32, #tpu.memory_space<hbm>> -> memref<2048xf32, #tpu.memory_space<hbm>>
      %dma_wait3A_423 = arith.constant 0 : i32
      %dma_wait3A_424 = tpu.memref_slice %arg4[%dma_wait3A_417, %dma_wait3A_423] : memref<20x2048xf32, #tpu.memory_space<vmem>> -> memref<1x2048xf32, #tpu.memory_space<vmem>>
      %dma_wait3A_425 = tpu.memref_squeeze %dma_wait3A_424 : memref<1x2048xf32, #tpu.memory_space<vmem>> -> memref<2048xf32, #tpu.memory_space<vmem>>
      tpu.wait_dma2 semaphore(%arg7 : memref<!tpu.dma_semaphore, #tpu.memory_space<semaphore_mem>>) src(%dma_wait3A_425 : memref<2048xf32, #tpu.memory_space<vmem>>) dst(%dma_wait3A_422 : memref<2048xf32, #tpu.memory_space<hbm>>)
      %dma_wait3A_426 = arith.constant 18 : i32
      %dma_wait3A_427 = arith.constant 0 : i32
      %dma_wait3A_428 = tpu.memref_slice %arg4[%dma_wait3A_426, %dma_wait3A_427] : memref<20x2048xf32, #tpu.memory_space<vmem>> -> memref<1x2048xf32, #tpu.memory_space<vmem>>
      %dma_wait3A_429 = tpu.memref_squeeze %dma_wait3A_428 : memref<1x2048xf32, #tpu.memory_space<vmem>> -> memref<2048xf32, #tpu.memory_space<vmem>>
      %dma_wait3A_430 = tpu.memref_slice %arg3[%add3A_243] : memref<20971520xf32, #tpu.memory_space<hbm>> -> memref<2048xf32, #tpu.memory_space<hbm>>
      %dma_wait3A_431 = tpu.memref_slice %arg3[%add3A_243] : memref<20971520xf32, #tpu.memory_space<hbm>> -> memref<2048xf32, #tpu.memory_space<hbm>>
      %dma_wait3A_432 = arith.constant 0 : i32
      %dma_wait3A_433 = tpu.memref_slice %arg4[%dma_wait3A_426, %dma_wait3A_432] : memref<20x2048xf32, #tpu.memory_space<vmem>> -> memref<1x2048xf32, #tpu.memory_space<vmem>>
      %dma_wait3A_434 = tpu.memref_squeeze %dma_wait3A_433 : memref<1x2048xf32, #tpu.memory_space<vmem>> -> memref<2048xf32, #tpu.memory_space<vmem>>
      tpu.wait_dma2 semaphore(%arg7 : memref<!tpu.dma_semaphore, #tpu.memory_space<semaphore_mem>>) src(%dma_wait3A_434 : memref<2048xf32, #tpu.memory_space<vmem>>) dst(%dma_wait3A_431 : memref<2048xf32, #tpu.memory_space<hbm>>)
      %dma_wait3A_435 = arith.constant 19 : i32
      %dma_wait3A_436 = arith.constant 0 : i32
      %dma_wait3A_437 = tpu.memref_slice %arg4[%dma_wait3A_435, %dma_wait3A_436] : memref<20x2048xf32, #tpu.memory_space<vmem>> -> memref<1x2048xf32, #tpu.memory_space<vmem>>
      %dma_wait3A_438 = tpu.memref_squeeze %dma_wait3A_437 : memref<1x2048xf32, #tpu.memory_space<vmem>> -> memref<2048xf32, #tpu.memory_space<vmem>>
      %dma_wait3A_439 = tpu.memref_slice %arg3[%add3A_254] : memref<20971520xf32, #tpu.memory_space<hbm>> -> memref<2048xf32, #tpu.memory_space<hbm>>
      %dma_wait3A_440 = tpu.memref_slice %arg3[%add3A_254] : memref<20971520xf32, #tpu.memory_space<hbm>> -> memref<2048xf32, #tpu.memory_space<hbm>>
      %dma_wait3A_441 = arith.constant 0 : i32
      %dma_wait3A_442 = tpu.memref_slice %arg4[%dma_wait3A_435, %dma_wait3A_441] : memref<20x2048xf32, #tpu.memory_space<vmem>> -> memref<1x2048xf32, #tpu.memory_space<vmem>>
      %dma_wait3A_443 = tpu.memref_squeeze %dma_wait3A_442 : memref<1x2048xf32, #tpu.memory_space<vmem>> -> memref<2048xf32, #tpu.memory_space<vmem>>
      tpu.wait_dma2 semaphore(%arg7 : memref<!tpu.dma_semaphore, #tpu.memory_space<semaphore_mem>>) src(%dma_wait3A_443 : memref<2048xf32, #tpu.memory_space<vmem>>) dst(%dma_wait3A_440 : memref<2048xf32, #tpu.memory_space<hbm>>)
      %add3A_444 = arith.constant 2 : i32
      %add3A_445 = arith.addi %add3A_36, %add3A_444 : i32
      %rem3A = arith.constant 16 : i32
      %rem3A_446 = arith.remsi %add3A_445, %rem3A : i32
      %add3A_447 = arith.addi %mul3A_2, %rem3A_446 : i32
      %mul3A_448 = arith.constant 2048 : i32
      %mul3A_449 = arith.muli %add3A_447, %mul3A_448 : i32
      %multiple_of3A_450 = tpu.assume_multiple %mul3A_449, 2048 : i32
      %dma_start3A_451 = arith.constant 0 : i32
      %dma_start3A_452 = tpu.memref_slice %arg2[%dma_start3A_451, %multiple_of3A_450] : memref<20x1048576xf32, #tpu.memory_space<hbm>> -> memref<20x2048xf32, #tpu.memory_space<hbm>>
      %dma_start3A_453 = arith.constant 0 : i32
      %dma_start3A_454 = tpu.memref_slice %arg2[%dma_start3A_453, %multiple_of3A_450] : memref<20x1048576xf32, #tpu.memory_space<hbm>> -> memref<20x2048xf32, #tpu.memory_space<hbm>>
      tpu.enqueue_dma source(%dma_start3A_454 : memref<20x2048xf32, #tpu.memory_space<hbm>>) target(%arg4 : memref<20x2048xf32, #tpu.memory_space<vmem>>) target_semaphore(%arg6 : memref<!tpu.dma_semaphore, #tpu.memory_space<semaphore_mem>>)
      %mul3A_455 = arith.constant 2 : i32
      %mul3A_456 = arith.muli %scan3A_32, %mul3A_455 : i32
      %add3A_457 = arith.constant 1 : i32
      %add3A_458 = arith.addi %mul3A_456, %add3A_457 : i32
      %add3A_459 = arith.addi %mul3A_2, %add3A_458 : i32
      %mul3A_460 = arith.constant 2048 : i32
      %mul3A_461 = arith.muli %add3A_459, %mul3A_460 : i32
      %multiple_of3A_462 = tpu.assume_multiple %mul3A_461, 2048 : i32
      %dma_wait3A_463 = arith.constant 0 : i32
      %dma_wait3A_464 = tpu.memref_slice %arg2[%dma_wait3A_463, %multiple_of3A_462] : memref<20x1048576xf32, #tpu.memory_space<hbm>> -> memref<20x2048xf32, #tpu.memory_space<hbm>>
      %dma_wait3A_465 = arith.constant 0 : i32
      %dma_wait3A_466 = tpu.memref_slice %arg2[%dma_wait3A_465, %multiple_of3A_462] : memref<20x1048576xf32, #tpu.memory_space<hbm>> -> memref<20x2048xf32, #tpu.memory_space<hbm>>
      tpu.wait_dma2 semaphore(%arg6 : memref<!tpu.dma_semaphore, #tpu.memory_space<semaphore_mem>>) src(%dma_wait3A_466 : memref<20x2048xf32, #tpu.memory_space<hbm>>) dst(%arg5 : memref<20x2048xf32, #tpu.memory_space<vmem>>)
      %add3A_467 = arith.constant 0 : i32
      %add3A_468 = arith.addi %add3A_467, %multiple_of3A_462 : i32
      %dma_start3A_469 = arith.constant 0 : i32
      %dma_start3A_470 = arith.constant 0 : i32
      %dma_start3A_471 = tpu.memref_slice %arg5[%dma_start3A_469, %dma_start3A_470] : memref<20x2048xf32, #tpu.memory_space<vmem>> -> memref<1x2048xf32, #tpu.memory_space<vmem>>
      %dma_start3A_472 = tpu.memref_squeeze %dma_start3A_471 : memref<1x2048xf32, #tpu.memory_space<vmem>> -> memref<2048xf32, #tpu.memory_space<vmem>>
      %dma_start3A_473 = tpu.memref_slice %arg3[%add3A_468] : memref<20971520xf32, #tpu.memory_space<hbm>> -> memref<2048xf32, #tpu.memory_space<hbm>>
      %dma_start3A_474 = tpu.memref_slice %arg3[%add3A_468] : memref<20971520xf32, #tpu.memory_space<hbm>> -> memref<2048xf32, #tpu.memory_space<hbm>>
      %dma_start3A_475 = arith.constant 0 : i32
      %dma_start3A_476 = tpu.memref_slice %arg5[%dma_start3A_469, %dma_start3A_475] : memref<20x2048xf32, #tpu.memory_space<vmem>> -> memref<1x2048xf32, #tpu.memory_space<vmem>>
      %dma_start3A_477 = tpu.memref_squeeze %dma_start3A_476 : memref<1x2048xf32, #tpu.memory_space<vmem>> -> memref<2048xf32, #tpu.memory_space<vmem>>
      tpu.enqueue_dma source(%dma_start3A_477 : memref<2048xf32, #tpu.memory_space<vmem>>) target(%dma_start3A_474 : memref<2048xf32, #tpu.memory_space<hbm>>) target_semaphore(%arg7 : memref<!tpu.dma_semaphore, #tpu.memory_space<semaphore_mem>>)
      %add3A_478 = arith.constant 1048576 : i32
      %add3A_479 = arith.addi %add3A_478, %multiple_of3A_462 : i32
      %dma_start3A_480 = arith.constant 1 : i32
      %dma_start3A_481 = arith.constant 0 : i32
      %dma_start3A_482 = tpu.memref_slice %arg5[%dma_start3A_480, %dma_start3A_481] : memref<20x2048xf32, #tpu.memory_space<vmem>> -> memref<1x2048xf32, #tpu.memory_space<vmem>>
      %dma_start3A_483 = tpu.memref_squeeze %dma_start3A_482 : memref<1x2048xf32, #tpu.memory_space<vmem>> -> memref<2048xf32, #tpu.memory_space<vmem>>
      %dma_start3A_484 = tpu.memref_slice %arg3[%add3A_479] : memref<20971520xf32, #tpu.memory_space<hbm>> -> memref<2048xf32, #tpu.memory_space<hbm>>
      %dma_start3A_485 = tpu.memref_slice %arg3[%add3A_479] : memref<20971520xf32, #tpu.memory_space<hbm>> -> memref<2048xf32, #tpu.memory_space<hbm>>
      %dma_start3A_486 = arith.constant 0 : i32
      %dma_start3A_487 = tpu.memref_slice %arg5[%dma_start3A_480, %dma_start3A_486] : memref<20x2048xf32, #tpu.memory_space<vmem>> -> memref<1x2048xf32, #tpu.memory_space<vmem>>
      %dma_start3A_488 = tpu.memref_squeeze %dma_start3A_487 : memref<1x2048xf32, #tpu.memory_space<vmem>> -> memref<2048xf32, #tpu.memory_space<vmem>>
      tpu.enqueue_dma source(%dma_start3A_488 : memref<2048xf32, #tpu.memory_space<vmem>>) target(%dma_start3A_485 : memref<2048xf32, #tpu.memory_space<hbm>>) target_semaphore(%arg7 : memref<!tpu.dma_semaphore, #tpu.memory_space<semaphore_mem>>)
      %add3A_489 = arith.constant 2097152 : i32
      %add3A_490 = arith.addi %add3A_489, %multiple_of3A_462 : i32
      %dma_start3A_491 = arith.constant 2 : i32
      %dma_start3A_492 = arith.constant 0 : i32
      %dma_start3A_493 = tpu.memref_slice %arg5[%dma_start3A_491, %dma_start3A_492] : memref<20x2048xf32, #tpu.memory_space<vmem>> -> memref<1x2048xf32, #tpu.memory_space<vmem>>
      %dma_start3A_494 = tpu.memref_squeeze %dma_start3A_493 : memref<1x2048xf32, #tpu.memory_space<vmem>> -> memref<2048xf32, #tpu.memory_space<vmem>>
      %dma_start3A_495 = tpu.memref_slice %arg3[%add3A_490] : memref<20971520xf32, #tpu.memory_space<hbm>> -> memref<2048xf32, #tpu.memory_space<hbm>>
      %dma_start3A_496 = tpu.memref_slice %arg3[%add3A_490] : memref<20971520xf32, #tpu.memory_space<hbm>> -> memref<2048xf32, #tpu.memory_space<hbm>>
      %dma_start3A_497 = arith.constant 0 : i32
      %dma_start3A_498 = tpu.memref_slice %arg5[%dma_start3A_491, %dma_start3A_497] : memref<20x2048xf32, #tpu.memory_space<vmem>> -> memref<1x2048xf32, #tpu.memory_space<vmem>>
      %dma_start3A_499 = tpu.memref_squeeze %dma_start3A_498 : memref<1x2048xf32, #tpu.memory_space<vmem>> -> memref<2048xf32, #tpu.memory_space<vmem>>
      tpu.enqueue_dma source(%dma_start3A_499 : memref<2048xf32, #tpu.memory_space<vmem>>) target(%dma_start3A_496 : memref<2048xf32, #tpu.memory_space<hbm>>) target_semaphore(%arg7 : memref<!tpu.dma_semaphore, #tpu.memory_space<semaphore_mem>>)
      %add3A_500 = arith.constant 3145728 : i32
      %add3A_501 = arith.addi %add3A_500, %multiple_of3A_462 : i32
      %dma_start3A_502 = arith.constant 3 : i32
      %dma_start3A_503 = arith.constant 0 : i32
      %dma_start3A_504 = tpu.memref_slice %arg5[%dma_start3A_502, %dma_start3A_503] : memref<20x2048xf32, #tpu.memory_space<vmem>> -> memref<1x2048xf32, #tpu.memory_space<vmem>>
      %dma_start3A_505 = tpu.memref_squeeze %dma_start3A_504 : memref<1x2048xf32, #tpu.memory_space<vmem>> -> memref<2048xf32, #tpu.memory_space<vmem>>
      %dma_start3A_506 = tpu.memref_slice %arg3[%add3A_501] : memref<20971520xf32, #tpu.memory_space<hbm>> -> memref<2048xf32, #tpu.memory_space<hbm>>
      %dma_start3A_507 = tpu.memref_slice %arg3[%add3A_501] : memref<20971520xf32, #tpu.memory_space<hbm>> -> memref<2048xf32, #tpu.memory_space<hbm>>
      %dma_start3A_508 = arith.constant 0 : i32
      %dma_start3A_509 = tpu.memref_slice %arg5[%dma_start3A_502, %dma_start3A_508] : memref<20x2048xf32, #tpu.memory_space<vmem>> -> memref<1x2048xf32, #tpu.memory_space<vmem>>
      %dma_start3A_510 = tpu.memref_squeeze %dma_start3A_509 : memref<1x2048xf32, #tpu.memory_space<vmem>> -> memref<2048xf32, #tpu.memory_space<vmem>>
      tpu.enqueue_dma source(%dma_start3A_510 : memref<2048xf32, #tpu.memory_space<vmem>>) target(%dma_start3A_507 : memref<2048xf32, #tpu.memory_space<hbm>>) target_semaphore(%arg7 : memref<!tpu.dma_semaphore, #tpu.memory_space<semaphore_mem>>)
      %add3A_511 = arith.constant 4194304 : i32
      %add3A_512 = arith.addi %add3A_511, %multiple_of3A_462 : i32
      %dma_start3A_513 = arith.constant 4 : i32
      %dma_start3A_514 = arith.constant 0 : i32
      %dma_start3A_515 = tpu.memref_slice %arg5[%dma_start3A_513, %dma_start3A_514] : memref<20x2048xf32, #tpu.memory_space<vmem>> -> memref<1x2048xf32, #tpu.memory_space<vmem>>
      %dma_start3A_516 = tpu.memref_squeeze %dma_start3A_515 : memref<1x2048xf32, #tpu.memory_space<vmem>> -> memref<2048xf32, #tpu.memory_space<vmem>>
      %dma_start3A_517 = tpu.memref_slice %arg3[%add3A_512] : memref<20971520xf32, #tpu.memory_space<hbm>> -> memref<2048xf32, #tpu.memory_space<hbm>>
      %dma_start3A_518 = tpu.memref_slice %arg3[%add3A_512] : memref<20971520xf32, #tpu.memory_space<hbm>> -> memref<2048xf32, #tpu.memory_space<hbm>>
      %dma_start3A_519 = arith.constant 0 : i32
      %dma_start3A_520 = tpu.memref_slice %arg5[%dma_start3A_513, %dma_start3A_519] : memref<20x2048xf32, #tpu.memory_space<vmem>> -> memref<1x2048xf32, #tpu.memory_space<vmem>>
      %dma_start3A_521 = tpu.memref_squeeze %dma_start3A_520 : memref<1x2048xf32, #tpu.memory_space<vmem>> -> memref<2048xf32, #tpu.memory_space<vmem>>
      tpu.enqueue_dma source(%dma_start3A_521 : memref<2048xf32, #tpu.memory_space<vmem>>) target(%dma_start3A_518 : memref<2048xf32, #tpu.memory_space<hbm>>) target_semaphore(%arg7 : memref<!tpu.dma_semaphore, #tpu.memory_space<semaphore_mem>>)
      %add3A_522 = arith.constant 5242880 : i32
      %add3A_523 = arith.addi %add3A_522, %multiple_of3A_462 : i32
      %dma_start3A_524 = arith.constant 5 : i32
      %dma_start3A_525 = arith.constant 0 : i32
      %dma_start3A_526 = tpu.memref_slice %arg5[%dma_start3A_524, %dma_start3A_525] : memref<20x2048xf32, #tpu.memory_space<vmem>> -> memref<1x2048xf32, #tpu.memory_space<vmem>>
      %dma_start3A_527 = tpu.memref_squeeze %dma_start3A_526 : memref<1x2048xf32, #tpu.memory_space<vmem>> -> memref<2048xf32, #tpu.memory_space<vmem>>
      %dma_start3A_528 = tpu.memref_slice %arg3[%add3A_523] : memref<20971520xf32, #tpu.memory_space<hbm>> -> memref<2048xf32, #tpu.memory_space<hbm>>
      %dma_start3A_529 = tpu.memref_slice %arg3[%add3A_523] : memref<20971520xf32, #tpu.memory_space<hbm>> -> memref<2048xf32, #tpu.memory_space<hbm>>
      %dma_start3A_530 = arith.constant 0 : i32
      %dma_start3A_531 = tpu.memref_slice %arg5[%dma_start3A_524, %dma_start3A_530] : memref<20x2048xf32, #tpu.memory_space<vmem>> -> memref<1x2048xf32, #tpu.memory_space<vmem>>
      %dma_start3A_532 = tpu.memref_squeeze %dma_start3A_531 : memref<1x2048xf32, #tpu.memory_space<vmem>> -> memref<2048xf32, #tpu.memory_space<vmem>>
      tpu.enqueue_dma source(%dma_start3A_532 : memref<2048xf32, #tpu.memory_space<vmem>>) target(%dma_start3A_529 : memref<2048xf32, #tpu.memory_space<hbm>>) target_semaphore(%arg7 : memref<!tpu.dma_semaphore, #tpu.memory_space<semaphore_mem>>)
      %add3A_533 = arith.constant 6291456 : i32
      %add3A_534 = arith.addi %add3A_533, %multiple_of3A_462 : i32
      %dma_start3A_535 = arith.constant 6 : i32
      %dma_start3A_536 = arith.constant 0 : i32
      %dma_start3A_537 = tpu.memref_slice %arg5[%dma_start3A_535, %dma_start3A_536] : memref<20x2048xf32, #tpu.memory_space<vmem>> -> memref<1x2048xf32, #tpu.memory_space<vmem>>
      %dma_start3A_538 = tpu.memref_squeeze %dma_start3A_537 : memref<1x2048xf32, #tpu.memory_space<vmem>> -> memref<2048xf32, #tpu.memory_space<vmem>>
      %dma_start3A_539 = tpu.memref_slice %arg3[%add3A_534] : memref<20971520xf32, #tpu.memory_space<hbm>> -> memref<2048xf32, #tpu.memory_space<hbm>>
      %dma_start3A_540 = tpu.memref_slice %arg3[%add3A_534] : memref<20971520xf32, #tpu.memory_space<hbm>> -> memref<2048xf32, #tpu.memory_space<hbm>>
      %dma_start3A_541 = arith.constant 0 : i32
      %dma_start3A_542 = tpu.memref_slice %arg5[%dma_start3A_535, %dma_start3A_541] : memref<20x2048xf32, #tpu.memory_space<vmem>> -> memref<1x2048xf32, #tpu.memory_space<vmem>>
      %dma_start3A_543 = tpu.memref_squeeze %dma_start3A_542 : memref<1x2048xf32, #tpu.memory_space<vmem>> -> memref<2048xf32, #tpu.memory_space<vmem>>
      tpu.enqueue_dma source(%dma_start3A_543 : memref<2048xf32, #tpu.memory_space<vmem>>) target(%dma_start3A_540 : memref<2048xf32, #tpu.memory_space<hbm>>) target_semaphore(%arg7 : memref<!tpu.dma_semaphore, #tpu.memory_space<semaphore_mem>>)
      %add3A_544 = arith.constant 7340032 : i32
      %add3A_545 = arith.addi %add3A_544, %multiple_of3A_462 : i32
      %dma_start3A_546 = arith.constant 7 : i32
      %dma_start3A_547 = arith.constant 0 : i32
      %dma_start3A_548 = tpu.memref_slice %arg5[%dma_start3A_546, %dma_start3A_547] : memref<20x2048xf32, #tpu.memory_space<vmem>> -> memref<1x2048xf32, #tpu.memory_space<vmem>>
      %dma_start3A_549 = tpu.memref_squeeze %dma_start3A_548 : memref<1x2048xf32, #tpu.memory_space<vmem>> -> memref<2048xf32, #tpu.memory_space<vmem>>
      %dma_start3A_550 = tpu.memref_slice %arg3[%add3A_545] : memref<20971520xf32, #tpu.memory_space<hbm>> -> memref<2048xf32, #tpu.memory_space<hbm>>
      %dma_start3A_551 = tpu.memref_slice %arg3[%add3A_545] : memref<20971520xf32, #tpu.memory_space<hbm>> -> memref<2048xf32, #tpu.memory_space<hbm>>
      %dma_start3A_552 = arith.constant 0 : i32
      %dma_start3A_553 = tpu.memref_slice %arg5[%dma_start3A_546, %dma_start3A_552] : memref<20x2048xf32, #tpu.memory_space<vmem>> -> memref<1x2048xf32, #tpu.memory_space<vmem>>
      %dma_start3A_554 = tpu.memref_squeeze %dma_start3A_553 : memref<1x2048xf32, #tpu.memory_space<vmem>> -> memref<2048xf32, #tpu.memory_space<vmem>>
      tpu.enqueue_dma source(%dma_start3A_554 : memref<2048xf32, #tpu.memory_space<vmem>>) target(%dma_start3A_551 : memref<2048xf32, #tpu.memory_space<hbm>>) target_semaphore(%arg7 : memref<!tpu.dma_semaphore, #tpu.memory_space<semaphore_mem>>)
      %add3A_555 = arith.constant 8388608 : i32
      %add3A_556 = arith.addi %add3A_555, %multiple_of3A_462 : i32
      %dma_start3A_557 = arith.constant 8 : i32
      %dma_start3A_558 = arith.constant 0 : i32
      %dma_start3A_559 = tpu.memref_slice %arg5[%dma_start3A_557, %dma_start3A_558] : memref<20x2048xf32, #tpu.memory_space<vmem>> -> memref<1x2048xf32, #tpu.memory_space<vmem>>
      %dma_start3A_560 = tpu.memref_squeeze %dma_start3A_559 : memref<1x2048xf32, #tpu.memory_space<vmem>> -> memref<2048xf32, #tpu.memory_space<vmem>>
      %dma_start3A_561 = tpu.memref_slice %arg3[%add3A_556] : memref<20971520xf32, #tpu.memory_space<hbm>> -> memref<2048xf32, #tpu.memory_space<hbm>>
      %dma_start3A_562 = tpu.memref_slice %arg3[%add3A_556] : memref<20971520xf32, #tpu.memory_space<hbm>> -> memref<2048xf32, #tpu.memory_space<hbm>>
      %dma_start3A_563 = arith.constant 0 : i32
      %dma_start3A_564 = tpu.memref_slice %arg5[%dma_start3A_557, %dma_start3A_563] : memref<20x2048xf32, #tpu.memory_space<vmem>> -> memref<1x2048xf32, #tpu.memory_space<vmem>>
      %dma_start3A_565 = tpu.memref_squeeze %dma_start3A_564 : memref<1x2048xf32, #tpu.memory_space<vmem>> -> memref<2048xf32, #tpu.memory_space<vmem>>
      tpu.enqueue_dma source(%dma_start3A_565 : memref<2048xf32, #tpu.memory_space<vmem>>) target(%dma_start3A_562 : memref<2048xf32, #tpu.memory_space<hbm>>) target_semaphore(%arg7 : memref<!tpu.dma_semaphore, #tpu.memory_space<semaphore_mem>>)
      %add3A_566 = arith.constant 9437184 : i32
      %add3A_567 = arith.addi %add3A_566, %multiple_of3A_462 : i32
      %dma_start3A_568 = arith.constant 9 : i32
      %dma_start3A_569 = arith.constant 0 : i32
      %dma_start3A_570 = tpu.memref_slice %arg5[%dma_start3A_568, %dma_start3A_569] : memref<20x2048xf32, #tpu.memory_space<vmem>> -> memref<1x2048xf32, #tpu.memory_space<vmem>>
      %dma_start3A_571 = tpu.memref_squeeze %dma_start3A_570 : memref<1x2048xf32, #tpu.memory_space<vmem>> -> memref<2048xf32, #tpu.memory_space<vmem>>
      %dma_start3A_572 = tpu.memref_slice %arg3[%add3A_567] : memref<20971520xf32, #tpu.memory_space<hbm>> -> memref<2048xf32, #tpu.memory_space<hbm>>
      %dma_start3A_573 = tpu.memref_slice %arg3[%add3A_567] : memref<20971520xf32, #tpu.memory_space<hbm>> -> memref<2048xf32, #tpu.memory_space<hbm>>
      %dma_start3A_574 = arith.constant 0 : i32
      %dma_start3A_575 = tpu.memref_slice %arg5[%dma_start3A_568, %dma_start3A_574] : memref<20x2048xf32, #tpu.memory_space<vmem>> -> memref<1x2048xf32, #tpu.memory_space<vmem>>
      %dma_start3A_576 = tpu.memref_squeeze %dma_start3A_575 : memref<1x2048xf32, #tpu.memory_space<vmem>> -> memref<2048xf32, #tpu.memory_space<vmem>>
      tpu.enqueue_dma source(%dma_start3A_576 : memref<2048xf32, #tpu.memory_space<vmem>>) target(%dma_start3A_573 : memref<2048xf32, #tpu.memory_space<hbm>>) target_semaphore(%arg7 : memref<!tpu.dma_semaphore, #tpu.memory_space<semaphore_mem>>)
      %add3A_577 = arith.constant 10485760 : i32
      %add3A_578 = arith.addi %add3A_577, %multiple_of3A_462 : i32
      %dma_start3A_579 = arith.constant 10 : i32
      %dma_start3A_580 = arith.constant 0 : i32
      %dma_start3A_581 = tpu.memref_slice %arg5[%dma_start3A_579, %dma_start3A_580] : memref<20x2048xf32, #tpu.memory_space<vmem>> -> memref<1x2048xf32, #tpu.memory_space<vmem>>
      %dma_start3A_582 = tpu.memref_squeeze %dma_start3A_581 : memref<1x2048xf32, #tpu.memory_space<vmem>> -> memref<2048xf32, #tpu.memory_space<vmem>>
      %dma_start3A_583 = tpu.memref_slice %arg3[%add3A_578] : memref<20971520xf32, #tpu.memory_space<hbm>> -> memref<2048xf32, #tpu.memory_space<hbm>>
      %dma_start3A_584 = tpu.memref_slice %arg3[%add3A_578] : memref<20971520xf32, #tpu.memory_space<hbm>> -> memref<2048xf32, #tpu.memory_space<hbm>>
      %dma_start3A_585 = arith.constant 0 : i32
      %dma_start3A_586 = tpu.memref_slice %arg5[%dma_start3A_579, %dma_start3A_585] : memref<20x2048xf32, #tpu.memory_space<vmem>> -> memref<1x2048xf32, #tpu.memory_space<vmem>>
      %dma_start3A_587 = tpu.memref_squeeze %dma_start3A_586 : memref<1x2048xf32, #tpu.memory_space<vmem>> -> memref<2048xf32, #tpu.memory_space<vmem>>
      tpu.enqueue_dma source(%dma_start3A_587 : memref<2048xf32, #tpu.memory_space<vmem>>) target(%dma_start3A_584 : memref<2048xf32, #tpu.memory_space<hbm>>) target_semaphore(%arg7 : memref<!tpu.dma_semaphore, #tpu.memory_space<semaphore_mem>>)
      %add3A_588 = arith.constant 11534336 : i32
      %add3A_589 = arith.addi %add3A_588, %multiple_of3A_462 : i32
      %dma_start3A_590 = arith.constant 11 : i32
      %dma_start3A_591 = arith.constant 0 : i32
      %dma_start3A_592 = tpu.memref_slice %arg5[%dma_start3A_590, %dma_start3A_591] : memref<20x2048xf32, #tpu.memory_space<vmem>> -> memref<1x2048xf32, #tpu.memory_space<vmem>>
      %dma_start3A_593 = tpu.memref_squeeze %dma_start3A_592 : memref<1x2048xf32, #tpu.memory_space<vmem>> -> memref<2048xf32, #tpu.memory_space<vmem>>
      %dma_start3A_594 = tpu.memref_slice %arg3[%add3A_589] : memref<20971520xf32, #tpu.memory_space<hbm>> -> memref<2048xf32, #tpu.memory_space<hbm>>
      %dma_start3A_595 = tpu.memref_slice %arg3[%add3A_589] : memref<20971520xf32, #tpu.memory_space<hbm>> -> memref<2048xf32, #tpu.memory_space<hbm>>
      %dma_start3A_596 = arith.constant 0 : i32
      %dma_start3A_597 = tpu.memref_slice %arg5[%dma_start3A_590, %dma_start3A_596] : memref<20x2048xf32, #tpu.memory_space<vmem>> -> memref<1x2048xf32, #tpu.memory_space<vmem>>
      %dma_start3A_598 = tpu.memref_squeeze %dma_start3A_597 : memref<1x2048xf32, #tpu.memory_space<vmem>> -> memref<2048xf32, #tpu.memory_space<vmem>>
      tpu.enqueue_dma source(%dma_start3A_598 : memref<2048xf32, #tpu.memory_space<vmem>>) target(%dma_start3A_595 : memref<2048xf32, #tpu.memory_space<hbm>>) target_semaphore(%arg7 : memref<!tpu.dma_semaphore, #tpu.memory_space<semaphore_mem>>)
      %add3A_599 = arith.constant 12582912 : i32
      %add3A_600 = arith.addi %add3A_599, %multiple_of3A_462 : i32
      %dma_start3A_601 = arith.constant 12 : i32
      %dma_start3A_602 = arith.constant 0 : i32
      %dma_start3A_603 = tpu.memref_slice %arg5[%dma_start3A_601, %dma_start3A_602] : memref<20x2048xf32, #tpu.memory_space<vmem>> -> memref<1x2048xf32, #tpu.memory_space<vmem>>
      %dma_start3A_604 = tpu.memref_squeeze %dma_start3A_603 : memref<1x2048xf32, #tpu.memory_space<vmem>> -> memref<2048xf32, #tpu.memory_space<vmem>>
      %dma_start3A_605 = tpu.memref_slice %arg3[%add3A_600] : memref<20971520xf32, #tpu.memory_space<hbm>> -> memref<2048xf32, #tpu.memory_space<hbm>>
      %dma_start3A_606 = tpu.memref_slice %arg3[%add3A_600] : memref<20971520xf32, #tpu.memory_space<hbm>> -> memref<2048xf32, #tpu.memory_space<hbm>>
      %dma_start3A_607 = arith.constant 0 : i32
      %dma_start3A_608 = tpu.memref_slice %arg5[%dma_start3A_601, %dma_start3A_607] : memref<20x2048xf32, #tpu.memory_space<vmem>> -> memref<1x2048xf32, #tpu.memory_space<vmem>>
      %dma_start3A_609 = tpu.memref_squeeze %dma_start3A_608 : memref<1x2048xf32, #tpu.memory_space<vmem>> -> memref<2048xf32, #tpu.memory_space<vmem>>
      tpu.enqueue_dma source(%dma_start3A_609 : memref<2048xf32, #tpu.memory_space<vmem>>) target(%dma_start3A_606 : memref<2048xf32, #tpu.memory_space<hbm>>) target_semaphore(%arg7 : memref<!tpu.dma_semaphore, #tpu.memory_space<semaphore_mem>>)
      %add3A_610 = arith.constant 13631488 : i32
      %add3A_611 = arith.addi %add3A_610, %multiple_of3A_462 : i32
      %dma_start3A_612 = arith.constant 13 : i32
      %dma_start3A_613 = arith.constant 0 : i32
      %dma_start3A_614 = tpu.memref_slice %arg5[%dma_start3A_612, %dma_start3A_613] : memref<20x2048xf32, #tpu.memory_space<vmem>> -> memref<1x2048xf32, #tpu.memory_space<vmem>>
      %dma_start3A_615 = tpu.memref_squeeze %dma_start3A_614 : memref<1x2048xf32, #tpu.memory_space<vmem>> -> memref<2048xf32, #tpu.memory_space<vmem>>
      %dma_start3A_616 = tpu.memref_slice %arg3[%add3A_611] : memref<20971520xf32, #tpu.memory_space<hbm>> -> memref<2048xf32, #tpu.memory_space<hbm>>
      %dma_start3A_617 = tpu.memref_slice %arg3[%add3A_611] : memref<20971520xf32, #tpu.memory_space<hbm>> -> memref<2048xf32, #tpu.memory_space<hbm>>
      %dma_start3A_618 = arith.constant 0 : i32
      %dma_start3A_619 = tpu.memref_slice %arg5[%dma_start3A_612, %dma_start3A_618] : memref<20x2048xf32, #tpu.memory_space<vmem>> -> memref<1x2048xf32, #tpu.memory_space<vmem>>
      %dma_start3A_620 = tpu.memref_squeeze %dma_start3A_619 : memref<1x2048xf32, #tpu.memory_space<vmem>> -> memref<2048xf32, #tpu.memory_space<vmem>>
      tpu.enqueue_dma source(%dma_start3A_620 : memref<2048xf32, #tpu.memory_space<vmem>>) target(%dma_start3A_617 : memref<2048xf32, #tpu.memory_space<hbm>>) target_semaphore(%arg7 : memref<!tpu.dma_semaphore, #tpu.memory_space<semaphore_mem>>)
      %add3A_621 = arith.constant 14680064 : i32
      %add3A_622 = arith.addi %add3A_621, %multiple_of3A_462 : i32
      %dma_start3A_623 = arith.constant 14 : i32
      %dma_start3A_624 = arith.constant 0 : i32
      %dma_start3A_625 = tpu.memref_slice %arg5[%dma_start3A_623, %dma_start3A_624] : memref<20x2048xf32, #tpu.memory_space<vmem>> -> memref<1x2048xf32, #tpu.memory_space<vmem>>
      %dma_start3A_626 = tpu.memref_squeeze %dma_start3A_625 : memref<1x2048xf32, #tpu.memory_space<vmem>> -> memref<2048xf32, #tpu.memory_space<vmem>>
      %dma_start3A_627 = tpu.memref_slice %arg3[%add3A_622] : memref<20971520xf32, #tpu.memory_space<hbm>> -> memref<2048xf32, #tpu.memory_space<hbm>>
      %dma_start3A_628 = tpu.memref_slice %arg3[%add3A_622] : memref<20971520xf32, #tpu.memory_space<hbm>> -> memref<2048xf32, #tpu.memory_space<hbm>>
      %dma_start3A_629 = arith.constant 0 : i32
      %dma_start3A_630 = tpu.memref_slice %arg5[%dma_start3A_623, %dma_start3A_629] : memref<20x2048xf32, #tpu.memory_space<vmem>> -> memref<1x2048xf32, #tpu.memory_space<vmem>>
      %dma_start3A_631 = tpu.memref_squeeze %dma_start3A_630 : memref<1x2048xf32, #tpu.memory_space<vmem>> -> memref<2048xf32, #tpu.memory_space<vmem>>
      tpu.enqueue_dma source(%dma_start3A_631 : memref<2048xf32, #tpu.memory_space<vmem>>) target(%dma_start3A_628 : memref<2048xf32, #tpu.memory_space<hbm>>) target_semaphore(%arg7 : memref<!tpu.dma_semaphore, #tpu.memory_space<semaphore_mem>>)
      %add3A_632 = arith.constant 15728640 : i32
      %add3A_633 = arith.addi %add3A_632, %multiple_of3A_462 : i32
      %dma_start3A_634 = arith.constant 15 : i32
      %dma_start3A_635 = arith.constant 0 : i32
      %dma_start3A_636 = tpu.memref_slice %arg5[%dma_start3A_634, %dma_start3A_635] : memref<20x2048xf32, #tpu.memory_space<vmem>> -> memref<1x2048xf32, #tpu.memory_space<vmem>>
      %dma_start3A_637 = tpu.memref_squeeze %dma_start3A_636 : memref<1x2048xf32, #tpu.memory_space<vmem>> -> memref<2048xf32, #tpu.memory_space<vmem>>
      %dma_start3A_638 = tpu.memref_slice %arg3[%add3A_633] : memref<20971520xf32, #tpu.memory_space<hbm>> -> memref<2048xf32, #tpu.memory_space<hbm>>
      %dma_start3A_639 = tpu.memref_slice %arg3[%add3A_633] : memref<20971520xf32, #tpu.memory_space<hbm>> -> memref<2048xf32, #tpu.memory_space<hbm>>
      %dma_start3A_640 = arith.constant 0 : i32
      %dma_start3A_641 = tpu.memref_slice %arg5[%dma_start3A_634, %dma_start3A_640] : memref<20x2048xf32, #tpu.memory_space<vmem>> -> memref<1x2048xf32, #tpu.memory_space<vmem>>
      %dma_start3A_642 = tpu.memref_squeeze %dma_start3A_641 : memref<1x2048xf32, #tpu.memory_space<vmem>> -> memref<2048xf32, #tpu.memory_space<vmem>>
      tpu.enqueue_dma source(%dma_start3A_642 : memref<2048xf32, #tpu.memory_space<vmem>>) target(%dma_start3A_639 : memref<2048xf32, #tpu.memory_space<hbm>>) target_semaphore(%arg7 : memref<!tpu.dma_semaphore, #tpu.memory_space<semaphore_mem>>)
      %add3A_643 = arith.constant 16777216 : i32
      %add3A_644 = arith.addi %add3A_643, %multiple_of3A_462 : i32
      %dma_start3A_645 = arith.constant 16 : i32
      %dma_start3A_646 = arith.constant 0 : i32
      %dma_start3A_647 = tpu.memref_slice %arg5[%dma_start3A_645, %dma_start3A_646] : memref<20x2048xf32, #tpu.memory_space<vmem>> -> memref<1x2048xf32, #tpu.memory_space<vmem>>
      %dma_start3A_648 = tpu.memref_squeeze %dma_start3A_647 : memref<1x2048xf32, #tpu.memory_space<vmem>> -> memref<2048xf32, #tpu.memory_space<vmem>>
      %dma_start3A_649 = tpu.memref_slice %arg3[%add3A_644] : memref<20971520xf32, #tpu.memory_space<hbm>> -> memref<2048xf32, #tpu.memory_space<hbm>>
      %dma_start3A_650 = tpu.memref_slice %arg3[%add3A_644] : memref<20971520xf32, #tpu.memory_space<hbm>> -> memref<2048xf32, #tpu.memory_space<hbm>>
      %dma_start3A_651 = arith.constant 0 : i32
      %dma_start3A_652 = tpu.memref_slice %arg5[%dma_start3A_645, %dma_start3A_651] : memref<20x2048xf32, #tpu.memory_space<vmem>> -> memref<1x2048xf32, #tpu.memory_space<vmem>>
      %dma_start3A_653 = tpu.memref_squeeze %dma_start3A_652 : memref<1x2048xf32, #tpu.memory_space<vmem>> -> memref<2048xf32, #tpu.memory_space<vmem>>
      tpu.enqueue_dma source(%dma_start3A_653 : memref<2048xf32, #tpu.memory_space<vmem>>) target(%dma_start3A_650 : memref<2048xf32, #tpu.memory_space<hbm>>) target_semaphore(%arg7 : memref<!tpu.dma_semaphore, #tpu.memory_space<semaphore_mem>>)
      %add3A_654 = arith.constant 17825792 : i32
      %add3A_655 = arith.addi %add3A_654, %multiple_of3A_462 : i32
      %dma_start3A_656 = arith.constant 17 : i32
      %dma_start3A_657 = arith.constant 0 : i32
      %dma_start3A_658 = tpu.memref_slice %arg5[%dma_start3A_656, %dma_start3A_657] : memref<20x2048xf32, #tpu.memory_space<vmem>> -> memref<1x2048xf32, #tpu.memory_space<vmem>>
      %dma_start3A_659 = tpu.memref_squeeze %dma_start3A_658 : memref<1x2048xf32, #tpu.memory_space<vmem>> -> memref<2048xf32, #tpu.memory_space<vmem>>
      %dma_start3A_660 = tpu.memref_slice %arg3[%add3A_655] : memref<20971520xf32, #tpu.memory_space<hbm>> -> memref<2048xf32, #tpu.memory_space<hbm>>
      %dma_start3A_661 = tpu.memref_slice %arg3[%add3A_655] : memref<20971520xf32, #tpu.memory_space<hbm>> -> memref<2048xf32, #tpu.memory_space<hbm>>
      %dma_start3A_662 = arith.constant 0 : i32
      %dma_start3A_663 = tpu.memref_slice %arg5[%dma_start3A_656, %dma_start3A_662] : memref<20x2048xf32, #tpu.memory_space<vmem>> -> memref<1x2048xf32, #tpu.memory_space<vmem>>
      %dma_start3A_664 = tpu.memref_squeeze %dma_start3A_663 : memref<1x2048xf32, #tpu.memory_space<vmem>> -> memref<2048xf32, #tpu.memory_space<vmem>>
      tpu.enqueue_dma source(%dma_start3A_664 : memref<2048xf32, #tpu.memory_space<vmem>>) target(%dma_start3A_661 : memref<2048xf32, #tpu.memory_space<hbm>>) target_semaphore(%arg7 : memref<!tpu.dma_semaphore, #tpu.memory_space<semaphore_mem>>)
      %add3A_665 = arith.constant 18874368 : i32
      %add3A_666 = arith.addi %add3A_665, %multiple_of3A_462 : i32
      %dma_start3A_667 = arith.constant 18 : i32
      %dma_start3A_668 = arith.constant 0 : i32
      %dma_start3A_669 = tpu.memref_slice %arg5[%dma_start3A_667, %dma_start3A_668] : memref<20x2048xf32, #tpu.memory_space<vmem>> -> memref<1x2048xf32, #tpu.memory_space<vmem>>
      %dma_start3A_670 = tpu.memref_squeeze %dma_start3A_669 : memref<1x2048xf32, #tpu.memory_space<vmem>> -> memref<2048xf32, #tpu.memory_space<vmem>>
      %dma_start3A_671 = tpu.memref_slice %arg3[%add3A_666] : memref<20971520xf32, #tpu.memory_space<hbm>> -> memref<2048xf32, #tpu.memory_space<hbm>>
      %dma_start3A_672 = tpu.memref_slice %arg3[%add3A_666] : memref<20971520xf32, #tpu.memory_space<hbm>> -> memref<2048xf32, #tpu.memory_space<hbm>>
      %dma_start3A_673 = arith.constant 0 : i32
      %dma_start3A_674 = tpu.memref_slice %arg5[%dma_start3A_667, %dma_start3A_673] : memref<20x2048xf32, #tpu.memory_space<vmem>> -> memref<1x2048xf32, #tpu.memory_space<vmem>>
      %dma_start3A_675 = tpu.memref_squeeze %dma_start3A_674 : memref<1x2048xf32, #tpu.memory_space<vmem>> -> memref<2048xf32, #tpu.memory_space<vmem>>
      tpu.enqueue_dma source(%dma_start3A_675 : memref<2048xf32, #tpu.memory_space<vmem>>) target(%dma_start3A_672 : memref<2048xf32, #tpu.memory_space<hbm>>) target_semaphore(%arg7 : memref<!tpu.dma_semaphore, #tpu.memory_space<semaphore_mem>>)
      %add3A_676 = arith.constant 19922944 : i32
      %add3A_677 = arith.addi %add3A_676, %multiple_of3A_462 : i32
      %dma_start3A_678 = arith.constant 19 : i32
      %dma_start3A_679 = arith.constant 0 : i32
      %dma_start3A_680 = tpu.memref_slice %arg5[%dma_start3A_678, %dma_start3A_679] : memref<20x2048xf32, #tpu.memory_space<vmem>> -> memref<1x2048xf32, #tpu.memory_space<vmem>>
      %dma_start3A_681 = tpu.memref_squeeze %dma_start3A_680 : memref<1x2048xf32, #tpu.memory_space<vmem>> -> memref<2048xf32, #tpu.memory_space<vmem>>
      %dma_start3A_682 = tpu.memref_slice %arg3[%add3A_677] : memref<20971520xf32, #tpu.memory_space<hbm>> -> memref<2048xf32, #tpu.memory_space<hbm>>
      %dma_start3A_683 = tpu.memref_slice %arg3[%add3A_677] : memref<20971520xf32, #tpu.memory_space<hbm>> -> memref<2048xf32, #tpu.memory_space<hbm>>
      %dma_start3A_684 = arith.constant 0 : i32
      %dma_start3A_685 = tpu.memref_slice %arg5[%dma_start3A_678, %dma_start3A_684] : memref<20x2048xf32, #tpu.memory_space<vmem>> -> memref<1x2048xf32, #tpu.memory_space<vmem>>
      %dma_start3A_686 = tpu.memref_squeeze %dma_start3A_685 : memref<1x2048xf32, #tpu.memory_space<vmem>> -> memref<2048xf32, #tpu.memory_space<vmem>>
      tpu.enqueue_dma source(%dma_start3A_686 : memref<2048xf32, #tpu.memory_space<vmem>>) target(%dma_start3A_683 : memref<2048xf32, #tpu.memory_space<hbm>>) target_semaphore(%arg7 : memref<!tpu.dma_semaphore, #tpu.memory_space<semaphore_mem>>)
      %dma_wait3A_687 = arith.constant 0 : i32
      %dma_wait3A_688 = arith.constant 0 : i32
      %dma_wait3A_689 = tpu.memref_slice %arg5[%dma_wait3A_687, %dma_wait3A_688] : memref<20x2048xf32, #tpu.memory_space<vmem>> -> memref<1x2048xf32, #tpu.memory_space<vmem>>
      %dma_wait3A_690 = tpu.memref_squeeze %dma_wait3A_689 : memref<1x2048xf32, #tpu.memory_space<vmem>> -> memref<2048xf32, #tpu.memory_space<vmem>>
      %dma_wait3A_691 = tpu.memref_slice %arg3[%add3A_468] : memref<20971520xf32, #tpu.memory_space<hbm>> -> memref<2048xf32, #tpu.memory_space<hbm>>
      %dma_wait3A_692 = tpu.memref_slice %arg3[%add3A_468] : memref<20971520xf32, #tpu.memory_space<hbm>> -> memref<2048xf32, #tpu.memory_space<hbm>>
      %dma_wait3A_693 = arith.constant 0 : i32
      %dma_wait3A_694 = tpu.memref_slice %arg5[%dma_wait3A_687, %dma_wait3A_693] : memref<20x2048xf32, #tpu.memory_space<vmem>> -> memref<1x2048xf32, #tpu.memory_space<vmem>>
      %dma_wait3A_695 = tpu.memref_squeeze %dma_wait3A_694 : memref<1x2048xf32, #tpu.memory_space<vmem>> -> memref<2048xf32, #tpu.memory_space<vmem>>
      tpu.wait_dma2 semaphore(%arg7 : memref<!tpu.dma_semaphore, #tpu.memory_space<semaphore_mem>>) src(%dma_wait3A_695 : memref<2048xf32, #tpu.memory_space<vmem>>) dst(%dma_wait3A_692 : memref<2048xf32, #tpu.memory_space<hbm>>)
      %dma_wait3A_696 = arith.constant 1 : i32
      %dma_wait3A_697 = arith.constant 0 : i32
      %dma_wait3A_698 = tpu.memref_slice %arg5[%dma_wait3A_696, %dma_wait3A_697] : memref<20x2048xf32, #tpu.memory_space<vmem>> -> memref<1x2048xf32, #tpu.memory_space<vmem>>
      %dma_wait3A_699 = tpu.memref_squeeze %dma_wait3A_698 : memref<1x2048xf32, #tpu.memory_space<vmem>> -> memref<2048xf32, #tpu.memory_space<vmem>>
      %dma_wait3A_700 = tpu.memref_slice %arg3[%add3A_479] : memref<20971520xf32, #tpu.memory_space<hbm>> -> memref<2048xf32, #tpu.memory_space<hbm>>
      %dma_wait3A_701 = tpu.memref_slice %arg3[%add3A_479] : memref<20971520xf32, #tpu.memory_space<hbm>> -> memref<2048xf32, #tpu.memory_space<hbm>>
      %dma_wait3A_702 = arith.constant 0 : i32
      %dma_wait3A_703 = tpu.memref_slice %arg5[%dma_wait3A_696, %dma_wait3A_702] : memref<20x2048xf32, #tpu.memory_space<vmem>> -> memref<1x2048xf32, #tpu.memory_space<vmem>>
      %dma_wait3A_704 = tpu.memref_squeeze %dma_wait3A_703 : memref<1x2048xf32, #tpu.memory_space<vmem>> -> memref<2048xf32, #tpu.memory_space<vmem>>
      tpu.wait_dma2 semaphore(%arg7 : memref<!tpu.dma_semaphore, #tpu.memory_space<semaphore_mem>>) src(%dma_wait3A_704 : memref<2048xf32, #tpu.memory_space<vmem>>) dst(%dma_wait3A_701 : memref<2048xf32, #tpu.memory_space<hbm>>)
      %dma_wait3A_705 = arith.constant 2 : i32
      %dma_wait3A_706 = arith.constant 0 : i32
      %dma_wait3A_707 = tpu.memref_slice %arg5[%dma_wait3A_705, %dma_wait3A_706] : memref<20x2048xf32, #tpu.memory_space<vmem>> -> memref<1x2048xf32, #tpu.memory_space<vmem>>
      %dma_wait3A_708 = tpu.memref_squeeze %dma_wait3A_707 : memref<1x2048xf32, #tpu.memory_space<vmem>> -> memref<2048xf32, #tpu.memory_space<vmem>>
      %dma_wait3A_709 = tpu.memref_slice %arg3[%add3A_490] : memref<20971520xf32, #tpu.memory_space<hbm>> -> memref<2048xf32, #tpu.memory_space<hbm>>
      %dma_wait3A_710 = tpu.memref_slice %arg3[%add3A_490] : memref<20971520xf32, #tpu.memory_space<hbm>> -> memref<2048xf32, #tpu.memory_space<hbm>>
      %dma_wait3A_711 = arith.constant 0 : i32
      %dma_wait3A_712 = tpu.memref_slice %arg5[%dma_wait3A_705, %dma_wait3A_711] : memref<20x2048xf32, #tpu.memory_space<vmem>> -> memref<1x2048xf32, #tpu.memory_space<vmem>>
      %dma_wait3A_713 = tpu.memref_squeeze %dma_wait3A_712 : memref<1x2048xf32, #tpu.memory_space<vmem>> -> memref<2048xf32, #tpu.memory_space<vmem>>
      tpu.wait_dma2 semaphore(%arg7 : memref<!tpu.dma_semaphore, #tpu.memory_space<semaphore_mem>>) src(%dma_wait3A_713 : memref<2048xf32, #tpu.memory_space<vmem>>) dst(%dma_wait3A_710 : memref<2048xf32, #tpu.memory_space<hbm>>)
      %dma_wait3A_714 = arith.constant 3 : i32
      %dma_wait3A_715 = arith.constant 0 : i32
      %dma_wait3A_716 = tpu.memref_slice %arg5[%dma_wait3A_714, %dma_wait3A_715] : memref<20x2048xf32, #tpu.memory_space<vmem>> -> memref<1x2048xf32, #tpu.memory_space<vmem>>
      %dma_wait3A_717 = tpu.memref_squeeze %dma_wait3A_716 : memref<1x2048xf32, #tpu.memory_space<vmem>> -> memref<2048xf32, #tpu.memory_space<vmem>>
      %dma_wait3A_718 = tpu.memref_slice %arg3[%add3A_501] : memref<20971520xf32, #tpu.memory_space<hbm>> -> memref<2048xf32, #tpu.memory_space<hbm>>
      %dma_wait3A_719 = tpu.memref_slice %arg3[%add3A_501] : memref<20971520xf32, #tpu.memory_space<hbm>> -> memref<2048xf32, #tpu.memory_space<hbm>>
      %dma_wait3A_720 = arith.constant 0 : i32
      %dma_wait3A_721 = tpu.memref_slice %arg5[%dma_wait3A_714, %dma_wait3A_720] : memref<20x2048xf32, #tpu.memory_space<vmem>> -> memref<1x2048xf32, #tpu.memory_space<vmem>>
      %dma_wait3A_722 = tpu.memref_squeeze %dma_wait3A_721 : memref<1x2048xf32, #tpu.memory_space<vmem>> -> memref<2048xf32, #tpu.memory_space<vmem>>
      tpu.wait_dma2 semaphore(%arg7 : memref<!tpu.dma_semaphore, #tpu.memory_space<semaphore_mem>>) src(%dma_wait3A_722 : memref<2048xf32, #tpu.memory_space<vmem>>) dst(%dma_wait3A_719 : memref<2048xf32, #tpu.memory_space<hbm>>)
      %dma_wait3A_723 = arith.constant 4 : i32
      %dma_wait3A_724 = arith.constant 0 : i32
      %dma_wait3A_725 = tpu.memref_slice %arg5[%dma_wait3A_723, %dma_wait3A_724] : memref<20x2048xf32, #tpu.memory_space<vmem>> -> memref<1x2048xf32, #tpu.memory_space<vmem>>
      %dma_wait3A_726 = tpu.memref_squeeze %dma_wait3A_725 : memref<1x2048xf32, #tpu.memory_space<vmem>> -> memref<2048xf32, #tpu.memory_space<vmem>>
      %dma_wait3A_727 = tpu.memref_slice %arg3[%add3A_512] : memref<20971520xf32, #tpu.memory_space<hbm>> -> memref<2048xf32, #tpu.memory_space<hbm>>
      %dma_wait3A_728 = tpu.memref_slice %arg3[%add3A_512] : memref<20971520xf32, #tpu.memory_space<hbm>> -> memref<2048xf32, #tpu.memory_space<hbm>>
      %dma_wait3A_729 = arith.constant 0 : i32
      %dma_wait3A_730 = tpu.memref_slice %arg5[%dma_wait3A_723, %dma_wait3A_729] : memref<20x2048xf32, #tpu.memory_space<vmem>> -> memref<1x2048xf32, #tpu.memory_space<vmem>>
      %dma_wait3A_731 = tpu.memref_squeeze %dma_wait3A_730 : memref<1x2048xf32, #tpu.memory_space<vmem>> -> memref<2048xf32, #tpu.memory_space<vmem>>
      tpu.wait_dma2 semaphore(%arg7 : memref<!tpu.dma_semaphore, #tpu.memory_space<semaphore_mem>>) src(%dma_wait3A_731 : memref<2048xf32, #tpu.memory_space<vmem>>) dst(%dma_wait3A_728 : memref<2048xf32, #tpu.memory_space<hbm>>)
      %dma_wait3A_732 = arith.constant 5 : i32
      %dma_wait3A_733 = arith.constant 0 : i32
      %dma_wait3A_734 = tpu.memref_slice %arg5[%dma_wait3A_732, %dma_wait3A_733] : memref<20x2048xf32, #tpu.memory_space<vmem>> -> memref<1x2048xf32, #tpu.memory_space<vmem>>
      %dma_wait3A_735 = tpu.memref_squeeze %dma_wait3A_734 : memref<1x2048xf32, #tpu.memory_space<vmem>> -> memref<2048xf32, #tpu.memory_space<vmem>>
      %dma_wait3A_736 = tpu.memref_slice %arg3[%add3A_523] : memref<20971520xf32, #tpu.memory_space<hbm>> -> memref<2048xf32, #tpu.memory_space<hbm>>
      %dma_wait3A_737 = tpu.memref_slice %arg3[%add3A_523] : memref<20971520xf32, #tpu.memory_space<hbm>> -> memref<2048xf32, #tpu.memory_space<hbm>>
      %dma_wait3A_738 = arith.constant 0 : i32
      %dma_wait3A_739 = tpu.memref_slice %arg5[%dma_wait3A_732, %dma_wait3A_738] : memref<20x2048xf32, #tpu.memory_space<vmem>> -> memref<1x2048xf32, #tpu.memory_space<vmem>>
      %dma_wait3A_740 = tpu.memref_squeeze %dma_wait3A_739 : memref<1x2048xf32, #tpu.memory_space<vmem>> -> memref<2048xf32, #tpu.memory_space<vmem>>
      tpu.wait_dma2 semaphore(%arg7 : memref<!tpu.dma_semaphore, #tpu.memory_space<semaphore_mem>>) src(%dma_wait3A_740 : memref<2048xf32, #tpu.memory_space<vmem>>) dst(%dma_wait3A_737 : memref<2048xf32, #tpu.memory_space<hbm>>)
      %dma_wait3A_741 = arith.constant 6 : i32
      %dma_wait3A_742 = arith.constant 0 : i32
      %dma_wait3A_743 = tpu.memref_slice %arg5[%dma_wait3A_741, %dma_wait3A_742] : memref<20x2048xf32, #tpu.memory_space<vmem>> -> memref<1x2048xf32, #tpu.memory_space<vmem>>
      %dma_wait3A_744 = tpu.memref_squeeze %dma_wait3A_743 : memref<1x2048xf32, #tpu.memory_space<vmem>> -> memref<2048xf32, #tpu.memory_space<vmem>>
      %dma_wait3A_745 = tpu.memref_slice %arg3[%add3A_534] : memref<20971520xf32, #tpu.memory_space<hbm>> -> memref<2048xf32, #tpu.memory_space<hbm>>
      %dma_wait3A_746 = tpu.memref_slice %arg3[%add3A_534] : memref<20971520xf32, #tpu.memory_space<hbm>> -> memref<2048xf32, #tpu.memory_space<hbm>>
      %dma_wait3A_747 = arith.constant 0 : i32
      %dma_wait3A_748 = tpu.memref_slice %arg5[%dma_wait3A_741, %dma_wait3A_747] : memref<20x2048xf32, #tpu.memory_space<vmem>> -> memref<1x2048xf32, #tpu.memory_space<vmem>>
      %dma_wait3A_749 = tpu.memref_squeeze %dma_wait3A_748 : memref<1x2048xf32, #tpu.memory_space<vmem>> -> memref<2048xf32, #tpu.memory_space<vmem>>
      tpu.wait_dma2 semaphore(%arg7 : memref<!tpu.dma_semaphore, #tpu.memory_space<semaphore_mem>>) src(%dma_wait3A_749 : memref<2048xf32, #tpu.memory_space<vmem>>) dst(%dma_wait3A_746 : memref<2048xf32, #tpu.memory_space<hbm>>)
      %dma_wait3A_750 = arith.constant 7 : i32
      %dma_wait3A_751 = arith.constant 0 : i32
      %dma_wait3A_752 = tpu.memref_slice %arg5[%dma_wait3A_750, %dma_wait3A_751] : memref<20x2048xf32, #tpu.memory_space<vmem>> -> memref<1x2048xf32, #tpu.memory_space<vmem>>
      %dma_wait3A_753 = tpu.memref_squeeze %dma_wait3A_752 : memref<1x2048xf32, #tpu.memory_space<vmem>> -> memref<2048xf32, #tpu.memory_space<vmem>>
      %dma_wait3A_754 = tpu.memref_slice %arg3[%add3A_545] : memref<20971520xf32, #tpu.memory_space<hbm>> -> memref<2048xf32, #tpu.memory_space<hbm>>
      %dma_wait3A_755 = tpu.memref_slice %arg3[%add3A_545] : memref<20971520xf32, #tpu.memory_space<hbm>> -> memref<2048xf32, #tpu.memory_space<hbm>>
      %dma_wait3A_756 = arith.constant 0 : i32
      %dma_wait3A_757 = tpu.memref_slice %arg5[%dma_wait3A_750, %dma_wait3A_756] : memref<20x2048xf32, #tpu.memory_space<vmem>> -> memref<1x2048xf32, #tpu.memory_space<vmem>>
      %dma_wait3A_758 = tpu.memref_squeeze %dma_wait3A_757 : memref<1x2048xf32, #tpu.memory_space<vmem>> -> memref<2048xf32, #tpu.memory_space<vmem>>
      tpu.wait_dma2 semaphore(%arg7 : memref<!tpu.dma_semaphore, #tpu.memory_space<semaphore_mem>>) src(%dma_wait3A_758 : memref<2048xf32, #tpu.memory_space<vmem>>) dst(%dma_wait3A_755 : memref<2048xf32, #tpu.memory_space<hbm>>)
      %dma_wait3A_759 = arith.constant 8 : i32
      %dma_wait3A_760 = arith.constant 0 : i32
      %dma_wait3A_761 = tpu.memref_slice %arg5[%dma_wait3A_759, %dma_wait3A_760] : memref<20x2048xf32, #tpu.memory_space<vmem>> -> memref<1x2048xf32, #tpu.memory_space<vmem>>
      %dma_wait3A_762 = tpu.memref_squeeze %dma_wait3A_761 : memref<1x2048xf32, #tpu.memory_space<vmem>> -> memref<2048xf32, #tpu.memory_space<vmem>>
      %dma_wait3A_763 = tpu.memref_slice %arg3[%add3A_556] : memref<20971520xf32, #tpu.memory_space<hbm>> -> memref<2048xf32, #tpu.memory_space<hbm>>
      %dma_wait3A_764 = tpu.memref_slice %arg3[%add3A_556] : memref<20971520xf32, #tpu.memory_space<hbm>> -> memref<2048xf32, #tpu.memory_space<hbm>>
      %dma_wait3A_765 = arith.constant 0 : i32
      %dma_wait3A_766 = tpu.memref_slice %arg5[%dma_wait3A_759, %dma_wait3A_765] : memref<20x2048xf32, #tpu.memory_space<vmem>> -> memref<1x2048xf32, #tpu.memory_space<vmem>>
      %dma_wait3A_767 = tpu.memref_squeeze %dma_wait3A_766 : memref<1x2048xf32, #tpu.memory_space<vmem>> -> memref<2048xf32, #tpu.memory_space<vmem>>
      tpu.wait_dma2 semaphore(%arg7 : memref<!tpu.dma_semaphore, #tpu.memory_space<semaphore_mem>>) src(%dma_wait3A_767 : memref<2048xf32, #tpu.memory_space<vmem>>) dst(%dma_wait3A_764 : memref<2048xf32, #tpu.memory_space<hbm>>)
      %dma_wait3A_768 = arith.constant 9 : i32
      %dma_wait3A_769 = arith.constant 0 : i32
      %dma_wait3A_770 = tpu.memref_slice %arg5[%dma_wait3A_768, %dma_wait3A_769] : memref<20x2048xf32, #tpu.memory_space<vmem>> -> memref<1x2048xf32, #tpu.memory_space<vmem>>
      %dma_wait3A_771 = tpu.memref_squeeze %dma_wait3A_770 : memref<1x2048xf32, #tpu.memory_space<vmem>> -> memref<2048xf32, #tpu.memory_space<vmem>>
      %dma_wait3A_772 = tpu.memref_slice %arg3[%add3A_567] : memref<20971520xf32, #tpu.memory_space<hbm>> -> memref<2048xf32, #tpu.memory_space<hbm>>
      %dma_wait3A_773 = tpu.memref_slice %arg3[%add3A_567] : memref<20971520xf32, #tpu.memory_space<hbm>> -> memref<2048xf32, #tpu.memory_space<hbm>>
      %dma_wait3A_774 = arith.constant 0 : i32
      %dma_wait3A_775 = tpu.memref_slice %arg5[%dma_wait3A_768, %dma_wait3A_774] : memref<20x2048xf32, #tpu.memory_space<vmem>> -> memref<1x2048xf32, #tpu.memory_space<vmem>>
      %dma_wait3A_776 = tpu.memref_squeeze %dma_wait3A_775 : memref<1x2048xf32, #tpu.memory_space<vmem>> -> memref<2048xf32, #tpu.memory_space<vmem>>
      tpu.wait_dma2 semaphore(%arg7 : memref<!tpu.dma_semaphore, #tpu.memory_space<semaphore_mem>>) src(%dma_wait3A_776 : memref<2048xf32, #tpu.memory_space<vmem>>) dst(%dma_wait3A_773 : memref<2048xf32, #tpu.memory_space<hbm>>)
      %dma_wait3A_777 = arith.constant 10 : i32
      %dma_wait3A_778 = arith.constant 0 : i32
      %dma_wait3A_779 = tpu.memref_slice %arg5[%dma_wait3A_777, %dma_wait3A_778] : memref<20x2048xf32, #tpu.memory_space<vmem>> -> memref<1x2048xf32, #tpu.memory_space<vmem>>
      %dma_wait3A_780 = tpu.memref_squeeze %dma_wait3A_779 : memref<1x2048xf32, #tpu.memory_space<vmem>> -> memref<2048xf32, #tpu.memory_space<vmem>>
      %dma_wait3A_781 = tpu.memref_slice %arg3[%add3A_578] : memref<20971520xf32, #tpu.memory_space<hbm>> -> memref<2048xf32, #tpu.memory_space<hbm>>
      %dma_wait3A_782 = tpu.memref_slice %arg3[%add3A_578] : memref<20971520xf32, #tpu.memory_space<hbm>> -> memref<2048xf32, #tpu.memory_space<hbm>>
      %dma_wait3A_783 = arith.constant 0 : i32
      %dma_wait3A_784 = tpu.memref_slice %arg5[%dma_wait3A_777, %dma_wait3A_783] : memref<20x2048xf32, #tpu.memory_space<vmem>> -> memref<1x2048xf32, #tpu.memory_space<vmem>>
      %dma_wait3A_785 = tpu.memref_squeeze %dma_wait3A_784 : memref<1x2048xf32, #tpu.memory_space<vmem>> -> memref<2048xf32, #tpu.memory_space<vmem>>
      tpu.wait_dma2 semaphore(%arg7 : memref<!tpu.dma_semaphore, #tpu.memory_space<semaphore_mem>>) src(%dma_wait3A_785 : memref<2048xf32, #tpu.memory_space<vmem>>) dst(%dma_wait3A_782 : memref<2048xf32, #tpu.memory_space<hbm>>)
      %dma_wait3A_786 = arith.constant 11 : i32
      %dma_wait3A_787 = arith.constant 0 : i32
      %dma_wait3A_788 = tpu.memref_slice %arg5[%dma_wait3A_786, %dma_wait3A_787] : memref<20x2048xf32, #tpu.memory_space<vmem>> -> memref<1x2048xf32, #tpu.memory_space<vmem>>
      %dma_wait3A_789 = tpu.memref_squeeze %dma_wait3A_788 : memref<1x2048xf32, #tpu.memory_space<vmem>> -> memref<2048xf32, #tpu.memory_space<vmem>>
      %dma_wait3A_790 = tpu.memref_slice %arg3[%add3A_589] : memref<20971520xf32, #tpu.memory_space<hbm>> -> memref<2048xf32, #tpu.memory_space<hbm>>
      %dma_wait3A_791 = tpu.memref_slice %arg3[%add3A_589] : memref<20971520xf32, #tpu.memory_space<hbm>> -> memref<2048xf32, #tpu.memory_space<hbm>>
      %dma_wait3A_792 = arith.constant 0 : i32
      %dma_wait3A_793 = tpu.memref_slice %arg5[%dma_wait3A_786, %dma_wait3A_792] : memref<20x2048xf32, #tpu.memory_space<vmem>> -> memref<1x2048xf32, #tpu.memory_space<vmem>>
      %dma_wait3A_794 = tpu.memref_squeeze %dma_wait3A_793 : memref<1x2048xf32, #tpu.memory_space<vmem>> -> memref<2048xf32, #tpu.memory_space<vmem>>
      tpu.wait_dma2 semaphore(%arg7 : memref<!tpu.dma_semaphore, #tpu.memory_space<semaphore_mem>>) src(%dma_wait3A_794 : memref<2048xf32, #tpu.memory_space<vmem>>) dst(%dma_wait3A_791 : memref<2048xf32, #tpu.memory_space<hbm>>)
      %dma_wait3A_795 = arith.constant 12 : i32
      %dma_wait3A_796 = arith.constant 0 : i32
      %dma_wait3A_797 = tpu.memref_slice %arg5[%dma_wait3A_795, %dma_wait3A_796] : memref<20x2048xf32, #tpu.memory_space<vmem>> -> memref<1x2048xf32, #tpu.memory_space<vmem>>
      %dma_wait3A_798 = tpu.memref_squeeze %dma_wait3A_797 : memref<1x2048xf32, #tpu.memory_space<vmem>> -> memref<2048xf32, #tpu.memory_space<vmem>>
      %dma_wait3A_799 = tpu.memref_slice %arg3[%add3A_600] : memref<20971520xf32, #tpu.memory_space<hbm>> -> memref<2048xf32, #tpu.memory_space<hbm>>
      %dma_wait3A_800 = tpu.memref_slice %arg3[%add3A_600] : memref<20971520xf32, #tpu.memory_space<hbm>> -> memref<2048xf32, #tpu.memory_space<hbm>>
      %dma_wait3A_801 = arith.constant 0 : i32
      %dma_wait3A_802 = tpu.memref_slice %arg5[%dma_wait3A_795, %dma_wait3A_801] : memref<20x2048xf32, #tpu.memory_space<vmem>> -> memref<1x2048xf32, #tpu.memory_space<vmem>>
      %dma_wait3A_803 = tpu.memref_squeeze %dma_wait3A_802 : memref<1x2048xf32, #tpu.memory_space<vmem>> -> memref<2048xf32, #tpu.memory_space<vmem>>
      tpu.wait_dma2 semaphore(%arg7 : memref<!tpu.dma_semaphore, #tpu.memory_space<semaphore_mem>>) src(%dma_wait3A_803 : memref<2048xf32, #tpu.memory_space<vmem>>) dst(%dma_wait3A_800 : memref<2048xf32, #tpu.memory_space<hbm>>)
      %dma_wait3A_804 = arith.constant 13 : i32
      %dma_wait3A_805 = arith.constant 0 : i32
      %dma_wait3A_806 = tpu.memref_slice %arg5[%dma_wait3A_804, %dma_wait3A_805] : memref<20x2048xf32, #tpu.memory_space<vmem>> -> memref<1x2048xf32, #tpu.memory_space<vmem>>
      %dma_wait3A_807 = tpu.memref_squeeze %dma_wait3A_806 : memref<1x2048xf32, #tpu.memory_space<vmem>> -> memref<2048xf32, #tpu.memory_space<vmem>>
      %dma_wait3A_808 = tpu.memref_slice %arg3[%add3A_611] : memref<20971520xf32, #tpu.memory_space<hbm>> -> memref<2048xf32, #tpu.memory_space<hbm>>
      %dma_wait3A_809 = tpu.memref_slice %arg3[%add3A_611] : memref<20971520xf32, #tpu.memory_space<hbm>> -> memref<2048xf32, #tpu.memory_space<hbm>>
      %dma_wait3A_810 = arith.constant 0 : i32
      %dma_wait3A_811 = tpu.memref_slice %arg5[%dma_wait3A_804, %dma_wait3A_810] : memref<20x2048xf32, #tpu.memory_space<vmem>> -> memref<1x2048xf32, #tpu.memory_space<vmem>>
      %dma_wait3A_812 = tpu.memref_squeeze %dma_wait3A_811 : memref<1x2048xf32, #tpu.memory_space<vmem>> -> memref<2048xf32, #tpu.memory_space<vmem>>
      tpu.wait_dma2 semaphore(%arg7 : memref<!tpu.dma_semaphore, #tpu.memory_space<semaphore_mem>>) src(%dma_wait3A_812 : memref<2048xf32, #tpu.memory_space<vmem>>) dst(%dma_wait3A_809 : memref<2048xf32, #tpu.memory_space<hbm>>)
      %dma_wait3A_813 = arith.constant 14 : i32
      %dma_wait3A_814 = arith.constant 0 : i32
      %dma_wait3A_815 = tpu.memref_slice %arg5[%dma_wait3A_813, %dma_wait3A_814] : memref<20x2048xf32, #tpu.memory_space<vmem>> -> memref<1x2048xf32, #tpu.memory_space<vmem>>
      %dma_wait3A_816 = tpu.memref_squeeze %dma_wait3A_815 : memref<1x2048xf32, #tpu.memory_space<vmem>> -> memref<2048xf32, #tpu.memory_space<vmem>>
      %dma_wait3A_817 = tpu.memref_slice %arg3[%add3A_622] : memref<20971520xf32, #tpu.memory_space<hbm>> -> memref<2048xf32, #tpu.memory_space<hbm>>
      %dma_wait3A_818 = tpu.memref_slice %arg3[%add3A_622] : memref<20971520xf32, #tpu.memory_space<hbm>> -> memref<2048xf32, #tpu.memory_space<hbm>>
      %dma_wait3A_819 = arith.constant 0 : i32
      %dma_wait3A_820 = tpu.memref_slice %arg5[%dma_wait3A_813, %dma_wait3A_819] : memref<20x2048xf32, #tpu.memory_space<vmem>> -> memref<1x2048xf32, #tpu.memory_space<vmem>>
      %dma_wait3A_821 = tpu.memref_squeeze %dma_wait3A_820 : memref<1x2048xf32, #tpu.memory_space<vmem>> -> memref<2048xf32, #tpu.memory_space<vmem>>
      tpu.wait_dma2 semaphore(%arg7 : memref<!tpu.dma_semaphore, #tpu.memory_space<semaphore_mem>>) src(%dma_wait3A_821 : memref<2048xf32, #tpu.memory_space<vmem>>) dst(%dma_wait3A_818 : memref<2048xf32, #tpu.memory_space<hbm>>)
      %dma_wait3A_822 = arith.constant 15 : i32
      %dma_wait3A_823 = arith.constant 0 : i32
      %dma_wait3A_824 = tpu.memref_slice %arg5[%dma_wait3A_822, %dma_wait3A_823] : memref<20x2048xf32, #tpu.memory_space<vmem>> -> memref<1x2048xf32, #tpu.memory_space<vmem>>
      %dma_wait3A_825 = tpu.memref_squeeze %dma_wait3A_824 : memref<1x2048xf32, #tpu.memory_space<vmem>> -> memref<2048xf32, #tpu.memory_space<vmem>>
      %dma_wait3A_826 = tpu.memref_slice %arg3[%add3A_633] : memref<20971520xf32, #tpu.memory_space<hbm>> -> memref<2048xf32, #tpu.memory_space<hbm>>
      %dma_wait3A_827 = tpu.memref_slice %arg3[%add3A_633] : memref<20971520xf32, #tpu.memory_space<hbm>> -> memref<2048xf32, #tpu.memory_space<hbm>>
      %dma_wait3A_828 = arith.constant 0 : i32
      %dma_wait3A_829 = tpu.memref_slice %arg5[%dma_wait3A_822, %dma_wait3A_828] : memref<20x2048xf32, #tpu.memory_space<vmem>> -> memref<1x2048xf32, #tpu.memory_space<vmem>>
      %dma_wait3A_830 = tpu.memref_squeeze %dma_wait3A_829 : memref<1x2048xf32, #tpu.memory_space<vmem>> -> memref<2048xf32, #tpu.memory_space<vmem>>
      tpu.wait_dma2 semaphore(%arg7 : memref<!tpu.dma_semaphore, #tpu.memory_space<semaphore_mem>>) src(%dma_wait3A_830 : memref<2048xf32, #tpu.memory_space<vmem>>) dst(%dma_wait3A_827 : memref<2048xf32, #tpu.memory_space<hbm>>)
      %dma_wait3A_831 = arith.constant 16 : i32
      %dma_wait3A_832 = arith.constant 0 : i32
      %dma_wait3A_833 = tpu.memref_slice %arg5[%dma_wait3A_831, %dma_wait3A_832] : memref<20x2048xf32, #tpu.memory_space<vmem>> -> memref<1x2048xf32, #tpu.memory_space<vmem>>
      %dma_wait3A_834 = tpu.memref_squeeze %dma_wait3A_833 : memref<1x2048xf32, #tpu.memory_space<vmem>> -> memref<2048xf32, #tpu.memory_space<vmem>>
      %dma_wait3A_835 = tpu.memref_slice %arg3[%add3A_644] : memref<20971520xf32, #tpu.memory_space<hbm>> -> memref<2048xf32, #tpu.memory_space<hbm>>
      %dma_wait3A_836 = tpu.memref_slice %arg3[%add3A_644] : memref<20971520xf32, #tpu.memory_space<hbm>> -> memref<2048xf32, #tpu.memory_space<hbm>>
      %dma_wait3A_837 = arith.constant 0 : i32
      %dma_wait3A_838 = tpu.memref_slice %arg5[%dma_wait3A_831, %dma_wait3A_837] : memref<20x2048xf32, #tpu.memory_space<vmem>> -> memref<1x2048xf32, #tpu.memory_space<vmem>>
      %dma_wait3A_839 = tpu.memref_squeeze %dma_wait3A_838 : memref<1x2048xf32, #tpu.memory_space<vmem>> -> memref<2048xf32, #tpu.memory_space<vmem>>
      tpu.wait_dma2 semaphore(%arg7 : memref<!tpu.dma_semaphore, #tpu.memory_space<semaphore_mem>>) src(%dma_wait3A_839 : memref<2048xf32, #tpu.memory_space<vmem>>) dst(%dma_wait3A_836 : memref<2048xf32, #tpu.memory_space<hbm>>)
      %dma_wait3A_840 = arith.constant 17 : i32
      %dma_wait3A_841 = arith.constant 0 : i32
      %dma_wait3A_842 = tpu.memref_slice %arg5[%dma_wait3A_840, %dma_wait3A_841] : memref<20x2048xf32, #tpu.memory_space<vmem>> -> memref<1x2048xf32, #tpu.memory_space<vmem>>
      %dma_wait3A_843 = tpu.memref_squeeze %dma_wait3A_842 : memref<1x2048xf32, #tpu.memory_space<vmem>> -> memref<2048xf32, #tpu.memory_space<vmem>>
      %dma_wait3A_844 = tpu.memref_slice %arg3[%add3A_655] : memref<20971520xf32, #tpu.memory_space<hbm>> -> memref<2048xf32, #tpu.memory_space<hbm>>
      %dma_wait3A_845 = tpu.memref_slice %arg3[%add3A_655] : memref<20971520xf32, #tpu.memory_space<hbm>> -> memref<2048xf32, #tpu.memory_space<hbm>>
      %dma_wait3A_846 = arith.constant 0 : i32
      %dma_wait3A_847 = tpu.memref_slice %arg5[%dma_wait3A_840, %dma_wait3A_846] : memref<20x2048xf32, #tpu.memory_space<vmem>> -> memref<1x2048xf32, #tpu.memory_space<vmem>>
      %dma_wait3A_848 = tpu.memref_squeeze %dma_wait3A_847 : memref<1x2048xf32, #tpu.memory_space<vmem>> -> memref<2048xf32, #tpu.memory_space<vmem>>
      tpu.wait_dma2 semaphore(%arg7 : memref<!tpu.dma_semaphore, #tpu.memory_space<semaphore_mem>>) src(%dma_wait3A_848 : memref<2048xf32, #tpu.memory_space<vmem>>) dst(%dma_wait3A_845 : memref<2048xf32, #tpu.memory_space<hbm>>)
      %dma_wait3A_849 = arith.constant 18 : i32
      %dma_wait3A_850 = arith.constant 0 : i32
      %dma_wait3A_851 = tpu.memref_slice %arg5[%dma_wait3A_849, %dma_wait3A_850] : memref<20x2048xf32, #tpu.memory_space<vmem>> -> memref<1x2048xf32, #tpu.memory_space<vmem>>
      %dma_wait3A_852 = tpu.memref_squeeze %dma_wait3A_851 : memref<1x2048xf32, #tpu.memory_space<vmem>> -> memref<2048xf32, #tpu.memory_space<vmem>>
      %dma_wait3A_853 = tpu.memref_slice %arg3[%add3A_666] : memref<20971520xf32, #tpu.memory_space<hbm>> -> memref<2048xf32, #tpu.memory_space<hbm>>
      %dma_wait3A_854 = tpu.memref_slice %arg3[%add3A_666] : memref<20971520xf32, #tpu.memory_space<hbm>> -> memref<2048xf32, #tpu.memory_space<hbm>>
      %dma_wait3A_855 = arith.constant 0 : i32
      %dma_wait3A_856 = tpu.memref_slice %arg5[%dma_wait3A_849, %dma_wait3A_855] : memref<20x2048xf32, #tpu.memory_space<vmem>> -> memref<1x2048xf32, #tpu.memory_space<vmem>>
      %dma_wait3A_857 = tpu.memref_squeeze %dma_wait3A_856 : memref<1x2048xf32, #tpu.memory_space<vmem>> -> memref<2048xf32, #tpu.memory_space<vmem>>
      tpu.wait_dma2 semaphore(%arg7 : memref<!tpu.dma_semaphore, #tpu.memory_space<semaphore_mem>>) src(%dma_wait3A_857 : memref<2048xf32, #tpu.memory_space<vmem>>) dst(%dma_wait3A_854 : memref<2048xf32, #tpu.memory_space<hbm>>)
      %dma_wait3A_858 = arith.constant 19 : i32
      %dma_wait3A_859 = arith.constant 0 : i32
      %dma_wait3A_860 = tpu.memref_slice %arg5[%dma_wait3A_858, %dma_wait3A_859] : memref<20x2048xf32, #tpu.memory_space<vmem>> -> memref<1x2048xf32, #tpu.memory_space<vmem>>
      %dma_wait3A_861 = tpu.memref_squeeze %dma_wait3A_860 : memref<1x2048xf32, #tpu.memory_space<vmem>> -> memref<2048xf32, #tpu.memory_space<vmem>>
      %dma_wait3A_862 = tpu.memref_slice %arg3[%add3A_677] : memref<20971520xf32, #tpu.memory_space<hbm>> -> memref<2048xf32, #tpu.memory_space<hbm>>
      %dma_wait3A_863 = tpu.memref_slice %arg3[%add3A_677] : memref<20971520xf32, #tpu.memory_space<hbm>> -> memref<2048xf32, #tpu.memory_space<hbm>>
      %dma_wait3A_864 = arith.constant 0 : i32
      %dma_wait3A_865 = tpu.memref_slice %arg5[%dma_wait3A_858, %dma_wait3A_864] : memref<20x2048xf32, #tpu.memory_space<vmem>> -> memref<1x2048xf32, #tpu.memory_space<vmem>>
      %dma_wait3A_866 = tpu.memref_squeeze %dma_wait3A_865 : memref<1x2048xf32, #tpu.memory_space<vmem>> -> memref<2048xf32, #tpu.memory_space<vmem>>
      tpu.wait_dma2 semaphore(%arg7 : memref<!tpu.dma_semaphore, #tpu.memory_space<semaphore_mem>>) src(%dma_wait3A_866 : memref<2048xf32, #tpu.memory_space<vmem>>) dst(%dma_wait3A_863 : memref<2048xf32, #tpu.memory_space<hbm>>)
      %add3A_867 = arith.constant 2 : i32
      %add3A_868 = arith.addi %add3A_458, %add3A_867 : i32
      %rem3A_869 = arith.constant 16 : i32
      %rem3A_870 = arith.remsi %add3A_868, %rem3A_869 : i32
      %add3A_871 = arith.addi %mul3A_2, %rem3A_870 : i32
      %mul3A_872 = arith.constant 2048 : i32
      %mul3A_873 = arith.muli %add3A_871, %mul3A_872 : i32
      %multiple_of3A_874 = tpu.assume_multiple %mul3A_873, 2048 : i32
      %dma_start3A_875 = arith.constant 0 : i32
      %dma_start3A_876 = tpu.memref_slice %arg2[%dma_start3A_875, %multiple_of3A_874] : memref<20x1048576xf32, #tpu.memory_space<hbm>> -> memref<20x2048xf32, #tpu.memory_space<hbm>>
      %dma_start3A_877 = arith.constant 0 : i32
      %dma_start3A_878 = tpu.memref_slice %arg2[%dma_start3A_877, %multiple_of3A_874] : memref<20x1048576xf32, #tpu.memory_space<hbm>> -> memref<20x2048xf32, #tpu.memory_space<hbm>>
      tpu.enqueue_dma source(%dma_start3A_878 : memref<20x2048xf32, #tpu.memory_space<hbm>>) target(%arg5 : memref<20x2048xf32, #tpu.memory_space<vmem>>) target_semaphore(%arg6 : memref<!tpu.dma_semaphore, #tpu.memory_space<semaphore_mem>>)
    }
    %scan3A_20 = arith.constant 8 : i32
    %mul3A_21 = arith.constant 2048 : i32
    %mul3A_22 = arith.muli %mul3A_2, %mul3A_21 : i32
    %dma_wait3A = arith.constant 0 : i32
    %dma_wait3A_23 = tpu.memref_slice %arg2[%dma_wait3A, %mul3A_22] : memref<20x1048576xf32, #tpu.memory_space<hbm>> -> memref<20x2048xf32, #tpu.memory_space<hbm>>
    %dma_wait3A_24 = arith.constant 0 : i32
    %dma_wait3A_25 = tpu.memref_slice %arg2[%dma_wait3A_24, %mul3A_22] : memref<20x1048576xf32, #tpu.memory_space<hbm>> -> memref<20x2048xf32, #tpu.memory_space<hbm>>
    tpu.wait_dma2 semaphore(%arg6 : memref<!tpu.dma_semaphore, #tpu.memory_space<semaphore_mem>>) src(%dma_wait3A_25 : memref<20x2048xf32, #tpu.memory_space<hbm>>) dst(%arg4 : memref<20x2048xf32, #tpu.memory_space<vmem>>)
    %mul3A_26 = arith.constant 2048 : i32
    %mul3A_27 = arith.muli %mul3A_2, %mul3A_26 : i32
    %dma_wait3A_28 = arith.constant 0 : i32
    %dma_wait3A_29 = tpu.memref_slice %arg2[%dma_wait3A_28, %mul3A_27] : memref<20x1048576xf32, #tpu.memory_space<hbm>> -> memref<20x2048xf32, #tpu.memory_space<hbm>>
    %dma_wait3A_30 = arith.constant 0 : i32
    %dma_wait3A_31 = tpu.memref_slice %arg2[%dma_wait3A_30, %mul3A_27] : memref<20x1048576xf32, #tpu.memory_space<hbm>> -> memref<20x2048xf32, #tpu.memory_space<hbm>>
    tpu.wait_dma2 semaphore(%arg6 : memref<!tpu.dma_semaphore, #tpu.memory_space<semaphore_mem>>) src(%dma_wait3A_31 : memref<20x2048xf32, #tpu.memory_space<hbm>>) dst(%arg5 : memref<20x2048xf32, #tpu.memory_space<vmem>>)
    return
  }
}

#map = affine_map<(d0, d1) -> (0)>
#map1 = affine_map<(d0, d1) -> (0, 0)>
module attributes {stable_mosaic.version = 14 : i64} {
  func.func @_gather_body(%arg0: i32, %arg1: i32, %arg2: memref<20971520xf32, #tpu.memory_space<hbm>>, %arg3: memref<20x16384xi32, #tpu.memory_space<hbm>>, %arg4: memref<20x16384xf32, #tpu.memory_space<hbm>>, %arg5: memref<20x512xi32, #tpu.memory_space<vmem>>, %arg6: memref<20x512xf32, #tpu.memory_space<vmem>>, %arg7: memref<!tpu.dma_semaphore, #tpu.memory_space<semaphore_mem>>) attributes {dimension_semantics = [#tpu.dimension_semantics<core_parallel>, #tpu.dimension_semantics<subcore_parallel>], iteration_bounds = array<i64: 2, 16>, scalar_prefetch = 0 : i64, scratch_operands = 3 : i64, tpu.core_type = #tpu.core_type<sc_vector_subcore>, window_params = [{transform_indices = #map}, {transform_indices = #map1}, {transform_indices = #map1}]} {
    %mul3A = arith.constant 2 : i32
    %mul3A_0 = arith.muli %arg1, %mul3A : i32
    %add3A = arith.addi %mul3A_0, %arg0 : i32
    %mul3A_1 = arith.constant 512 : i32
    %mul3A_2 = arith.muli %add3A, %mul3A_1 : i32
    "tpu.region"() ({
      %run_scoped3A = tpu.sem_alloc : memref<!tpu.dma_semaphore, #tpu.memory_space<semaphore_mem>>
      %dma_start3A = arith.constant 0 : i32
      %dma_start3A_8 = tpu.memref_slice %arg3[%dma_start3A, %mul3A_2] : memref<20x16384xi32, #tpu.memory_space<hbm>> -> memref<20x512xi32, #tpu.memory_space<hbm>>
      %dma_start3A_9 = arith.constant 0 : i32
      %dma_start3A_10 = tpu.memref_slice %arg3[%dma_start3A_9, %mul3A_2] : memref<20x16384xi32, #tpu.memory_space<hbm>> -> memref<20x512xi32, #tpu.memory_space<hbm>>
      tpu.enqueue_dma source(%dma_start3A_10 : memref<20x512xi32, #tpu.memory_space<hbm>>) target(%arg5 : memref<20x512xi32, #tpu.memory_space<vmem>>) target_semaphore(%run_scoped3A : memref<!tpu.dma_semaphore, #tpu.memory_space<semaphore_mem>>)
      %dma_wait3A = arith.constant 0 : i32
      %dma_wait3A_11 = tpu.memref_slice %arg3[%dma_wait3A, %mul3A_2] : memref<20x16384xi32, #tpu.memory_space<hbm>> -> memref<20x512xi32, #tpu.memory_space<hbm>>
      %dma_wait3A_12 = arith.constant 0 : i32
      %dma_wait3A_13 = tpu.memref_slice %arg3[%dma_wait3A_12, %mul3A_2] : memref<20x16384xi32, #tpu.memory_space<hbm>> -> memref<20x512xi32, #tpu.memory_space<hbm>>
      tpu.wait_dma2 semaphore(%run_scoped3A : memref<!tpu.dma_semaphore, #tpu.memory_space<semaphore_mem>>) src(%dma_wait3A_13 : memref<20x512xi32, #tpu.memory_space<hbm>>) dst(%arg5 : memref<20x512xi32, #tpu.memory_space<vmem>>)
      tpu.yield
    }) : () -> ()
    %scan3A = arith.constant 0 : i32
    %scan3A_3 = arith.constant 0 : i32
    %scan3A_4 = arith.constant 2 : i32
    %scan3A_5 = arith.addi %scan3A_3, %scan3A_4 : i32
    %scan3A_6 = arith.constant 1 : i32
    scf.for %scan3A_8 = %scan3A_3 to %scan3A_5 step %scan3A_6  : i32 {
      %mul3A_9 = arith.constant 40 : i32
      %mul3A_10 = arith.muli %scan3A_8, %mul3A_9 : i32
      %add3A_11 = arith.constant 0 : i32
      %add3A_12 = arith.addi %mul3A_10, %add3A_11 : i32
      %div3A = arith.constant 4 : i32
      %div3A_13 = arith.divsi %add3A_12, %div3A : i32
      %rem3A = arith.constant 4 : i32
      %rem3A_14 = arith.remsi %add3A_12, %rem3A : i32
      %mul3A_15 = arith.constant 128 : i32
      %mul3A_16 = arith.muli %rem3A_14, %mul3A_15 : i32
      %multiple_of3A = tpu.assume_multiple %mul3A_16, 128 : i32
      %dma_start3A = tpu.memref_slice %arg6[%div3A_13, %multiple_of3A] : memref<20x512xf32, #tpu.memory_space<vmem>> -> memref<1x128xf32, #tpu.memory_space<vmem>>
      %dma_start3A_17 = tpu.memref_squeeze %dma_start3A : memref<1x128xf32, #tpu.memory_space<vmem>> -> memref<128xf32, #tpu.memory_space<vmem>>
      %dma_start3A_18 = tpu.memref_slice %arg5[%div3A_13, %multiple_of3A] : memref<20x512xi32, #tpu.memory_space<vmem>> -> memref<1x128xi32, #tpu.memory_space<vmem>>
      %dma_start3A_19 = tpu.memref_squeeze %dma_start3A_18 : memref<1x128xi32, #tpu.memory_space<vmem>> -> memref<128xi32, #tpu.memory_space<vmem>>
      %dma_start3A_20 = arith.constant 0 : i32
      %dma_start3A_21 = tpu.memref_slice %arg2[%dma_start3A_20] : memref<20971520xf32, #tpu.memory_space<hbm>> -> memref<20971520xf32, #tpu.memory_space<hbm>>
      tpu.enqueue_indirect_dma source(%dma_start3A_21 : memref<20971520xf32, #tpu.memory_space<hbm>>) target(%dma_start3A_17 : memref<128xf32, #tpu.memory_space<vmem>>) offsets(%dma_start3A_19 : memref<128xi32, #tpu.memory_space<vmem>>) semaphore(%arg7 : memref<!tpu.dma_semaphore, #tpu.memory_space<semaphore_mem>>)
      %mul3A_22 = arith.constant 40 : i32
      %mul3A_23 = arith.muli %scan3A_8, %mul3A_22 : i32
      %add3A_24 = arith.constant 1 : i32
      %add3A_25 = arith.addi %mul3A_23, %add3A_24 : i32
      %div3A_26 = arith.constant 4 : i32
      %div3A_27 = arith.divsi %add3A_25, %div3A_26 : i32
      %rem3A_28 = arith.constant 4 : i32
      %rem3A_29 = arith.remsi %add3A_25, %rem3A_28 : i32
      %mul3A_30 = arith.constant 128 : i32
      %mul3A_31 = arith.muli %rem3A_29, %mul3A_30 : i32
      %multiple_of3A_32 = tpu.assume_multiple %mul3A_31, 128 : i32
      %dma_start3A_33 = tpu.memref_slice %arg6[%div3A_27, %multiple_of3A_32] : memref<20x512xf32, #tpu.memory_space<vmem>> -> memref<1x128xf32, #tpu.memory_space<vmem>>
      %dma_start3A_34 = tpu.memref_squeeze %dma_start3A_33 : memref<1x128xf32, #tpu.memory_space<vmem>> -> memref<128xf32, #tpu.memory_space<vmem>>
      %dma_start3A_35 = tpu.memref_slice %arg5[%div3A_27, %multiple_of3A_32] : memref<20x512xi32, #tpu.memory_space<vmem>> -> memref<1x128xi32, #tpu.memory_space<vmem>>
      %dma_start3A_36 = tpu.memref_squeeze %dma_start3A_35 : memref<1x128xi32, #tpu.memory_space<vmem>> -> memref<128xi32, #tpu.memory_space<vmem>>
      %dma_start3A_37 = arith.constant 0 : i32
      %dma_start3A_38 = tpu.memref_slice %arg2[%dma_start3A_37] : memref<20971520xf32, #tpu.memory_space<hbm>> -> memref<20971520xf32, #tpu.memory_space<hbm>>
      tpu.enqueue_indirect_dma source(%dma_start3A_38 : memref<20971520xf32, #tpu.memory_space<hbm>>) target(%dma_start3A_34 : memref<128xf32, #tpu.memory_space<vmem>>) offsets(%dma_start3A_36 : memref<128xi32, #tpu.memory_space<vmem>>) semaphore(%arg7 : memref<!tpu.dma_semaphore, #tpu.memory_space<semaphore_mem>>)
      %mul3A_39 = arith.constant 40 : i32
      %mul3A_40 = arith.muli %scan3A_8, %mul3A_39 : i32
      %add3A_41 = arith.constant 2 : i32
      %add3A_42 = arith.addi %mul3A_40, %add3A_41 : i32
      %div3A_43 = arith.constant 4 : i32
      %div3A_44 = arith.divsi %add3A_42, %div3A_43 : i32
      %rem3A_45 = arith.constant 4 : i32
      %rem3A_46 = arith.remsi %add3A_42, %rem3A_45 : i32
      %mul3A_47 = arith.constant 128 : i32
      %mul3A_48 = arith.muli %rem3A_46, %mul3A_47 : i32
      %multiple_of3A_49 = tpu.assume_multiple %mul3A_48, 128 : i32
      %dma_start3A_50 = tpu.memref_slice %arg6[%div3A_44, %multiple_of3A_49] : memref<20x512xf32, #tpu.memory_space<vmem>> -> memref<1x128xf32, #tpu.memory_space<vmem>>
      %dma_start3A_51 = tpu.memref_squeeze %dma_start3A_50 : memref<1x128xf32, #tpu.memory_space<vmem>> -> memref<128xf32, #tpu.memory_space<vmem>>
      %dma_start3A_52 = tpu.memref_slice %arg5[%div3A_44, %multiple_of3A_49] : memref<20x512xi32, #tpu.memory_space<vmem>> -> memref<1x128xi32, #tpu.memory_space<vmem>>
      %dma_start3A_53 = tpu.memref_squeeze %dma_start3A_52 : memref<1x128xi32, #tpu.memory_space<vmem>> -> memref<128xi32, #tpu.memory_space<vmem>>
      %dma_start3A_54 = arith.constant 0 : i32
      %dma_start3A_55 = tpu.memref_slice %arg2[%dma_start3A_54] : memref<20971520xf32, #tpu.memory_space<hbm>> -> memref<20971520xf32, #tpu.memory_space<hbm>>
      tpu.enqueue_indirect_dma source(%dma_start3A_55 : memref<20971520xf32, #tpu.memory_space<hbm>>) target(%dma_start3A_51 : memref<128xf32, #tpu.memory_space<vmem>>) offsets(%dma_start3A_53 : memref<128xi32, #tpu.memory_space<vmem>>) semaphore(%arg7 : memref<!tpu.dma_semaphore, #tpu.memory_space<semaphore_mem>>)
      %mul3A_56 = arith.constant 40 : i32
      %mul3A_57 = arith.muli %scan3A_8, %mul3A_56 : i32
      %add3A_58 = arith.constant 3 : i32
      %add3A_59 = arith.addi %mul3A_57, %add3A_58 : i32
      %div3A_60 = arith.constant 4 : i32
      %div3A_61 = arith.divsi %add3A_59, %div3A_60 : i32
      %rem3A_62 = arith.constant 4 : i32
      %rem3A_63 = arith.remsi %add3A_59, %rem3A_62 : i32
      %mul3A_64 = arith.constant 128 : i32
      %mul3A_65 = arith.muli %rem3A_63, %mul3A_64 : i32
      %multiple_of3A_66 = tpu.assume_multiple %mul3A_65, 128 : i32
      %dma_start3A_67 = tpu.memref_slice %arg6[%div3A_61, %multiple_of3A_66] : memref<20x512xf32, #tpu.memory_space<vmem>> -> memref<1x128xf32, #tpu.memory_space<vmem>>
      %dma_start3A_68 = tpu.memref_squeeze %dma_start3A_67 : memref<1x128xf32, #tpu.memory_space<vmem>> -> memref<128xf32, #tpu.memory_space<vmem>>
      %dma_start3A_69 = tpu.memref_slice %arg5[%div3A_61, %multiple_of3A_66] : memref<20x512xi32, #tpu.memory_space<vmem>> -> memref<1x128xi32, #tpu.memory_space<vmem>>
      %dma_start3A_70 = tpu.memref_squeeze %dma_start3A_69 : memref<1x128xi32, #tpu.memory_space<vmem>> -> memref<128xi32, #tpu.memory_space<vmem>>
      %dma_start3A_71 = arith.constant 0 : i32
      %dma_start3A_72 = tpu.memref_slice %arg2[%dma_start3A_71] : memref<20971520xf32, #tpu.memory_space<hbm>> -> memref<20971520xf32, #tpu.memory_space<hbm>>
      tpu.enqueue_indirect_dma source(%dma_start3A_72 : memref<20971520xf32, #tpu.memory_space<hbm>>) target(%dma_start3A_68 : memref<128xf32, #tpu.memory_space<vmem>>) offsets(%dma_start3A_70 : memref<128xi32, #tpu.memory_space<vmem>>) semaphore(%arg7 : memref<!tpu.dma_semaphore, #tpu.memory_space<semaphore_mem>>)
      %mul3A_73 = arith.constant 40 : i32
      %mul3A_74 = arith.muli %scan3A_8, %mul3A_73 : i32
      %add3A_75 = arith.constant 4 : i32
      %add3A_76 = arith.addi %mul3A_74, %add3A_75 : i32
      %div3A_77 = arith.constant 4 : i32
      %div3A_78 = arith.divsi %add3A_76, %div3A_77 : i32
      %rem3A_79 = arith.constant 4 : i32
      %rem3A_80 = arith.remsi %add3A_76, %rem3A_79 : i32
      %mul3A_81 = arith.constant 128 : i32
      %mul3A_82 = arith.muli %rem3A_80, %mul3A_81 : i32
      %multiple_of3A_83 = tpu.assume_multiple %mul3A_82, 128 : i32
      %dma_start3A_84 = tpu.memref_slice %arg6[%div3A_78, %multiple_of3A_83] : memref<20x512xf32, #tpu.memory_space<vmem>> -> memref<1x128xf32, #tpu.memory_space<vmem>>
      %dma_start3A_85 = tpu.memref_squeeze %dma_start3A_84 : memref<1x128xf32, #tpu.memory_space<vmem>> -> memref<128xf32, #tpu.memory_space<vmem>>
      %dma_start3A_86 = tpu.memref_slice %arg5[%div3A_78, %multiple_of3A_83] : memref<20x512xi32, #tpu.memory_space<vmem>> -> memref<1x128xi32, #tpu.memory_space<vmem>>
      %dma_start3A_87 = tpu.memref_squeeze %dma_start3A_86 : memref<1x128xi32, #tpu.memory_space<vmem>> -> memref<128xi32, #tpu.memory_space<vmem>>
      %dma_start3A_88 = arith.constant 0 : i32
      %dma_start3A_89 = tpu.memref_slice %arg2[%dma_start3A_88] : memref<20971520xf32, #tpu.memory_space<hbm>> -> memref<20971520xf32, #tpu.memory_space<hbm>>
      tpu.enqueue_indirect_dma source(%dma_start3A_89 : memref<20971520xf32, #tpu.memory_space<hbm>>) target(%dma_start3A_85 : memref<128xf32, #tpu.memory_space<vmem>>) offsets(%dma_start3A_87 : memref<128xi32, #tpu.memory_space<vmem>>) semaphore(%arg7 : memref<!tpu.dma_semaphore, #tpu.memory_space<semaphore_mem>>)
      %mul3A_90 = arith.constant 40 : i32
      %mul3A_91 = arith.muli %scan3A_8, %mul3A_90 : i32
      %add3A_92 = arith.constant 5 : i32
      %add3A_93 = arith.addi %mul3A_91, %add3A_92 : i32
      %div3A_94 = arith.constant 4 : i32
      %div3A_95 = arith.divsi %add3A_93, %div3A_94 : i32
      %rem3A_96 = arith.constant 4 : i32
      %rem3A_97 = arith.remsi %add3A_93, %rem3A_96 : i32
      %mul3A_98 = arith.constant 128 : i32
      %mul3A_99 = arith.muli %rem3A_97, %mul3A_98 : i32
      %multiple_of3A_100 = tpu.assume_multiple %mul3A_99, 128 : i32
      %dma_start3A_101 = tpu.memref_slice %arg6[%div3A_95, %multiple_of3A_100] : memref<20x512xf32, #tpu.memory_space<vmem>> -> memref<1x128xf32, #tpu.memory_space<vmem>>
      %dma_start3A_102 = tpu.memref_squeeze %dma_start3A_101 : memref<1x128xf32, #tpu.memory_space<vmem>> -> memref<128xf32, #tpu.memory_space<vmem>>
      %dma_start3A_103 = tpu.memref_slice %arg5[%div3A_95, %multiple_of3A_100] : memref<20x512xi32, #tpu.memory_space<vmem>> -> memref<1x128xi32, #tpu.memory_space<vmem>>
      %dma_start3A_104 = tpu.memref_squeeze %dma_start3A_103 : memref<1x128xi32, #tpu.memory_space<vmem>> -> memref<128xi32, #tpu.memory_space<vmem>>
      %dma_start3A_105 = arith.constant 0 : i32
      %dma_start3A_106 = tpu.memref_slice %arg2[%dma_start3A_105] : memref<20971520xf32, #tpu.memory_space<hbm>> -> memref<20971520xf32, #tpu.memory_space<hbm>>
      tpu.enqueue_indirect_dma source(%dma_start3A_106 : memref<20971520xf32, #tpu.memory_space<hbm>>) target(%dma_start3A_102 : memref<128xf32, #tpu.memory_space<vmem>>) offsets(%dma_start3A_104 : memref<128xi32, #tpu.memory_space<vmem>>) semaphore(%arg7 : memref<!tpu.dma_semaphore, #tpu.memory_space<semaphore_mem>>)
      %mul3A_107 = arith.constant 40 : i32
      %mul3A_108 = arith.muli %scan3A_8, %mul3A_107 : i32
      %add3A_109 = arith.constant 6 : i32
      %add3A_110 = arith.addi %mul3A_108, %add3A_109 : i32
      %div3A_111 = arith.constant 4 : i32
      %div3A_112 = arith.divsi %add3A_110, %div3A_111 : i32
      %rem3A_113 = arith.constant 4 : i32
      %rem3A_114 = arith.remsi %add3A_110, %rem3A_113 : i32
      %mul3A_115 = arith.constant 128 : i32
      %mul3A_116 = arith.muli %rem3A_114, %mul3A_115 : i32
      %multiple_of3A_117 = tpu.assume_multiple %mul3A_116, 128 : i32
      %dma_start3A_118 = tpu.memref_slice %arg6[%div3A_112, %multiple_of3A_117] : memref<20x512xf32, #tpu.memory_space<vmem>> -> memref<1x128xf32, #tpu.memory_space<vmem>>
      %dma_start3A_119 = tpu.memref_squeeze %dma_start3A_118 : memref<1x128xf32, #tpu.memory_space<vmem>> -> memref<128xf32, #tpu.memory_space<vmem>>
      %dma_start3A_120 = tpu.memref_slice %arg5[%div3A_112, %multiple_of3A_117] : memref<20x512xi32, #tpu.memory_space<vmem>> -> memref<1x128xi32, #tpu.memory_space<vmem>>
      %dma_start3A_121 = tpu.memref_squeeze %dma_start3A_120 : memref<1x128xi32, #tpu.memory_space<vmem>> -> memref<128xi32, #tpu.memory_space<vmem>>
      %dma_start3A_122 = arith.constant 0 : i32
      %dma_start3A_123 = tpu.memref_slice %arg2[%dma_start3A_122] : memref<20971520xf32, #tpu.memory_space<hbm>> -> memref<20971520xf32, #tpu.memory_space<hbm>>
      tpu.enqueue_indirect_dma source(%dma_start3A_123 : memref<20971520xf32, #tpu.memory_space<hbm>>) target(%dma_start3A_119 : memref<128xf32, #tpu.memory_space<vmem>>) offsets(%dma_start3A_121 : memref<128xi32, #tpu.memory_space<vmem>>) semaphore(%arg7 : memref<!tpu.dma_semaphore, #tpu.memory_space<semaphore_mem>>)
      %mul3A_124 = arith.constant 40 : i32
      %mul3A_125 = arith.muli %scan3A_8, %mul3A_124 : i32
      %add3A_126 = arith.constant 7 : i32
      %add3A_127 = arith.addi %mul3A_125, %add3A_126 : i32
      %div3A_128 = arith.constant 4 : i32
      %div3A_129 = arith.divsi %add3A_127, %div3A_128 : i32
      %rem3A_130 = arith.constant 4 : i32
      %rem3A_131 = arith.remsi %add3A_127, %rem3A_130 : i32
      %mul3A_132 = arith.constant 128 : i32
      %mul3A_133 = arith.muli %rem3A_131, %mul3A_132 : i32
      %multiple_of3A_134 = tpu.assume_multiple %mul3A_133, 128 : i32
      %dma_start3A_135 = tpu.memref_slice %arg6[%div3A_129, %multiple_of3A_134] : memref<20x512xf32, #tpu.memory_space<vmem>> -> memref<1x128xf32, #tpu.memory_space<vmem>>
      %dma_start3A_136 = tpu.memref_squeeze %dma_start3A_135 : memref<1x128xf32, #tpu.memory_space<vmem>> -> memref<128xf32, #tpu.memory_space<vmem>>
      %dma_start3A_137 = tpu.memref_slice %arg5[%div3A_129, %multiple_of3A_134] : memref<20x512xi32, #tpu.memory_space<vmem>> -> memref<1x128xi32, #tpu.memory_space<vmem>>
      %dma_start3A_138 = tpu.memref_squeeze %dma_start3A_137 : memref<1x128xi32, #tpu.memory_space<vmem>> -> memref<128xi32, #tpu.memory_space<vmem>>
      %dma_start3A_139 = arith.constant 0 : i32
      %dma_start3A_140 = tpu.memref_slice %arg2[%dma_start3A_139] : memref<20971520xf32, #tpu.memory_space<hbm>> -> memref<20971520xf32, #tpu.memory_space<hbm>>
      tpu.enqueue_indirect_dma source(%dma_start3A_140 : memref<20971520xf32, #tpu.memory_space<hbm>>) target(%dma_start3A_136 : memref<128xf32, #tpu.memory_space<vmem>>) offsets(%dma_start3A_138 : memref<128xi32, #tpu.memory_space<vmem>>) semaphore(%arg7 : memref<!tpu.dma_semaphore, #tpu.memory_space<semaphore_mem>>)
      %mul3A_141 = arith.constant 40 : i32
      %mul3A_142 = arith.muli %scan3A_8, %mul3A_141 : i32
      %add3A_143 = arith.constant 8 : i32
      %add3A_144 = arith.addi %mul3A_142, %add3A_143 : i32
      %div3A_145 = arith.constant 4 : i32
      %div3A_146 = arith.divsi %add3A_144, %div3A_145 : i32
      %rem3A_147 = arith.constant 4 : i32
      %rem3A_148 = arith.remsi %add3A_144, %rem3A_147 : i32
      %mul3A_149 = arith.constant 128 : i32
      %mul3A_150 = arith.muli %rem3A_148, %mul3A_149 : i32
      %multiple_of3A_151 = tpu.assume_multiple %mul3A_150, 128 : i32
      %dma_start3A_152 = tpu.memref_slice %arg6[%div3A_146, %multiple_of3A_151] : memref<20x512xf32, #tpu.memory_space<vmem>> -> memref<1x128xf32, #tpu.memory_space<vmem>>
      %dma_start3A_153 = tpu.memref_squeeze %dma_start3A_152 : memref<1x128xf32, #tpu.memory_space<vmem>> -> memref<128xf32, #tpu.memory_space<vmem>>
      %dma_start3A_154 = tpu.memref_slice %arg5[%div3A_146, %multiple_of3A_151] : memref<20x512xi32, #tpu.memory_space<vmem>> -> memref<1x128xi32, #tpu.memory_space<vmem>>
      %dma_start3A_155 = tpu.memref_squeeze %dma_start3A_154 : memref<1x128xi32, #tpu.memory_space<vmem>> -> memref<128xi32, #tpu.memory_space<vmem>>
      %dma_start3A_156 = arith.constant 0 : i32
      %dma_start3A_157 = tpu.memref_slice %arg2[%dma_start3A_156] : memref<20971520xf32, #tpu.memory_space<hbm>> -> memref<20971520xf32, #tpu.memory_space<hbm>>
      tpu.enqueue_indirect_dma source(%dma_start3A_157 : memref<20971520xf32, #tpu.memory_space<hbm>>) target(%dma_start3A_153 : memref<128xf32, #tpu.memory_space<vmem>>) offsets(%dma_start3A_155 : memref<128xi32, #tpu.memory_space<vmem>>) semaphore(%arg7 : memref<!tpu.dma_semaphore, #tpu.memory_space<semaphore_mem>>)
      %mul3A_158 = arith.constant 40 : i32
      %mul3A_159 = arith.muli %scan3A_8, %mul3A_158 : i32
      %add3A_160 = arith.constant 9 : i32
      %add3A_161 = arith.addi %mul3A_159, %add3A_160 : i32
      %div3A_162 = arith.constant 4 : i32
      %div3A_163 = arith.divsi %add3A_161, %div3A_162 : i32
      %rem3A_164 = arith.constant 4 : i32
      %rem3A_165 = arith.remsi %add3A_161, %rem3A_164 : i32
      %mul3A_166 = arith.constant 128 : i32
      %mul3A_167 = arith.muli %rem3A_165, %mul3A_166 : i32
      %multiple_of3A_168 = tpu.assume_multiple %mul3A_167, 128 : i32
      %dma_start3A_169 = tpu.memref_slice %arg6[%div3A_163, %multiple_of3A_168] : memref<20x512xf32, #tpu.memory_space<vmem>> -> memref<1x128xf32, #tpu.memory_space<vmem>>
      %dma_start3A_170 = tpu.memref_squeeze %dma_start3A_169 : memref<1x128xf32, #tpu.memory_space<vmem>> -> memref<128xf32, #tpu.memory_space<vmem>>
      %dma_start3A_171 = tpu.memref_slice %arg5[%div3A_163, %multiple_of3A_168] : memref<20x512xi32, #tpu.memory_space<vmem>> -> memref<1x128xi32, #tpu.memory_space<vmem>>
      %dma_start3A_172 = tpu.memref_squeeze %dma_start3A_171 : memref<1x128xi32, #tpu.memory_space<vmem>> -> memref<128xi32, #tpu.memory_space<vmem>>
      %dma_start3A_173 = arith.constant 0 : i32
      %dma_start3A_174 = tpu.memref_slice %arg2[%dma_start3A_173] : memref<20971520xf32, #tpu.memory_space<hbm>> -> memref<20971520xf32, #tpu.memory_space<hbm>>
      tpu.enqueue_indirect_dma source(%dma_start3A_174 : memref<20971520xf32, #tpu.memory_space<hbm>>) target(%dma_start3A_170 : memref<128xf32, #tpu.memory_space<vmem>>) offsets(%dma_start3A_172 : memref<128xi32, #tpu.memory_space<vmem>>) semaphore(%arg7 : memref<!tpu.dma_semaphore, #tpu.memory_space<semaphore_mem>>)
      %mul3A_175 = arith.constant 40 : i32
      %mul3A_176 = arith.muli %scan3A_8, %mul3A_175 : i32
      %add3A_177 = arith.constant 10 : i32
      %add3A_178 = arith.addi %mul3A_176, %add3A_177 : i32
      %div3A_179 = arith.constant 4 : i32
      %div3A_180 = arith.divsi %add3A_178, %div3A_179 : i32
      %rem3A_181 = arith.constant 4 : i32
      %rem3A_182 = arith.remsi %add3A_178, %rem3A_181 : i32
      %mul3A_183 = arith.constant 128 : i32
      %mul3A_184 = arith.muli %rem3A_182, %mul3A_183 : i32
      %multiple_of3A_185 = tpu.assume_multiple %mul3A_184, 128 : i32
      %dma_start3A_186 = tpu.memref_slice %arg6[%div3A_180, %multiple_of3A_185] : memref<20x512xf32, #tpu.memory_space<vmem>> -> memref<1x128xf32, #tpu.memory_space<vmem>>
      %dma_start3A_187 = tpu.memref_squeeze %dma_start3A_186 : memref<1x128xf32, #tpu.memory_space<vmem>> -> memref<128xf32, #tpu.memory_space<vmem>>
      %dma_start3A_188 = tpu.memref_slice %arg5[%div3A_180, %multiple_of3A_185] : memref<20x512xi32, #tpu.memory_space<vmem>> -> memref<1x128xi32, #tpu.memory_space<vmem>>
      %dma_start3A_189 = tpu.memref_squeeze %dma_start3A_188 : memref<1x128xi32, #tpu.memory_space<vmem>> -> memref<128xi32, #tpu.memory_space<vmem>>
      %dma_start3A_190 = arith.constant 0 : i32
      %dma_start3A_191 = tpu.memref_slice %arg2[%dma_start3A_190] : memref<20971520xf32, #tpu.memory_space<hbm>> -> memref<20971520xf32, #tpu.memory_space<hbm>>
      tpu.enqueue_indirect_dma source(%dma_start3A_191 : memref<20971520xf32, #tpu.memory_space<hbm>>) target(%dma_start3A_187 : memref<128xf32, #tpu.memory_space<vmem>>) offsets(%dma_start3A_189 : memref<128xi32, #tpu.memory_space<vmem>>) semaphore(%arg7 : memref<!tpu.dma_semaphore, #tpu.memory_space<semaphore_mem>>)
      %mul3A_192 = arith.constant 40 : i32
      %mul3A_193 = arith.muli %scan3A_8, %mul3A_192 : i32
      %add3A_194 = arith.constant 11 : i32
      %add3A_195 = arith.addi %mul3A_193, %add3A_194 : i32
      %div3A_196 = arith.constant 4 : i32
      %div3A_197 = arith.divsi %add3A_195, %div3A_196 : i32
      %rem3A_198 = arith.constant 4 : i32
      %rem3A_199 = arith.remsi %add3A_195, %rem3A_198 : i32
      %mul3A_200 = arith.constant 128 : i32
      %mul3A_201 = arith.muli %rem3A_199, %mul3A_200 : i32
      %multiple_of3A_202 = tpu.assume_multiple %mul3A_201, 128 : i32
      %dma_start3A_203 = tpu.memref_slice %arg6[%div3A_197, %multiple_of3A_202] : memref<20x512xf32, #tpu.memory_space<vmem>> -> memref<1x128xf32, #tpu.memory_space<vmem>>
      %dma_start3A_204 = tpu.memref_squeeze %dma_start3A_203 : memref<1x128xf32, #tpu.memory_space<vmem>> -> memref<128xf32, #tpu.memory_space<vmem>>
      %dma_start3A_205 = tpu.memref_slice %arg5[%div3A_197, %multiple_of3A_202] : memref<20x512xi32, #tpu.memory_space<vmem>> -> memref<1x128xi32, #tpu.memory_space<vmem>>
      %dma_start3A_206 = tpu.memref_squeeze %dma_start3A_205 : memref<1x128xi32, #tpu.memory_space<vmem>> -> memref<128xi32, #tpu.memory_space<vmem>>
      %dma_start3A_207 = arith.constant 0 : i32
      %dma_start3A_208 = tpu.memref_slice %arg2[%dma_start3A_207] : memref<20971520xf32, #tpu.memory_space<hbm>> -> memref<20971520xf32, #tpu.memory_space<hbm>>
      tpu.enqueue_indirect_dma source(%dma_start3A_208 : memref<20971520xf32, #tpu.memory_space<hbm>>) target(%dma_start3A_204 : memref<128xf32, #tpu.memory_space<vmem>>) offsets(%dma_start3A_206 : memref<128xi32, #tpu.memory_space<vmem>>) semaphore(%arg7 : memref<!tpu.dma_semaphore, #tpu.memory_space<semaphore_mem>>)
      %mul3A_209 = arith.constant 40 : i32
      %mul3A_210 = arith.muli %scan3A_8, %mul3A_209 : i32
      %add3A_211 = arith.constant 12 : i32
      %add3A_212 = arith.addi %mul3A_210, %add3A_211 : i32
      %div3A_213 = arith.constant 4 : i32
      %div3A_214 = arith.divsi %add3A_212, %div3A_213 : i32
      %rem3A_215 = arith.constant 4 : i32
      %rem3A_216 = arith.remsi %add3A_212, %rem3A_215 : i32
      %mul3A_217 = arith.constant 128 : i32
      %mul3A_218 = arith.muli %rem3A_216, %mul3A_217 : i32
      %multiple_of3A_219 = tpu.assume_multiple %mul3A_218, 128 : i32
      %dma_start3A_220 = tpu.memref_slice %arg6[%div3A_214, %multiple_of3A_219] : memref<20x512xf32, #tpu.memory_space<vmem>> -> memref<1x128xf32, #tpu.memory_space<vmem>>
      %dma_start3A_221 = tpu.memref_squeeze %dma_start3A_220 : memref<1x128xf32, #tpu.memory_space<vmem>> -> memref<128xf32, #tpu.memory_space<vmem>>
      %dma_start3A_222 = tpu.memref_slice %arg5[%div3A_214, %multiple_of3A_219] : memref<20x512xi32, #tpu.memory_space<vmem>> -> memref<1x128xi32, #tpu.memory_space<vmem>>
      %dma_start3A_223 = tpu.memref_squeeze %dma_start3A_222 : memref<1x128xi32, #tpu.memory_space<vmem>> -> memref<128xi32, #tpu.memory_space<vmem>>
      %dma_start3A_224 = arith.constant 0 : i32
      %dma_start3A_225 = tpu.memref_slice %arg2[%dma_start3A_224] : memref<20971520xf32, #tpu.memory_space<hbm>> -> memref<20971520xf32, #tpu.memory_space<hbm>>
      tpu.enqueue_indirect_dma source(%dma_start3A_225 : memref<20971520xf32, #tpu.memory_space<hbm>>) target(%dma_start3A_221 : memref<128xf32, #tpu.memory_space<vmem>>) offsets(%dma_start3A_223 : memref<128xi32, #tpu.memory_space<vmem>>) semaphore(%arg7 : memref<!tpu.dma_semaphore, #tpu.memory_space<semaphore_mem>>)
      %mul3A_226 = arith.constant 40 : i32
      %mul3A_227 = arith.muli %scan3A_8, %mul3A_226 : i32
      %add3A_228 = arith.constant 13 : i32
      %add3A_229 = arith.addi %mul3A_227, %add3A_228 : i32
      %div3A_230 = arith.constant 4 : i32
      %div3A_231 = arith.divsi %add3A_229, %div3A_230 : i32
      %rem3A_232 = arith.constant 4 : i32
      %rem3A_233 = arith.remsi %add3A_229, %rem3A_232 : i32
      %mul3A_234 = arith.constant 128 : i32
      %mul3A_235 = arith.muli %rem3A_233, %mul3A_234 : i32
      %multiple_of3A_236 = tpu.assume_multiple %mul3A_235, 128 : i32
      %dma_start3A_237 = tpu.memref_slice %arg6[%div3A_231, %multiple_of3A_236] : memref<20x512xf32, #tpu.memory_space<vmem>> -> memref<1x128xf32, #tpu.memory_space<vmem>>
      %dma_start3A_238 = tpu.memref_squeeze %dma_start3A_237 : memref<1x128xf32, #tpu.memory_space<vmem>> -> memref<128xf32, #tpu.memory_space<vmem>>
      %dma_start3A_239 = tpu.memref_slice %arg5[%div3A_231, %multiple_of3A_236] : memref<20x512xi32, #tpu.memory_space<vmem>> -> memref<1x128xi32, #tpu.memory_space<vmem>>
      %dma_start3A_240 = tpu.memref_squeeze %dma_start3A_239 : memref<1x128xi32, #tpu.memory_space<vmem>> -> memref<128xi32, #tpu.memory_space<vmem>>
      %dma_start3A_241 = arith.constant 0 : i32
      %dma_start3A_242 = tpu.memref_slice %arg2[%dma_start3A_241] : memref<20971520xf32, #tpu.memory_space<hbm>> -> memref<20971520xf32, #tpu.memory_space<hbm>>
      tpu.enqueue_indirect_dma source(%dma_start3A_242 : memref<20971520xf32, #tpu.memory_space<hbm>>) target(%dma_start3A_238 : memref<128xf32, #tpu.memory_space<vmem>>) offsets(%dma_start3A_240 : memref<128xi32, #tpu.memory_space<vmem>>) semaphore(%arg7 : memref<!tpu.dma_semaphore, #tpu.memory_space<semaphore_mem>>)
      %mul3A_243 = arith.constant 40 : i32
      %mul3A_244 = arith.muli %scan3A_8, %mul3A_243 : i32
      %add3A_245 = arith.constant 14 : i32
      %add3A_246 = arith.addi %mul3A_244, %add3A_245 : i32
      %div3A_247 = arith.constant 4 : i32
      %div3A_248 = arith.divsi %add3A_246, %div3A_247 : i32
      %rem3A_249 = arith.constant 4 : i32
      %rem3A_250 = arith.remsi %add3A_246, %rem3A_249 : i32
      %mul3A_251 = arith.constant 128 : i32
      %mul3A_252 = arith.muli %rem3A_250, %mul3A_251 : i32
      %multiple_of3A_253 = tpu.assume_multiple %mul3A_252, 128 : i32
      %dma_start3A_254 = tpu.memref_slice %arg6[%div3A_248, %multiple_of3A_253] : memref<20x512xf32, #tpu.memory_space<vmem>> -> memref<1x128xf32, #tpu.memory_space<vmem>>
      %dma_start3A_255 = tpu.memref_squeeze %dma_start3A_254 : memref<1x128xf32, #tpu.memory_space<vmem>> -> memref<128xf32, #tpu.memory_space<vmem>>
      %dma_start3A_256 = tpu.memref_slice %arg5[%div3A_248, %multiple_of3A_253] : memref<20x512xi32, #tpu.memory_space<vmem>> -> memref<1x128xi32, #tpu.memory_space<vmem>>
      %dma_start3A_257 = tpu.memref_squeeze %dma_start3A_256 : memref<1x128xi32, #tpu.memory_space<vmem>> -> memref<128xi32, #tpu.memory_space<vmem>>
      %dma_start3A_258 = arith.constant 0 : i32
      %dma_start3A_259 = tpu.memref_slice %arg2[%dma_start3A_258] : memref<20971520xf32, #tpu.memory_space<hbm>> -> memref<20971520xf32, #tpu.memory_space<hbm>>
      tpu.enqueue_indirect_dma source(%dma_start3A_259 : memref<20971520xf32, #tpu.memory_space<hbm>>) target(%dma_start3A_255 : memref<128xf32, #tpu.memory_space<vmem>>) offsets(%dma_start3A_257 : memref<128xi32, #tpu.memory_space<vmem>>) semaphore(%arg7 : memref<!tpu.dma_semaphore, #tpu.memory_space<semaphore_mem>>)
      %mul3A_260 = arith.constant 40 : i32
      %mul3A_261 = arith.muli %scan3A_8, %mul3A_260 : i32
      %add3A_262 = arith.constant 15 : i32
      %add3A_263 = arith.addi %mul3A_261, %add3A_262 : i32
      %div3A_264 = arith.constant 4 : i32
      %div3A_265 = arith.divsi %add3A_263, %div3A_264 : i32
      %rem3A_266 = arith.constant 4 : i32
      %rem3A_267 = arith.remsi %add3A_263, %rem3A_266 : i32
      %mul3A_268 = arith.constant 128 : i32
      %mul3A_269 = arith.muli %rem3A_267, %mul3A_268 : i32
      %multiple_of3A_270 = tpu.assume_multiple %mul3A_269, 128 : i32
      %dma_start3A_271 = tpu.memref_slice %arg6[%div3A_265, %multiple_of3A_270] : memref<20x512xf32, #tpu.memory_space<vmem>> -> memref<1x128xf32, #tpu.memory_space<vmem>>
      %dma_start3A_272 = tpu.memref_squeeze %dma_start3A_271 : memref<1x128xf32, #tpu.memory_space<vmem>> -> memref<128xf32, #tpu.memory_space<vmem>>
      %dma_start3A_273 = tpu.memref_slice %arg5[%div3A_265, %multiple_of3A_270] : memref<20x512xi32, #tpu.memory_space<vmem>> -> memref<1x128xi32, #tpu.memory_space<vmem>>
      %dma_start3A_274 = tpu.memref_squeeze %dma_start3A_273 : memref<1x128xi32, #tpu.memory_space<vmem>> -> memref<128xi32, #tpu.memory_space<vmem>>
      %dma_start3A_275 = arith.constant 0 : i32
      %dma_start3A_276 = tpu.memref_slice %arg2[%dma_start3A_275] : memref<20971520xf32, #tpu.memory_space<hbm>> -> memref<20971520xf32, #tpu.memory_space<hbm>>
      tpu.enqueue_indirect_dma source(%dma_start3A_276 : memref<20971520xf32, #tpu.memory_space<hbm>>) target(%dma_start3A_272 : memref<128xf32, #tpu.memory_space<vmem>>) offsets(%dma_start3A_274 : memref<128xi32, #tpu.memory_space<vmem>>) semaphore(%arg7 : memref<!tpu.dma_semaphore, #tpu.memory_space<semaphore_mem>>)
      %mul3A_277 = arith.constant 40 : i32
      %mul3A_278 = arith.muli %scan3A_8, %mul3A_277 : i32
      %add3A_279 = arith.constant 16 : i32
      %add3A_280 = arith.addi %mul3A_278, %add3A_279 : i32
      %div3A_281 = arith.constant 4 : i32
      %div3A_282 = arith.divsi %add3A_280, %div3A_281 : i32
      %rem3A_283 = arith.constant 4 : i32
      %rem3A_284 = arith.remsi %add3A_280, %rem3A_283 : i32
      %mul3A_285 = arith.constant 128 : i32
      %mul3A_286 = arith.muli %rem3A_284, %mul3A_285 : i32
      %multiple_of3A_287 = tpu.assume_multiple %mul3A_286, 128 : i32
      %dma_start3A_288 = tpu.memref_slice %arg6[%div3A_282, %multiple_of3A_287] : memref<20x512xf32, #tpu.memory_space<vmem>> -> memref<1x128xf32, #tpu.memory_space<vmem>>
      %dma_start3A_289 = tpu.memref_squeeze %dma_start3A_288 : memref<1x128xf32, #tpu.memory_space<vmem>> -> memref<128xf32, #tpu.memory_space<vmem>>
      %dma_start3A_290 = tpu.memref_slice %arg5[%div3A_282, %multiple_of3A_287] : memref<20x512xi32, #tpu.memory_space<vmem>> -> memref<1x128xi32, #tpu.memory_space<vmem>>
      %dma_start3A_291 = tpu.memref_squeeze %dma_start3A_290 : memref<1x128xi32, #tpu.memory_space<vmem>> -> memref<128xi32, #tpu.memory_space<vmem>>
      %dma_start3A_292 = arith.constant 0 : i32
      %dma_start3A_293 = tpu.memref_slice %arg2[%dma_start3A_292] : memref<20971520xf32, #tpu.memory_space<hbm>> -> memref<20971520xf32, #tpu.memory_space<hbm>>
      tpu.enqueue_indirect_dma source(%dma_start3A_293 : memref<20971520xf32, #tpu.memory_space<hbm>>) target(%dma_start3A_289 : memref<128xf32, #tpu.memory_space<vmem>>) offsets(%dma_start3A_291 : memref<128xi32, #tpu.memory_space<vmem>>) semaphore(%arg7 : memref<!tpu.dma_semaphore, #tpu.memory_space<semaphore_mem>>)
      %mul3A_294 = arith.constant 40 : i32
      %mul3A_295 = arith.muli %scan3A_8, %mul3A_294 : i32
      %add3A_296 = arith.constant 17 : i32
      %add3A_297 = arith.addi %mul3A_295, %add3A_296 : i32
      %div3A_298 = arith.constant 4 : i32
      %div3A_299 = arith.divsi %add3A_297, %div3A_298 : i32
      %rem3A_300 = arith.constant 4 : i32
      %rem3A_301 = arith.remsi %add3A_297, %rem3A_300 : i32
      %mul3A_302 = arith.constant 128 : i32
      %mul3A_303 = arith.muli %rem3A_301, %mul3A_302 : i32
      %multiple_of3A_304 = tpu.assume_multiple %mul3A_303, 128 : i32
      %dma_start3A_305 = tpu.memref_slice %arg6[%div3A_299, %multiple_of3A_304] : memref<20x512xf32, #tpu.memory_space<vmem>> -> memref<1x128xf32, #tpu.memory_space<vmem>>
      %dma_start3A_306 = tpu.memref_squeeze %dma_start3A_305 : memref<1x128xf32, #tpu.memory_space<vmem>> -> memref<128xf32, #tpu.memory_space<vmem>>
      %dma_start3A_307 = tpu.memref_slice %arg5[%div3A_299, %multiple_of3A_304] : memref<20x512xi32, #tpu.memory_space<vmem>> -> memref<1x128xi32, #tpu.memory_space<vmem>>
      %dma_start3A_308 = tpu.memref_squeeze %dma_start3A_307 : memref<1x128xi32, #tpu.memory_space<vmem>> -> memref<128xi32, #tpu.memory_space<vmem>>
      %dma_start3A_309 = arith.constant 0 : i32
      %dma_start3A_310 = tpu.memref_slice %arg2[%dma_start3A_309] : memref<20971520xf32, #tpu.memory_space<hbm>> -> memref<20971520xf32, #tpu.memory_space<hbm>>
      tpu.enqueue_indirect_dma source(%dma_start3A_310 : memref<20971520xf32, #tpu.memory_space<hbm>>) target(%dma_start3A_306 : memref<128xf32, #tpu.memory_space<vmem>>) offsets(%dma_start3A_308 : memref<128xi32, #tpu.memory_space<vmem>>) semaphore(%arg7 : memref<!tpu.dma_semaphore, #tpu.memory_space<semaphore_mem>>)
      %mul3A_311 = arith.constant 40 : i32
      %mul3A_312 = arith.muli %scan3A_8, %mul3A_311 : i32
      %add3A_313 = arith.constant 18 : i32
      %add3A_314 = arith.addi %mul3A_312, %add3A_313 : i32
      %div3A_315 = arith.constant 4 : i32
      %div3A_316 = arith.divsi %add3A_314, %div3A_315 : i32
      %rem3A_317 = arith.constant 4 : i32
      %rem3A_318 = arith.remsi %add3A_314, %rem3A_317 : i32
      %mul3A_319 = arith.constant 128 : i32
      %mul3A_320 = arith.muli %rem3A_318, %mul3A_319 : i32
      %multiple_of3A_321 = tpu.assume_multiple %mul3A_320, 128 : i32
      %dma_start3A_322 = tpu.memref_slice %arg6[%div3A_316, %multiple_of3A_321] : memref<20x512xf32, #tpu.memory_space<vmem>> -> memref<1x128xf32, #tpu.memory_space<vmem>>
      %dma_start3A_323 = tpu.memref_squeeze %dma_start3A_322 : memref<1x128xf32, #tpu.memory_space<vmem>> -> memref<128xf32, #tpu.memory_space<vmem>>
      %dma_start3A_324 = tpu.memref_slice %arg5[%div3A_316, %multiple_of3A_321] : memref<20x512xi32, #tpu.memory_space<vmem>> -> memref<1x128xi32, #tpu.memory_space<vmem>>
      %dma_start3A_325 = tpu.memref_squeeze %dma_start3A_324 : memref<1x128xi32, #tpu.memory_space<vmem>> -> memref<128xi32, #tpu.memory_space<vmem>>
      %dma_start3A_326 = arith.constant 0 : i32
      %dma_start3A_327 = tpu.memref_slice %arg2[%dma_start3A_326] : memref<20971520xf32, #tpu.memory_space<hbm>> -> memref<20971520xf32, #tpu.memory_space<hbm>>
      tpu.enqueue_indirect_dma source(%dma_start3A_327 : memref<20971520xf32, #tpu.memory_space<hbm>>) target(%dma_start3A_323 : memref<128xf32, #tpu.memory_space<vmem>>) offsets(%dma_start3A_325 : memref<128xi32, #tpu.memory_space<vmem>>) semaphore(%arg7 : memref<!tpu.dma_semaphore, #tpu.memory_space<semaphore_mem>>)
      %mul3A_328 = arith.constant 40 : i32
      %mul3A_329 = arith.muli %scan3A_8, %mul3A_328 : i32
      %add3A_330 = arith.constant 19 : i32
      %add3A_331 = arith.addi %mul3A_329, %add3A_330 : i32
      %div3A_332 = arith.constant 4 : i32
      %div3A_333 = arith.divsi %add3A_331, %div3A_332 : i32
      %rem3A_334 = arith.constant 4 : i32
      %rem3A_335 = arith.remsi %add3A_331, %rem3A_334 : i32
      %mul3A_336 = arith.constant 128 : i32
      %mul3A_337 = arith.muli %rem3A_335, %mul3A_336 : i32
      %multiple_of3A_338 = tpu.assume_multiple %mul3A_337, 128 : i32
      %dma_start3A_339 = tpu.memref_slice %arg6[%div3A_333, %multiple_of3A_338] : memref<20x512xf32, #tpu.memory_space<vmem>> -> memref<1x128xf32, #tpu.memory_space<vmem>>
      %dma_start3A_340 = tpu.memref_squeeze %dma_start3A_339 : memref<1x128xf32, #tpu.memory_space<vmem>> -> memref<128xf32, #tpu.memory_space<vmem>>
      %dma_start3A_341 = tpu.memref_slice %arg5[%div3A_333, %multiple_of3A_338] : memref<20x512xi32, #tpu.memory_space<vmem>> -> memref<1x128xi32, #tpu.memory_space<vmem>>
      %dma_start3A_342 = tpu.memref_squeeze %dma_start3A_341 : memref<1x128xi32, #tpu.memory_space<vmem>> -> memref<128xi32, #tpu.memory_space<vmem>>
      %dma_start3A_343 = arith.constant 0 : i32
      %dma_start3A_344 = tpu.memref_slice %arg2[%dma_start3A_343] : memref<20971520xf32, #tpu.memory_space<hbm>> -> memref<20971520xf32, #tpu.memory_space<hbm>>
      tpu.enqueue_indirect_dma source(%dma_start3A_344 : memref<20971520xf32, #tpu.memory_space<hbm>>) target(%dma_start3A_340 : memref<128xf32, #tpu.memory_space<vmem>>) offsets(%dma_start3A_342 : memref<128xi32, #tpu.memory_space<vmem>>) semaphore(%arg7 : memref<!tpu.dma_semaphore, #tpu.memory_space<semaphore_mem>>)
      %mul3A_345 = arith.constant 40 : i32
      %mul3A_346 = arith.muli %scan3A_8, %mul3A_345 : i32
      %add3A_347 = arith.constant 20 : i32
      %add3A_348 = arith.addi %mul3A_346, %add3A_347 : i32
      %div3A_349 = arith.constant 4 : i32
      %div3A_350 = arith.divsi %add3A_348, %div3A_349 : i32
      %rem3A_351 = arith.constant 4 : i32
      %rem3A_352 = arith.remsi %add3A_348, %rem3A_351 : i32
      %mul3A_353 = arith.constant 128 : i32
      %mul3A_354 = arith.muli %rem3A_352, %mul3A_353 : i32
      %multiple_of3A_355 = tpu.assume_multiple %mul3A_354, 128 : i32
      %dma_start3A_356 = tpu.memref_slice %arg6[%div3A_350, %multiple_of3A_355] : memref<20x512xf32, #tpu.memory_space<vmem>> -> memref<1x128xf32, #tpu.memory_space<vmem>>
      %dma_start3A_357 = tpu.memref_squeeze %dma_start3A_356 : memref<1x128xf32, #tpu.memory_space<vmem>> -> memref<128xf32, #tpu.memory_space<vmem>>
      %dma_start3A_358 = tpu.memref_slice %arg5[%div3A_350, %multiple_of3A_355] : memref<20x512xi32, #tpu.memory_space<vmem>> -> memref<1x128xi32, #tpu.memory_space<vmem>>
      %dma_start3A_359 = tpu.memref_squeeze %dma_start3A_358 : memref<1x128xi32, #tpu.memory_space<vmem>> -> memref<128xi32, #tpu.memory_space<vmem>>
      %dma_start3A_360 = arith.constant 0 : i32
      %dma_start3A_361 = tpu.memref_slice %arg2[%dma_start3A_360] : memref<20971520xf32, #tpu.memory_space<hbm>> -> memref<20971520xf32, #tpu.memory_space<hbm>>
      tpu.enqueue_indirect_dma source(%dma_start3A_361 : memref<20971520xf32, #tpu.memory_space<hbm>>) target(%dma_start3A_357 : memref<128xf32, #tpu.memory_space<vmem>>) offsets(%dma_start3A_359 : memref<128xi32, #tpu.memory_space<vmem>>) semaphore(%arg7 : memref<!tpu.dma_semaphore, #tpu.memory_space<semaphore_mem>>)
      %mul3A_362 = arith.constant 40 : i32
      %mul3A_363 = arith.muli %scan3A_8, %mul3A_362 : i32
      %add3A_364 = arith.constant 21 : i32
      %add3A_365 = arith.addi %mul3A_363, %add3A_364 : i32
      %div3A_366 = arith.constant 4 : i32
      %div3A_367 = arith.divsi %add3A_365, %div3A_366 : i32
      %rem3A_368 = arith.constant 4 : i32
      %rem3A_369 = arith.remsi %add3A_365, %rem3A_368 : i32
      %mul3A_370 = arith.constant 128 : i32
      %mul3A_371 = arith.muli %rem3A_369, %mul3A_370 : i32
      %multiple_of3A_372 = tpu.assume_multiple %mul3A_371, 128 : i32
      %dma_start3A_373 = tpu.memref_slice %arg6[%div3A_367, %multiple_of3A_372] : memref<20x512xf32, #tpu.memory_space<vmem>> -> memref<1x128xf32, #tpu.memory_space<vmem>>
      %dma_start3A_374 = tpu.memref_squeeze %dma_start3A_373 : memref<1x128xf32, #tpu.memory_space<vmem>> -> memref<128xf32, #tpu.memory_space<vmem>>
      %dma_start3A_375 = tpu.memref_slice %arg5[%div3A_367, %multiple_of3A_372] : memref<20x512xi32, #tpu.memory_space<vmem>> -> memref<1x128xi32, #tpu.memory_space<vmem>>
      %dma_start3A_376 = tpu.memref_squeeze %dma_start3A_375 : memref<1x128xi32, #tpu.memory_space<vmem>> -> memref<128xi32, #tpu.memory_space<vmem>>
      %dma_start3A_377 = arith.constant 0 : i32
      %dma_start3A_378 = tpu.memref_slice %arg2[%dma_start3A_377] : memref<20971520xf32, #tpu.memory_space<hbm>> -> memref<20971520xf32, #tpu.memory_space<hbm>>
      tpu.enqueue_indirect_dma source(%dma_start3A_378 : memref<20971520xf32, #tpu.memory_space<hbm>>) target(%dma_start3A_374 : memref<128xf32, #tpu.memory_space<vmem>>) offsets(%dma_start3A_376 : memref<128xi32, #tpu.memory_space<vmem>>) semaphore(%arg7 : memref<!tpu.dma_semaphore, #tpu.memory_space<semaphore_mem>>)
      %mul3A_379 = arith.constant 40 : i32
      %mul3A_380 = arith.muli %scan3A_8, %mul3A_379 : i32
      %add3A_381 = arith.constant 22 : i32
      %add3A_382 = arith.addi %mul3A_380, %add3A_381 : i32
      %div3A_383 = arith.constant 4 : i32
      %div3A_384 = arith.divsi %add3A_382, %div3A_383 : i32
      %rem3A_385 = arith.constant 4 : i32
      %rem3A_386 = arith.remsi %add3A_382, %rem3A_385 : i32
      %mul3A_387 = arith.constant 128 : i32
      %mul3A_388 = arith.muli %rem3A_386, %mul3A_387 : i32
      %multiple_of3A_389 = tpu.assume_multiple %mul3A_388, 128 : i32
      %dma_start3A_390 = tpu.memref_slice %arg6[%div3A_384, %multiple_of3A_389] : memref<20x512xf32, #tpu.memory_space<vmem>> -> memref<1x128xf32, #tpu.memory_space<vmem>>
      %dma_start3A_391 = tpu.memref_squeeze %dma_start3A_390 : memref<1x128xf32, #tpu.memory_space<vmem>> -> memref<128xf32, #tpu.memory_space<vmem>>
      %dma_start3A_392 = tpu.memref_slice %arg5[%div3A_384, %multiple_of3A_389] : memref<20x512xi32, #tpu.memory_space<vmem>> -> memref<1x128xi32, #tpu.memory_space<vmem>>
      %dma_start3A_393 = tpu.memref_squeeze %dma_start3A_392 : memref<1x128xi32, #tpu.memory_space<vmem>> -> memref<128xi32, #tpu.memory_space<vmem>>
      %dma_start3A_394 = arith.constant 0 : i32
      %dma_start3A_395 = tpu.memref_slice %arg2[%dma_start3A_394] : memref<20971520xf32, #tpu.memory_space<hbm>> -> memref<20971520xf32, #tpu.memory_space<hbm>>
      tpu.enqueue_indirect_dma source(%dma_start3A_395 : memref<20971520xf32, #tpu.memory_space<hbm>>) target(%dma_start3A_391 : memref<128xf32, #tpu.memory_space<vmem>>) offsets(%dma_start3A_393 : memref<128xi32, #tpu.memory_space<vmem>>) semaphore(%arg7 : memref<!tpu.dma_semaphore, #tpu.memory_space<semaphore_mem>>)
      %mul3A_396 = arith.constant 40 : i32
      %mul3A_397 = arith.muli %scan3A_8, %mul3A_396 : i32
      %add3A_398 = arith.constant 23 : i32
      %add3A_399 = arith.addi %mul3A_397, %add3A_398 : i32
      %div3A_400 = arith.constant 4 : i32
      %div3A_401 = arith.divsi %add3A_399, %div3A_400 : i32
      %rem3A_402 = arith.constant 4 : i32
      %rem3A_403 = arith.remsi %add3A_399, %rem3A_402 : i32
      %mul3A_404 = arith.constant 128 : i32
      %mul3A_405 = arith.muli %rem3A_403, %mul3A_404 : i32
      %multiple_of3A_406 = tpu.assume_multiple %mul3A_405, 128 : i32
      %dma_start3A_407 = tpu.memref_slice %arg6[%div3A_401, %multiple_of3A_406] : memref<20x512xf32, #tpu.memory_space<vmem>> -> memref<1x128xf32, #tpu.memory_space<vmem>>
      %dma_start3A_408 = tpu.memref_squeeze %dma_start3A_407 : memref<1x128xf32, #tpu.memory_space<vmem>> -> memref<128xf32, #tpu.memory_space<vmem>>
      %dma_start3A_409 = tpu.memref_slice %arg5[%div3A_401, %multiple_of3A_406] : memref<20x512xi32, #tpu.memory_space<vmem>> -> memref<1x128xi32, #tpu.memory_space<vmem>>
      %dma_start3A_410 = tpu.memref_squeeze %dma_start3A_409 : memref<1x128xi32, #tpu.memory_space<vmem>> -> memref<128xi32, #tpu.memory_space<vmem>>
      %dma_start3A_411 = arith.constant 0 : i32
      %dma_start3A_412 = tpu.memref_slice %arg2[%dma_start3A_411] : memref<20971520xf32, #tpu.memory_space<hbm>> -> memref<20971520xf32, #tpu.memory_space<hbm>>
      tpu.enqueue_indirect_dma source(%dma_start3A_412 : memref<20971520xf32, #tpu.memory_space<hbm>>) target(%dma_start3A_408 : memref<128xf32, #tpu.memory_space<vmem>>) offsets(%dma_start3A_410 : memref<128xi32, #tpu.memory_space<vmem>>) semaphore(%arg7 : memref<!tpu.dma_semaphore, #tpu.memory_space<semaphore_mem>>)
      %mul3A_413 = arith.constant 40 : i32
      %mul3A_414 = arith.muli %scan3A_8, %mul3A_413 : i32
      %add3A_415 = arith.constant 24 : i32
      %add3A_416 = arith.addi %mul3A_414, %add3A_415 : i32
      %div3A_417 = arith.constant 4 : i32
      %div3A_418 = arith.divsi %add3A_416, %div3A_417 : i32
      %rem3A_419 = arith.constant 4 : i32
      %rem3A_420 = arith.remsi %add3A_416, %rem3A_419 : i32
      %mul3A_421 = arith.constant 128 : i32
      %mul3A_422 = arith.muli %rem3A_420, %mul3A_421 : i32
      %multiple_of3A_423 = tpu.assume_multiple %mul3A_422, 128 : i32
      %dma_start3A_424 = tpu.memref_slice %arg6[%div3A_418, %multiple_of3A_423] : memref<20x512xf32, #tpu.memory_space<vmem>> -> memref<1x128xf32, #tpu.memory_space<vmem>>
      %dma_start3A_425 = tpu.memref_squeeze %dma_start3A_424 : memref<1x128xf32, #tpu.memory_space<vmem>> -> memref<128xf32, #tpu.memory_space<vmem>>
      %dma_start3A_426 = tpu.memref_slice %arg5[%div3A_418, %multiple_of3A_423] : memref<20x512xi32, #tpu.memory_space<vmem>> -> memref<1x128xi32, #tpu.memory_space<vmem>>
      %dma_start3A_427 = tpu.memref_squeeze %dma_start3A_426 : memref<1x128xi32, #tpu.memory_space<vmem>> -> memref<128xi32, #tpu.memory_space<vmem>>
      %dma_start3A_428 = arith.constant 0 : i32
      %dma_start3A_429 = tpu.memref_slice %arg2[%dma_start3A_428] : memref<20971520xf32, #tpu.memory_space<hbm>> -> memref<20971520xf32, #tpu.memory_space<hbm>>
      tpu.enqueue_indirect_dma source(%dma_start3A_429 : memref<20971520xf32, #tpu.memory_space<hbm>>) target(%dma_start3A_425 : memref<128xf32, #tpu.memory_space<vmem>>) offsets(%dma_start3A_427 : memref<128xi32, #tpu.memory_space<vmem>>) semaphore(%arg7 : memref<!tpu.dma_semaphore, #tpu.memory_space<semaphore_mem>>)
      %mul3A_430 = arith.constant 40 : i32
      %mul3A_431 = arith.muli %scan3A_8, %mul3A_430 : i32
      %add3A_432 = arith.constant 25 : i32
      %add3A_433 = arith.addi %mul3A_431, %add3A_432 : i32
      %div3A_434 = arith.constant 4 : i32
      %div3A_435 = arith.divsi %add3A_433, %div3A_434 : i32
      %rem3A_436 = arith.constant 4 : i32
      %rem3A_437 = arith.remsi %add3A_433, %rem3A_436 : i32
      %mul3A_438 = arith.constant 128 : i32
      %mul3A_439 = arith.muli %rem3A_437, %mul3A_438 : i32
      %multiple_of3A_440 = tpu.assume_multiple %mul3A_439, 128 : i32
      %dma_start3A_441 = tpu.memref_slice %arg6[%div3A_435, %multiple_of3A_440] : memref<20x512xf32, #tpu.memory_space<vmem>> -> memref<1x128xf32, #tpu.memory_space<vmem>>
      %dma_start3A_442 = tpu.memref_squeeze %dma_start3A_441 : memref<1x128xf32, #tpu.memory_space<vmem>> -> memref<128xf32, #tpu.memory_space<vmem>>
      %dma_start3A_443 = tpu.memref_slice %arg5[%div3A_435, %multiple_of3A_440] : memref<20x512xi32, #tpu.memory_space<vmem>> -> memref<1x128xi32, #tpu.memory_space<vmem>>
      %dma_start3A_444 = tpu.memref_squeeze %dma_start3A_443 : memref<1x128xi32, #tpu.memory_space<vmem>> -> memref<128xi32, #tpu.memory_space<vmem>>
      %dma_start3A_445 = arith.constant 0 : i32
      %dma_start3A_446 = tpu.memref_slice %arg2[%dma_start3A_445] : memref<20971520xf32, #tpu.memory_space<hbm>> -> memref<20971520xf32, #tpu.memory_space<hbm>>
      tpu.enqueue_indirect_dma source(%dma_start3A_446 : memref<20971520xf32, #tpu.memory_space<hbm>>) target(%dma_start3A_442 : memref<128xf32, #tpu.memory_space<vmem>>) offsets(%dma_start3A_444 : memref<128xi32, #tpu.memory_space<vmem>>) semaphore(%arg7 : memref<!tpu.dma_semaphore, #tpu.memory_space<semaphore_mem>>)
      %mul3A_447 = arith.constant 40 : i32
      %mul3A_448 = arith.muli %scan3A_8, %mul3A_447 : i32
      %add3A_449 = arith.constant 26 : i32
      %add3A_450 = arith.addi %mul3A_448, %add3A_449 : i32
      %div3A_451 = arith.constant 4 : i32
      %div3A_452 = arith.divsi %add3A_450, %div3A_451 : i32
      %rem3A_453 = arith.constant 4 : i32
      %rem3A_454 = arith.remsi %add3A_450, %rem3A_453 : i32
      %mul3A_455 = arith.constant 128 : i32
      %mul3A_456 = arith.muli %rem3A_454, %mul3A_455 : i32
      %multiple_of3A_457 = tpu.assume_multiple %mul3A_456, 128 : i32
      %dma_start3A_458 = tpu.memref_slice %arg6[%div3A_452, %multiple_of3A_457] : memref<20x512xf32, #tpu.memory_space<vmem>> -> memref<1x128xf32, #tpu.memory_space<vmem>>
      %dma_start3A_459 = tpu.memref_squeeze %dma_start3A_458 : memref<1x128xf32, #tpu.memory_space<vmem>> -> memref<128xf32, #tpu.memory_space<vmem>>
      %dma_start3A_460 = tpu.memref_slice %arg5[%div3A_452, %multiple_of3A_457] : memref<20x512xi32, #tpu.memory_space<vmem>> -> memref<1x128xi32, #tpu.memory_space<vmem>>
      %dma_start3A_461 = tpu.memref_squeeze %dma_start3A_460 : memref<1x128xi32, #tpu.memory_space<vmem>> -> memref<128xi32, #tpu.memory_space<vmem>>
      %dma_start3A_462 = arith.constant 0 : i32
      %dma_start3A_463 = tpu.memref_slice %arg2[%dma_start3A_462] : memref<20971520xf32, #tpu.memory_space<hbm>> -> memref<20971520xf32, #tpu.memory_space<hbm>>
      tpu.enqueue_indirect_dma source(%dma_start3A_463 : memref<20971520xf32, #tpu.memory_space<hbm>>) target(%dma_start3A_459 : memref<128xf32, #tpu.memory_space<vmem>>) offsets(%dma_start3A_461 : memref<128xi32, #tpu.memory_space<vmem>>) semaphore(%arg7 : memref<!tpu.dma_semaphore, #tpu.memory_space<semaphore_mem>>)
      %mul3A_464 = arith.constant 40 : i32
      %mul3A_465 = arith.muli %scan3A_8, %mul3A_464 : i32
      %add3A_466 = arith.constant 27 : i32
      %add3A_467 = arith.addi %mul3A_465, %add3A_466 : i32
      %div3A_468 = arith.constant 4 : i32
      %div3A_469 = arith.divsi %add3A_467, %div3A_468 : i32
      %rem3A_470 = arith.constant 4 : i32
      %rem3A_471 = arith.remsi %add3A_467, %rem3A_470 : i32
      %mul3A_472 = arith.constant 128 : i32
      %mul3A_473 = arith.muli %rem3A_471, %mul3A_472 : i32
      %multiple_of3A_474 = tpu.assume_multiple %mul3A_473, 128 : i32
      %dma_start3A_475 = tpu.memref_slice %arg6[%div3A_469, %multiple_of3A_474] : memref<20x512xf32, #tpu.memory_space<vmem>> -> memref<1x128xf32, #tpu.memory_space<vmem>>
      %dma_start3A_476 = tpu.memref_squeeze %dma_start3A_475 : memref<1x128xf32, #tpu.memory_space<vmem>> -> memref<128xf32, #tpu.memory_space<vmem>>
      %dma_start3A_477 = tpu.memref_slice %arg5[%div3A_469, %multiple_of3A_474] : memref<20x512xi32, #tpu.memory_space<vmem>> -> memref<1x128xi32, #tpu.memory_space<vmem>>
      %dma_start3A_478 = tpu.memref_squeeze %dma_start3A_477 : memref<1x128xi32, #tpu.memory_space<vmem>> -> memref<128xi32, #tpu.memory_space<vmem>>
      %dma_start3A_479 = arith.constant 0 : i32
      %dma_start3A_480 = tpu.memref_slice %arg2[%dma_start3A_479] : memref<20971520xf32, #tpu.memory_space<hbm>> -> memref<20971520xf32, #tpu.memory_space<hbm>>
      tpu.enqueue_indirect_dma source(%dma_start3A_480 : memref<20971520xf32, #tpu.memory_space<hbm>>) target(%dma_start3A_476 : memref<128xf32, #tpu.memory_space<vmem>>) offsets(%dma_start3A_478 : memref<128xi32, #tpu.memory_space<vmem>>) semaphore(%arg7 : memref<!tpu.dma_semaphore, #tpu.memory_space<semaphore_mem>>)
      %mul3A_481 = arith.constant 40 : i32
      %mul3A_482 = arith.muli %scan3A_8, %mul3A_481 : i32
      %add3A_483 = arith.constant 28 : i32
      %add3A_484 = arith.addi %mul3A_482, %add3A_483 : i32
      %div3A_485 = arith.constant 4 : i32
      %div3A_486 = arith.divsi %add3A_484, %div3A_485 : i32
      %rem3A_487 = arith.constant 4 : i32
      %rem3A_488 = arith.remsi %add3A_484, %rem3A_487 : i32
      %mul3A_489 = arith.constant 128 : i32
      %mul3A_490 = arith.muli %rem3A_488, %mul3A_489 : i32
      %multiple_of3A_491 = tpu.assume_multiple %mul3A_490, 128 : i32
      %dma_start3A_492 = tpu.memref_slice %arg6[%div3A_486, %multiple_of3A_491] : memref<20x512xf32, #tpu.memory_space<vmem>> -> memref<1x128xf32, #tpu.memory_space<vmem>>
      %dma_start3A_493 = tpu.memref_squeeze %dma_start3A_492 : memref<1x128xf32, #tpu.memory_space<vmem>> -> memref<128xf32, #tpu.memory_space<vmem>>
      %dma_start3A_494 = tpu.memref_slice %arg5[%div3A_486, %multiple_of3A_491] : memref<20x512xi32, #tpu.memory_space<vmem>> -> memref<1x128xi32, #tpu.memory_space<vmem>>
      %dma_start3A_495 = tpu.memref_squeeze %dma_start3A_494 : memref<1x128xi32, #tpu.memory_space<vmem>> -> memref<128xi32, #tpu.memory_space<vmem>>
      %dma_start3A_496 = arith.constant 0 : i32
      %dma_start3A_497 = tpu.memref_slice %arg2[%dma_start3A_496] : memref<20971520xf32, #tpu.memory_space<hbm>> -> memref<20971520xf32, #tpu.memory_space<hbm>>
      tpu.enqueue_indirect_dma source(%dma_start3A_497 : memref<20971520xf32, #tpu.memory_space<hbm>>) target(%dma_start3A_493 : memref<128xf32, #tpu.memory_space<vmem>>) offsets(%dma_start3A_495 : memref<128xi32, #tpu.memory_space<vmem>>) semaphore(%arg7 : memref<!tpu.dma_semaphore, #tpu.memory_space<semaphore_mem>>)
      %mul3A_498 = arith.constant 40 : i32
      %mul3A_499 = arith.muli %scan3A_8, %mul3A_498 : i32
      %add3A_500 = arith.constant 29 : i32
      %add3A_501 = arith.addi %mul3A_499, %add3A_500 : i32
      %div3A_502 = arith.constant 4 : i32
      %div3A_503 = arith.divsi %add3A_501, %div3A_502 : i32
      %rem3A_504 = arith.constant 4 : i32
      %rem3A_505 = arith.remsi %add3A_501, %rem3A_504 : i32
      %mul3A_506 = arith.constant 128 : i32
      %mul3A_507 = arith.muli %rem3A_505, %mul3A_506 : i32
      %multiple_of3A_508 = tpu.assume_multiple %mul3A_507, 128 : i32
      %dma_start3A_509 = tpu.memref_slice %arg6[%div3A_503, %multiple_of3A_508] : memref<20x512xf32, #tpu.memory_space<vmem>> -> memref<1x128xf32, #tpu.memory_space<vmem>>
      %dma_start3A_510 = tpu.memref_squeeze %dma_start3A_509 : memref<1x128xf32, #tpu.memory_space<vmem>> -> memref<128xf32, #tpu.memory_space<vmem>>
      %dma_start3A_511 = tpu.memref_slice %arg5[%div3A_503, %multiple_of3A_508] : memref<20x512xi32, #tpu.memory_space<vmem>> -> memref<1x128xi32, #tpu.memory_space<vmem>>
      %dma_start3A_512 = tpu.memref_squeeze %dma_start3A_511 : memref<1x128xi32, #tpu.memory_space<vmem>> -> memref<128xi32, #tpu.memory_space<vmem>>
      %dma_start3A_513 = arith.constant 0 : i32
      %dma_start3A_514 = tpu.memref_slice %arg2[%dma_start3A_513] : memref<20971520xf32, #tpu.memory_space<hbm>> -> memref<20971520xf32, #tpu.memory_space<hbm>>
      tpu.enqueue_indirect_dma source(%dma_start3A_514 : memref<20971520xf32, #tpu.memory_space<hbm>>) target(%dma_start3A_510 : memref<128xf32, #tpu.memory_space<vmem>>) offsets(%dma_start3A_512 : memref<128xi32, #tpu.memory_space<vmem>>) semaphore(%arg7 : memref<!tpu.dma_semaphore, #tpu.memory_space<semaphore_mem>>)
      %mul3A_515 = arith.constant 40 : i32
      %mul3A_516 = arith.muli %scan3A_8, %mul3A_515 : i32
      %add3A_517 = arith.constant 30 : i32
      %add3A_518 = arith.addi %mul3A_516, %add3A_517 : i32
      %div3A_519 = arith.constant 4 : i32
      %div3A_520 = arith.divsi %add3A_518, %div3A_519 : i32
      %rem3A_521 = arith.constant 4 : i32
      %rem3A_522 = arith.remsi %add3A_518, %rem3A_521 : i32
      %mul3A_523 = arith.constant 128 : i32
      %mul3A_524 = arith.muli %rem3A_522, %mul3A_523 : i32
      %multiple_of3A_525 = tpu.assume_multiple %mul3A_524, 128 : i32
      %dma_start3A_526 = tpu.memref_slice %arg6[%div3A_520, %multiple_of3A_525] : memref<20x512xf32, #tpu.memory_space<vmem>> -> memref<1x128xf32, #tpu.memory_space<vmem>>
      %dma_start3A_527 = tpu.memref_squeeze %dma_start3A_526 : memref<1x128xf32, #tpu.memory_space<vmem>> -> memref<128xf32, #tpu.memory_space<vmem>>
      %dma_start3A_528 = tpu.memref_slice %arg5[%div3A_520, %multiple_of3A_525] : memref<20x512xi32, #tpu.memory_space<vmem>> -> memref<1x128xi32, #tpu.memory_space<vmem>>
      %dma_start3A_529 = tpu.memref_squeeze %dma_start3A_528 : memref<1x128xi32, #tpu.memory_space<vmem>> -> memref<128xi32, #tpu.memory_space<vmem>>
      %dma_start3A_530 = arith.constant 0 : i32
      %dma_start3A_531 = tpu.memref_slice %arg2[%dma_start3A_530] : memref<20971520xf32, #tpu.memory_space<hbm>> -> memref<20971520xf32, #tpu.memory_space<hbm>>
      tpu.enqueue_indirect_dma source(%dma_start3A_531 : memref<20971520xf32, #tpu.memory_space<hbm>>) target(%dma_start3A_527 : memref<128xf32, #tpu.memory_space<vmem>>) offsets(%dma_start3A_529 : memref<128xi32, #tpu.memory_space<vmem>>) semaphore(%arg7 : memref<!tpu.dma_semaphore, #tpu.memory_space<semaphore_mem>>)
      %mul3A_532 = arith.constant 40 : i32
      %mul3A_533 = arith.muli %scan3A_8, %mul3A_532 : i32
      %add3A_534 = arith.constant 31 : i32
      %add3A_535 = arith.addi %mul3A_533, %add3A_534 : i32
      %div3A_536 = arith.constant 4 : i32
      %div3A_537 = arith.divsi %add3A_535, %div3A_536 : i32
      %rem3A_538 = arith.constant 4 : i32
      %rem3A_539 = arith.remsi %add3A_535, %rem3A_538 : i32
      %mul3A_540 = arith.constant 128 : i32
      %mul3A_541 = arith.muli %rem3A_539, %mul3A_540 : i32
      %multiple_of3A_542 = tpu.assume_multiple %mul3A_541, 128 : i32
      %dma_start3A_543 = tpu.memref_slice %arg6[%div3A_537, %multiple_of3A_542] : memref<20x512xf32, #tpu.memory_space<vmem>> -> memref<1x128xf32, #tpu.memory_space<vmem>>
      %dma_start3A_544 = tpu.memref_squeeze %dma_start3A_543 : memref<1x128xf32, #tpu.memory_space<vmem>> -> memref<128xf32, #tpu.memory_space<vmem>>
      %dma_start3A_545 = tpu.memref_slice %arg5[%div3A_537, %multiple_of3A_542] : memref<20x512xi32, #tpu.memory_space<vmem>> -> memref<1x128xi32, #tpu.memory_space<vmem>>
      %dma_start3A_546 = tpu.memref_squeeze %dma_start3A_545 : memref<1x128xi32, #tpu.memory_space<vmem>> -> memref<128xi32, #tpu.memory_space<vmem>>
      %dma_start3A_547 = arith.constant 0 : i32
      %dma_start3A_548 = tpu.memref_slice %arg2[%dma_start3A_547] : memref<20971520xf32, #tpu.memory_space<hbm>> -> memref<20971520xf32, #tpu.memory_space<hbm>>
      tpu.enqueue_indirect_dma source(%dma_start3A_548 : memref<20971520xf32, #tpu.memory_space<hbm>>) target(%dma_start3A_544 : memref<128xf32, #tpu.memory_space<vmem>>) offsets(%dma_start3A_546 : memref<128xi32, #tpu.memory_space<vmem>>) semaphore(%arg7 : memref<!tpu.dma_semaphore, #tpu.memory_space<semaphore_mem>>)
      %mul3A_549 = arith.constant 40 : i32
      %mul3A_550 = arith.muli %scan3A_8, %mul3A_549 : i32
      %add3A_551 = arith.constant 32 : i32
      %add3A_552 = arith.addi %mul3A_550, %add3A_551 : i32
      %div3A_553 = arith.constant 4 : i32
      %div3A_554 = arith.divsi %add3A_552, %div3A_553 : i32
      %rem3A_555 = arith.constant 4 : i32
      %rem3A_556 = arith.remsi %add3A_552, %rem3A_555 : i32
      %mul3A_557 = arith.constant 128 : i32
      %mul3A_558 = arith.muli %rem3A_556, %mul3A_557 : i32
      %multiple_of3A_559 = tpu.assume_multiple %mul3A_558, 128 : i32
      %dma_start3A_560 = tpu.memref_slice %arg6[%div3A_554, %multiple_of3A_559] : memref<20x512xf32, #tpu.memory_space<vmem>> -> memref<1x128xf32, #tpu.memory_space<vmem>>
      %dma_start3A_561 = tpu.memref_squeeze %dma_start3A_560 : memref<1x128xf32, #tpu.memory_space<vmem>> -> memref<128xf32, #tpu.memory_space<vmem>>
      %dma_start3A_562 = tpu.memref_slice %arg5[%div3A_554, %multiple_of3A_559] : memref<20x512xi32, #tpu.memory_space<vmem>> -> memref<1x128xi32, #tpu.memory_space<vmem>>
      %dma_start3A_563 = tpu.memref_squeeze %dma_start3A_562 : memref<1x128xi32, #tpu.memory_space<vmem>> -> memref<128xi32, #tpu.memory_space<vmem>>
      %dma_start3A_564 = arith.constant 0 : i32
      %dma_start3A_565 = tpu.memref_slice %arg2[%dma_start3A_564] : memref<20971520xf32, #tpu.memory_space<hbm>> -> memref<20971520xf32, #tpu.memory_space<hbm>>
      tpu.enqueue_indirect_dma source(%dma_start3A_565 : memref<20971520xf32, #tpu.memory_space<hbm>>) target(%dma_start3A_561 : memref<128xf32, #tpu.memory_space<vmem>>) offsets(%dma_start3A_563 : memref<128xi32, #tpu.memory_space<vmem>>) semaphore(%arg7 : memref<!tpu.dma_semaphore, #tpu.memory_space<semaphore_mem>>)
      %mul3A_566 = arith.constant 40 : i32
      %mul3A_567 = arith.muli %scan3A_8, %mul3A_566 : i32
      %add3A_568 = arith.constant 33 : i32
      %add3A_569 = arith.addi %mul3A_567, %add3A_568 : i32
      %div3A_570 = arith.constant 4 : i32
      %div3A_571 = arith.divsi %add3A_569, %div3A_570 : i32
      %rem3A_572 = arith.constant 4 : i32
      %rem3A_573 = arith.remsi %add3A_569, %rem3A_572 : i32
      %mul3A_574 = arith.constant 128 : i32
      %mul3A_575 = arith.muli %rem3A_573, %mul3A_574 : i32
      %multiple_of3A_576 = tpu.assume_multiple %mul3A_575, 128 : i32
      %dma_start3A_577 = tpu.memref_slice %arg6[%div3A_571, %multiple_of3A_576] : memref<20x512xf32, #tpu.memory_space<vmem>> -> memref<1x128xf32, #tpu.memory_space<vmem>>
      %dma_start3A_578 = tpu.memref_squeeze %dma_start3A_577 : memref<1x128xf32, #tpu.memory_space<vmem>> -> memref<128xf32, #tpu.memory_space<vmem>>
      %dma_start3A_579 = tpu.memref_slice %arg5[%div3A_571, %multiple_of3A_576] : memref<20x512xi32, #tpu.memory_space<vmem>> -> memref<1x128xi32, #tpu.memory_space<vmem>>
      %dma_start3A_580 = tpu.memref_squeeze %dma_start3A_579 : memref<1x128xi32, #tpu.memory_space<vmem>> -> memref<128xi32, #tpu.memory_space<vmem>>
      %dma_start3A_581 = arith.constant 0 : i32
      %dma_start3A_582 = tpu.memref_slice %arg2[%dma_start3A_581] : memref<20971520xf32, #tpu.memory_space<hbm>> -> memref<20971520xf32, #tpu.memory_space<hbm>>
      tpu.enqueue_indirect_dma source(%dma_start3A_582 : memref<20971520xf32, #tpu.memory_space<hbm>>) target(%dma_start3A_578 : memref<128xf32, #tpu.memory_space<vmem>>) offsets(%dma_start3A_580 : memref<128xi32, #tpu.memory_space<vmem>>) semaphore(%arg7 : memref<!tpu.dma_semaphore, #tpu.memory_space<semaphore_mem>>)
      %mul3A_583 = arith.constant 40 : i32
      %mul3A_584 = arith.muli %scan3A_8, %mul3A_583 : i32
      %add3A_585 = arith.constant 34 : i32
      %add3A_586 = arith.addi %mul3A_584, %add3A_585 : i32
      %div3A_587 = arith.constant 4 : i32
      %div3A_588 = arith.divsi %add3A_586, %div3A_587 : i32
      %rem3A_589 = arith.constant 4 : i32
      %rem3A_590 = arith.remsi %add3A_586, %rem3A_589 : i32
      %mul3A_591 = arith.constant 128 : i32
      %mul3A_592 = arith.muli %rem3A_590, %mul3A_591 : i32
      %multiple_of3A_593 = tpu.assume_multiple %mul3A_592, 128 : i32
      %dma_start3A_594 = tpu.memref_slice %arg6[%div3A_588, %multiple_of3A_593] : memref<20x512xf32, #tpu.memory_space<vmem>> -> memref<1x128xf32, #tpu.memory_space<vmem>>
      %dma_start3A_595 = tpu.memref_squeeze %dma_start3A_594 : memref<1x128xf32, #tpu.memory_space<vmem>> -> memref<128xf32, #tpu.memory_space<vmem>>
      %dma_start3A_596 = tpu.memref_slice %arg5[%div3A_588, %multiple_of3A_593] : memref<20x512xi32, #tpu.memory_space<vmem>> -> memref<1x128xi32, #tpu.memory_space<vmem>>
      %dma_start3A_597 = tpu.memref_squeeze %dma_start3A_596 : memref<1x128xi32, #tpu.memory_space<vmem>> -> memref<128xi32, #tpu.memory_space<vmem>>
      %dma_start3A_598 = arith.constant 0 : i32
      %dma_start3A_599 = tpu.memref_slice %arg2[%dma_start3A_598] : memref<20971520xf32, #tpu.memory_space<hbm>> -> memref<20971520xf32, #tpu.memory_space<hbm>>
      tpu.enqueue_indirect_dma source(%dma_start3A_599 : memref<20971520xf32, #tpu.memory_space<hbm>>) target(%dma_start3A_595 : memref<128xf32, #tpu.memory_space<vmem>>) offsets(%dma_start3A_597 : memref<128xi32, #tpu.memory_space<vmem>>) semaphore(%arg7 : memref<!tpu.dma_semaphore, #tpu.memory_space<semaphore_mem>>)
      %mul3A_600 = arith.constant 40 : i32
      %mul3A_601 = arith.muli %scan3A_8, %mul3A_600 : i32
      %add3A_602 = arith.constant 35 : i32
      %add3A_603 = arith.addi %mul3A_601, %add3A_602 : i32
      %div3A_604 = arith.constant 4 : i32
      %div3A_605 = arith.divsi %add3A_603, %div3A_604 : i32
      %rem3A_606 = arith.constant 4 : i32
      %rem3A_607 = arith.remsi %add3A_603, %rem3A_606 : i32
      %mul3A_608 = arith.constant 128 : i32
      %mul3A_609 = arith.muli %rem3A_607, %mul3A_608 : i32
      %multiple_of3A_610 = tpu.assume_multiple %mul3A_609, 128 : i32
      %dma_start3A_611 = tpu.memref_slice %arg6[%div3A_605, %multiple_of3A_610] : memref<20x512xf32, #tpu.memory_space<vmem>> -> memref<1x128xf32, #tpu.memory_space<vmem>>
      %dma_start3A_612 = tpu.memref_squeeze %dma_start3A_611 : memref<1x128xf32, #tpu.memory_space<vmem>> -> memref<128xf32, #tpu.memory_space<vmem>>
      %dma_start3A_613 = tpu.memref_slice %arg5[%div3A_605, %multiple_of3A_610] : memref<20x512xi32, #tpu.memory_space<vmem>> -> memref<1x128xi32, #tpu.memory_space<vmem>>
      %dma_start3A_614 = tpu.memref_squeeze %dma_start3A_613 : memref<1x128xi32, #tpu.memory_space<vmem>> -> memref<128xi32, #tpu.memory_space<vmem>>
      %dma_start3A_615 = arith.constant 0 : i32
      %dma_start3A_616 = tpu.memref_slice %arg2[%dma_start3A_615] : memref<20971520xf32, #tpu.memory_space<hbm>> -> memref<20971520xf32, #tpu.memory_space<hbm>>
      tpu.enqueue_indirect_dma source(%dma_start3A_616 : memref<20971520xf32, #tpu.memory_space<hbm>>) target(%dma_start3A_612 : memref<128xf32, #tpu.memory_space<vmem>>) offsets(%dma_start3A_614 : memref<128xi32, #tpu.memory_space<vmem>>) semaphore(%arg7 : memref<!tpu.dma_semaphore, #tpu.memory_space<semaphore_mem>>)
      %mul3A_617 = arith.constant 40 : i32
      %mul3A_618 = arith.muli %scan3A_8, %mul3A_617 : i32
      %add3A_619 = arith.constant 36 : i32
      %add3A_620 = arith.addi %mul3A_618, %add3A_619 : i32
      %div3A_621 = arith.constant 4 : i32
      %div3A_622 = arith.divsi %add3A_620, %div3A_621 : i32
      %rem3A_623 = arith.constant 4 : i32
      %rem3A_624 = arith.remsi %add3A_620, %rem3A_623 : i32
      %mul3A_625 = arith.constant 128 : i32
      %mul3A_626 = arith.muli %rem3A_624, %mul3A_625 : i32
      %multiple_of3A_627 = tpu.assume_multiple %mul3A_626, 128 : i32
      %dma_start3A_628 = tpu.memref_slice %arg6[%div3A_622, %multiple_of3A_627] : memref<20x512xf32, #tpu.memory_space<vmem>> -> memref<1x128xf32, #tpu.memory_space<vmem>>
      %dma_start3A_629 = tpu.memref_squeeze %dma_start3A_628 : memref<1x128xf32, #tpu.memory_space<vmem>> -> memref<128xf32, #tpu.memory_space<vmem>>
      %dma_start3A_630 = tpu.memref_slice %arg5[%div3A_622, %multiple_of3A_627] : memref<20x512xi32, #tpu.memory_space<vmem>> -> memref<1x128xi32, #tpu.memory_space<vmem>>
      %dma_start3A_631 = tpu.memref_squeeze %dma_start3A_630 : memref<1x128xi32, #tpu.memory_space<vmem>> -> memref<128xi32, #tpu.memory_space<vmem>>
      %dma_start3A_632 = arith.constant 0 : i32
      %dma_start3A_633 = tpu.memref_slice %arg2[%dma_start3A_632] : memref<20971520xf32, #tpu.memory_space<hbm>> -> memref<20971520xf32, #tpu.memory_space<hbm>>
      tpu.enqueue_indirect_dma source(%dma_start3A_633 : memref<20971520xf32, #tpu.memory_space<hbm>>) target(%dma_start3A_629 : memref<128xf32, #tpu.memory_space<vmem>>) offsets(%dma_start3A_631 : memref<128xi32, #tpu.memory_space<vmem>>) semaphore(%arg7 : memref<!tpu.dma_semaphore, #tpu.memory_space<semaphore_mem>>)
      %mul3A_634 = arith.constant 40 : i32
      %mul3A_635 = arith.muli %scan3A_8, %mul3A_634 : i32
      %add3A_636 = arith.constant 37 : i32
      %add3A_637 = arith.addi %mul3A_635, %add3A_636 : i32
      %div3A_638 = arith.constant 4 : i32
      %div3A_639 = arith.divsi %add3A_637, %div3A_638 : i32
      %rem3A_640 = arith.constant 4 : i32
      %rem3A_641 = arith.remsi %add3A_637, %rem3A_640 : i32
      %mul3A_642 = arith.constant 128 : i32
      %mul3A_643 = arith.muli %rem3A_641, %mul3A_642 : i32
      %multiple_of3A_644 = tpu.assume_multiple %mul3A_643, 128 : i32
      %dma_start3A_645 = tpu.memref_slice %arg6[%div3A_639, %multiple_of3A_644] : memref<20x512xf32, #tpu.memory_space<vmem>> -> memref<1x128xf32, #tpu.memory_space<vmem>>
      %dma_start3A_646 = tpu.memref_squeeze %dma_start3A_645 : memref<1x128xf32, #tpu.memory_space<vmem>> -> memref<128xf32, #tpu.memory_space<vmem>>
      %dma_start3A_647 = tpu.memref_slice %arg5[%div3A_639, %multiple_of3A_644] : memref<20x512xi32, #tpu.memory_space<vmem>> -> memref<1x128xi32, #tpu.memory_space<vmem>>
      %dma_start3A_648 = tpu.memref_squeeze %dma_start3A_647 : memref<1x128xi32, #tpu.memory_space<vmem>> -> memref<128xi32, #tpu.memory_space<vmem>>
      %dma_start3A_649 = arith.constant 0 : i32
      %dma_start3A_650 = tpu.memref_slice %arg2[%dma_start3A_649] : memref<20971520xf32, #tpu.memory_space<hbm>> -> memref<20971520xf32, #tpu.memory_space<hbm>>
      tpu.enqueue_indirect_dma source(%dma_start3A_650 : memref<20971520xf32, #tpu.memory_space<hbm>>) target(%dma_start3A_646 : memref<128xf32, #tpu.memory_space<vmem>>) offsets(%dma_start3A_648 : memref<128xi32, #tpu.memory_space<vmem>>) semaphore(%arg7 : memref<!tpu.dma_semaphore, #tpu.memory_space<semaphore_mem>>)
      %mul3A_651 = arith.constant 40 : i32
      %mul3A_652 = arith.muli %scan3A_8, %mul3A_651 : i32
      %add3A_653 = arith.constant 38 : i32
      %add3A_654 = arith.addi %mul3A_652, %add3A_653 : i32
      %div3A_655 = arith.constant 4 : i32
      %div3A_656 = arith.divsi %add3A_654, %div3A_655 : i32
      %rem3A_657 = arith.constant 4 : i32
      %rem3A_658 = arith.remsi %add3A_654, %rem3A_657 : i32
      %mul3A_659 = arith.constant 128 : i32
      %mul3A_660 = arith.muli %rem3A_658, %mul3A_659 : i32
      %multiple_of3A_661 = tpu.assume_multiple %mul3A_660, 128 : i32
      %dma_start3A_662 = tpu.memref_slice %arg6[%div3A_656, %multiple_of3A_661] : memref<20x512xf32, #tpu.memory_space<vmem>> -> memref<1x128xf32, #tpu.memory_space<vmem>>
      %dma_start3A_663 = tpu.memref_squeeze %dma_start3A_662 : memref<1x128xf32, #tpu.memory_space<vmem>> -> memref<128xf32, #tpu.memory_space<vmem>>
      %dma_start3A_664 = tpu.memref_slice %arg5[%div3A_656, %multiple_of3A_661] : memref<20x512xi32, #tpu.memory_space<vmem>> -> memref<1x128xi32, #tpu.memory_space<vmem>>
      %dma_start3A_665 = tpu.memref_squeeze %dma_start3A_664 : memref<1x128xi32, #tpu.memory_space<vmem>> -> memref<128xi32, #tpu.memory_space<vmem>>
      %dma_start3A_666 = arith.constant 0 : i32
      %dma_start3A_667 = tpu.memref_slice %arg2[%dma_start3A_666] : memref<20971520xf32, #tpu.memory_space<hbm>> -> memref<20971520xf32, #tpu.memory_space<hbm>>
      tpu.enqueue_indirect_dma source(%dma_start3A_667 : memref<20971520xf32, #tpu.memory_space<hbm>>) target(%dma_start3A_663 : memref<128xf32, #tpu.memory_space<vmem>>) offsets(%dma_start3A_665 : memref<128xi32, #tpu.memory_space<vmem>>) semaphore(%arg7 : memref<!tpu.dma_semaphore, #tpu.memory_space<semaphore_mem>>)
      %mul3A_668 = arith.constant 40 : i32
      %mul3A_669 = arith.muli %scan3A_8, %mul3A_668 : i32
      %add3A_670 = arith.constant 39 : i32
      %add3A_671 = arith.addi %mul3A_669, %add3A_670 : i32
      %div3A_672 = arith.constant 4 : i32
      %div3A_673 = arith.divsi %add3A_671, %div3A_672 : i32
      %rem3A_674 = arith.constant 4 : i32
      %rem3A_675 = arith.remsi %add3A_671, %rem3A_674 : i32
      %mul3A_676 = arith.constant 128 : i32
      %mul3A_677 = arith.muli %rem3A_675, %mul3A_676 : i32
      %multiple_of3A_678 = tpu.assume_multiple %mul3A_677, 128 : i32
      %dma_start3A_679 = tpu.memref_slice %arg6[%div3A_673, %multiple_of3A_678] : memref<20x512xf32, #tpu.memory_space<vmem>> -> memref<1x128xf32, #tpu.memory_space<vmem>>
      %dma_start3A_680 = tpu.memref_squeeze %dma_start3A_679 : memref<1x128xf32, #tpu.memory_space<vmem>> -> memref<128xf32, #tpu.memory_space<vmem>>
      %dma_start3A_681 = tpu.memref_slice %arg5[%div3A_673, %multiple_of3A_678] : memref<20x512xi32, #tpu.memory_space<vmem>> -> memref<1x128xi32, #tpu.memory_space<vmem>>
      %dma_start3A_682 = tpu.memref_squeeze %dma_start3A_681 : memref<1x128xi32, #tpu.memory_space<vmem>> -> memref<128xi32, #tpu.memory_space<vmem>>
      %dma_start3A_683 = arith.constant 0 : i32
      %dma_start3A_684 = tpu.memref_slice %arg2[%dma_start3A_683] : memref<20971520xf32, #tpu.memory_space<hbm>> -> memref<20971520xf32, #tpu.memory_space<hbm>>
      tpu.enqueue_indirect_dma source(%dma_start3A_684 : memref<20971520xf32, #tpu.memory_space<hbm>>) target(%dma_start3A_680 : memref<128xf32, #tpu.memory_space<vmem>>) offsets(%dma_start3A_682 : memref<128xi32, #tpu.memory_space<vmem>>) semaphore(%arg7 : memref<!tpu.dma_semaphore, #tpu.memory_space<semaphore_mem>>)
      %dma_wait3A = tpu.memref_slice %arg6[%div3A_13, %multiple_of3A] : memref<20x512xf32, #tpu.memory_space<vmem>> -> memref<1x128xf32, #tpu.memory_space<vmem>>
      %dma_wait3A_685 = tpu.memref_squeeze %dma_wait3A : memref<1x128xf32, #tpu.memory_space<vmem>> -> memref<128xf32, #tpu.memory_space<vmem>>
      %dma_wait3A_686 = tpu.memref_slice %arg5[%div3A_13, %multiple_of3A] : memref<20x512xi32, #tpu.memory_space<vmem>> -> memref<1x128xi32, #tpu.memory_space<vmem>>
      %dma_wait3A_687 = tpu.memref_squeeze %dma_wait3A_686 : memref<1x128xi32, #tpu.memory_space<vmem>> -> memref<128xi32, #tpu.memory_space<vmem>>
      %dma_wait3A_688 = arith.constant 0 : i32
      %dma_wait3A_689 = tpu.memref_slice %arg2[%dma_wait3A_688] : memref<20971520xf32, #tpu.memory_space<hbm>> -> memref<20971520xf32, #tpu.memory_space<hbm>>
      tpu.wait_indirect_dma semaphore(%arg7 : memref<!tpu.dma_semaphore, #tpu.memory_space<semaphore_mem>>) src(%dma_wait3A_689 : memref<20971520xf32, #tpu.memory_space<hbm>>) dst(%dma_wait3A_685 : memref<128xf32, #tpu.memory_space<vmem>>)
      %dma_wait3A_690 = tpu.memref_slice %arg6[%div3A_27, %multiple_of3A_32] : memref<20x512xf32, #tpu.memory_space<vmem>> -> memref<1x128xf32, #tpu.memory_space<vmem>>
      %dma_wait3A_691 = tpu.memref_squeeze %dma_wait3A_690 : memref<1x128xf32, #tpu.memory_space<vmem>> -> memref<128xf32, #tpu.memory_space<vmem>>
      %dma_wait3A_692 = tpu.memref_slice %arg5[%div3A_27, %multiple_of3A_32] : memref<20x512xi32, #tpu.memory_space<vmem>> -> memref<1x128xi32, #tpu.memory_space<vmem>>
      %dma_wait3A_693 = tpu.memref_squeeze %dma_wait3A_692 : memref<1x128xi32, #tpu.memory_space<vmem>> -> memref<128xi32, #tpu.memory_space<vmem>>
      %dma_wait3A_694 = arith.constant 0 : i32
      %dma_wait3A_695 = tpu.memref_slice %arg2[%dma_wait3A_694] : memref<20971520xf32, #tpu.memory_space<hbm>> -> memref<20971520xf32, #tpu.memory_space<hbm>>
      tpu.wait_indirect_dma semaphore(%arg7 : memref<!tpu.dma_semaphore, #tpu.memory_space<semaphore_mem>>) src(%dma_wait3A_695 : memref<20971520xf32, #tpu.memory_space<hbm>>) dst(%dma_wait3A_691 : memref<128xf32, #tpu.memory_space<vmem>>)
      %dma_wait3A_696 = tpu.memref_slice %arg6[%div3A_44, %multiple_of3A_49] : memref<20x512xf32, #tpu.memory_space<vmem>> -> memref<1x128xf32, #tpu.memory_space<vmem>>
      %dma_wait3A_697 = tpu.memref_squeeze %dma_wait3A_696 : memref<1x128xf32, #tpu.memory_space<vmem>> -> memref<128xf32, #tpu.memory_space<vmem>>
      %dma_wait3A_698 = tpu.memref_slice %arg5[%div3A_44, %multiple_of3A_49] : memref<20x512xi32, #tpu.memory_space<vmem>> -> memref<1x128xi32, #tpu.memory_space<vmem>>
      %dma_wait3A_699 = tpu.memref_squeeze %dma_wait3A_698 : memref<1x128xi32, #tpu.memory_space<vmem>> -> memref<128xi32, #tpu.memory_space<vmem>>
      %dma_wait3A_700 = arith.constant 0 : i32
      %dma_wait3A_701 = tpu.memref_slice %arg2[%dma_wait3A_700] : memref<20971520xf32, #tpu.memory_space<hbm>> -> memref<20971520xf32, #tpu.memory_space<hbm>>
      tpu.wait_indirect_dma semaphore(%arg7 : memref<!tpu.dma_semaphore, #tpu.memory_space<semaphore_mem>>) src(%dma_wait3A_701 : memref<20971520xf32, #tpu.memory_space<hbm>>) dst(%dma_wait3A_697 : memref<128xf32, #tpu.memory_space<vmem>>)
      %dma_wait3A_702 = tpu.memref_slice %arg6[%div3A_61, %multiple_of3A_66] : memref<20x512xf32, #tpu.memory_space<vmem>> -> memref<1x128xf32, #tpu.memory_space<vmem>>
      %dma_wait3A_703 = tpu.memref_squeeze %dma_wait3A_702 : memref<1x128xf32, #tpu.memory_space<vmem>> -> memref<128xf32, #tpu.memory_space<vmem>>
      %dma_wait3A_704 = tpu.memref_slice %arg5[%div3A_61, %multiple_of3A_66] : memref<20x512xi32, #tpu.memory_space<vmem>> -> memref<1x128xi32, #tpu.memory_space<vmem>>
      %dma_wait3A_705 = tpu.memref_squeeze %dma_wait3A_704 : memref<1x128xi32, #tpu.memory_space<vmem>> -> memref<128xi32, #tpu.memory_space<vmem>>
      %dma_wait3A_706 = arith.constant 0 : i32
      %dma_wait3A_707 = tpu.memref_slice %arg2[%dma_wait3A_706] : memref<20971520xf32, #tpu.memory_space<hbm>> -> memref<20971520xf32, #tpu.memory_space<hbm>>
      tpu.wait_indirect_dma semaphore(%arg7 : memref<!tpu.dma_semaphore, #tpu.memory_space<semaphore_mem>>) src(%dma_wait3A_707 : memref<20971520xf32, #tpu.memory_space<hbm>>) dst(%dma_wait3A_703 : memref<128xf32, #tpu.memory_space<vmem>>)
      %dma_wait3A_708 = tpu.memref_slice %arg6[%div3A_78, %multiple_of3A_83] : memref<20x512xf32, #tpu.memory_space<vmem>> -> memref<1x128xf32, #tpu.memory_space<vmem>>
      %dma_wait3A_709 = tpu.memref_squeeze %dma_wait3A_708 : memref<1x128xf32, #tpu.memory_space<vmem>> -> memref<128xf32, #tpu.memory_space<vmem>>
      %dma_wait3A_710 = tpu.memref_slice %arg5[%div3A_78, %multiple_of3A_83] : memref<20x512xi32, #tpu.memory_space<vmem>> -> memref<1x128xi32, #tpu.memory_space<vmem>>
      %dma_wait3A_711 = tpu.memref_squeeze %dma_wait3A_710 : memref<1x128xi32, #tpu.memory_space<vmem>> -> memref<128xi32, #tpu.memory_space<vmem>>
      %dma_wait3A_712 = arith.constant 0 : i32
      %dma_wait3A_713 = tpu.memref_slice %arg2[%dma_wait3A_712] : memref<20971520xf32, #tpu.memory_space<hbm>> -> memref<20971520xf32, #tpu.memory_space<hbm>>
      tpu.wait_indirect_dma semaphore(%arg7 : memref<!tpu.dma_semaphore, #tpu.memory_space<semaphore_mem>>) src(%dma_wait3A_713 : memref<20971520xf32, #tpu.memory_space<hbm>>) dst(%dma_wait3A_709 : memref<128xf32, #tpu.memory_space<vmem>>)
      %dma_wait3A_714 = tpu.memref_slice %arg6[%div3A_95, %multiple_of3A_100] : memref<20x512xf32, #tpu.memory_space<vmem>> -> memref<1x128xf32, #tpu.memory_space<vmem>>
      %dma_wait3A_715 = tpu.memref_squeeze %dma_wait3A_714 : memref<1x128xf32, #tpu.memory_space<vmem>> -> memref<128xf32, #tpu.memory_space<vmem>>
      %dma_wait3A_716 = tpu.memref_slice %arg5[%div3A_95, %multiple_of3A_100] : memref<20x512xi32, #tpu.memory_space<vmem>> -> memref<1x128xi32, #tpu.memory_space<vmem>>
      %dma_wait3A_717 = tpu.memref_squeeze %dma_wait3A_716 : memref<1x128xi32, #tpu.memory_space<vmem>> -> memref<128xi32, #tpu.memory_space<vmem>>
      %dma_wait3A_718 = arith.constant 0 : i32
      %dma_wait3A_719 = tpu.memref_slice %arg2[%dma_wait3A_718] : memref<20971520xf32, #tpu.memory_space<hbm>> -> memref<20971520xf32, #tpu.memory_space<hbm>>
      tpu.wait_indirect_dma semaphore(%arg7 : memref<!tpu.dma_semaphore, #tpu.memory_space<semaphore_mem>>) src(%dma_wait3A_719 : memref<20971520xf32, #tpu.memory_space<hbm>>) dst(%dma_wait3A_715 : memref<128xf32, #tpu.memory_space<vmem>>)
      %dma_wait3A_720 = tpu.memref_slice %arg6[%div3A_112, %multiple_of3A_117] : memref<20x512xf32, #tpu.memory_space<vmem>> -> memref<1x128xf32, #tpu.memory_space<vmem>>
      %dma_wait3A_721 = tpu.memref_squeeze %dma_wait3A_720 : memref<1x128xf32, #tpu.memory_space<vmem>> -> memref<128xf32, #tpu.memory_space<vmem>>
      %dma_wait3A_722 = tpu.memref_slice %arg5[%div3A_112, %multiple_of3A_117] : memref<20x512xi32, #tpu.memory_space<vmem>> -> memref<1x128xi32, #tpu.memory_space<vmem>>
      %dma_wait3A_723 = tpu.memref_squeeze %dma_wait3A_722 : memref<1x128xi32, #tpu.memory_space<vmem>> -> memref<128xi32, #tpu.memory_space<vmem>>
      %dma_wait3A_724 = arith.constant 0 : i32
      %dma_wait3A_725 = tpu.memref_slice %arg2[%dma_wait3A_724] : memref<20971520xf32, #tpu.memory_space<hbm>> -> memref<20971520xf32, #tpu.memory_space<hbm>>
      tpu.wait_indirect_dma semaphore(%arg7 : memref<!tpu.dma_semaphore, #tpu.memory_space<semaphore_mem>>) src(%dma_wait3A_725 : memref<20971520xf32, #tpu.memory_space<hbm>>) dst(%dma_wait3A_721 : memref<128xf32, #tpu.memory_space<vmem>>)
      %dma_wait3A_726 = tpu.memref_slice %arg6[%div3A_129, %multiple_of3A_134] : memref<20x512xf32, #tpu.memory_space<vmem>> -> memref<1x128xf32, #tpu.memory_space<vmem>>
      %dma_wait3A_727 = tpu.memref_squeeze %dma_wait3A_726 : memref<1x128xf32, #tpu.memory_space<vmem>> -> memref<128xf32, #tpu.memory_space<vmem>>
      %dma_wait3A_728 = tpu.memref_slice %arg5[%div3A_129, %multiple_of3A_134] : memref<20x512xi32, #tpu.memory_space<vmem>> -> memref<1x128xi32, #tpu.memory_space<vmem>>
      %dma_wait3A_729 = tpu.memref_squeeze %dma_wait3A_728 : memref<1x128xi32, #tpu.memory_space<vmem>> -> memref<128xi32, #tpu.memory_space<vmem>>
      %dma_wait3A_730 = arith.constant 0 : i32
      %dma_wait3A_731 = tpu.memref_slice %arg2[%dma_wait3A_730] : memref<20971520xf32, #tpu.memory_space<hbm>> -> memref<20971520xf32, #tpu.memory_space<hbm>>
      tpu.wait_indirect_dma semaphore(%arg7 : memref<!tpu.dma_semaphore, #tpu.memory_space<semaphore_mem>>) src(%dma_wait3A_731 : memref<20971520xf32, #tpu.memory_space<hbm>>) dst(%dma_wait3A_727 : memref<128xf32, #tpu.memory_space<vmem>>)
      %dma_wait3A_732 = tpu.memref_slice %arg6[%div3A_146, %multiple_of3A_151] : memref<20x512xf32, #tpu.memory_space<vmem>> -> memref<1x128xf32, #tpu.memory_space<vmem>>
      %dma_wait3A_733 = tpu.memref_squeeze %dma_wait3A_732 : memref<1x128xf32, #tpu.memory_space<vmem>> -> memref<128xf32, #tpu.memory_space<vmem>>
      %dma_wait3A_734 = tpu.memref_slice %arg5[%div3A_146, %multiple_of3A_151] : memref<20x512xi32, #tpu.memory_space<vmem>> -> memref<1x128xi32, #tpu.memory_space<vmem>>
      %dma_wait3A_735 = tpu.memref_squeeze %dma_wait3A_734 : memref<1x128xi32, #tpu.memory_space<vmem>> -> memref<128xi32, #tpu.memory_space<vmem>>
      %dma_wait3A_736 = arith.constant 0 : i32
      %dma_wait3A_737 = tpu.memref_slice %arg2[%dma_wait3A_736] : memref<20971520xf32, #tpu.memory_space<hbm>> -> memref<20971520xf32, #tpu.memory_space<hbm>>
      tpu.wait_indirect_dma semaphore(%arg7 : memref<!tpu.dma_semaphore, #tpu.memory_space<semaphore_mem>>) src(%dma_wait3A_737 : memref<20971520xf32, #tpu.memory_space<hbm>>) dst(%dma_wait3A_733 : memref<128xf32, #tpu.memory_space<vmem>>)
      %dma_wait3A_738 = tpu.memref_slice %arg6[%div3A_163, %multiple_of3A_168] : memref<20x512xf32, #tpu.memory_space<vmem>> -> memref<1x128xf32, #tpu.memory_space<vmem>>
      %dma_wait3A_739 = tpu.memref_squeeze %dma_wait3A_738 : memref<1x128xf32, #tpu.memory_space<vmem>> -> memref<128xf32, #tpu.memory_space<vmem>>
      %dma_wait3A_740 = tpu.memref_slice %arg5[%div3A_163, %multiple_of3A_168] : memref<20x512xi32, #tpu.memory_space<vmem>> -> memref<1x128xi32, #tpu.memory_space<vmem>>
      %dma_wait3A_741 = tpu.memref_squeeze %dma_wait3A_740 : memref<1x128xi32, #tpu.memory_space<vmem>> -> memref<128xi32, #tpu.memory_space<vmem>>
      %dma_wait3A_742 = arith.constant 0 : i32
      %dma_wait3A_743 = tpu.memref_slice %arg2[%dma_wait3A_742] : memref<20971520xf32, #tpu.memory_space<hbm>> -> memref<20971520xf32, #tpu.memory_space<hbm>>
      tpu.wait_indirect_dma semaphore(%arg7 : memref<!tpu.dma_semaphore, #tpu.memory_space<semaphore_mem>>) src(%dma_wait3A_743 : memref<20971520xf32, #tpu.memory_space<hbm>>) dst(%dma_wait3A_739 : memref<128xf32, #tpu.memory_space<vmem>>)
      %dma_wait3A_744 = tpu.memref_slice %arg6[%div3A_180, %multiple_of3A_185] : memref<20x512xf32, #tpu.memory_space<vmem>> -> memref<1x128xf32, #tpu.memory_space<vmem>>
      %dma_wait3A_745 = tpu.memref_squeeze %dma_wait3A_744 : memref<1x128xf32, #tpu.memory_space<vmem>> -> memref<128xf32, #tpu.memory_space<vmem>>
      %dma_wait3A_746 = tpu.memref_slice %arg5[%div3A_180, %multiple_of3A_185] : memref<20x512xi32, #tpu.memory_space<vmem>> -> memref<1x128xi32, #tpu.memory_space<vmem>>
      %dma_wait3A_747 = tpu.memref_squeeze %dma_wait3A_746 : memref<1x128xi32, #tpu.memory_space<vmem>> -> memref<128xi32, #tpu.memory_space<vmem>>
      %dma_wait3A_748 = arith.constant 0 : i32
      %dma_wait3A_749 = tpu.memref_slice %arg2[%dma_wait3A_748] : memref<20971520xf32, #tpu.memory_space<hbm>> -> memref<20971520xf32, #tpu.memory_space<hbm>>
      tpu.wait_indirect_dma semaphore(%arg7 : memref<!tpu.dma_semaphore, #tpu.memory_space<semaphore_mem>>) src(%dma_wait3A_749 : memref<20971520xf32, #tpu.memory_space<hbm>>) dst(%dma_wait3A_745 : memref<128xf32, #tpu.memory_space<vmem>>)
      %dma_wait3A_750 = tpu.memref_slice %arg6[%div3A_197, %multiple_of3A_202] : memref<20x512xf32, #tpu.memory_space<vmem>> -> memref<1x128xf32, #tpu.memory_space<vmem>>
      %dma_wait3A_751 = tpu.memref_squeeze %dma_wait3A_750 : memref<1x128xf32, #tpu.memory_space<vmem>> -> memref<128xf32, #tpu.memory_space<vmem>>
      %dma_wait3A_752 = tpu.memref_slice %arg5[%div3A_197, %multiple_of3A_202] : memref<20x512xi32, #tpu.memory_space<vmem>> -> memref<1x128xi32, #tpu.memory_space<vmem>>
      %dma_wait3A_753 = tpu.memref_squeeze %dma_wait3A_752 : memref<1x128xi32, #tpu.memory_space<vmem>> -> memref<128xi32, #tpu.memory_space<vmem>>
      %dma_wait3A_754 = arith.constant 0 : i32
      %dma_wait3A_755 = tpu.memref_slice %arg2[%dma_wait3A_754] : memref<20971520xf32, #tpu.memory_space<hbm>> -> memref<20971520xf32, #tpu.memory_space<hbm>>
      tpu.wait_indirect_dma semaphore(%arg7 : memref<!tpu.dma_semaphore, #tpu.memory_space<semaphore_mem>>) src(%dma_wait3A_755 : memref<20971520xf32, #tpu.memory_space<hbm>>) dst(%dma_wait3A_751 : memref<128xf32, #tpu.memory_space<vmem>>)
      %dma_wait3A_756 = tpu.memref_slice %arg6[%div3A_214, %multiple_of3A_219] : memref<20x512xf32, #tpu.memory_space<vmem>> -> memref<1x128xf32, #tpu.memory_space<vmem>>
      %dma_wait3A_757 = tpu.memref_squeeze %dma_wait3A_756 : memref<1x128xf32, #tpu.memory_space<vmem>> -> memref<128xf32, #tpu.memory_space<vmem>>
      %dma_wait3A_758 = tpu.memref_slice %arg5[%div3A_214, %multiple_of3A_219] : memref<20x512xi32, #tpu.memory_space<vmem>> -> memref<1x128xi32, #tpu.memory_space<vmem>>
      %dma_wait3A_759 = tpu.memref_squeeze %dma_wait3A_758 : memref<1x128xi32, #tpu.memory_space<vmem>> -> memref<128xi32, #tpu.memory_space<vmem>>
      %dma_wait3A_760 = arith.constant 0 : i32
      %dma_wait3A_761 = tpu.memref_slice %arg2[%dma_wait3A_760] : memref<20971520xf32, #tpu.memory_space<hbm>> -> memref<20971520xf32, #tpu.memory_space<hbm>>
      tpu.wait_indirect_dma semaphore(%arg7 : memref<!tpu.dma_semaphore, #tpu.memory_space<semaphore_mem>>) src(%dma_wait3A_761 : memref<20971520xf32, #tpu.memory_space<hbm>>) dst(%dma_wait3A_757 : memref<128xf32, #tpu.memory_space<vmem>>)
      %dma_wait3A_762 = tpu.memref_slice %arg6[%div3A_231, %multiple_of3A_236] : memref<20x512xf32, #tpu.memory_space<vmem>> -> memref<1x128xf32, #tpu.memory_space<vmem>>
      %dma_wait3A_763 = tpu.memref_squeeze %dma_wait3A_762 : memref<1x128xf32, #tpu.memory_space<vmem>> -> memref<128xf32, #tpu.memory_space<vmem>>
      %dma_wait3A_764 = tpu.memref_slice %arg5[%div3A_231, %multiple_of3A_236] : memref<20x512xi32, #tpu.memory_space<vmem>> -> memref<1x128xi32, #tpu.memory_space<vmem>>
      %dma_wait3A_765 = tpu.memref_squeeze %dma_wait3A_764 : memref<1x128xi32, #tpu.memory_space<vmem>> -> memref<128xi32, #tpu.memory_space<vmem>>
      %dma_wait3A_766 = arith.constant 0 : i32
      %dma_wait3A_767 = tpu.memref_slice %arg2[%dma_wait3A_766] : memref<20971520xf32, #tpu.memory_space<hbm>> -> memref<20971520xf32, #tpu.memory_space<hbm>>
      tpu.wait_indirect_dma semaphore(%arg7 : memref<!tpu.dma_semaphore, #tpu.memory_space<semaphore_mem>>) src(%dma_wait3A_767 : memref<20971520xf32, #tpu.memory_space<hbm>>) dst(%dma_wait3A_763 : memref<128xf32, #tpu.memory_space<vmem>>)
      %dma_wait3A_768 = tpu.memref_slice %arg6[%div3A_248, %multiple_of3A_253] : memref<20x512xf32, #tpu.memory_space<vmem>> -> memref<1x128xf32, #tpu.memory_space<vmem>>
      %dma_wait3A_769 = tpu.memref_squeeze %dma_wait3A_768 : memref<1x128xf32, #tpu.memory_space<vmem>> -> memref<128xf32, #tpu.memory_space<vmem>>
      %dma_wait3A_770 = tpu.memref_slice %arg5[%div3A_248, %multiple_of3A_253] : memref<20x512xi32, #tpu.memory_space<vmem>> -> memref<1x128xi32, #tpu.memory_space<vmem>>
      %dma_wait3A_771 = tpu.memref_squeeze %dma_wait3A_770 : memref<1x128xi32, #tpu.memory_space<vmem>> -> memref<128xi32, #tpu.memory_space<vmem>>
      %dma_wait3A_772 = arith.constant 0 : i32
      %dma_wait3A_773 = tpu.memref_slice %arg2[%dma_wait3A_772] : memref<20971520xf32, #tpu.memory_space<hbm>> -> memref<20971520xf32, #tpu.memory_space<hbm>>
      tpu.wait_indirect_dma semaphore(%arg7 : memref<!tpu.dma_semaphore, #tpu.memory_space<semaphore_mem>>) src(%dma_wait3A_773 : memref<20971520xf32, #tpu.memory_space<hbm>>) dst(%dma_wait3A_769 : memref<128xf32, #tpu.memory_space<vmem>>)
      %dma_wait3A_774 = tpu.memref_slice %arg6[%div3A_265, %multiple_of3A_270] : memref<20x512xf32, #tpu.memory_space<vmem>> -> memref<1x128xf32, #tpu.memory_space<vmem>>
      %dma_wait3A_775 = tpu.memref_squeeze %dma_wait3A_774 : memref<1x128xf32, #tpu.memory_space<vmem>> -> memref<128xf32, #tpu.memory_space<vmem>>
      %dma_wait3A_776 = tpu.memref_slice %arg5[%div3A_265, %multiple_of3A_270] : memref<20x512xi32, #tpu.memory_space<vmem>> -> memref<1x128xi32, #tpu.memory_space<vmem>>
      %dma_wait3A_777 = tpu.memref_squeeze %dma_wait3A_776 : memref<1x128xi32, #tpu.memory_space<vmem>> -> memref<128xi32, #tpu.memory_space<vmem>>
      %dma_wait3A_778 = arith.constant 0 : i32
      %dma_wait3A_779 = tpu.memref_slice %arg2[%dma_wait3A_778] : memref<20971520xf32, #tpu.memory_space<hbm>> -> memref<20971520xf32, #tpu.memory_space<hbm>>
      tpu.wait_indirect_dma semaphore(%arg7 : memref<!tpu.dma_semaphore, #tpu.memory_space<semaphore_mem>>) src(%dma_wait3A_779 : memref<20971520xf32, #tpu.memory_space<hbm>>) dst(%dma_wait3A_775 : memref<128xf32, #tpu.memory_space<vmem>>)
      %dma_wait3A_780 = tpu.memref_slice %arg6[%div3A_282, %multiple_of3A_287] : memref<20x512xf32, #tpu.memory_space<vmem>> -> memref<1x128xf32, #tpu.memory_space<vmem>>
      %dma_wait3A_781 = tpu.memref_squeeze %dma_wait3A_780 : memref<1x128xf32, #tpu.memory_space<vmem>> -> memref<128xf32, #tpu.memory_space<vmem>>
      %dma_wait3A_782 = tpu.memref_slice %arg5[%div3A_282, %multiple_of3A_287] : memref<20x512xi32, #tpu.memory_space<vmem>> -> memref<1x128xi32, #tpu.memory_space<vmem>>
      %dma_wait3A_783 = tpu.memref_squeeze %dma_wait3A_782 : memref<1x128xi32, #tpu.memory_space<vmem>> -> memref<128xi32, #tpu.memory_space<vmem>>
      %dma_wait3A_784 = arith.constant 0 : i32
      %dma_wait3A_785 = tpu.memref_slice %arg2[%dma_wait3A_784] : memref<20971520xf32, #tpu.memory_space<hbm>> -> memref<20971520xf32, #tpu.memory_space<hbm>>
      tpu.wait_indirect_dma semaphore(%arg7 : memref<!tpu.dma_semaphore, #tpu.memory_space<semaphore_mem>>) src(%dma_wait3A_785 : memref<20971520xf32, #tpu.memory_space<hbm>>) dst(%dma_wait3A_781 : memref<128xf32, #tpu.memory_space<vmem>>)
      %dma_wait3A_786 = tpu.memref_slice %arg6[%div3A_299, %multiple_of3A_304] : memref<20x512xf32, #tpu.memory_space<vmem>> -> memref<1x128xf32, #tpu.memory_space<vmem>>
      %dma_wait3A_787 = tpu.memref_squeeze %dma_wait3A_786 : memref<1x128xf32, #tpu.memory_space<vmem>> -> memref<128xf32, #tpu.memory_space<vmem>>
      %dma_wait3A_788 = tpu.memref_slice %arg5[%div3A_299, %multiple_of3A_304] : memref<20x512xi32, #tpu.memory_space<vmem>> -> memref<1x128xi32, #tpu.memory_space<vmem>>
      %dma_wait3A_789 = tpu.memref_squeeze %dma_wait3A_788 : memref<1x128xi32, #tpu.memory_space<vmem>> -> memref<128xi32, #tpu.memory_space<vmem>>
      %dma_wait3A_790 = arith.constant 0 : i32
      %dma_wait3A_791 = tpu.memref_slice %arg2[%dma_wait3A_790] : memref<20971520xf32, #tpu.memory_space<hbm>> -> memref<20971520xf32, #tpu.memory_space<hbm>>
      tpu.wait_indirect_dma semaphore(%arg7 : memref<!tpu.dma_semaphore, #tpu.memory_space<semaphore_mem>>) src(%dma_wait3A_791 : memref<20971520xf32, #tpu.memory_space<hbm>>) dst(%dma_wait3A_787 : memref<128xf32, #tpu.memory_space<vmem>>)
      %dma_wait3A_792 = tpu.memref_slice %arg6[%div3A_316, %multiple_of3A_321] : memref<20x512xf32, #tpu.memory_space<vmem>> -> memref<1x128xf32, #tpu.memory_space<vmem>>
      %dma_wait3A_793 = tpu.memref_squeeze %dma_wait3A_792 : memref<1x128xf32, #tpu.memory_space<vmem>> -> memref<128xf32, #tpu.memory_space<vmem>>
      %dma_wait3A_794 = tpu.memref_slice %arg5[%div3A_316, %multiple_of3A_321] : memref<20x512xi32, #tpu.memory_space<vmem>> -> memref<1x128xi32, #tpu.memory_space<vmem>>
      %dma_wait3A_795 = tpu.memref_squeeze %dma_wait3A_794 : memref<1x128xi32, #tpu.memory_space<vmem>> -> memref<128xi32, #tpu.memory_space<vmem>>
      %dma_wait3A_796 = arith.constant 0 : i32
      %dma_wait3A_797 = tpu.memref_slice %arg2[%dma_wait3A_796] : memref<20971520xf32, #tpu.memory_space<hbm>> -> memref<20971520xf32, #tpu.memory_space<hbm>>
      tpu.wait_indirect_dma semaphore(%arg7 : memref<!tpu.dma_semaphore, #tpu.memory_space<semaphore_mem>>) src(%dma_wait3A_797 : memref<20971520xf32, #tpu.memory_space<hbm>>) dst(%dma_wait3A_793 : memref<128xf32, #tpu.memory_space<vmem>>)
      %dma_wait3A_798 = tpu.memref_slice %arg6[%div3A_333, %multiple_of3A_338] : memref<20x512xf32, #tpu.memory_space<vmem>> -> memref<1x128xf32, #tpu.memory_space<vmem>>
      %dma_wait3A_799 = tpu.memref_squeeze %dma_wait3A_798 : memref<1x128xf32, #tpu.memory_space<vmem>> -> memref<128xf32, #tpu.memory_space<vmem>>
      %dma_wait3A_800 = tpu.memref_slice %arg5[%div3A_333, %multiple_of3A_338] : memref<20x512xi32, #tpu.memory_space<vmem>> -> memref<1x128xi32, #tpu.memory_space<vmem>>
      %dma_wait3A_801 = tpu.memref_squeeze %dma_wait3A_800 : memref<1x128xi32, #tpu.memory_space<vmem>> -> memref<128xi32, #tpu.memory_space<vmem>>
      %dma_wait3A_802 = arith.constant 0 : i32
      %dma_wait3A_803 = tpu.memref_slice %arg2[%dma_wait3A_802] : memref<20971520xf32, #tpu.memory_space<hbm>> -> memref<20971520xf32, #tpu.memory_space<hbm>>
      tpu.wait_indirect_dma semaphore(%arg7 : memref<!tpu.dma_semaphore, #tpu.memory_space<semaphore_mem>>) src(%dma_wait3A_803 : memref<20971520xf32, #tpu.memory_space<hbm>>) dst(%dma_wait3A_799 : memref<128xf32, #tpu.memory_space<vmem>>)
      %dma_wait3A_804 = tpu.memref_slice %arg6[%div3A_350, %multiple_of3A_355] : memref<20x512xf32, #tpu.memory_space<vmem>> -> memref<1x128xf32, #tpu.memory_space<vmem>>
      %dma_wait3A_805 = tpu.memref_squeeze %dma_wait3A_804 : memref<1x128xf32, #tpu.memory_space<vmem>> -> memref<128xf32, #tpu.memory_space<vmem>>
      %dma_wait3A_806 = tpu.memref_slice %arg5[%div3A_350, %multiple_of3A_355] : memref<20x512xi32, #tpu.memory_space<vmem>> -> memref<1x128xi32, #tpu.memory_space<vmem>>
      %dma_wait3A_807 = tpu.memref_squeeze %dma_wait3A_806 : memref<1x128xi32, #tpu.memory_space<vmem>> -> memref<128xi32, #tpu.memory_space<vmem>>
      %dma_wait3A_808 = arith.constant 0 : i32
      %dma_wait3A_809 = tpu.memref_slice %arg2[%dma_wait3A_808] : memref<20971520xf32, #tpu.memory_space<hbm>> -> memref<20971520xf32, #tpu.memory_space<hbm>>
      tpu.wait_indirect_dma semaphore(%arg7 : memref<!tpu.dma_semaphore, #tpu.memory_space<semaphore_mem>>) src(%dma_wait3A_809 : memref<20971520xf32, #tpu.memory_space<hbm>>) dst(%dma_wait3A_805 : memref<128xf32, #tpu.memory_space<vmem>>)
      %dma_wait3A_810 = tpu.memref_slice %arg6[%div3A_367, %multiple_of3A_372] : memref<20x512xf32, #tpu.memory_space<vmem>> -> memref<1x128xf32, #tpu.memory_space<vmem>>
      %dma_wait3A_811 = tpu.memref_squeeze %dma_wait3A_810 : memref<1x128xf32, #tpu.memory_space<vmem>> -> memref<128xf32, #tpu.memory_space<vmem>>
      %dma_wait3A_812 = tpu.memref_slice %arg5[%div3A_367, %multiple_of3A_372] : memref<20x512xi32, #tpu.memory_space<vmem>> -> memref<1x128xi32, #tpu.memory_space<vmem>>
      %dma_wait3A_813 = tpu.memref_squeeze %dma_wait3A_812 : memref<1x128xi32, #tpu.memory_space<vmem>> -> memref<128xi32, #tpu.memory_space<vmem>>
      %dma_wait3A_814 = arith.constant 0 : i32
      %dma_wait3A_815 = tpu.memref_slice %arg2[%dma_wait3A_814] : memref<20971520xf32, #tpu.memory_space<hbm>> -> memref<20971520xf32, #tpu.memory_space<hbm>>
      tpu.wait_indirect_dma semaphore(%arg7 : memref<!tpu.dma_semaphore, #tpu.memory_space<semaphore_mem>>) src(%dma_wait3A_815 : memref<20971520xf32, #tpu.memory_space<hbm>>) dst(%dma_wait3A_811 : memref<128xf32, #tpu.memory_space<vmem>>)
      %dma_wait3A_816 = tpu.memref_slice %arg6[%div3A_384, %multiple_of3A_389] : memref<20x512xf32, #tpu.memory_space<vmem>> -> memref<1x128xf32, #tpu.memory_space<vmem>>
      %dma_wait3A_817 = tpu.memref_squeeze %dma_wait3A_816 : memref<1x128xf32, #tpu.memory_space<vmem>> -> memref<128xf32, #tpu.memory_space<vmem>>
      %dma_wait3A_818 = tpu.memref_slice %arg5[%div3A_384, %multiple_of3A_389] : memref<20x512xi32, #tpu.memory_space<vmem>> -> memref<1x128xi32, #tpu.memory_space<vmem>>
      %dma_wait3A_819 = tpu.memref_squeeze %dma_wait3A_818 : memref<1x128xi32, #tpu.memory_space<vmem>> -> memref<128xi32, #tpu.memory_space<vmem>>
      %dma_wait3A_820 = arith.constant 0 : i32
      %dma_wait3A_821 = tpu.memref_slice %arg2[%dma_wait3A_820] : memref<20971520xf32, #tpu.memory_space<hbm>> -> memref<20971520xf32, #tpu.memory_space<hbm>>
      tpu.wait_indirect_dma semaphore(%arg7 : memref<!tpu.dma_semaphore, #tpu.memory_space<semaphore_mem>>) src(%dma_wait3A_821 : memref<20971520xf32, #tpu.memory_space<hbm>>) dst(%dma_wait3A_817 : memref<128xf32, #tpu.memory_space<vmem>>)
      %dma_wait3A_822 = tpu.memref_slice %arg6[%div3A_401, %multiple_of3A_406] : memref<20x512xf32, #tpu.memory_space<vmem>> -> memref<1x128xf32, #tpu.memory_space<vmem>>
      %dma_wait3A_823 = tpu.memref_squeeze %dma_wait3A_822 : memref<1x128xf32, #tpu.memory_space<vmem>> -> memref<128xf32, #tpu.memory_space<vmem>>
      %dma_wait3A_824 = tpu.memref_slice %arg5[%div3A_401, %multiple_of3A_406] : memref<20x512xi32, #tpu.memory_space<vmem>> -> memref<1x128xi32, #tpu.memory_space<vmem>>
      %dma_wait3A_825 = tpu.memref_squeeze %dma_wait3A_824 : memref<1x128xi32, #tpu.memory_space<vmem>> -> memref<128xi32, #tpu.memory_space<vmem>>
      %dma_wait3A_826 = arith.constant 0 : i32
      %dma_wait3A_827 = tpu.memref_slice %arg2[%dma_wait3A_826] : memref<20971520xf32, #tpu.memory_space<hbm>> -> memref<20971520xf32, #tpu.memory_space<hbm>>
      tpu.wait_indirect_dma semaphore(%arg7 : memref<!tpu.dma_semaphore, #tpu.memory_space<semaphore_mem>>) src(%dma_wait3A_827 : memref<20971520xf32, #tpu.memory_space<hbm>>) dst(%dma_wait3A_823 : memref<128xf32, #tpu.memory_space<vmem>>)
      %dma_wait3A_828 = tpu.memref_slice %arg6[%div3A_418, %multiple_of3A_423] : memref<20x512xf32, #tpu.memory_space<vmem>> -> memref<1x128xf32, #tpu.memory_space<vmem>>
      %dma_wait3A_829 = tpu.memref_squeeze %dma_wait3A_828 : memref<1x128xf32, #tpu.memory_space<vmem>> -> memref<128xf32, #tpu.memory_space<vmem>>
      %dma_wait3A_830 = tpu.memref_slice %arg5[%div3A_418, %multiple_of3A_423] : memref<20x512xi32, #tpu.memory_space<vmem>> -> memref<1x128xi32, #tpu.memory_space<vmem>>
      %dma_wait3A_831 = tpu.memref_squeeze %dma_wait3A_830 : memref<1x128xi32, #tpu.memory_space<vmem>> -> memref<128xi32, #tpu.memory_space<vmem>>
      %dma_wait3A_832 = arith.constant 0 : i32
      %dma_wait3A_833 = tpu.memref_slice %arg2[%dma_wait3A_832] : memref<20971520xf32, #tpu.memory_space<hbm>> -> memref<20971520xf32, #tpu.memory_space<hbm>>
      tpu.wait_indirect_dma semaphore(%arg7 : memref<!tpu.dma_semaphore, #tpu.memory_space<semaphore_mem>>) src(%dma_wait3A_833 : memref<20971520xf32, #tpu.memory_space<hbm>>) dst(%dma_wait3A_829 : memref<128xf32, #tpu.memory_space<vmem>>)
      %dma_wait3A_834 = tpu.memref_slice %arg6[%div3A_435, %multiple_of3A_440] : memref<20x512xf32, #tpu.memory_space<vmem>> -> memref<1x128xf32, #tpu.memory_space<vmem>>
      %dma_wait3A_835 = tpu.memref_squeeze %dma_wait3A_834 : memref<1x128xf32, #tpu.memory_space<vmem>> -> memref<128xf32, #tpu.memory_space<vmem>>
      %dma_wait3A_836 = tpu.memref_slice %arg5[%div3A_435, %multiple_of3A_440] : memref<20x512xi32, #tpu.memory_space<vmem>> -> memref<1x128xi32, #tpu.memory_space<vmem>>
      %dma_wait3A_837 = tpu.memref_squeeze %dma_wait3A_836 : memref<1x128xi32, #tpu.memory_space<vmem>> -> memref<128xi32, #tpu.memory_space<vmem>>
      %dma_wait3A_838 = arith.constant 0 : i32
      %dma_wait3A_839 = tpu.memref_slice %arg2[%dma_wait3A_838] : memref<20971520xf32, #tpu.memory_space<hbm>> -> memref<20971520xf32, #tpu.memory_space<hbm>>
      tpu.wait_indirect_dma semaphore(%arg7 : memref<!tpu.dma_semaphore, #tpu.memory_space<semaphore_mem>>) src(%dma_wait3A_839 : memref<20971520xf32, #tpu.memory_space<hbm>>) dst(%dma_wait3A_835 : memref<128xf32, #tpu.memory_space<vmem>>)
      %dma_wait3A_840 = tpu.memref_slice %arg6[%div3A_452, %multiple_of3A_457] : memref<20x512xf32, #tpu.memory_space<vmem>> -> memref<1x128xf32, #tpu.memory_space<vmem>>
      %dma_wait3A_841 = tpu.memref_squeeze %dma_wait3A_840 : memref<1x128xf32, #tpu.memory_space<vmem>> -> memref<128xf32, #tpu.memory_space<vmem>>
      %dma_wait3A_842 = tpu.memref_slice %arg5[%div3A_452, %multiple_of3A_457] : memref<20x512xi32, #tpu.memory_space<vmem>> -> memref<1x128xi32, #tpu.memory_space<vmem>>
      %dma_wait3A_843 = tpu.memref_squeeze %dma_wait3A_842 : memref<1x128xi32, #tpu.memory_space<vmem>> -> memref<128xi32, #tpu.memory_space<vmem>>
      %dma_wait3A_844 = arith.constant 0 : i32
      %dma_wait3A_845 = tpu.memref_slice %arg2[%dma_wait3A_844] : memref<20971520xf32, #tpu.memory_space<hbm>> -> memref<20971520xf32, #tpu.memory_space<hbm>>
      tpu.wait_indirect_dma semaphore(%arg7 : memref<!tpu.dma_semaphore, #tpu.memory_space<semaphore_mem>>) src(%dma_wait3A_845 : memref<20971520xf32, #tpu.memory_space<hbm>>) dst(%dma_wait3A_841 : memref<128xf32, #tpu.memory_space<vmem>>)
      %dma_wait3A_846 = tpu.memref_slice %arg6[%div3A_469, %multiple_of3A_474] : memref<20x512xf32, #tpu.memory_space<vmem>> -> memref<1x128xf32, #tpu.memory_space<vmem>>
      %dma_wait3A_847 = tpu.memref_squeeze %dma_wait3A_846 : memref<1x128xf32, #tpu.memory_space<vmem>> -> memref<128xf32, #tpu.memory_space<vmem>>
      %dma_wait3A_848 = tpu.memref_slice %arg5[%div3A_469, %multiple_of3A_474] : memref<20x512xi32, #tpu.memory_space<vmem>> -> memref<1x128xi32, #tpu.memory_space<vmem>>
      %dma_wait3A_849 = tpu.memref_squeeze %dma_wait3A_848 : memref<1x128xi32, #tpu.memory_space<vmem>> -> memref<128xi32, #tpu.memory_space<vmem>>
      %dma_wait3A_850 = arith.constant 0 : i32
      %dma_wait3A_851 = tpu.memref_slice %arg2[%dma_wait3A_850] : memref<20971520xf32, #tpu.memory_space<hbm>> -> memref<20971520xf32, #tpu.memory_space<hbm>>
      tpu.wait_indirect_dma semaphore(%arg7 : memref<!tpu.dma_semaphore, #tpu.memory_space<semaphore_mem>>) src(%dma_wait3A_851 : memref<20971520xf32, #tpu.memory_space<hbm>>) dst(%dma_wait3A_847 : memref<128xf32, #tpu.memory_space<vmem>>)
      %dma_wait3A_852 = tpu.memref_slice %arg6[%div3A_486, %multiple_of3A_491] : memref<20x512xf32, #tpu.memory_space<vmem>> -> memref<1x128xf32, #tpu.memory_space<vmem>>
      %dma_wait3A_853 = tpu.memref_squeeze %dma_wait3A_852 : memref<1x128xf32, #tpu.memory_space<vmem>> -> memref<128xf32, #tpu.memory_space<vmem>>
      %dma_wait3A_854 = tpu.memref_slice %arg5[%div3A_486, %multiple_of3A_491] : memref<20x512xi32, #tpu.memory_space<vmem>> -> memref<1x128xi32, #tpu.memory_space<vmem>>
      %dma_wait3A_855 = tpu.memref_squeeze %dma_wait3A_854 : memref<1x128xi32, #tpu.memory_space<vmem>> -> memref<128xi32, #tpu.memory_space<vmem>>
      %dma_wait3A_856 = arith.constant 0 : i32
      %dma_wait3A_857 = tpu.memref_slice %arg2[%dma_wait3A_856] : memref<20971520xf32, #tpu.memory_space<hbm>> -> memref<20971520xf32, #tpu.memory_space<hbm>>
      tpu.wait_indirect_dma semaphore(%arg7 : memref<!tpu.dma_semaphore, #tpu.memory_space<semaphore_mem>>) src(%dma_wait3A_857 : memref<20971520xf32, #tpu.memory_space<hbm>>) dst(%dma_wait3A_853 : memref<128xf32, #tpu.memory_space<vmem>>)
      %dma_wait3A_858 = tpu.memref_slice %arg6[%div3A_503, %multiple_of3A_508] : memref<20x512xf32, #tpu.memory_space<vmem>> -> memref<1x128xf32, #tpu.memory_space<vmem>>
      %dma_wait3A_859 = tpu.memref_squeeze %dma_wait3A_858 : memref<1x128xf32, #tpu.memory_space<vmem>> -> memref<128xf32, #tpu.memory_space<vmem>>
      %dma_wait3A_860 = tpu.memref_slice %arg5[%div3A_503, %multiple_of3A_508] : memref<20x512xi32, #tpu.memory_space<vmem>> -> memref<1x128xi32, #tpu.memory_space<vmem>>
      %dma_wait3A_861 = tpu.memref_squeeze %dma_wait3A_860 : memref<1x128xi32, #tpu.memory_space<vmem>> -> memref<128xi32, #tpu.memory_space<vmem>>
      %dma_wait3A_862 = arith.constant 0 : i32
      %dma_wait3A_863 = tpu.memref_slice %arg2[%dma_wait3A_862] : memref<20971520xf32, #tpu.memory_space<hbm>> -> memref<20971520xf32, #tpu.memory_space<hbm>>
      tpu.wait_indirect_dma semaphore(%arg7 : memref<!tpu.dma_semaphore, #tpu.memory_space<semaphore_mem>>) src(%dma_wait3A_863 : memref<20971520xf32, #tpu.memory_space<hbm>>) dst(%dma_wait3A_859 : memref<128xf32, #tpu.memory_space<vmem>>)
      %dma_wait3A_864 = tpu.memref_slice %arg6[%div3A_520, %multiple_of3A_525] : memref<20x512xf32, #tpu.memory_space<vmem>> -> memref<1x128xf32, #tpu.memory_space<vmem>>
      %dma_wait3A_865 = tpu.memref_squeeze %dma_wait3A_864 : memref<1x128xf32, #tpu.memory_space<vmem>> -> memref<128xf32, #tpu.memory_space<vmem>>
      %dma_wait3A_866 = tpu.memref_slice %arg5[%div3A_520, %multiple_of3A_525] : memref<20x512xi32, #tpu.memory_space<vmem>> -> memref<1x128xi32, #tpu.memory_space<vmem>>
      %dma_wait3A_867 = tpu.memref_squeeze %dma_wait3A_866 : memref<1x128xi32, #tpu.memory_space<vmem>> -> memref<128xi32, #tpu.memory_space<vmem>>
      %dma_wait3A_868 = arith.constant 0 : i32
      %dma_wait3A_869 = tpu.memref_slice %arg2[%dma_wait3A_868] : memref<20971520xf32, #tpu.memory_space<hbm>> -> memref<20971520xf32, #tpu.memory_space<hbm>>
      tpu.wait_indirect_dma semaphore(%arg7 : memref<!tpu.dma_semaphore, #tpu.memory_space<semaphore_mem>>) src(%dma_wait3A_869 : memref<20971520xf32, #tpu.memory_space<hbm>>) dst(%dma_wait3A_865 : memref<128xf32, #tpu.memory_space<vmem>>)
      %dma_wait3A_870 = tpu.memref_slice %arg6[%div3A_537, %multiple_of3A_542] : memref<20x512xf32, #tpu.memory_space<vmem>> -> memref<1x128xf32, #tpu.memory_space<vmem>>
      %dma_wait3A_871 = tpu.memref_squeeze %dma_wait3A_870 : memref<1x128xf32, #tpu.memory_space<vmem>> -> memref<128xf32, #tpu.memory_space<vmem>>
      %dma_wait3A_872 = tpu.memref_slice %arg5[%div3A_537, %multiple_of3A_542] : memref<20x512xi32, #tpu.memory_space<vmem>> -> memref<1x128xi32, #tpu.memory_space<vmem>>
      %dma_wait3A_873 = tpu.memref_squeeze %dma_wait3A_872 : memref<1x128xi32, #tpu.memory_space<vmem>> -> memref<128xi32, #tpu.memory_space<vmem>>
      %dma_wait3A_874 = arith.constant 0 : i32
      %dma_wait3A_875 = tpu.memref_slice %arg2[%dma_wait3A_874] : memref<20971520xf32, #tpu.memory_space<hbm>> -> memref<20971520xf32, #tpu.memory_space<hbm>>
      tpu.wait_indirect_dma semaphore(%arg7 : memref<!tpu.dma_semaphore, #tpu.memory_space<semaphore_mem>>) src(%dma_wait3A_875 : memref<20971520xf32, #tpu.memory_space<hbm>>) dst(%dma_wait3A_871 : memref<128xf32, #tpu.memory_space<vmem>>)
      %dma_wait3A_876 = tpu.memref_slice %arg6[%div3A_554, %multiple_of3A_559] : memref<20x512xf32, #tpu.memory_space<vmem>> -> memref<1x128xf32, #tpu.memory_space<vmem>>
      %dma_wait3A_877 = tpu.memref_squeeze %dma_wait3A_876 : memref<1x128xf32, #tpu.memory_space<vmem>> -> memref<128xf32, #tpu.memory_space<vmem>>
      %dma_wait3A_878 = tpu.memref_slice %arg5[%div3A_554, %multiple_of3A_559] : memref<20x512xi32, #tpu.memory_space<vmem>> -> memref<1x128xi32, #tpu.memory_space<vmem>>
      %dma_wait3A_879 = tpu.memref_squeeze %dma_wait3A_878 : memref<1x128xi32, #tpu.memory_space<vmem>> -> memref<128xi32, #tpu.memory_space<vmem>>
      %dma_wait3A_880 = arith.constant 0 : i32
      %dma_wait3A_881 = tpu.memref_slice %arg2[%dma_wait3A_880] : memref<20971520xf32, #tpu.memory_space<hbm>> -> memref<20971520xf32, #tpu.memory_space<hbm>>
      tpu.wait_indirect_dma semaphore(%arg7 : memref<!tpu.dma_semaphore, #tpu.memory_space<semaphore_mem>>) src(%dma_wait3A_881 : memref<20971520xf32, #tpu.memory_space<hbm>>) dst(%dma_wait3A_877 : memref<128xf32, #tpu.memory_space<vmem>>)
      %dma_wait3A_882 = tpu.memref_slice %arg6[%div3A_571, %multiple_of3A_576] : memref<20x512xf32, #tpu.memory_space<vmem>> -> memref<1x128xf32, #tpu.memory_space<vmem>>
      %dma_wait3A_883 = tpu.memref_squeeze %dma_wait3A_882 : memref<1x128xf32, #tpu.memory_space<vmem>> -> memref<128xf32, #tpu.memory_space<vmem>>
      %dma_wait3A_884 = tpu.memref_slice %arg5[%div3A_571, %multiple_of3A_576] : memref<20x512xi32, #tpu.memory_space<vmem>> -> memref<1x128xi32, #tpu.memory_space<vmem>>
      %dma_wait3A_885 = tpu.memref_squeeze %dma_wait3A_884 : memref<1x128xi32, #tpu.memory_space<vmem>> -> memref<128xi32, #tpu.memory_space<vmem>>
      %dma_wait3A_886 = arith.constant 0 : i32
      %dma_wait3A_887 = tpu.memref_slice %arg2[%dma_wait3A_886] : memref<20971520xf32, #tpu.memory_space<hbm>> -> memref<20971520xf32, #tpu.memory_space<hbm>>
      tpu.wait_indirect_dma semaphore(%arg7 : memref<!tpu.dma_semaphore, #tpu.memory_space<semaphore_mem>>) src(%dma_wait3A_887 : memref<20971520xf32, #tpu.memory_space<hbm>>) dst(%dma_wait3A_883 : memref<128xf32, #tpu.memory_space<vmem>>)
      %dma_wait3A_888 = tpu.memref_slice %arg6[%div3A_588, %multiple_of3A_593] : memref<20x512xf32, #tpu.memory_space<vmem>> -> memref<1x128xf32, #tpu.memory_space<vmem>>
      %dma_wait3A_889 = tpu.memref_squeeze %dma_wait3A_888 : memref<1x128xf32, #tpu.memory_space<vmem>> -> memref<128xf32, #tpu.memory_space<vmem>>
      %dma_wait3A_890 = tpu.memref_slice %arg5[%div3A_588, %multiple_of3A_593] : memref<20x512xi32, #tpu.memory_space<vmem>> -> memref<1x128xi32, #tpu.memory_space<vmem>>
      %dma_wait3A_891 = tpu.memref_squeeze %dma_wait3A_890 : memref<1x128xi32, #tpu.memory_space<vmem>> -> memref<128xi32, #tpu.memory_space<vmem>>
      %dma_wait3A_892 = arith.constant 0 : i32
      %dma_wait3A_893 = tpu.memref_slice %arg2[%dma_wait3A_892] : memref<20971520xf32, #tpu.memory_space<hbm>> -> memref<20971520xf32, #tpu.memory_space<hbm>>
      tpu.wait_indirect_dma semaphore(%arg7 : memref<!tpu.dma_semaphore, #tpu.memory_space<semaphore_mem>>) src(%dma_wait3A_893 : memref<20971520xf32, #tpu.memory_space<hbm>>) dst(%dma_wait3A_889 : memref<128xf32, #tpu.memory_space<vmem>>)
      %dma_wait3A_894 = tpu.memref_slice %arg6[%div3A_605, %multiple_of3A_610] : memref<20x512xf32, #tpu.memory_space<vmem>> -> memref<1x128xf32, #tpu.memory_space<vmem>>
      %dma_wait3A_895 = tpu.memref_squeeze %dma_wait3A_894 : memref<1x128xf32, #tpu.memory_space<vmem>> -> memref<128xf32, #tpu.memory_space<vmem>>
      %dma_wait3A_896 = tpu.memref_slice %arg5[%div3A_605, %multiple_of3A_610] : memref<20x512xi32, #tpu.memory_space<vmem>> -> memref<1x128xi32, #tpu.memory_space<vmem>>
      %dma_wait3A_897 = tpu.memref_squeeze %dma_wait3A_896 : memref<1x128xi32, #tpu.memory_space<vmem>> -> memref<128xi32, #tpu.memory_space<vmem>>
      %dma_wait3A_898 = arith.constant 0 : i32
      %dma_wait3A_899 = tpu.memref_slice %arg2[%dma_wait3A_898] : memref<20971520xf32, #tpu.memory_space<hbm>> -> memref<20971520xf32, #tpu.memory_space<hbm>>
      tpu.wait_indirect_dma semaphore(%arg7 : memref<!tpu.dma_semaphore, #tpu.memory_space<semaphore_mem>>) src(%dma_wait3A_899 : memref<20971520xf32, #tpu.memory_space<hbm>>) dst(%dma_wait3A_895 : memref<128xf32, #tpu.memory_space<vmem>>)
      %dma_wait3A_900 = tpu.memref_slice %arg6[%div3A_622, %multiple_of3A_627] : memref<20x512xf32, #tpu.memory_space<vmem>> -> memref<1x128xf32, #tpu.memory_space<vmem>>
      %dma_wait3A_901 = tpu.memref_squeeze %dma_wait3A_900 : memref<1x128xf32, #tpu.memory_space<vmem>> -> memref<128xf32, #tpu.memory_space<vmem>>
      %dma_wait3A_902 = tpu.memref_slice %arg5[%div3A_622, %multiple_of3A_627] : memref<20x512xi32, #tpu.memory_space<vmem>> -> memref<1x128xi32, #tpu.memory_space<vmem>>
      %dma_wait3A_903 = tpu.memref_squeeze %dma_wait3A_902 : memref<1x128xi32, #tpu.memory_space<vmem>> -> memref<128xi32, #tpu.memory_space<vmem>>
      %dma_wait3A_904 = arith.constant 0 : i32
      %dma_wait3A_905 = tpu.memref_slice %arg2[%dma_wait3A_904] : memref<20971520xf32, #tpu.memory_space<hbm>> -> memref<20971520xf32, #tpu.memory_space<hbm>>
      tpu.wait_indirect_dma semaphore(%arg7 : memref<!tpu.dma_semaphore, #tpu.memory_space<semaphore_mem>>) src(%dma_wait3A_905 : memref<20971520xf32, #tpu.memory_space<hbm>>) dst(%dma_wait3A_901 : memref<128xf32, #tpu.memory_space<vmem>>)
      %dma_wait3A_906 = tpu.memref_slice %arg6[%div3A_639, %multiple_of3A_644] : memref<20x512xf32, #tpu.memory_space<vmem>> -> memref<1x128xf32, #tpu.memory_space<vmem>>
      %dma_wait3A_907 = tpu.memref_squeeze %dma_wait3A_906 : memref<1x128xf32, #tpu.memory_space<vmem>> -> memref<128xf32, #tpu.memory_space<vmem>>
      %dma_wait3A_908 = tpu.memref_slice %arg5[%div3A_639, %multiple_of3A_644] : memref<20x512xi32, #tpu.memory_space<vmem>> -> memref<1x128xi32, #tpu.memory_space<vmem>>
      %dma_wait3A_909 = tpu.memref_squeeze %dma_wait3A_908 : memref<1x128xi32, #tpu.memory_space<vmem>> -> memref<128xi32, #tpu.memory_space<vmem>>
      %dma_wait3A_910 = arith.constant 0 : i32
      %dma_wait3A_911 = tpu.memref_slice %arg2[%dma_wait3A_910] : memref<20971520xf32, #tpu.memory_space<hbm>> -> memref<20971520xf32, #tpu.memory_space<hbm>>
      tpu.wait_indirect_dma semaphore(%arg7 : memref<!tpu.dma_semaphore, #tpu.memory_space<semaphore_mem>>) src(%dma_wait3A_911 : memref<20971520xf32, #tpu.memory_space<hbm>>) dst(%dma_wait3A_907 : memref<128xf32, #tpu.memory_space<vmem>>)
      %dma_wait3A_912 = tpu.memref_slice %arg6[%div3A_656, %multiple_of3A_661] : memref<20x512xf32, #tpu.memory_space<vmem>> -> memref<1x128xf32, #tpu.memory_space<vmem>>
      %dma_wait3A_913 = tpu.memref_squeeze %dma_wait3A_912 : memref<1x128xf32, #tpu.memory_space<vmem>> -> memref<128xf32, #tpu.memory_space<vmem>>
      %dma_wait3A_914 = tpu.memref_slice %arg5[%div3A_656, %multiple_of3A_661] : memref<20x512xi32, #tpu.memory_space<vmem>> -> memref<1x128xi32, #tpu.memory_space<vmem>>
      %dma_wait3A_915 = tpu.memref_squeeze %dma_wait3A_914 : memref<1x128xi32, #tpu.memory_space<vmem>> -> memref<128xi32, #tpu.memory_space<vmem>>
      %dma_wait3A_916 = arith.constant 0 : i32
      %dma_wait3A_917 = tpu.memref_slice %arg2[%dma_wait3A_916] : memref<20971520xf32, #tpu.memory_space<hbm>> -> memref<20971520xf32, #tpu.memory_space<hbm>>
      tpu.wait_indirect_dma semaphore(%arg7 : memref<!tpu.dma_semaphore, #tpu.memory_space<semaphore_mem>>) src(%dma_wait3A_917 : memref<20971520xf32, #tpu.memory_space<hbm>>) dst(%dma_wait3A_913 : memref<128xf32, #tpu.memory_space<vmem>>)
      %dma_wait3A_918 = tpu.memref_slice %arg6[%div3A_673, %multiple_of3A_678] : memref<20x512xf32, #tpu.memory_space<vmem>> -> memref<1x128xf32, #tpu.memory_space<vmem>>
      %dma_wait3A_919 = tpu.memref_squeeze %dma_wait3A_918 : memref<1x128xf32, #tpu.memory_space<vmem>> -> memref<128xf32, #tpu.memory_space<vmem>>
      %dma_wait3A_920 = tpu.memref_slice %arg5[%div3A_673, %multiple_of3A_678] : memref<20x512xi32, #tpu.memory_space<vmem>> -> memref<1x128xi32, #tpu.memory_space<vmem>>
      %dma_wait3A_921 = tpu.memref_squeeze %dma_wait3A_920 : memref<1x128xi32, #tpu.memory_space<vmem>> -> memref<128xi32, #tpu.memory_space<vmem>>
      %dma_wait3A_922 = arith.constant 0 : i32
      %dma_wait3A_923 = tpu.memref_slice %arg2[%dma_wait3A_922] : memref<20971520xf32, #tpu.memory_space<hbm>> -> memref<20971520xf32, #tpu.memory_space<hbm>>
      tpu.wait_indirect_dma semaphore(%arg7 : memref<!tpu.dma_semaphore, #tpu.memory_space<semaphore_mem>>) src(%dma_wait3A_923 : memref<20971520xf32, #tpu.memory_space<hbm>>) dst(%dma_wait3A_919 : memref<128xf32, #tpu.memory_space<vmem>>)
    }
    %scan3A_7 = arith.constant 2 : i32
    "tpu.region"() ({
      %run_scoped3A = tpu.sem_alloc : memref<!tpu.dma_semaphore, #tpu.memory_space<semaphore_mem>>
      %dma_start3A = arith.constant 0 : i32
      %dma_start3A_8 = tpu.memref_slice %arg4[%dma_start3A, %mul3A_2] : memref<20x16384xf32, #tpu.memory_space<hbm>> -> memref<20x512xf32, #tpu.memory_space<hbm>>
      %dma_start3A_9 = arith.constant 0 : i32
      %dma_start3A_10 = tpu.memref_slice %arg4[%dma_start3A_9, %mul3A_2] : memref<20x16384xf32, #tpu.memory_space<hbm>> -> memref<20x512xf32, #tpu.memory_space<hbm>>
      tpu.enqueue_dma source(%arg6 : memref<20x512xf32, #tpu.memory_space<vmem>>) target(%dma_start3A_10 : memref<20x512xf32, #tpu.memory_space<hbm>>) target_semaphore(%run_scoped3A : memref<!tpu.dma_semaphore, #tpu.memory_space<semaphore_mem>>)
      %dma_wait3A = arith.constant 0 : i32
      %dma_wait3A_11 = tpu.memref_slice %arg4[%dma_wait3A, %mul3A_2] : memref<20x16384xf32, #tpu.memory_space<hbm>> -> memref<20x512xf32, #tpu.memory_space<hbm>>
      %dma_wait3A_12 = arith.constant 0 : i32
      %dma_wait3A_13 = tpu.memref_slice %arg4[%dma_wait3A_12, %mul3A_2] : memref<20x16384xf32, #tpu.memory_space<hbm>> -> memref<20x512xf32, #tpu.memory_space<hbm>>
      tpu.wait_dma2 semaphore(%run_scoped3A : memref<!tpu.dma_semaphore, #tpu.memory_space<semaphore_mem>>) src(%arg6 : memref<20x512xf32, #tpu.memory_space<vmem>>) dst(%dma_wait3A_13 : memref<20x512xf32, #tpu.memory_space<hbm>>)
      tpu.yield
    }) : () -> ()
    return
  }
}

module attributes {stable_mosaic.version = 14 : i64} {
  func.func @_tc_idx_body(%arg0: memref<20x16384xi32, #tpu.memory_space<vmem>>, %arg1: memref<20x16384xi32, #tpu.memory_space<vmem>>) attributes {dimension_semantics = [], scalar_prefetch = 0 : i64, scratch_operands = 0 : i64, tpu.core_type = #tpu.core_type<tc>} {
    %broadcast_in_dim3A = arith.constant 0 : i32
    %broadcast_in_dim3A_0 = vector.broadcast %broadcast_in_dim3A : i32 to vector<1x16384xi32>
    %get3A = arith.constant 0 : index
    %get3A_1 = arith.constant 0 : index
    %get3A_2 = vector.load %arg0[%get3A, %get3A_1] : memref<20x16384xi32, #tpu.memory_space<vmem>>, vector<1x16384xi32>
    %mul3A = arith.constant 1 : i32
    %mul3A_3 = vector.broadcast %mul3A : i32 to vector<1x16384xi32>
    %mul3A_4 = arith.muli %get3A_2, %mul3A_3 : vector<1x16384xi32>
    %add3A = arith.addi %broadcast_in_dim3A_0, %mul3A_4 : vector<1x16384xi32>
    %get3A_5 = arith.constant 1 : index
    %get3A_6 = arith.constant 0 : index
    %get3A_7 = vector.load %arg0[%get3A_5, %get3A_6] : memref<20x16384xi32, #tpu.memory_space<vmem>>, vector<1x16384xi32>
    %mul3A_8 = arith.constant 2 : i32
    %mul3A_9 = vector.broadcast %mul3A_8 : i32 to vector<1x16384xi32>
    %mul3A_10 = arith.muli %get3A_7, %mul3A_9 : vector<1x16384xi32>
    %add3A_11 = arith.addi %add3A, %mul3A_10 : vector<1x16384xi32>
    %get3A_12 = arith.constant 2 : index
    %get3A_13 = arith.constant 0 : index
    %get3A_14 = vector.load %arg0[%get3A_12, %get3A_13] : memref<20x16384xi32, #tpu.memory_space<vmem>>, vector<1x16384xi32>
    %mul3A_15 = arith.constant 4 : i32
    %mul3A_16 = vector.broadcast %mul3A_15 : i32 to vector<1x16384xi32>
    %mul3A_17 = arith.muli %get3A_14, %mul3A_16 : vector<1x16384xi32>
    %add3A_18 = arith.addi %add3A_11, %mul3A_17 : vector<1x16384xi32>
    %get3A_19 = arith.constant 3 : index
    %get3A_20 = arith.constant 0 : index
    %get3A_21 = vector.load %arg0[%get3A_19, %get3A_20] : memref<20x16384xi32, #tpu.memory_space<vmem>>, vector<1x16384xi32>
    %mul3A_22 = arith.constant 8 : i32
    %mul3A_23 = vector.broadcast %mul3A_22 : i32 to vector<1x16384xi32>
    %mul3A_24 = arith.muli %get3A_21, %mul3A_23 : vector<1x16384xi32>
    %add3A_25 = arith.addi %add3A_18, %mul3A_24 : vector<1x16384xi32>
    %get3A_26 = arith.constant 4 : index
    %get3A_27 = arith.constant 0 : index
    %get3A_28 = vector.load %arg0[%get3A_26, %get3A_27] : memref<20x16384xi32, #tpu.memory_space<vmem>>, vector<1x16384xi32>
    %mul3A_29 = arith.constant 16 : i32
    %mul3A_30 = vector.broadcast %mul3A_29 : i32 to vector<1x16384xi32>
    %mul3A_31 = arith.muli %get3A_28, %mul3A_30 : vector<1x16384xi32>
    %add3A_32 = arith.addi %add3A_25, %mul3A_31 : vector<1x16384xi32>
    %get3A_33 = arith.constant 5 : index
    %get3A_34 = arith.constant 0 : index
    %get3A_35 = vector.load %arg0[%get3A_33, %get3A_34] : memref<20x16384xi32, #tpu.memory_space<vmem>>, vector<1x16384xi32>
    %mul3A_36 = arith.constant 32 : i32
    %mul3A_37 = vector.broadcast %mul3A_36 : i32 to vector<1x16384xi32>
    %mul3A_38 = arith.muli %get3A_35, %mul3A_37 : vector<1x16384xi32>
    %add3A_39 = arith.addi %add3A_32, %mul3A_38 : vector<1x16384xi32>
    %get3A_40 = arith.constant 6 : index
    %get3A_41 = arith.constant 0 : index
    %get3A_42 = vector.load %arg0[%get3A_40, %get3A_41] : memref<20x16384xi32, #tpu.memory_space<vmem>>, vector<1x16384xi32>
    %mul3A_43 = arith.constant 64 : i32
    %mul3A_44 = vector.broadcast %mul3A_43 : i32 to vector<1x16384xi32>
    %mul3A_45 = arith.muli %get3A_42, %mul3A_44 : vector<1x16384xi32>
    %add3A_46 = arith.addi %add3A_39, %mul3A_45 : vector<1x16384xi32>
    %get3A_47 = arith.constant 7 : index
    %get3A_48 = arith.constant 0 : index
    %get3A_49 = vector.load %arg0[%get3A_47, %get3A_48] : memref<20x16384xi32, #tpu.memory_space<vmem>>, vector<1x16384xi32>
    %mul3A_50 = arith.constant 128 : i32
    %mul3A_51 = vector.broadcast %mul3A_50 : i32 to vector<1x16384xi32>
    %mul3A_52 = arith.muli %get3A_49, %mul3A_51 : vector<1x16384xi32>
    %add3A_53 = arith.addi %add3A_46, %mul3A_52 : vector<1x16384xi32>
    %get3A_54 = arith.constant 8 : index
    %get3A_55 = arith.constant 0 : index
    %get3A_56 = vector.load %arg0[%get3A_54, %get3A_55] : memref<20x16384xi32, #tpu.memory_space<vmem>>, vector<1x16384xi32>
    %mul3A_57 = arith.constant 256 : i32
    %mul3A_58 = vector.broadcast %mul3A_57 : i32 to vector<1x16384xi32>
    %mul3A_59 = arith.muli %get3A_56, %mul3A_58 : vector<1x16384xi32>
    %add3A_60 = arith.addi %add3A_53, %mul3A_59 : vector<1x16384xi32>
    %get3A_61 = arith.constant 9 : index
    %get3A_62 = arith.constant 0 : index
    %get3A_63 = vector.load %arg0[%get3A_61, %get3A_62] : memref<20x16384xi32, #tpu.memory_space<vmem>>, vector<1x16384xi32>
    %mul3A_64 = arith.constant 512 : i32
    %mul3A_65 = vector.broadcast %mul3A_64 : i32 to vector<1x16384xi32>
    %mul3A_66 = arith.muli %get3A_63, %mul3A_65 : vector<1x16384xi32>
    %add3A_67 = arith.addi %add3A_60, %mul3A_66 : vector<1x16384xi32>
    %get3A_68 = arith.constant 10 : index
    %get3A_69 = arith.constant 0 : index
    %get3A_70 = vector.load %arg0[%get3A_68, %get3A_69] : memref<20x16384xi32, #tpu.memory_space<vmem>>, vector<1x16384xi32>
    %mul3A_71 = arith.constant 1024 : i32
    %mul3A_72 = vector.broadcast %mul3A_71 : i32 to vector<1x16384xi32>
    %mul3A_73 = arith.muli %get3A_70, %mul3A_72 : vector<1x16384xi32>
    %add3A_74 = arith.addi %add3A_67, %mul3A_73 : vector<1x16384xi32>
    %get3A_75 = arith.constant 11 : index
    %get3A_76 = arith.constant 0 : index
    %get3A_77 = vector.load %arg0[%get3A_75, %get3A_76] : memref<20x16384xi32, #tpu.memory_space<vmem>>, vector<1x16384xi32>
    %mul3A_78 = arith.constant 2048 : i32
    %mul3A_79 = vector.broadcast %mul3A_78 : i32 to vector<1x16384xi32>
    %mul3A_80 = arith.muli %get3A_77, %mul3A_79 : vector<1x16384xi32>
    %add3A_81 = arith.addi %add3A_74, %mul3A_80 : vector<1x16384xi32>
    %get3A_82 = arith.constant 12 : index
    %get3A_83 = arith.constant 0 : index
    %get3A_84 = vector.load %arg0[%get3A_82, %get3A_83] : memref<20x16384xi32, #tpu.memory_space<vmem>>, vector<1x16384xi32>
    %mul3A_85 = arith.constant 4096 : i32
    %mul3A_86 = vector.broadcast %mul3A_85 : i32 to vector<1x16384xi32>
    %mul3A_87 = arith.muli %get3A_84, %mul3A_86 : vector<1x16384xi32>
    %add3A_88 = arith.addi %add3A_81, %mul3A_87 : vector<1x16384xi32>
    %get3A_89 = arith.constant 13 : index
    %get3A_90 = arith.constant 0 : index
    %get3A_91 = vector.load %arg0[%get3A_89, %get3A_90] : memref<20x16384xi32, #tpu.memory_space<vmem>>, vector<1x16384xi32>
    %mul3A_92 = arith.constant 8192 : i32
    %mul3A_93 = vector.broadcast %mul3A_92 : i32 to vector<1x16384xi32>
    %mul3A_94 = arith.muli %get3A_91, %mul3A_93 : vector<1x16384xi32>
    %add3A_95 = arith.addi %add3A_88, %mul3A_94 : vector<1x16384xi32>
    %get3A_96 = arith.constant 14 : index
    %get3A_97 = arith.constant 0 : index
    %get3A_98 = vector.load %arg0[%get3A_96, %get3A_97] : memref<20x16384xi32, #tpu.memory_space<vmem>>, vector<1x16384xi32>
    %mul3A_99 = arith.constant 16384 : i32
    %mul3A_100 = vector.broadcast %mul3A_99 : i32 to vector<1x16384xi32>
    %mul3A_101 = arith.muli %get3A_98, %mul3A_100 : vector<1x16384xi32>
    %add3A_102 = arith.addi %add3A_95, %mul3A_101 : vector<1x16384xi32>
    %get3A_103 = arith.constant 15 : index
    %get3A_104 = arith.constant 0 : index
    %get3A_105 = vector.load %arg0[%get3A_103, %get3A_104] : memref<20x16384xi32, #tpu.memory_space<vmem>>, vector<1x16384xi32>
    %mul3A_106 = arith.constant 32768 : i32
    %mul3A_107 = vector.broadcast %mul3A_106 : i32 to vector<1x16384xi32>
    %mul3A_108 = arith.muli %get3A_105, %mul3A_107 : vector<1x16384xi32>
    %add3A_109 = arith.addi %add3A_102, %mul3A_108 : vector<1x16384xi32>
    %get3A_110 = arith.constant 16 : index
    %get3A_111 = arith.constant 0 : index
    %get3A_112 = vector.load %arg0[%get3A_110, %get3A_111] : memref<20x16384xi32, #tpu.memory_space<vmem>>, vector<1x16384xi32>
    %mul3A_113 = arith.constant 65536 : i32
    %mul3A_114 = vector.broadcast %mul3A_113 : i32 to vector<1x16384xi32>
    %mul3A_115 = arith.muli %get3A_112, %mul3A_114 : vector<1x16384xi32>
    %add3A_116 = arith.addi %add3A_109, %mul3A_115 : vector<1x16384xi32>
    %get3A_117 = arith.constant 17 : index
    %get3A_118 = arith.constant 0 : index
    %get3A_119 = vector.load %arg0[%get3A_117, %get3A_118] : memref<20x16384xi32, #tpu.memory_space<vmem>>, vector<1x16384xi32>
    %mul3A_120 = arith.constant 131072 : i32
    %mul3A_121 = vector.broadcast %mul3A_120 : i32 to vector<1x16384xi32>
    %mul3A_122 = arith.muli %get3A_119, %mul3A_121 : vector<1x16384xi32>
    %add3A_123 = arith.addi %add3A_116, %mul3A_122 : vector<1x16384xi32>
    %get3A_124 = arith.constant 18 : index
    %get3A_125 = arith.constant 0 : index
    %get3A_126 = vector.load %arg0[%get3A_124, %get3A_125] : memref<20x16384xi32, #tpu.memory_space<vmem>>, vector<1x16384xi32>
    %mul3A_127 = arith.constant 262144 : i32
    %mul3A_128 = vector.broadcast %mul3A_127 : i32 to vector<1x16384xi32>
    %mul3A_129 = arith.muli %get3A_126, %mul3A_128 : vector<1x16384xi32>
    %add3A_130 = arith.addi %add3A_123, %mul3A_129 : vector<1x16384xi32>
    %get3A_131 = arith.constant 19 : index
    %get3A_132 = arith.constant 0 : index
    %get3A_133 = vector.load %arg0[%get3A_131, %get3A_132] : memref<20x16384xi32, #tpu.memory_space<vmem>>, vector<1x16384xi32>
    %mul3A_134 = arith.constant 524288 : i32
    %mul3A_135 = vector.broadcast %mul3A_134 : i32 to vector<1x16384xi32>
    %mul3A_136 = arith.muli %get3A_133, %mul3A_135 : vector<1x16384xi32>
    %add3A_137 = arith.addi %add3A_130, %mul3A_136 : vector<1x16384xi32>
    %add3A_138 = arith.constant 0 : i32
    %add3A_139 = vector.broadcast %add3A_138 : i32 to vector<1x16384xi32>
    %add3A_140 = arith.addi %add3A_137, %add3A_139 : vector<1x16384xi32>
    %swap3A = arith.constant 0 : index
    %swap3A_141 = arith.constant 0 : index
    %swap3A_142 = vector.load %arg1[%swap3A, %swap3A_141] : memref<20x16384xi32, #tpu.memory_space<vmem>>, vector<1x16384xi32>
    tpu.vector_store %arg1[%swap3A, %swap3A_141], %add3A_140 {strides = array<i32>} : memref<20x16384xi32, #tpu.memory_space<vmem>>, vector<1x16384xi32>,
    %add3A_143 = arith.constant 1048576 : i32
    %add3A_144 = vector.broadcast %add3A_143 : i32 to vector<1x16384xi32>
    %add3A_145 = arith.addi %add3A_137, %add3A_144 : vector<1x16384xi32>
    %swap3A_146 = arith.constant 1 : index
    %swap3A_147 = arith.constant 0 : index
    %swap3A_148 = vector.load %arg1[%swap3A_146, %swap3A_147] : memref<20x16384xi32, #tpu.memory_space<vmem>>, vector<1x16384xi32>
    tpu.vector_store %arg1[%swap3A_146, %swap3A_147], %add3A_145 {strides = array<i32>} : memref<20x16384xi32, #tpu.memory_space<vmem>>, vector<1x16384xi32>,
    %add3A_149 = arith.constant 2097152 : i32
    %add3A_150 = vector.broadcast %add3A_149 : i32 to vector<1x16384xi32>
    %add3A_151 = arith.addi %add3A_137, %add3A_150 : vector<1x16384xi32>
    %swap3A_152 = arith.constant 2 : index
    %swap3A_153 = arith.constant 0 : index
    %swap3A_154 = vector.load %arg1[%swap3A_152, %swap3A_153] : memref<20x16384xi32, #tpu.memory_space<vmem>>, vector<1x16384xi32>
    tpu.vector_store %arg1[%swap3A_152, %swap3A_153], %add3A_151 {strides = array<i32>} : memref<20x16384xi32, #tpu.memory_space<vmem>>, vector<1x16384xi32>,
    %add3A_155 = arith.constant 3145728 : i32
    %add3A_156 = vector.broadcast %add3A_155 : i32 to vector<1x16384xi32>
    %add3A_157 = arith.addi %add3A_137, %add3A_156 : vector<1x16384xi32>
    %swap3A_158 = arith.constant 3 : index
    %swap3A_159 = arith.constant 0 : index
    %swap3A_160 = vector.load %arg1[%swap3A_158, %swap3A_159] : memref<20x16384xi32, #tpu.memory_space<vmem>>, vector<1x16384xi32>
    tpu.vector_store %arg1[%swap3A_158, %swap3A_159], %add3A_157 {strides = array<i32>} : memref<20x16384xi32, #tpu.memory_space<vmem>>, vector<1x16384xi32>,
    %add3A_161 = arith.constant 4194304 : i32
    %add3A_162 = vector.broadcast %add3A_161 : i32 to vector<1x16384xi32>
    %add3A_163 = arith.addi %add3A_137, %add3A_162 : vector<1x16384xi32>
    %swap3A_164 = arith.constant 4 : index
    %swap3A_165 = arith.constant 0 : index
    %swap3A_166 = vector.load %arg1[%swap3A_164, %swap3A_165] : memref<20x16384xi32, #tpu.memory_space<vmem>>, vector<1x16384xi32>
    tpu.vector_store %arg1[%swap3A_164, %swap3A_165], %add3A_163 {strides = array<i32>} : memref<20x16384xi32, #tpu.memory_space<vmem>>, vector<1x16384xi32>,
    %add3A_167 = arith.constant 5242880 : i32
    %add3A_168 = vector.broadcast %add3A_167 : i32 to vector<1x16384xi32>
    %add3A_169 = arith.addi %add3A_137, %add3A_168 : vector<1x16384xi32>
    %swap3A_170 = arith.constant 5 : index
    %swap3A_171 = arith.constant 0 : index
    %swap3A_172 = vector.load %arg1[%swap3A_170, %swap3A_171] : memref<20x16384xi32, #tpu.memory_space<vmem>>, vector<1x16384xi32>
    tpu.vector_store %arg1[%swap3A_170, %swap3A_171], %add3A_169 {strides = array<i32>} : memref<20x16384xi32, #tpu.memory_space<vmem>>, vector<1x16384xi32>,
    %add3A_173 = arith.constant 6291456 : i32
    %add3A_174 = vector.broadcast %add3A_173 : i32 to vector<1x16384xi32>
    %add3A_175 = arith.addi %add3A_137, %add3A_174 : vector<1x16384xi32>
    %swap3A_176 = arith.constant 6 : index
    %swap3A_177 = arith.constant 0 : index
    %swap3A_178 = vector.load %arg1[%swap3A_176, %swap3A_177] : memref<20x16384xi32, #tpu.memory_space<vmem>>, vector<1x16384xi32>
    tpu.vector_store %arg1[%swap3A_176, %swap3A_177], %add3A_175 {strides = array<i32>} : memref<20x16384xi32, #tpu.memory_space<vmem>>, vector<1x16384xi32>,
    %add3A_179 = arith.constant 7340032 : i32
    %add3A_180 = vector.broadcast %add3A_179 : i32 to vector<1x16384xi32>
    %add3A_181 = arith.addi %add3A_137, %add3A_180 : vector<1x16384xi32>
    %swap3A_182 = arith.constant 7 : index
    %swap3A_183 = arith.constant 0 : index
    %swap3A_184 = vector.load %arg1[%swap3A_182, %swap3A_183] : memref<20x16384xi32, #tpu.memory_space<vmem>>, vector<1x16384xi32>
    tpu.vector_store %arg1[%swap3A_182, %swap3A_183], %add3A_181 {strides = array<i32>} : memref<20x16384xi32, #tpu.memory_space<vmem>>, vector<1x16384xi32>,
    %add3A_185 = arith.constant 8388608 : i32
    %add3A_186 = vector.broadcast %add3A_185 : i32 to vector<1x16384xi32>
    %add3A_187 = arith.addi %add3A_137, %add3A_186 : vector<1x16384xi32>
    %swap3A_188 = arith.constant 8 : index
    %swap3A_189 = arith.constant 0 : index
    %swap3A_190 = vector.load %arg1[%swap3A_188, %swap3A_189] : memref<20x16384xi32, #tpu.memory_space<vmem>>, vector<1x16384xi32>
    tpu.vector_store %arg1[%swap3A_188, %swap3A_189], %add3A_187 {strides = array<i32>} : memref<20x16384xi32, #tpu.memory_space<vmem>>, vector<1x16384xi32>,
    %add3A_191 = arith.constant 9437184 : i32
    %add3A_192 = vector.broadcast %add3A_191 : i32 to vector<1x16384xi32>
    %add3A_193 = arith.addi %add3A_137, %add3A_192 : vector<1x16384xi32>
    %swap3A_194 = arith.constant 9 : index
    %swap3A_195 = arith.constant 0 : index
    %swap3A_196 = vector.load %arg1[%swap3A_194, %swap3A_195] : memref<20x16384xi32, #tpu.memory_space<vmem>>, vector<1x16384xi32>
    tpu.vector_store %arg1[%swap3A_194, %swap3A_195], %add3A_193 {strides = array<i32>} : memref<20x16384xi32, #tpu.memory_space<vmem>>, vector<1x16384xi32>,
    %add3A_197 = arith.constant 10485760 : i32
    %add3A_198 = vector.broadcast %add3A_197 : i32 to vector<1x16384xi32>
    %add3A_199 = arith.addi %add3A_137, %add3A_198 : vector<1x16384xi32>
    %swap3A_200 = arith.constant 10 : index
    %swap3A_201 = arith.constant 0 : index
    %swap3A_202 = vector.load %arg1[%swap3A_200, %swap3A_201] : memref<20x16384xi32, #tpu.memory_space<vmem>>, vector<1x16384xi32>
    tpu.vector_store %arg1[%swap3A_200, %swap3A_201], %add3A_199 {strides = array<i32>} : memref<20x16384xi32, #tpu.memory_space<vmem>>, vector<1x16384xi32>,
    %add3A_203 = arith.constant 11534336 : i32
    %add3A_204 = vector.broadcast %add3A_203 : i32 to vector<1x16384xi32>
    %add3A_205 = arith.addi %add3A_137, %add3A_204 : vector<1x16384xi32>
    %swap3A_206 = arith.constant 11 : index
    %swap3A_207 = arith.constant 0 : index
    %swap3A_208 = vector.load %arg1[%swap3A_206, %swap3A_207] : memref<20x16384xi32, #tpu.memory_space<vmem>>, vector<1x16384xi32>
    tpu.vector_store %arg1[%swap3A_206, %swap3A_207], %add3A_205 {strides = array<i32>} : memref<20x16384xi32, #tpu.memory_space<vmem>>, vector<1x16384xi32>,
    %add3A_209 = arith.constant 12582912 : i32
    %add3A_210 = vector.broadcast %add3A_209 : i32 to vector<1x16384xi32>
    %add3A_211 = arith.addi %add3A_137, %add3A_210 : vector<1x16384xi32>
    %swap3A_212 = arith.constant 12 : index
    %swap3A_213 = arith.constant 0 : index
    %swap3A_214 = vector.load %arg1[%swap3A_212, %swap3A_213] : memref<20x16384xi32, #tpu.memory_space<vmem>>, vector<1x16384xi32>
    tpu.vector_store %arg1[%swap3A_212, %swap3A_213], %add3A_211 {strides = array<i32>} : memref<20x16384xi32, #tpu.memory_space<vmem>>, vector<1x16384xi32>,
    %add3A_215 = arith.constant 13631488 : i32
    %add3A_216 = vector.broadcast %add3A_215 : i32 to vector<1x16384xi32>
    %add3A_217 = arith.addi %add3A_137, %add3A_216 : vector<1x16384xi32>
    %swap3A_218 = arith.constant 13 : index
    %swap3A_219 = arith.constant 0 : index
    %swap3A_220 = vector.load %arg1[%swap3A_218, %swap3A_219] : memref<20x16384xi32, #tpu.memory_space<vmem>>, vector<1x16384xi32>
    tpu.vector_store %arg1[%swap3A_218, %swap3A_219], %add3A_217 {strides = array<i32>} : memref<20x16384xi32, #tpu.memory_space<vmem>>, vector<1x16384xi32>,
    %add3A_221 = arith.constant 14680064 : i32
    %add3A_222 = vector.broadcast %add3A_221 : i32 to vector<1x16384xi32>
    %add3A_223 = arith.addi %add3A_137, %add3A_222 : vector<1x16384xi32>
    %swap3A_224 = arith.constant 14 : index
    %swap3A_225 = arith.constant 0 : index
    %swap3A_226 = vector.load %arg1[%swap3A_224, %swap3A_225] : memref<20x16384xi32, #tpu.memory_space<vmem>>, vector<1x16384xi32>
    tpu.vector_store %arg1[%swap3A_224, %swap3A_225], %add3A_223 {strides = array<i32>} : memref<20x16384xi32, #tpu.memory_space<vmem>>, vector<1x16384xi32>,
    %add3A_227 = arith.constant 15728640 : i32
    %add3A_228 = vector.broadcast %add3A_227 : i32 to vector<1x16384xi32>
    %add3A_229 = arith.addi %add3A_137, %add3A_228 : vector<1x16384xi32>
    %swap3A_230 = arith.constant 15 : index
    %swap3A_231 = arith.constant 0 : index
    %swap3A_232 = vector.load %arg1[%swap3A_230, %swap3A_231] : memref<20x16384xi32, #tpu.memory_space<vmem>>, vector<1x16384xi32>
    tpu.vector_store %arg1[%swap3A_230, %swap3A_231], %add3A_229 {strides = array<i32>} : memref<20x16384xi32, #tpu.memory_space<vmem>>, vector<1x16384xi32>,
    %add3A_233 = arith.constant 16777216 : i32
    %add3A_234 = vector.broadcast %add3A_233 : i32 to vector<1x16384xi32>
    %add3A_235 = arith.addi %add3A_137, %add3A_234 : vector<1x16384xi32>
    %swap3A_236 = arith.constant 16 : index
    %swap3A_237 = arith.constant 0 : index
    %swap3A_238 = vector.load %arg1[%swap3A_236, %swap3A_237] : memref<20x16384xi32, #tpu.memory_space<vmem>>, vector<1x16384xi32>
    tpu.vector_store %arg1[%swap3A_236, %swap3A_237], %add3A_235 {strides = array<i32>} : memref<20x16384xi32, #tpu.memory_space<vmem>>, vector<1x16384xi32>,
    %add3A_239 = arith.constant 17825792 : i32
    %add3A_240 = vector.broadcast %add3A_239 : i32 to vector<1x16384xi32>
    %add3A_241 = arith.addi %add3A_137, %add3A_240 : vector<1x16384xi32>
    %swap3A_242 = arith.constant 17 : index
    %swap3A_243 = arith.constant 0 : index
    %swap3A_244 = vector.load %arg1[%swap3A_242, %swap3A_243] : memref<20x16384xi32, #tpu.memory_space<vmem>>, vector<1x16384xi32>
    tpu.vector_store %arg1[%swap3A_242, %swap3A_243], %add3A_241 {strides = array<i32>} : memref<20x16384xi32, #tpu.memory_space<vmem>>, vector<1x16384xi32>,
    %add3A_245 = arith.constant 18874368 : i32
    %add3A_246 = vector.broadcast %add3A_245 : i32 to vector<1x16384xi32>
    %add3A_247 = arith.addi %add3A_137, %add3A_246 : vector<1x16384xi32>
    %swap3A_248 = arith.constant 18 : index
    %swap3A_249 = arith.constant 0 : index
    %swap3A_250 = vector.load %arg1[%swap3A_248, %swap3A_249] : memref<20x16384xi32, #tpu.memory_space<vmem>>, vector<1x16384xi32>
    tpu.vector_store %arg1[%swap3A_248, %swap3A_249], %add3A_247 {strides = array<i32>} : memref<20x16384xi32, #tpu.memory_space<vmem>>, vector<1x16384xi32>,
    %add3A_251 = arith.constant 19922944 : i32
    %add3A_252 = vector.broadcast %add3A_251 : i32 to vector<1x16384xi32>
    %add3A_253 = arith.addi %add3A_137, %add3A_252 : vector<1x16384xi32>
    %swap3A_254 = arith.constant 19 : index
    %swap3A_255 = arith.constant 0 : index
    %swap3A_256 = vector.load %arg1[%swap3A_254, %swap3A_255] : memref<20x16384xi32, #tpu.memory_space<vmem>>, vector<1x16384xi32>
    tpu.vector_store %arg1[%swap3A_254, %swap3A_255], %add3A_253 {strides = array<i32>} : memref<20x16384xi32, #tpu.memory_space<vmem>>, vector<1x16384xi32>,
    return
  }
}

</mosaic_0001>

<sc_bundles>
// kernel: kernel.5.cloned.1.call-start
scs
__scs_entry_jumppad:
0x0: {  	(pc) =	sbr.rel $0x88, $3  }
0x1: {  	(tag) =	ssettag $0x0;
	lr =	simm.s32 $0x1  }
0x2: {  	[smem:$0x3F9F] =	sst lr;
	_ =	strace $0xD0000000  }
0x3: {  	_ = 	snop  }
0x4: {  	_ = 	snop  }
0x5: {  	_ = 	snop  }
0x6: {  	_ = 	snop  }
0x7: {  	_ = 	snop  }
__scs_overlays_trampoline_lowered:
0x8: {  	[smem:$0x3FAE] =	sst s0  }
0x9: {  	[smem:$0x3FAF] =	sst s1  }
0xa: {  	[smem:$0x3FB0] =	sst s2  }
0xb: {  	[smem:$0x3FB1] =	sst s3  }
0xc: {  	[smem:$0x3FB2] =	sst s4  }
0xd: {  	[smem:$0x3FB3] =	sst s5  }
0xe: {  	[smem:$0x3FB4] =	sst s6  }
0xf: {  	[smem:$0x3FB5] =	sst s7  }
0x10: {  	[smem:$0x3FB6] =	sst s8  }
0x11: {  	[smem:$0x3FB7] =	sst s9;
	s0 =	simm.s32 @!p0 $0x0  }
0x12: {  	s1 =	sld [smem:$0x3F9D];
	s0 =	simm.s32 @p0 $0x1  }
0x13: {  	[smem:$0x3FB8] =	sst s0;
	s0 =	simm.s32 @!p1 $0x0  }
0x14: {  	s2 =	sld [smem:$0x3F9C];
	s0 =	simm.s32 @p1 $0x1  }
0x15: {  	[smem:$0x3FB9] =	sst s0;
	s0 =	simm.s32 @!p2 $0x0  }
0x16: {  	s3 =	sld [smem:$0x3FDB];
	s0 =	simm.s32 @p2 $0x1  }
0x17: {  	s4 =	simm.s32 $0x1BF5;
	[smem:$0x3FBB] =	sst s0  }
0x18: {  	s0 =	sld [smem:$0x3F9E];
	_ =	swait.ge [sflag:s4], $0x0  }
0x19: {  	s7 =	sld [smem:$0x3F9F]  }
0x1a: {  	s8 =	sadd.s32 $0xFFFFE003, lr  }
0x1b: {  	s9 =	sadd.s32 $0xFFFFFEF7, lr;
	s5 =	simm.s32 $0xFFFFFFFF;
	p2 =	slt.u32 s8, $0xFFFFF086  }
0x1c: {  	p1 =	slt.u32 s9, $0xF7A;
	s5 =	simm.s32 @!p2 $0x0  }
0x1d: {  	s5 =	simm.s32 @p1 $0x1;
	p0 =	seq.s32 s7, s2  }
0x1e: {  	s7 =	smul.u32 @!p0 $0xF7A, s2;
	p2 =	seq.s32 @!p0 s5, $0x0  }
0x1f: {  	s9 =	smul.u32 $0xF7A, s1;
	s8 =	simm.s32 @!p0 $0x1BF5;
	p2 =	por !p2, p0  }
0x20: {  	[sflag:s8] =	ssyncset.s32 @!p0 $0xFFFFF086;
	s6 =	sadd.s32 @!p0 s3, s7;
	s7 =	simm.s32 @!p0 $0x108  }
0x21: {  	s3 =	sadd.s32 s3, s9;
	s6 =	sadd.s32 @!p0 $0x88, s6;
	s7 =	simm.s32 @p2 $0x1082  }
0x22: {  	[simem:s7], [sflag:s8] =	dma.local @!p0 [hbm:s6], $0xF7A  }
0x23: {  	s9 =	sor.u32 $0xD0000000, s2;
	s6 =	simm.s32 $0x108;
	_ =	swait.ge @!p0 [sflag:s8], $0x0  }
0x24: {  	s3 =	sadd.s32 $0x88, s3;
	s6 =	simm.s32 @!p1 $0x1082;
	[sflag:s4] =	ssyncset.s32 $0xFFFFF086  }
0x25: {  	[simem:s6], [sflag:s4] =	dma.local [hbm:s3], $0xF7A  }
0x26: {  	[smem:$0x3F9F] =	sst s1;
	(tag) =	ssettag s2;
	_ =	strace s9  }
0x27: {  	s1 =	sld [smem:$0x3FAF]  }
0x28: {  	s2 =	sld [smem:$0x3FB0]  }
0x29: {  	s4 =	sld [smem:$0x3FB2]  }
0x2a: {  	p0 =	seq.s32 s5, $0x0;
	s5 =	sld [smem:$0x3FB3]  }
0x2b: {  	s6 =	sld [smem:$0x3FB4]  }
0x2c: {  	s7 =	sld [smem:$0x3FB5]  }
0x2d: {  	s3 =	simm.s32 $0x108;
	s8 =	sld [smem:$0x3FB6]  }
0x2e: {  	s3 =	simm.s32 @!p0 $0x1082;
	s9 =	sld [smem:$0x3FB7]  }
0x2f: {  	lr =	sadd.s32 s0, s3;
	s0 =	sld [smem:$0x3FAE]  }
0x30: {  	s3 =	sld [smem:$0x3FB1]  }
0x31: {  	[smem:$0x3FBA] =	sst s10  }
0x32: {  	s10 =	sld [smem:$0x3FB8];
	_ =	sdelay $0x3  }
0x33: {  	p0 =	seq.s32 s10, $0x1;
	s10 =	sld [smem:$0x3FBA];
	_ =	sdelay $0x3  }
0x34: {  	[smem:$0x3FBA] =	sst s10  }
0x35: {  	s10 =	sld [smem:$0x3FB9];
	_ =	sdelay $0x3  }
0x36: {  	p1 =	seq.s32 s10, $0x1;
	s10 =	sld [smem:$0x3FBA];
	_ =	sdelay $0x3  }
0x37: {  	[smem:$0x3FBA] =	sst s10  }
0x38: {  	s10 =	sld [smem:$0x3FBB]  }
0x39: {  	_ = 	snop;
	(pc) =	sbr.ind lr, $3  }
0x3a: {  	_ = 	snop  }
0x3b: {  	_ = 	snop  }
0x3c: {  	p2 =	seq.s32 s10, $0x1;
	s10 =	sld [smem:$0x3FBA]  }
0x3d: {  	_ =	shalt  }
0x3e: {  	_ =	shalt  }
0x3f: {  	_ =	shalt  }
0x40: {  	_ =	shalt  }
0x41: {  	_ =	shalt  }
0x42: {  	_ =	shalt  }
0x43: {  	_ =	shalt  }
0x44: {  	_ =	shalt  }
0x45: {  	_ =	shalt  }
0x46: {  	_ =	shalt  }
0x47: {  	_ =	shalt  }
0x48: {  	_ =	shalt  }
0x49: {  	_ =	shalt  }
0x4a: {  	_ =	shalt  }
0x4b: {  	_ =	shalt  }
0x4c: {  	_ =	shalt  }
0x4d: {  	_ =	shalt  }
0x4e: {  	_ =	shalt  }
0x4f: {  	_ =	shalt  }
0x50: {  	_ =	shalt  }
0x51: {  	_ =	shalt  }
0x52: {  	_ =	shalt  }
0x53: {  	_ =	shalt  }
0x54: {  	_ =	shalt  }
0x55: {  	_ =	shalt  }
0x56: {  	_ =	shalt  }
0x57: {  	_ =	shalt  }
0x58: {  	_ =	shalt  }
0x59: {  	_ =	shalt  }
0x5a: {  	_ =	shalt  }
0x5b: {  	_ =	shalt  }
0x5c: {  	_ =	shalt  }
0x5d: {  	_ =	shalt  }
0x5e: {  	_ =	shalt  }
0x5f: {  	_ =	shalt  }
0x60: {  	_ =	shalt  }
0x61: {  	_ =	shalt  }
0x62: {  	_ =	shalt  }
0x63: {  	_ =	shalt  }
0x64: {  	_ =	shalt  }
0x65: {  	_ =	shalt  }
0x66: {  	_ =	shalt  }
0x67: {  	_ =	shalt  }
0x68: {  	_ =	shalt  }
0x69: {  	_ =	shalt  }
0x6a: {  	_ =	shalt  }
0x6b: {  	_ =	shalt  }
0x6c: {  	_ =	shalt  }
0x6d: {  	_ =	shalt  }
0x6e: {  	_ =	shalt  }
0x6f: {  	_ =	shalt  }
0x70: {  	_ =	shalt  }
0x71: {  	_ =	shalt  }
0x72: {  	_ =	shalt  }
0x73: {  	_ =	shalt  }
0x74: {  	_ =	shalt  }
0x75: {  	_ =	shalt  }
0x76: {  	_ =	shalt  }
0x77: {  	_ =	shalt  }
0x78: {  	_ =	shalt  }
0x79: {  	_ =	shalt  }
0x7a: {  	_ =	shalt  }
0x7b: {  	_ =	shalt  }
0x7c: {  	_ =	shalt  }
0x7d: {  	_ =	shalt  }
0x7e: {  	_ =	shalt  }
0x7f: {  	_ =	shalt  }
0x80: {  	_ =	shalt  }
0x81: {  	_ =	shalt  }
0x82: {  	_ =	shalt  }
0x83: {  	_ =	shalt  }
0x84: {  	_ =	shalt  }
0x85: {  	_ =	shalt  }
0x86: {  	_ =	shalt  }
0x87: {  	_ =	shalt  }
.Lfunc_end0:
.L_simem_size_0:
called_computation_lowered:
.L_overlay_start_0:
0x88: {  	s2 =	sld [smem:$0x3FD9]  }
0x89: {  	s3 =	sld [smem:$0x3FFE];
	_ =	sdelay $0x1  }
0x8a: {  	s1 =	srdreg.scid  }
0x8b: {  	s0 =	sand.u32 $0x1, s1  }
0x8c: {  	s17 =	sshll.u32 s0, $0xA;
	s2 =	sadd.s32 s3, s2  }
0x8d: {  	s2 =	sadd.s32 s2, s17  }
0x8e: {  	[smem:$0x3FC6] =	sst s2  }
0x8f: {  	_ = 	snop  }
0x90: {  	s2 =	sld [smem:$0x3FC8];
	(tm) =	ssettm $0x1  }
0x91: {  	s18 =	sld [smem:$0x3FFB];
	_ =	sdelay $0x3  }
0x92: {  	_ =	strace s18  }
0x93: {  	s3 =	sld [smem:$0x3FFC];
	_ =	sdelay $0x3  }
0x94: {  	_ =	strace s3  }
0x95: {  	s3 =	sld [smem:$0x3FFD];
	_ =	sdelay $0x3  }
0x96: {  	_ =	strace s3  }
0x97: {  	_ =	strace $0x8FFFFFFF  }
0x98: {  	s19 =	sld [smem:$0x3FDB];
	_ =	sdelay $0x1  }
0x99: {  	s4 =	simm.s32 $_scs_section_size  }
0x9a: {  	s5 =	simm.s32 $_size__tile_overlayer_lowered;
	s6 =	simm.s32 $_tile_overlayer_lowered  }
0x9b: {  	s22 =	simm.s32 $0x1BFF;
	s21 =	sshll.u32 s6, $0x1;
	s3 =	sadd.s32 s4, s19  }
0x9c: {  	s7 =	simm.s32 $0x0;
	s20 =	sshll.u32 s5, $0x1;
	s5 =	sadd.s32 s21, s3  }
0x9d: {  	[timem:s7], [sflag:s22] =	dma.local [hbm:s5], s20  }
0x9e: {  	_ =	swait.ge [sflag:s22], s20  }
0x9f: {  	s4 =	ssub.s32 $0x0, s20;
	[sflag:s22] =	ssyncset.done $0x0  }
0xa0: {  	[sflag:s22] =	ssyncadd.s32 s4;
	_ =	sdelay $0x1  }
0xa1: {  	s23 =	simm.s32 $0x1B8B  }
0xa2: {  	_ =	swait.ge [sflag:s23], $0x1  }
0xa3: {  	[sflag:s23] =	ssyncset.done $0x0  }
0xa4: {  	s25 =	simm.s32 $0x1B8E;
	s24 =	sld [smem:$0x3FFE];
	[sflag:s23] =	ssyncadd.s32 $0xFFFFFFFF  }
0xa5: {  	s26 =	simm.s32 $execute0_lowered;
	[smem:$0x3FD2] =	sst s25  }
0xa6: {  	s5 =	sshll.u32 s26, $0x1;
	_ =	strace $0x80000046;
	[dreg:$0x1] =	wrdreg $0xFFFFFFFF  }
0xa7: {  	s28 =	simm.s32 $_size_execute0_lowered;
	s3 =	sadd.s32 s3, s5;
	[dreg:$0x0] =	wrdreg $0x0  }
0xa8: {  	s5 =	sshll.u32 s28, $0x1;
	[dreg:$0x2] =	wrdreg s3  }
0xa9: {  	[dreg:$0x3] =	wrdreg s5  }
0xaa: {  	[dreg:$0x4] =	wrdreg $0xC0  }
0xab: {  	_ =	task [dreg:s7], $0x5FFFF  }
0xac: {  	[dreg:$0x1] =	wrdreg $0xFFFFFFFF  }
0xad: {  	[dreg:$0x0] =	wrdreg $0x60  }
0xae: {  	[dreg:$0x2] =	wrdreg s2  }
0xaf: {  	[dreg:$0x3] =	wrdreg s24  }
0xb0: {  	[dreg:$0x4] =	wrdreg $0x9  }
0xb1: {  	_ =	task.clear_ibuf [dreg:s7], $0x5FFFF;
	_ =	strace $0x90000046  }
0xb2: {  	s29 =	simm.s32 $0x9;
	_ =	strace $0x80000048  }
0xb3: {  	_ =	swait.ge [sflag:s29], $0x1  }
0xb4: {  	[sflag:s29] =	ssyncadd.s32 $0xFFFFFFFF  }
0xb5: {  	_ =	strace $0x90000048  }
0xb6: {  	_ =	sfence  }
0xb7: {  	s30 =	sld [smem:$0x0];
	_ =	sdelay $0x2  }
0xb8: {  	s31 =	sshll.u32 s1, $0xD;
	s1 =	sshrl.u32 s1, $0x2  }
0xb9: {  	s3 =	sand.u32 $0x4000, s31;
	s1 =	sadd.s32 s1, s30  }
0xba: {  	s0 =	sor.u32 s3, s0;
	s1 =	sshll.u32 s1, $0x11  }
0xbb: {  	s0 =	sor.u32 s1, s0  }
0xbc: {  	s0 =	sadd.s32 $0x8F2B, s0  }
0xbd: {  	[sflag:s0] =	ssyncadd.remote.s32 $0x1  }
0xbe: {  	_ =	sfence.sel $0xFFFF  }
0xbf: {  	[dreg:$0x0] =	wrdreg $0xFFFFFFFF;
	(pc) =	sbr.abs _section_cstart, $3  }
0xc0: {  	[dreg:$0x1] =	wrdreg $0xFFFFFFFF  }
0xc1: {  	_ =	task.clear_ibuf [dreg:s7], $0x2FFFF;
	_ =	strace $0x9FFFFFFF  }
0xc2: {  	(tm) =	ssettm $0x7FFFFFFF  }
0xc3: {  	_ =	shalt  }
tec
execute0_lowered:
.L_overlay_start_1:
0x0: {  	(tag) =	ssettag $0x1  }
0x1: {  	s1 =	rddreg [dreg:$0x0]  }
0x2: {  	s4 =	rddreg [dreg:$0x1]  }
0x3: {  	s0 =	rddreg [dreg:$0x2];
	s3 =	simm.s32 $0x0  }
0x4: {  	s11 =	simm.s32 $0x400;
	[smem:$0x7FF] =	sst s3  }
0x5: {  	s12 =	simm.s32 $0x800;
	_ =	strace $0x80000047;
	[dreg:$0x5] =	wrdreg s11  }
0x6: {  	s13 =	simm.s32 $0xC00;
	[dreg:$0x6] =	wrdreg s12  }
0x7: {  	s14 =	simm.s32 $0x1000;
	[dreg:$0x7] =	wrdreg s13  }
0x8: {  	s15 =	simm.s32 $0x1400;
	[dreg:$0x8] =	wrdreg s14  }
0x9: {  	s16 =	simm.s32 $0x1800;
	[dreg:$0x9] =	wrdreg s15  }
0xa: {  	s17 =	simm.s32 $0x1C00;
	[dreg:$0xa] =	wrdreg s16  }
0xb: {  	s18 =	simm.s32 $0x2000;
	[dreg:$0xb] =	wrdreg s17  }
0xc: {  	s19 =	simm.s32 $0x2400;
	[dreg:$0xc] =	wrdreg s18  }
0xd: {  	s20 =	simm.s32 $0x2800;
	[dreg:$0xd] =	wrdreg s19  }
0xe: {  	s21 =	simm.s32 $0x2C00;
	[dreg:$0xe] =	wrdreg s20  }
0xf: {  	s22 =	simm.s32 $0x3000;
	[dreg:$0xf] =	wrdreg s21  }
0x10: {  	s23 =	simm.s32 $0x3400;
	[dreg:$0x10] =	wrdreg s22  }
0x11: {  	s24 =	simm.s32 $0x3800;
	[dreg:$0x11] =	wrdreg s23  }
0x12: {  	s25 =	simm.s32 $0x3C00;
	[dreg:$0x12] =	wrdreg s24  }
0x13: {  	s26 =	simm.s32 $0x80;
	[dreg:$0x13] =	wrdreg s25  }
0x14: {  	s28 =	simm.s32 $0x480;
	[dreg:$0x14] =	wrdreg s26  }
0x15: {  	s29 =	simm.s32 $0x880;
	[dreg:$0x15] =	wrdreg s28  }
0x16: {  	s30 =	simm.s32 $0xC80;
	[dreg:$0x16] =	wrdreg s29  }
0x17: {  	s31 =	simm.s32 $0x1080;
	[dreg:$0x17] =	wrdreg s30  }
0x18: {  	s9 =	simm.s32 $0x1C80;
	[dreg:$0x18] =	wrdreg s31  }
0x19: {  	s10 =	simm.s32 $0x2080;
	[dreg:$0x1b] =	wrdreg s9  }
0x1a: {  	[dreg:$0x1c] =	wrdreg s10;
	s11 =	simm.s32 $0x2480  }
0x1b: {  	s12 =	simm.s32 $0x2880;
	[dreg:$0x1d] =	wrdreg s11  }
0x1c: {  	s13 =	simm.s32 $0x2C80;
	[dreg:$0x1e] =	wrdreg s12  }
0x1d: {  	s14 =	simm.s32 $0x3080;
	[dreg:$0x1f] =	wrdreg s13  }
0x1e: {  	s15 =	simm.s32 $0x3480;
	[smem:$0x59C] =	sst s14  }
0x1f: {  	s16 =	simm.s32 $0x3880;
	[smem:$0x59D] =	sst s15  }
0x20: {  	s17 =	simm.s32 $0x3C80;
	[smem:$0x59E] =	sst s16  }
0x21: {  	s18 =	simm.s32 $0x100;
	[smem:$0x59F] =	sst s17  }
0x22: {  	s19 =	simm.s32 $0x500;
	[smem:$0x5A0] =	sst s18  }
0x23: {  	s20 =	simm.s32 $0x900;
	[smem:$0x5A1] =	sst s19  }
0x24: {  	s21 =	simm.s32 $0xD00;
	[smem:$0x5A2] =	sst s20  }
0x25: {  	s22 =	simm.s32 $0x1100;
	[smem:$0x5A3] =	sst s21  }
0x26: {  	s23 =	simm.s32 $0x1500;
	[smem:$0x5A4] =	sst s22  }
0x27: {  	s24 =	simm.s32 $0x1900;
	[smem:$0x5A5] =	sst s23  }
0x28: {  	s25 =	simm.s32 $0x1D00;
	[smem:$0x5A6] =	sst s24  }
0x29: {  	s5 =	srdreg.scid;
	s26 =	simm.s32 $0x2100;
	[smem:$0x5A7] =	sst s25  }
0x2a: {  	s2 =	stileid.u32;
	s28 =	simm.s32 $0x2500;
	[smem:$0x5A8] =	sst s26  }
0x2b: {  	s4 =	sadd.s32 $0xC00, s4;
	s29 =	simm.s32 $0x2900;
	[smem:$0x5A9] =	sst s28  }
0x2c: {  	s5 =	sand.u32 $0x1, s5;
	s30 =	simm.s32 $0x2D00;
	[smem:$0x5AA] =	sst s29  }
0x2d: {  	s6 =	sshll.u32 s2, $0xD;
	s31 =	simm.s32 $0x3100;
	[smem:$0x5AB] =	sst s30  }
0x2e: {  	s7 =	sadd.s32 s6, s4;
	s9 =	simm.s32 $0x3D00;
	[smem:$0x5AC] =	sst s31  }
0x2f: {  	s8 =	sshll.u32 s5, $0xC;
	s10 =	simm.s32 $0x180;
	[smem:$0x5AF] =	sst s9  }
0x30: {  	s7 =	sadd.s32 s8, s7;
	[smem:$0x5B0] =	sst s10  }
0x31: {  	s6 =	sor.u32 s8, s6;
	[dreg:$0x3] =	wrdreg s7  }
0x32: {  	s8 =	simm.s32 $0x1880;
	[dreg:$0x4] =	wrdreg s6  }
0x33: {  	s11 =	simm.s32 $0x580;
	[dreg:$0x1a] =	wrdreg s8  }
0x34: {  	s12 =	simm.s32 $0x980;
	[smem:$0x5B1] =	sst s11  }
0x35: {  	s13 =	simm.s32 $0xD80;
	[smem:$0x5B2] =	sst s12  }
0x36: {  	s14 =	simm.s32 $0x1180;
	[smem:$0x5B3] =	sst s13  }
0x37: {  	s15 =	simm.s32 $0x1580;
	[smem:$0x5B4] =	sst s14  }
0x38: {  	s16 =	simm.s32 $0x1980;
	[smem:$0x5B5] =	sst s15  }
0x39: {  	s17 =	simm.s32 $0x1D80;
	[smem:$0x5B6] =	sst s16  }
0x3a: {  	s18 =	simm.s32 $0x2180;
	[smem:$0x5B7] =	sst s17  }
0x3b: {  	s19 =	simm.s32 $0x2580;
	[smem:$0x5B8] =	sst s18  }
0x3c: {  	s20 =	simm.s32 $0x2980;
	[smem:$0x5B9] =	sst s19  }
0x3d: {  	s21 =	simm.s32 $0x2D80;
	[smem:$0x5BA] =	sst s20  }
0x3e: {  	s22 =	simm.s32 $0x3180;
	[smem:$0x5BB] =	sst s21  }
0x3f: {  	s23 =	simm.s32 $0x3580;
	[smem:$0x5BC] =	sst s22  }
0x40: {  	s24 =	simm.s32 $0x3980;
	[smem:$0x5BD] =	sst s23  }
0x41: {  	s25 =	simm.s32 $0x3D80;
	[smem:$0x5BE] =	sst s24  }
0x42: {  	s26 =	simm.s32 $0x200;
	[smem:$0x5BF] =	sst s25  }
0x43: {  	s28 =	simm.s32 $0x600;
	[smem:$0x5C0] =	sst s26  }
0x44: {  	s29 =	simm.s32 $0xA00;
	[smem:$0x5C1] =	sst s28  }
0x45: {  	s30 =	simm.s32 $0xE00;
	[smem:$0x5C2] =	sst s29  }
0x46: {  	s31 =	simm.s32 $0x1200;
	[smem:$0x5C3] =	sst s30  }
0x47: {  	s9 =	simm.s32 $0x1E00;
	[smem:$0x5C4] =	sst s31  }
0x48: {  	s10 =	simm.s32 $0x2200;
	[smem:$0x5C7] =	sst s9  }
0x49: {  	s7 =	simm.s32 $0x1480;
	[smem:$0x5C8] =	sst s10  }
0x4a: {  	s8 =	simm.s32 $0x3900;
	[dreg:$0x19] =	wrdreg s7  }
0x4b: {  	s11 =	simm.s32 $0x2600;
	[smem:$0x5AE] =	sst s8  }
0x4c: {  	s12 =	simm.s32 $0x2A00;
	[smem:$0x5C9] =	sst s11  }
0x4d: {  	s13 =	simm.s32 $0x2E00;
	[smem:$0x5CA] =	sst s12  }
0x4e: {  	s14 =	simm.s32 $0x3200;
	[smem:$0x5CB] =	sst s13  }
0x4f: {  	s15 =	simm.s32 $0x3600;
	[smem:$0x5CC] =	sst s14  }
0x50: {  	s16 =	simm.s32 $0x3A00;
	[smem:$0x5CD] =	sst s15  }
0x51: {  	s17 =	simm.s32 $0x3E00;
	[smem:$0x5CE] =	sst s16  }
0x52: {  	s18 =	simm.s32 $0x280;
	[smem:$0x5CF] =	sst s17  }
0x53: {  	s19 =	simm.s32 $0x680;
	[smem:$0x5D0] =	sst s18  }
0x54: {  	s20 =	simm.s32 $0xA80;
	[smem:$0x5D1] =	sst s19  }
0x55: {  	s21 =	simm.s32 $0xE80;
	[smem:$0x5D2] =	sst s20  }
0x56: {  	s22 =	simm.s32 $0x1280;
	[smem:$0x5D3] =	sst s21  }
0x57: {  	s23 =	simm.s32 $0x1680;
	[smem:$0x5D4] =	sst s22  }
0x58: {  	s24 =	simm.s32 $0x1A80;
	[smem:$0x5D5] =	sst s23  }
0x59: {  	s25 =	simm.s32 $0x1E80;
	[smem:$0x5D6] =	sst s24  }
0x5a: {  	s26 =	simm.s32 $0x2280;
	[smem:$0x5D7] =	sst s25  }
0x5b: {  	s28 =	simm.s32 $0x2680;
	[smem:$0x5D8] =	sst s26  }
0x5c: {  	s29 =	simm.s32 $0x2A80;
	[smem:$0x5D9] =	sst s28  }
0x5d: {  	s30 =	simm.s32 $0x2E80;
	[smem:$0x5DA] =	sst s29  }
0x5e: {  	s31 =	simm.s32 $0x3280;
	[smem:$0x5DB] =	sst s30  }
0x5f: {  	s9 =	simm.s32 $0x3E80;
	[smem:$0x5DC] =	sst s31  }
0x60: {  	s10 =	simm.s32 $0x300;
	[smem:$0x5DF] =	sst s9  }
0x61: {  	s7 =	simm.s32 $0x3500;
	[smem:$0x5E0] =	sst s10  }
0x62: {  	s8 =	simm.s32 $0x1A00;
	[smem:$0x5AD] =	sst s7  }
0x63: {  	s11 =	simm.s32 $0x700;
	[smem:$0x5C6] =	sst s8  }
0x64: {  	s12 =	simm.s32 $0xB00;
	[smem:$0x5E1] =	sst s11  }
0x65: {  	s13 =	simm.s32 $0xF00;
	[smem:$0x5E2] =	sst s12  }
0x66: {  	s14 =	simm.s32 $0x1300;
	[smem:$0x5E3] =	sst s13  }
0x67: {  	s15 =	simm.s32 $0x1700;
	[smem:$0x5E4] =	sst s14  }
0x68: {  	s16 =	simm.s32 $0x1B00;
	[smem:$0x5E5] =	sst s15  }
0x69: {  	s17 =	simm.s32 $0x1F00;
	[smem:$0x5E6] =	sst s16  }
0x6a: {  	s18 =	simm.s32 $0x2300;
	[smem:$0x5E7] =	sst s17  }
0x6b: {  	s19 =	simm.s32 $0x2700;
	[smem:$0x5E8] =	sst s18  }
0x6c: {  	s20 =	simm.s32 $0x2B00;
	[smem:$0x5E9] =	sst s19  }
0x6d: {  	s21 =	simm.s32 $0x2F00;
	[smem:$0x5EA] =	sst s20  }
0x6e: {  	s22 =	simm.s32 $0x3300;
	[smem:$0x5EB] =	sst s21  }
0x6f: {  	s23 =	simm.s32 $0x3700;
	[smem:$0x5EC] =	sst s22  }
0x70: {  	s24 =	simm.s32 $0x3B00;
	[smem:$0x5ED] =	sst s23  }
0x71: {  	s25 =	simm.s32 $0x3F00;
	[smem:$0x5EE] =	sst s24  }
0x72: {  	s26 =	simm.s32 $0x380;
	[smem:$0x5EF] =	sst s25  }
0x73: {  	s28 =	simm.s32 $0x780;
	[smem:$0x5F0] =	sst s26  }
0x74: {  	s29 =	simm.s32 $0xB80;
	[smem:$0x5F1] =	sst s28  }
0x75: {  	s30 =	simm.s32 $0xF80;
	[smem:$0x5F2] =	sst s29  }
0x76: {  	s31 =	simm.s32 $0x1380;
	[smem:$0x5F3] =	sst s30  }
0x77: {  	s9 =	simm.s32 $0x1F80;
	[smem:$0x5F4] =	sst s31  }
0x78: {  	s10 =	simm.s32 $0x2380;
	[smem:$0x5F7] =	sst s9  }
0x79: {  	s7 =	simm.s32 $0x1600;
	[smem:$0x5F8] =	sst s10  }
0x7a: {  	s8 =	simm.s32 $0x3A80;
	[smem:$0x5C5] =	sst s7  }
0x7b: {  	s11 =	simm.s32 $0x2780;
	[smem:$0x5DE] =	sst s8  }
0x7c: {  	s12 =	simm.s32 $0x2B80;
	[smem:$0x5F9] =	sst s11  }
0x7d: {  	s13 =	simm.s32 $0x2F80;
	[smem:$0x5FA] =	sst s12  }
0x7e: {  	s14 =	simm.s32 $0x3380;
	[smem:$0x5FB] =	sst s13  }
0x7f: {  	s15 =	simm.s32 $0x3780;
	[smem:$0x5FC] =	sst s14  }
0x80: {  	s16 =	simm.s32 $0x3B80;
	[smem:$0x5FD] =	sst s15  }
0x81: {  	s17 =	simm.s32 $0x3F80;
	[smem:$0x5FE] =	sst s16  }
0x82: {  	s18 =	simm.s32 $0x4400;
	[smem:$0x5FF] =	sst s17  }
0x83: {  	s19 =	simm.s32 $0x4800;
	[smem:$0x600] =	sst s18  }
0x84: {  	s20 =	simm.s32 $0x4C00;
	[smem:$0x601] =	sst s19  }
0x85: {  	s21 =	simm.s32 $0x5000;
	[smem:$0x602] =	sst s20  }
0x86: {  	s22 =	simm.s32 $0x5400;
	[smem:$0x603] =	sst s21  }
0x87: {  	s23 =	simm.s32 $0x5800;
	[smem:$0x604] =	sst s22  }
0x88: {  	s24 =	simm.s32 $0x5C00;
	[smem:$0x605] =	sst s23  }
0x89: {  	s25 =	simm.s32 $0x6000;
	[smem:$0x606] =	sst s24  }
0x8a: {  	s26 =	simm.s32 $0x6400;
	[smem:$0x607] =	sst s25  }
0x8b: {  	s28 =	simm.s32 $0x6800;
	[smem:$0x608] =	sst s26  }
0x8c: {  	s7 =	simm.s32 $0x3680;
	[smem:$0x609] =	sst s28  }
0x8d: {  	s8 =	simm.s32 $0x1B80;
	[smem:$0x5DD] =	sst s7  }
0x8e: {  	s7 =	simm.s32 $0x1780;
	[smem:$0x5F6] =	sst s8  }
0x8f: {  	s29 =	simm.s32 $0x6C00;
	[smem:$0x5F5] =	sst s7  }
0x90: {  	s30 =	simm.s32 $0x7000;
	[smem:$0x60A] =	sst s29  }
0x91: {  	s31 =	simm.s32 $0x7400;
	[smem:$0x60B] =	sst s30  }
0x92: {  	s8 =	simm.s32 $0x7C00;
	[smem:$0x60C] =	sst s31  }
0x93: {  	s9 =	simm.s32 $0x4080;
	[smem:$0x60E] =	sst s8  }
0x94: {  	s10 =	simm.s32 $0x4480;
	[smem:$0x60F] =	sst s9  }
0x95: {  	s11 =	simm.s32 $0x4880;
	[smem:$0x610] =	sst s10  }
0x96: {  	s12 =	simm.s32 $0x4C80;
	[smem:$0x611] =	sst s11  }
0x97: {  	s13 =	simm.s32 $0x5080;
	[smem:$0x612] =	sst s12  }
0x98: {  	s14 =	simm.s32 $0x5480;
	[smem:$0x613] =	sst s13  }
0x99: {  	s15 =	simm.s32 $0x5880;
	[smem:$0x614] =	sst s14  }
0x9a: {  	s16 =	simm.s32 $0x5C80;
	[smem:$0x615] =	sst s15  }
0x9b: {  	s17 =	simm.s32 $0x6080;
	[smem:$0x616] =	sst s16  }
0x9c: {  	s18 =	simm.s32 $0x6480;
	[smem:$0x617] =	sst s17  }
0x9d: {  	s19 =	simm.s32 $0x6880;
	[smem:$0x618] =	sst s18  }
0x9e: {  	s20 =	simm.s32 $0x6C80;
	[smem:$0x619] =	sst s19  }
0x9f: {  	s21 =	simm.s32 $0x7080;
	[smem:$0x61A] =	sst s20  }
0xa0: {  	s22 =	simm.s32 $0x7480;
	[smem:$0x61B] =	sst s21  }
0xa1: {  	s23 =	simm.s32 $0x7880;
	[smem:$0x61C] =	sst s22  }
0xa2: {  	s24 =	simm.s32 $0x7C80;
	[smem:$0x61D] =	sst s23  }
0xa3: {  	s25 =	simm.s32 $0x4100;
	[smem:$0x61E] =	sst s24  }
0xa4: {  	s26 =	simm.s32 $0x4500;
	[smem:$0x61F] =	sst s25  }
0xa5: {  	s28 =	simm.s32 $0x4900;
	[smem:$0x620] =	sst s26  }
0xa6: {  	s7 =	simm.s32 $0x7800;
	[smem:$0x621] =	sst s28  }
0xa7: {  	s29 =	simm.s32 $0x4D00;
	[smem:$0x60D] =	sst s7  }
0xa8: {  	s30 =	simm.s32 $0x5100;
	[smem:$0x622] =	sst s29  }
0xa9: {  	s31 =	simm.s32 $0x5500;
	[smem:$0x623] =	sst s30  }
0xaa: {  	s8 =	simm.s32 $0x5D00;
	[smem:$0x624] =	sst s31  }
0xab: {  	s9 =	simm.s32 $0x6100;
	[smem:$0x626] =	sst s8  }
0xac: {  	s10 =	simm.s32 $0x6500;
	[smem:$0x627] =	sst s9  }
0xad: {  	s11 =	simm.s32 $0x6900;
	[smem:$0x628] =	sst s10  }
0xae: {  	s12 =	simm.s32 $0x6D00;
	[smem:$0x629] =	sst s11  }
0xaf: {  	s13 =	simm.s32 $0x7100;
	[smem:$0x62A] =	sst s12  }
0xb0: {  	s14 =	simm.s32 $0x7500;
	[smem:$0x62B] =	sst s13  }
0xb1: {  	s15 =	simm.s32 $0x7900;
	[smem:$0x62C] =	sst s14  }
0xb2: {  	s16 =	simm.s32 $0x7D00;
	[smem:$0x62D] =	sst s15  }
0xb3: {  	s17 =	simm.s32 $0x4180;
	[smem:$0x62E] =	sst s16  }
0xb4: {  	s18 =	simm.s32 $0x4580;
	[smem:$0x62F] =	sst s17  }
0xb5: {  	s19 =	simm.s32 $0x4980;
	[smem:$0x630] =	sst s18  }
0xb6: {  	s20 =	simm.s32 $0x4D80;
	[smem:$0x631] =	sst s19  }
0xb7: {  	s21 =	simm.s32 $0x5180;
	[smem:$0x632] =	sst s20  }
0xb8: {  	s22 =	simm.s32 $0x5580;
	[smem:$0x633] =	sst s21  }
0xb9: {  	s23 =	simm.s32 $0x5980;
	[smem:$0x634] =	sst s22  }
0xba: {  	s24 =	simm.s32 $0x5D80;
	[smem:$0x635] =	sst s23  }
0xbb: {  	s25 =	simm.s32 $0x6180;
	[smem:$0x636] =	sst s24  }
0xbc: {  	s26 =	simm.s32 $0x6580;
	[smem:$0x637] =	sst s25  }
0xbd: {  	s28 =	simm.s32 $0x6980;
	[smem:$0x638] =	sst s26  }
0xbe: {  	s7 =	simm.s32 $0x5900;
	[smem:$0x639] =	sst s28  }
0xbf: {  	s29 =	simm.s32 $0x6D80;
	[smem:$0x625] =	sst s7  }
0xc0: {  	s30 =	simm.s32 $0x7180;
	[smem:$0x63A] =	sst s29  }
0xc1: {  	s31 =	simm.s32 $0x7580;
	[smem:$0x63B] =	sst s30  }
0xc2: {  	s8 =	simm.s32 $0x7D80;
	[smem:$0x63C] =	sst s31  }
0xc3: {  	s9 =	simm.s32 $0x4200;
	[smem:$0x63E] =	sst s8  }
0xc4: {  	s10 =	simm.s32 $0x4600;
	[smem:$0x63F] =	sst s9  }
0xc5: {  	s11 =	simm.s32 $0x4A00;
	[smem:$0x640] =	sst s10  }
0xc6: {  	s12 =	simm.s32 $0x4E00;
	[smem:$0x641] =	sst s11  }
0xc7: {  	s13 =	simm.s32 $0x5200;
	[smem:$0x642] =	sst s12  }
0xc8: {  	s14 =	simm.s32 $0x5600;
	[smem:$0x643] =	sst s13  }
0xc9: {  	s15 =	simm.s32 $0x5A00;
	[smem:$0x644] =	sst s14  }
0xca: {  	s16 =	simm.s32 $0x5E00;
	[smem:$0x645] =	sst s15  }
0xcb: {  	s17 =	simm.s32 $0x6200;
	[smem:$0x646] =	sst s16  }
0xcc: {  	s18 =	simm.s32 $0x6600;
	[smem:$0x647] =	sst s17  }
0xcd: {  	s19 =	simm.s32 $0x6A00;
	[smem:$0x648] =	sst s18  }
0xce: {  	s20 =	simm.s32 $0x6E00;
	[smem:$0x649] =	sst s19  }
0xcf: {  	s21 =	simm.s32 $0x7200;
	[smem:$0x64A] =	sst s20  }
0xd0: {  	s22 =	simm.s32 $0x7600;
	[smem:$0x64B] =	sst s21  }
0xd1: {  	s23 =	simm.s32 $0x7A00;
	[smem:$0x64C] =	sst s22  }
0xd2: {  	s24 =	simm.s32 $0x7E00;
	[smem:$0x64D] =	sst s23  }
0xd3: {  	s25 =	simm.s32 $0x4280;
	[smem:$0x64E] =	sst s24  }
0xd4: {  	s26 =	simm.s32 $0x4680;
	[smem:$0x64F] =	sst s25  }
0xd5: {  	s28 =	simm.s32 $0x4A80;
	[smem:$0x650] =	sst s26  }
0xd6: {  	s7 =	simm.s32 $0x7980;
	[smem:$0x651] =	sst s28  }
0xd7: {  	s29 =	simm.s32 $0x4E80;
	[smem:$0x63D] =	sst s7  }
0xd8: {  	s30 =	simm.s32 $0x5280;
	[smem:$0x652] =	sst s29  }
0xd9: {  	s31 =	simm.s32 $0x5680;
	[smem:$0x653] =	sst s30  }
0xda: {  	s8 =	simm.s32 $0x5E80;
	[smem:$0x654] =	sst s31  }
0xdb: {  	s9 =	simm.s32 $0x6280;
	[smem:$0x656] =	sst s8  }
0xdc: {  	s10 =	simm.s32 $0x6680;
	[smem:$0x657] =	sst s9  }
0xdd: {  	s11 =	simm.s32 $0x6A80;
	[smem:$0x658] =	sst s10  }
0xde: {  	s12 =	simm.s32 $0x6E80;
	[smem:$0x659] =	sst s11  }
0xdf: {  	s13 =	simm.s32 $0x7280;
	[smem:$0x65A] =	sst s12  }
0xe0: {  	s14 =	simm.s32 $0x7680;
	[smem:$0x65B] =	sst s13  }
0xe1: {  	s15 =	simm.s32 $0x7A80;
	[smem:$0x65C] =	sst s14  }
0xe2: {  	s16 =	simm.s32 $0x7E80;
	[smem:$0x65D] =	sst s15  }
0xe3: {  	s17 =	simm.s32 $0x4300;
	[smem:$0x65E] =	sst s16  }
0xe4: {  	s18 =	simm.s32 $0x4700;
	[smem:$0x65F] =	sst s17  }
0xe5: {  	s19 =	simm.s32 $0x4B00;
	[smem:$0x660] =	sst s18  }
0xe6: {  	s20 =	simm.s32 $0x4F00;
	[smem:$0x661] =	sst s19  }
0xe7: {  	s21 =	simm.s32 $0x5300;
	[smem:$0x662] =	sst s20  }
0xe8: {  	s22 =	simm.s32 $0x5700;
	[smem:$0x663] =	sst s21  }
0xe9: {  	s23 =	simm.s32 $0x5B00;
	[smem:$0x664] =	sst s22  }
0xea: {  	s24 =	simm.s32 $0x5F00;
	[smem:$0x665] =	sst s23  }
0xeb: {  	s25 =	simm.s32 $0x6300;
	[smem:$0x666] =	sst s24  }
0xec: {  	s26 =	simm.s32 $0x6700;
	[smem:$0x667] =	sst s25  }
0xed: {  	s28 =	simm.s32 $0x6B00;
	[smem:$0x668] =	sst s26  }
0xee: {  	s7 =	simm.s32 $0x5A80;
	[smem:$0x669] =	sst s28  }
0xef: {  	s29 =	simm.s32 $0x6F00;
	[smem:$0x655] =	sst s7  }
0xf0: {  	s30 =	simm.s32 $0x7300;
	[smem:$0x66A] =	sst s29  }
0xf1: {  	s31 =	simm.s32 $0x7700;
	[smem:$0x66B] =	sst s30  }
0xf2: {  	s8 =	simm.s32 $0x7F00;
	[smem:$0x66C] =	sst s31  }
0xf3: {  	s9 =	simm.s32 $0x4380;
	[smem:$0x66E] =	sst s8  }
0xf4: {  	s10 =	simm.s32 $0x4780;
	[smem:$0x66F] =	sst s9  }
0xf5: {  	s11 =	simm.s32 $0x4B80;
	[smem:$0x670] =	sst s10  }
0xf6: {  	s12 =	simm.s32 $0x4F80;
	[smem:$0x671] =	sst s11  }
0xf7: {  	s13 =	simm.s32 $0x5380;
	[smem:$0x672] =	sst s12  }
0xf8: {  	s14 =	simm.s32 $0x5780;
	[smem:$0x673] =	sst s13  }
0xf9: {  	s15 =	simm.s32 $0x5B80;
	[smem:$0x674] =	sst s14  }
0xfa: {  	s16 =	simm.s32 $0x5F80;
	[smem:$0x675] =	sst s15  }
0xfb: {  	s17 =	simm.s32 $0x6380;
	[smem:$0x676] =	sst s16  }
0xfc: {  	s18 =	simm.s32 $0x6780;
	[smem:$0x677] =	sst s17  }
0xfd: {  	s19 =	simm.s32 $0x6B80;
	[smem:$0x678] =	sst s18  }
0xfe: {  	s20 =	simm.s32 $0x6F80;
	[smem:$0x679] =	sst s19  }
0xff: {  	s21 =	simm.s32 $0x7380;
	[smem:$0x67A] =	sst s20  }
0x100: {  	s22 =	simm.s32 $0x7780;
	[smem:$0x67B] =	sst s21  }
0x101: {  	s23 =	simm.s32 $0x7B80;
	[smem:$0x67C] =	sst s22  }
0x102: {  	s24 =	simm.s32 $0x7F80;
	[smem:$0x67D] =	sst s23  }
0x103: {  	s25 =	simm.s32 $0x8000;
	[smem:$0x67E] =	sst s24  }
0x104: {  	s26 =	simm.s32 $0x8400;
	[smem:$0x67F] =	sst s25  }
0x105: {  	s28 =	simm.s32 $0x8800;
	[smem:$0x680] =	sst s26  }
0x106: {  	s7 =	simm.s32 $0x7B00;
	[smem:$0x681] =	sst s28  }
0x107: {  	s29 =	simm.s32 $0x8C00;
	[smem:$0x66D] =	sst s7  }
0x108: {  	s30 =	simm.s32 $0x9000;
	[smem:$0x682] =	sst s29  }
0x109: {  	s31 =	simm.s32 $0x9400;
	[smem:$0x683] =	sst s30  }
0x10a: {  	s8 =	simm.s32 $0x9C00;
	[smem:$0x684] =	sst s31  }
0x10b: {  	s9 =	simm.s32 $0xA000;
	[smem:$0x686] =	sst s8  }
0x10c: {  	s10 =	simm.s32 $0xA400;
	[smem:$0x687] =	sst s9  }
0x10d: {  	s11 =	simm.s32 $0xA800;
	[smem:$0x688] =	sst s10  }
0x10e: {  	s12 =	simm.s32 $0xAC00;
	[smem:$0x689] =	sst s11  }
0x10f: {  	s13 =	simm.s32 $0xB000;
	[smem:$0x68A] =	sst s12  }
0x110: {  	s14 =	simm.s32 $0xB400;
	[smem:$0x68B] =	sst s13  }
0x111: {  	s15 =	simm.s32 $0xB800;
	[smem:$0x68C] =	sst s14  }
0x112: {  	s16 =	simm.s32 $0xBC00;
	[smem:$0x68D] =	sst s15  }
0x113: {  	s17 =	simm.s32 $0x8080;
	[smem:$0x68E] =	sst s16  }
0x114: {  	s18 =	simm.s32 $0x8480;
	[smem:$0x68F] =	sst s17  }
0x115: {  	s19 =	simm.s32 $0x8880;
	[smem:$0x690] =	sst s18  }
0x116: {  	s20 =	simm.s32 $0x8C80;
	[smem:$0x691] =	sst s19  }
0x117: {  	s21 =	simm.s32 $0x9080;
	[smem:$0x692] =	sst s20  }
0x118: {  	s22 =	simm.s32 $0x9480;
	[smem:$0x693] =	sst s21  }
0x119: {  	s23 =	simm.s32 $0x9880;
	[smem:$0x694] =	sst s22  }
0x11a: {  	s24 =	simm.s32 $0x9C80;
	[smem:$0x695] =	sst s23  }
0x11b: {  	s25 =	simm.s32 $0xA080;
	[smem:$0x696] =	sst s24  }
0x11c: {  	s26 =	simm.s32 $0xA480;
	[smem:$0x697] =	sst s25  }
0x11d: {  	s28 =	simm.s32 $0xA880;
	[smem:$0x698] =	sst s26  }
0x11e: {  	s7 =	simm.s32 $0x9800;
	[smem:$0x699] =	sst s28  }
0x11f: {  	s29 =	simm.s32 $0xAC80;
	[smem:$0x685] =	sst s7  }
0x120: {  	s30 =	simm.s32 $0xB080;
	[smem:$0x69A] =	sst s29  }
0x121: {  	s31 =	simm.s32 $0xB480;
	[smem:$0x69B] =	sst s30  }
0x122: {  	s8 =	simm.s32 $0xBC80;
	[smem:$0x69C] =	sst s31  }
0x123: {  	s9 =	simm.s32 $0x8100;
	[smem:$0x69E] =	sst s8  }
0x124: {  	s10 =	simm.s32 $0x8500;
	[smem:$0x69F] =	sst s9  }
0x125: {  	s11 =	simm.s32 $0x8900;
	[smem:$0x6A0] =	sst s10  }
0x126: {  	s12 =	simm.s32 $0x8D00;
	[smem:$0x6A1] =	sst s11  }
0x127: {  	s13 =	simm.s32 $0x9100;
	[smem:$0x6A2] =	sst s12  }
0x128: {  	s14 =	simm.s32 $0x9500;
	[smem:$0x6A3] =	sst s13  }
0x129: {  	s15 =	simm.s32 $0x9900;
	[smem:$0x6A4] =	sst s14  }
0x12a: {  	s16 =	simm.s32 $0x9D00;
	[smem:$0x6A5] =	sst s15  }
0x12b: {  	s17 =	simm.s32 $0xA100;
	[smem:$0x6A6] =	sst s16  }
0x12c: {  	s18 =	simm.s32 $0xA500;
	[smem:$0x6A7] =	sst s17  }
0x12d: {  	s19 =	simm.s32 $0xA900;
	[smem:$0x6A8] =	sst s18  }
0x12e: {  	s20 =	simm.s32 $0xAD00;
	[smem:$0x6A9] =	sst s19  }
0x12f: {  	s21 =	simm.s32 $0xB100;
	[smem:$0x6AA] =	sst s20  }
0x130: {  	s22 =	simm.s32 $0xB500;
	[smem:$0x6AB] =	sst s21  }
0x131: {  	s23 =	simm.s32 $0xB900;
	[smem:$0x6AC] =	sst s22  }
0x132: {  	s24 =	simm.s32 $0xBD00;
	[smem:$0x6AD] =	sst s23  }
0x133: {  	s25 =	simm.s32 $0x8180;
	[smem:$0x6AE] =	sst s24  }
0x134: {  	s26 =	simm.s32 $0x8580;
	[smem:$0x6AF] =	sst s25  }
0x135: {  	s28 =	simm.s32 $0x8980;
	[smem:$0x6B0] =	sst s26  }
0x136: {  	s7 =	simm.s32 $0xB880;
	[smem:$0x6B1] =	sst s28  }
0x137: {  	s29 =	simm.s32 $0x8D80;
	[smem:$0x69D] =	sst s7  }
0x138: {  	s30 =	simm.s32 $0x9180;
	[smem:$0x6B2] =	sst s29  }
0x139: {  	s31 =	simm.s32 $0x9580;
	[smem:$0x6B3] =	sst s30  }
0x13a: {  	s8 =	simm.s32 $0x9D80;
	[smem:$0x6B4] =	sst s31  }
0x13b: {  	s9 =	simm.s32 $0xA180;
	[smem:$0x6B6] =	sst s8  }
0x13c: {  	s10 =	simm.s32 $0xA580;
	[smem:$0x6B7] =	sst s9  }
0x13d: {  	s11 =	simm.s32 $0xA980;
	[smem:$0x6B8] =	sst s10  }
0x13e: {  	s12 =	simm.s32 $0xAD80;
	[smem:$0x6B9] =	sst s11  }
0x13f: {  	s13 =	simm.s32 $0xB180;
	[smem:$0x6BA] =	sst s12  }
0x140: {  	s14 =	simm.s32 $0xB580;
	[smem:$0x6BB] =	sst s13  }
0x141: {  	s15 =	simm.s32 $0xB980;
	[smem:$0x6BC] =	sst s14  }
0x142: {  	s16 =	simm.s32 $0xBD80;
	[smem:$0x6BD] =	sst s15  }
0x143: {  	s17 =	simm.s32 $0xC400;
	[smem:$0x6BE] =	sst s16  }
0x144: {  	s18 =	simm.s32 $0xC800;
	[smem:$0x6BF] =	sst s17  }
0x145: {  	s19 =	simm.s32 $0xCC00;
	[smem:$0x6C0] =	sst s18  }
0x146: {  	s20 =	simm.s32 $0xD000;
	[smem:$0x6C1] =	sst s19  }
0x147: {  	s21 =	simm.s32 $0xD400;
	[smem:$0x6C2] =	sst s20  }
0x148: {  	s22 =	simm.s32 $0xD800;
	[smem:$0x6C3] =	sst s21  }
0x149: {  	s23 =	simm.s32 $0xDC00;
	[smem:$0x6C4] =	sst s22  }
0x14a: {  	s24 =	simm.s32 $0xE000;
	[smem:$0x6C5] =	sst s23  }
0x14b: {  	s25 =	simm.s32 $0xE400;
	[smem:$0x6C6] =	sst s24  }
0x14c: {  	s26 =	simm.s32 $0xE800;
	[smem:$0x6C7] =	sst s25  }
0x14d: {  	s28 =	simm.s32 $0xEC00;
	[smem:$0x6C8] =	sst s26  }
0x14e: {  	s7 =	simm.s32 $0x9980;
	[smem:$0x6C9] =	sst s28  }
0x14f: {  	s29 =	simm.s32 $0xF000;
	[smem:$0x6B5] =	sst s7  }
0x150: {  	s30 =	simm.s32 $0xF400;
	[smem:$0x6CA] =	sst s29  }
0x151: {  	s31 =	simm.s32 $0xF800;
	[smem:$0x6CB] =	sst s30  }
0x152: {  	s8 =	simm.s32 $0xC080;
	[smem:$0x6CC] =	sst s31  }
0x153: {  	s9 =	simm.s32 $0xC480;
	[smem:$0x6CE] =	sst s8  }
0x154: {  	s10 =	simm.s32 $0xC880;
	[smem:$0x6CF] =	sst s9  }
0x155: {  	s11 =	simm.s32 $0xCC80;
	[smem:$0x6D0] =	sst s10  }
0x156: {  	s12 =	simm.s32 $0xD080;
	[smem:$0x6D1] =	sst s11  }
0x157: {  	s13 =	simm.s32 $0xD480;
	[smem:$0x6D2] =	sst s12  }
0x158: {  	s14 =	simm.s32 $0xD880;
	[smem:$0x6D3] =	sst s13  }
0x159: {  	s15 =	simm.s32 $0xDC80;
	[smem:$0x6D4] =	sst s14  }
0x15a: {  	s16 =	simm.s32 $0xE080;
	[smem:$0x6D5] =	sst s15  }
0x15b: {  	s17 =	simm.s32 $0xE480;
	[smem:$0x6D6] =	sst s16  }
0x15c: {  	s18 =	simm.s32 $0xE880;
	[smem:$0x6D7] =	sst s17  }
0x15d: {  	s19 =	simm.s32 $0xEC80;
	[smem:$0x6D8] =	sst s18  }
0x15e: {  	s20 =	simm.s32 $0xF080;
	[smem:$0x6D9] =	sst s19  }
0x15f: {  	s21 =	simm.s32 $0xF480;
	[smem:$0x6DA] =	sst s20  }
0x160: {  	s22 =	simm.s32 $0xF880;
	[smem:$0x6DB] =	sst s21  }
0x161: {  	s23 =	simm.s32 $0xFC80;
	[smem:$0x6DC] =	sst s22  }
0x162: {  	s24 =	simm.s32 $0xC100;
	[smem:$0x6DD] =	sst s23  }
0x163: {  	s25 =	simm.s32 $0xC500;
	[smem:$0x6DE] =	sst s24  }
0x164: {  	s26 =	simm.s32 $0xC900;
	[smem:$0x6DF] =	sst s25  }
0x165: {  	s28 =	simm.s32 $0xCD00;
	[smem:$0x6E0] =	sst s26  }
0x166: {  	s7 =	simm.s32 $0xFC00;
	[smem:$0x6E1] =	sst s28  }
0x167: {  	s29 =	simm.s32 $0xD100;
	[smem:$0x6CD] =	sst s7  }
0x168: {  	s30 =	simm.s32 $0xD500;
	[smem:$0x6E2] =	sst s29  }
0x169: {  	s31 =	simm.s32 $0xD900;
	[smem:$0x6E3] =	sst s30  }
0x16a: {  	s8 =	simm.s32 $0xE100;
	[smem:$0x6E4] =	sst s31  }
0x16b: {  	s9 =	simm.s32 $0xE500;
	[smem:$0x6E6] =	sst s8  }
0x16c: {  	s10 =	simm.s32 $0xE900;
	[smem:$0x6E7] =	sst s9  }
0x16d: {  	s11 =	simm.s32 $0xED00;
	[smem:$0x6E8] =	sst s10  }
0x16e: {  	s12 =	simm.s32 $0xF100;
	[smem:$0x6E9] =	sst s11  }
0x16f: {  	s13 =	simm.s32 $0xF500;
	[smem:$0x6EA] =	sst s12  }
0x170: {  	s14 =	simm.s32 $0xF900;
	[smem:$0x6EB] =	sst s13  }
0x171: {  	s15 =	simm.s32 $0xFD00;
	[smem:$0x6EC] =	sst s14  }
0x172: {  	s16 =	simm.s32 $0xC180;
	[smem:$0x6ED] =	sst s15  }
0x173: {  	s17 =	simm.s32 $0xC580;
	[smem:$0x6EE] =	sst s16  }
0x174: {  	s18 =	simm.s32 $0xC980;
	[smem:$0x6EF] =	sst s17  }
0x175: {  	s19 =	simm.s32 $0xCD80;
	[smem:$0x6F0] =	sst s18  }
0x176: {  	s20 =	simm.s32 $0xD180;
	[smem:$0x6F1] =	sst s19  }
0x177: {  	s21 =	simm.s32 $0xD580;
	[smem:$0x6F2] =	sst s20  }
0x178: {  	s22 =	simm.s32 $0xD980;
	[smem:$0x6F3] =	sst s21  }
0x179: {  	s23 =	simm.s32 $0xDD80;
	[smem:$0x6F4] =	sst s22  }
0x17a: {  	s24 =	simm.s32 $0xE180;
	[smem:$0x6F5] =	sst s23  }
0x17b: {  	s25 =	simm.s32 $0xE580;
	[smem:$0x6F6] =	sst s24  }
0x17c: {  	s26 =	simm.s32 $0xE980;
	[smem:$0x6F7] =	sst s25  }
0x17d: {  	s28 =	simm.s32 $0xED80;
	[smem:$0x6F8] =	sst s26  }
0x17e: {  	s7 =	simm.s32 $0xDD00;
	[smem:$0x6F9] =	sst s28  }
0x17f: {  	s29 =	simm.s32 $0xF180;
	[smem:$0x6E5] =	sst s7  }
0x180: {  	s30 =	simm.s32 $0xF580;
	[smem:$0x6FA] =	sst s29  }
0x181: {  	s31 =	simm.s32 $0xF980;
	[smem:$0x6FB] =	sst s30  }
0x182: {  	s8 =	simm.s32 $0xC200;
	[smem:$0x6FC] =	sst s31  }
0x183: {  	s9 =	simm.s32 $0xC600;
	[smem:$0x6FE] =	sst s8  }
0x184: {  	s10 =	simm.s32 $0xCA00;
	[smem:$0x6FF] =	sst s9  }
0x185: {  	s11 =	simm.s32 $0xCE00;
	[smem:$0x700] =	sst s10  }
0x186: {  	s12 =	simm.s32 $0xD200;
	[smem:$0x701] =	sst s11  }
0x187: {  	s13 =	simm.s32 $0xD600;
	[smem:$0x702] =	sst s12  }
0x188: {  	s14 =	simm.s32 $0xDA00;
	[smem:$0x703] =	sst s13  }
0x189: {  	s15 =	simm.s32 $0xDE00;
	[smem:$0x704] =	sst s14  }
0x18a: {  	s16 =	simm.s32 $0xE200;
	[smem:$0x705] =	sst s15  }
0x18b: {  	s17 =	simm.s32 $0xE600;
	[smem:$0x706] =	sst s16  }
0x18c: {  	s18 =	simm.s32 $0xEA00;
	[smem:$0x707] =	sst s17  }
0x18d: {  	s19 =	simm.s32 $0xEE00;
	[smem:$0x708] =	sst s18  }
0x18e: {  	s20 =	simm.s32 $0xF200;
	[smem:$0x709] =	sst s19  }
0x18f: {  	s21 =	simm.s32 $0xF600;
	[smem:$0x70A] =	sst s20  }
0x190: {  	s22 =	simm.s32 $0xFA00;
	[smem:$0x70B] =	sst s21  }
0x191: {  	s23 =	simm.s32 $0xFE00;
	[smem:$0x70C] =	sst s22  }
0x192: {  	s24 =	simm.s32 $0xC280;
	[smem:$0x70D] =	sst s23  }
0x193: {  	s25 =	simm.s32 $0xC680;
	[smem:$0x70E] =	sst s24  }
0x194: {  	s26 =	simm.s32 $0xCA80;
	[smem:$0x70F] =	sst s25  }
0x195: {  	s28 =	simm.s32 $0xCE80;
	[smem:$0x710] =	sst s26  }
0x196: {  	s7 =	simm.s32 $0xFD80;
	[smem:$0x711] =	sst s28  }
0x197: {  	s29 =	simm.s32 $0xD280;
	[smem:$0x6FD] =	sst s7  }
0x198: {  	s30 =	simm.s32 $0xD680;
	[smem:$0x712] =	sst s29  }
0x199: {  	s31 =	simm.s32 $0xDA80;
	[smem:$0x713] =	sst s30  }
0x19a: {  	s8 =	simm.s32 $0xE280;
	[smem:$0x714] =	sst s31  }
0x19b: {  	s9 =	simm.s32 $0xE680;
	[smem:$0x716] =	sst s8  }
0x19c: {  	s10 =	simm.s32 $0xEA80;
	[smem:$0x717] =	sst s9  }
0x19d: {  	s11 =	simm.s32 $0xEE80;
	[smem:$0x718] =	sst s10  }
0x19e: {  	s12 =	simm.s32 $0xF280;
	[smem:$0x719] =	sst s11  }
0x19f: {  	s13 =	simm.s32 $0xF680;
	[smem:$0x71A] =	sst s12  }
0x1a0: {  	s14 =	simm.s32 $0xFA80;
	[smem:$0x71B] =	sst s13  }
0x1a1: {  	s15 =	simm.s32 $0xFE80;
	[smem:$0x71C] =	sst s14  }
0x1a2: {  	s16 =	simm.s32 $0xC300;
	[smem:$0x71D] =	sst s15  }
0x1a3: {  	s17 =	simm.s32 $0xC700;
	[smem:$0x71E] =	sst s16  }
0x1a4: {  	s18 =	simm.s32 $0xCB00;
	[smem:$0x71F] =	sst s17  }
0x1a5: {  	s19 =	simm.s32 $0xCF00;
	[smem:$0x720] =	sst s18  }
0x1a6: {  	s20 =	simm.s32 $0xD300;
	[smem:$0x721] =	sst s19  }
0x1a7: {  	s21 =	simm.s32 $0xD700;
	[smem:$0x722] =	sst s20  }
0x1a8: {  	s22 =	simm.s32 $0xDB00;
	[smem:$0x723] =	sst s21  }
0x1a9: {  	s23 =	simm.s32 $0xDF00;
	[smem:$0x724] =	sst s22  }
0x1aa: {  	s24 =	simm.s32 $0xE300;
	[smem:$0x725] =	sst s23  }
0x1ab: {  	s25 =	simm.s32 $0xE700;
	[smem:$0x726] =	sst s24  }
0x1ac: {  	s26 =	simm.s32 $0xEB00;
	[smem:$0x727] =	sst s25  }
0x1ad: {  	s28 =	simm.s32 $0xEF00;
	[smem:$0x728] =	sst s26  }
0x1ae: {  	s7 =	simm.s32 $0xDE80;
	[smem:$0x729] =	sst s28  }
0x1af: {  	s29 =	simm.s32 $0xF300;
	[smem:$0x715] =	sst s7  }
0x1b0: {  	s30 =	simm.s32 $0xF700;
	[smem:$0x72A] =	sst s29  }
0x1b1: {  	s31 =	simm.s32 $0xFB00;
	[smem:$0x72B] =	sst s30  }
0x1b2: {  	s8 =	simm.s32 $0xC380;
	[smem:$0x72C] =	sst s31  }
0x1b3: {  	s9 =	simm.s32 $0xC780;
	[smem:$0x72E] =	sst s8  }
0x1b4: {  	s10 =	simm.s32 $0xCB80;
	[smem:$0x72F] =	sst s9  }
0x1b5: {  	s11 =	simm.s32 $0xCF80;
	[smem:$0x730] =	sst s10  }
0x1b6: {  	s12 =	simm.s32 $0xD380;
	[smem:$0x731] =	sst s11  }
0x1b7: {  	s13 =	simm.s32 $0xD780;
	[smem:$0x732] =	sst s12  }
0x1b8: {  	s14 =	simm.s32 $0xDB80;
	[smem:$0x733] =	sst s13  }
0x1b9: {  	s15 =	simm.s32 $0xDF80;
	[smem:$0x734] =	sst s14  }
0x1ba: {  	s16 =	simm.s32 $0xE380;
	[smem:$0x735] =	sst s15  }
0x1bb: {  	s17 =	simm.s32 $0xE780;
	[smem:$0x736] =	sst s16  }
0x1bc: {  	s18 =	simm.s32 $0xEB80;
	[smem:$0x737] =	sst s17  }
0x1bd: {  	s19 =	simm.s32 $0xEF80;
	[smem:$0x738] =	sst s18  }
0x1be: {  	s20 =	simm.s32 $0xF380;
	[smem:$0x739] =	sst s19  }
0x1bf: {  	s21 =	simm.s32 $0xF780;
	[smem:$0x73A] =	sst s20  }
0x1c0: {  	s22 =	simm.s32 $0xFB80;
	[smem:$0x73B] =	sst s21  }
0x1c1: {  	s23 =	simm.s32 $0xFF80;
	[smem:$0x73C] =	sst s22  }
0x1c2: {  	s24 =	simm.s32 $0x10000;
	[smem:$0x73D] =	sst s23  }
0x1c3: {  	s25 =	simm.s32 $0x10400;
	[smem:$0x73E] =	sst s24  }
0x1c4: {  	s26 =	simm.s32 $0x10800;
	[smem:$0x73F] =	sst s25  }
0x1c5: {  	s28 =	simm.s32 $0x10C00;
	[smem:$0x740] =	sst s26  }
0x1c6: {  	s7 =	simm.s32 $0xFF00;
	[smem:$0x741] =	sst s28  }
0x1c7: {  	s29 =	simm.s32 $0x11000;
	[smem:$0x72D] =	sst s7  }
0x1c8: {  	s30 =	simm.s32 $0x11400;
	[smem:$0x742] =	sst s29  }
0x1c9: {  	s31 =	simm.s32 $0x11800;
	[smem:$0x743] =	sst s30  }
0x1ca: {  	s8 =	simm.s32 $0x12000;
	[smem:$0x744] =	sst s31  }
0x1cb: {  	s9 =	simm.s32 $0x12400;
	[smem:$0x746] =	sst s8  }
0x1cc: {  	s10 =	simm.s32 $0x12800;
	[smem:$0x747] =	sst s9  }
0x1cd: {  	s11 =	simm.s32 $0x12C00;
	[smem:$0x748] =	sst s10  }
0x1ce: {  	s12 =	simm.s32 $0x13000;
	[smem:$0x749] =	sst s11  }
0x1cf: {  	s13 =	simm.s32 $0x13400;
	[smem:$0x74A] =	sst s12  }
0x1d0: {  	s14 =	simm.s32 $0x13800;
	[smem:$0x74B] =	sst s13  }
0x1d1: {  	s15 =	simm.s32 $0x13C00;
	[smem:$0x74C] =	sst s14  }
0x1d2: {  	s16 =	simm.s32 $0x10080;
	[smem:$0x74D] =	sst s15  }
0x1d3: {  	s17 =	simm.s32 $0x10480;
	[smem:$0x74E] =	sst s16  }
0x1d4: {  	s18 =	simm.s32 $0x10880;
	[smem:$0x74F] =	sst s17  }
0x1d5: {  	s19 =	simm.s32 $0x10C80;
	[smem:$0x750] =	sst s18  }
0x1d6: {  	s20 =	simm.s32 $0x11080;
	[smem:$0x751] =	sst s19  }
0x1d7: {  	s21 =	simm.s32 $0x11480;
	[smem:$0x752] =	sst s20  }
0x1d8: {  	s22 =	simm.s32 $0x11880;
	[smem:$0x753] =	sst s21  }
0x1d9: {  	s23 =	simm.s32 $0x11C80;
	[smem:$0x754] =	sst s22  }
0x1da: {  	s24 =	simm.s32 $0x12080;
	[smem:$0x755] =	sst s23  }
0x1db: {  	s25 =	simm.s32 $0x12480;
	[smem:$0x756] =	sst s24  }
0x1dc: {  	s26 =	simm.s32 $0x12880;
	[smem:$0x757] =	sst s25  }
0x1dd: {  	s28 =	simm.s32 $0x12C80;
	[smem:$0x758] =	sst s26  }
0x1de: {  	s7 =	simm.s32 $0x11C00;
	[smem:$0x759] =	sst s28  }
0x1df: {  	s29 =	simm.s32 $0x13080;
	[smem:$0x745] =	sst s7  }
0x1e0: {  	s30 =	simm.s32 $0x13480;
	[smem:$0x75A] =	sst s29  }
0x1e1: {  	s31 =	simm.s32 $0x13880;
	[smem:$0x75B] =	sst s30  }
0x1e2: {  	s8 =	simm.s32 $0x13C80;
	[smem:$0x75C] =	sst s31  }
0x1e3: {  	s9 =	simm.s32 $0x10100;
	[smem:$0x75D] =	sst s8  }
0x1e4: {  	s10 =	simm.s32 $0x10500;
	[smem:$0x75E] =	sst s9  }
0x1e5: {  	s11 =	simm.s32 $0x10900;
	[smem:$0x75F] =	sst s10  }
0x1e6: {  	s12 =	simm.s32 $0x10D00;
	[smem:$0x760] =	sst s11  }
0x1e7: {  	s13 =	simm.s32 $0x11100;
	[smem:$0x761] =	sst s12  }
0x1e8: {  	s14 =	simm.s32 $0x11500;
	[smem:$0x762] =	sst s13  }
0x1e9: {  	s15 =	simm.s32 $0x11900;
	[smem:$0x763] =	sst s14  }
0x1ea: {  	s16 =	simm.s32 $0x11D00;
	[smem:$0x764] =	sst s15  }
0x1eb: {  	s17 =	simm.s32 $0x12100;
	[smem:$0x765] =	sst s16  }
0x1ec: {  	s18 =	simm.s32 $0x12500;
	[smem:$0x766] =	sst s17  }
0x1ed: {  	s19 =	simm.s32 $0x12900;
	[smem:$0x767] =	sst s18  }
0x1ee: {  	s20 =	simm.s32 $0x12D00;
	[smem:$0x768] =	sst s19  }
0x1ef: {  	s21 =	simm.s32 $0x13100;
	[smem:$0x769] =	sst s20  }
0x1f0: {  	s22 =	simm.s32 $0x13500;
	[smem:$0x76A] =	sst s21  }
0x1f1: {  	s23 =	simm.s32 $0x13900;
	[smem:$0x76B] =	sst s22  }
0x1f2: {  	s24 =	simm.s32 $0x13D00;
	[smem:$0x76C] =	sst s23  }
0x1f3: {  	s25 =	simm.s32 $0x10180;
	[smem:$0x76D] =	sst s24  }
0x1f4: {  	s26 =	simm.s32 $0x10580;
	[smem:$0x76E] =	sst s25  }
0x1f5: {  	s28 =	simm.s32 $0x10980;
	[smem:$0x76F] =	sst s26  }
0x1f6: {  	s29 =	simm.s32 $0x10D80;
	[smem:$0x770] =	sst s28  }
0x1f7: {  	s30 =	simm.s32 $0x11180;
	[smem:$0x771] =	sst s29  }
0x1f8: {  	s31 =	simm.s32 $0x11580;
	[smem:$0x772] =	sst s30  }
0x1f9: {  	s8 =	simm.s32 $0x11980;
	[smem:$0x773] =	sst s31  }
0x1fa: {  	s9 =	simm.s32 $0x11D80;
	[smem:$0x774] =	sst s8  }
0x1fb: {  	s10 =	simm.s32 $0x12180;
	[smem:$0x775] =	sst s9  }
0x1fc: {  	s11 =	simm.s32 $0x12580;
	[smem:$0x776] =	sst s10  }
0x1fd: {  	s12 =	simm.s32 $0x12980;
	[smem:$0x777] =	sst s11  }
0x1fe: {  	s13 =	simm.s32 $0x12D80;
	[smem:$0x778] =	sst s12  }
0x1ff: {  	s14 =	simm.s32 $0x13180;
	[smem:$0x779] =	sst s13  }
0x200: {  	s15 =	simm.s32 $0x13580;
	[smem:$0x77A] =	sst s14  }
0x201: {  	s16 =	simm.s32 $0x13980;
	[smem:$0x77B] =	sst s15  }
0x202: {  	s17 =	simm.s32 $0x13D80;
	[smem:$0x77C] =	sst s16  }
0x203: {  	s18 =	simm.s32 $0x10200;
	[smem:$0x77D] =	sst s17  }
0x204: {  	s19 =	simm.s32 $0x10600;
	[smem:$0x77E] =	sst s18  }
0x205: {  	s20 =	simm.s32 $0x10A00;
	[smem:$0x77F] =	sst s19  }
0x206: {  	s21 =	simm.s32 $0x10E00;
	[smem:$0x780] =	sst s20  }
0x207: {  	s22 =	simm.s32 $0x11200;
	[smem:$0x781] =	sst s21  }
0x208: {  	s23 =	simm.s32 $0x11600;
	[smem:$0x782] =	sst s22  }
0x209: {  	s24 =	simm.s32 $0x11A00;
	[smem:$0x783] =	sst s23  }
0x20a: {  	s25 =	simm.s32 $0x11E00;
	[smem:$0x784] =	sst s24  }
0x20b: {  	s26 =	simm.s32 $0x12200;
	[smem:$0x785] =	sst s25  }
0x20c: {  	s28 =	simm.s32 $0x12600;
	[smem:$0x786] =	sst s26  }
0x20d: {  	s29 =	simm.s32 $0x12A00;
	[smem:$0x787] =	sst s28  }
0x20e: {  	s30 =	simm.s32 $0x12E00;
	[smem:$0x788] =	sst s29  }
0x20f: {  	s31 =	simm.s32 $0x13200;
	[smem:$0x789] =	sst s30  }
0x210: {  	s8 =	simm.s32 $0x13600;
	[smem:$0x78A] =	sst s31  }
0x211: {  	s9 =	simm.s32 $0x13A00;
	[smem:$0x78B] =	sst s8  }
0x212: {  	s10 =	simm.s32 $0x13E00;
	[smem:$0x78C] =	sst s9  }
0x213: {  	s11 =	simm.s32 $0x10280;
	[smem:$0x78D] =	sst s10  }
0x214: {  	s12 =	simm.s32 $0x10680;
	[smem:$0x78E] =	sst s11  }
0x215: {  	s13 =	simm.s32 $0x10A80;
	[smem:$0x78F] =	sst s12  }
0x216: {  	s14 =	simm.s32 $0x10E80;
	[smem:$0x790] =	sst s13  }
0x217: {  	s15 =	simm.s32 $0x11280;
	[smem:$0x791] =	sst s14  }
0x218: {  	s16 =	simm.s32 $0x11680;
	[smem:$0x792] =	sst s15  }
0x219: {  	s17 =	simm.s32 $0x11A80;
	[smem:$0x793] =	sst s16  }
0x21a: {  	s18 =	simm.s32 $0x11E80;
	[smem:$0x794] =	sst s17  }
0x21b: {  	s19 =	simm.s32 $0x12280;
	[smem:$0x795] =	sst s18  }
0x21c: {  	s20 =	simm.s32 $0x12680;
	[smem:$0x796] =	sst s19  }
0x21d: {  	s21 =	simm.s32 $0x12A80;
	[smem:$0x797] =	sst s20  }
0x21e: {  	s22 =	simm.s32 $0x12E80;
	[smem:$0x798] =	sst s21  }
0x21f: {  	s23 =	simm.s32 $0x13280;
	[smem:$0x799] =	sst s22  }
0x220: {  	s24 =	simm.s32 $0x13680;
	[smem:$0x79A] =	sst s23  }
0x221: {  	s25 =	simm.s32 $0x13A80;
	[smem:$0x79B] =	sst s24  }
0x222: {  	s26 =	simm.s32 $0x13E80;
	[smem:$0x79C] =	sst s25  }
0x223: {  	s28 =	simm.s32 $0x10300;
	[smem:$0x79D] =	sst s26  }
0x224: {  	s29 =	simm.s32 $0x10700;
	[smem:$0x79E] =	sst s28  }
0x225: {  	s30 =	simm.s32 $0x10B00;
	[smem:$0x79F] =	sst s29  }
0x226: {  	s31 =	simm.s32 $0x10F00;
	[smem:$0x7A0] =	sst s30  }
0x227: {  	s8 =	simm.s32 $0x11300;
	[smem:$0x7A1] =	sst s31  }
0x228: {  	s9 =	simm.s32 $0x11700;
	[smem:$0x7A2] =	sst s8  }
0x229: {  	s10 =	simm.s32 $0x11B00;
	[smem:$0x7A3] =	sst s9  }
0x22a: {  	s11 =	simm.s32 $0x11F00;
	[smem:$0x7A4] =	sst s10  }
0x22b: {  	s12 =	simm.s32 $0x12300;
	[smem:$0x7A5] =	sst s11  }
0x22c: {  	s13 =	simm.s32 $0x12700;
	[smem:$0x7A6] =	sst s12  }
0x22d: {  	s14 =	simm.s32 $0x12B00;
	[smem:$0x7A7] =	sst s13  }
0x22e: {  	s15 =	simm.s32 $0x12F00;
	[smem:$0x7A8] =	sst s14  }
0x22f: {  	s16 =	simm.s32 $0x13300;
	[smem:$0x7A9] =	sst s15  }
0x230: {  	s17 =	simm.s32 $0x13700;
	[smem:$0x7AA] =	sst s16  }
0x231: {  	s18 =	simm.s32 $0x13B00;
	[smem:$0x7AB] =	sst s17  }
0x232: {  	s19 =	simm.s32 $0x13F00;
	[smem:$0x7AC] =	sst s18  }
0x233: {  	s20 =	simm.s32 $0x10380;
	[smem:$0x7AD] =	sst s19  }
0x234: {  	s21 =	simm.s32 $0x10780;
	[smem:$0x7AE] =	sst s20  }
0x235: {  	s22 =	simm.s32 $0x10B80;
	[smem:$0x7AF] =	sst s21  }
0x236: {  	s23 =	simm.s32 $0x10F80;
	[smem:$0x7B0] =	sst s22  }
0x237: {  	s24 =	simm.s32 $0x11380;
	[smem:$0x7B1] =	sst s23  }
0x238: {  	s25 =	simm.s32 $0x11780;
	[smem:$0x7B2] =	sst s24  }
0x239: {  	s26 =	simm.s32 $0x11B80;
	[smem:$0x7B3] =	sst s25  }
0x23a: {  	s28 =	simm.s32 $0x11F80;
	[smem:$0x7B4] =	sst s26  }
0x23b: {  	s29 =	simm.s32 $0x12380;
	[smem:$0x7B5] =	sst s28  }
0x23c: {  	s30 =	simm.s32 $0x12780;
	[smem:$0x7B6] =	sst s29  }
0x23d: {  	s31 =	simm.s32 $0x12B80;
	[smem:$0x7B7] =	sst s30  }
0x23e: {  	s8 =	simm.s32 $0x12F80;
	[smem:$0x7B8] =	sst s31  }
0x23f: {  	s9 =	simm.s32 $0x13380;
	[smem:$0x7B9] =	sst s8  }
0x240: {  	s10 =	simm.s32 $0x13780;
	[smem:$0x7BA] =	sst s9  }
0x241: {  	s11 =	simm.s32 $0x13B80;
	[smem:$0x7BB] =	sst s10  }
0x242: {  	s12 =	simm.s32 $0x13F80;
	[smem:$0x7BC] =	sst s11  }
0x243: {  	s13 =	simm.s32 $0x14000;
	[smem:$0x7BD] =	sst s12  }
0x244: {  	s14 =	simm.s32 $0x14400;
	[smem:$0x7BE] =	sst s13  }
0x245: {  	s15 =	simm.s32 $0x14800;
	[smem:$0x7BF] =	sst s14  }
0x246: {  	s16 =	simm.s32 $0x14C00;
	[smem:$0x7C0] =	sst s15  }
0x247: {  	s17 =	simm.s32 $0x15000;
	[smem:$0x7C1] =	sst s16  }
0x248: {  	s18 =	simm.s32 $0x15400;
	[smem:$0x7C2] =	sst s17  }
0x249: {  	s19 =	simm.s32 $0x15800;
	[smem:$0x7C3] =	sst s18  }
0x24a: {  	s20 =	simm.s32 $0x15C00;
	[smem:$0x7C4] =	sst s19  }
0x24b: {  	s21 =	simm.s32 $0x16000;
	[smem:$0x7C5] =	sst s20  }
0x24c: {  	s22 =	simm.s32 $0x16400;
	[smem:$0x7C6] =	sst s21  }
0x24d: {  	s23 =	simm.s32 $0x16800;
	[smem:$0x7C7] =	sst s22  }
0x24e: {  	s24 =	simm.s32 $0x16C00;
	[smem:$0x7C8] =	sst s23  }
0x24f: {  	s25 =	simm.s32 $0x17000;
	[smem:$0x7C9] =	sst s24  }
0x250: {  	s26 =	simm.s32 $0x17400;
	[smem:$0x7CA] =	sst s25  }
0x251: {  	s28 =	simm.s32 $0x17800;
	[smem:$0x7CB] =	sst s26  }
0x252: {  	s29 =	simm.s32 $0x17C00;
	[smem:$0x7CC] =	sst s28  }
0x253: {  	s30 =	simm.s32 $0x14080;
	[smem:$0x7CD] =	sst s29  }
0x254: {  	s31 =	simm.s32 $0x14480;
	[smem:$0x7CE] =	sst s30  }
0x255: {  	s8 =	simm.s32 $0x14880;
	[smem:$0x7CF] =	sst s31  }
0x256: {  	s9 =	simm.s32 $0x14C80;
	[smem:$0x7D0] =	sst s8  }
0x257: {  	s10 =	simm.s32 $0x15080;
	[smem:$0x7D1] =	sst s9  }
0x258: {  	s11 =	simm.s32 $0x15480;
	[smem:$0x7D2] =	sst s10  }
0x259: {  	s12 =	simm.s32 $0x15880;
	[smem:$0x7D3] =	sst s11  }
0x25a: {  	s13 =	simm.s32 $0x15C80;
	[smem:$0x7D4] =	sst s12  }
0x25b: {  	s14 =	simm.s32 $0x16080;
	[smem:$0x7D5] =	sst s13  }
0x25c: {  	s15 =	simm.s32 $0x16480;
	[smem:$0x7D6] =	sst s14  }
0x25d: {  	s16 =	simm.s32 $0x16880;
	[smem:$0x7D7] =	sst s15  }
0x25e: {  	s17 =	simm.s32 $0x16C80;
	[smem:$0x7D8] =	sst s16  }
0x25f: {  	s18 =	simm.s32 $0x17080;
	[smem:$0x7D9] =	sst s17  }
0x260: {  	s19 =	simm.s32 $0x17480;
	[smem:$0x7DA] =	sst s18  }
0x261: {  	s20 =	simm.s32 $0x17880;
	[smem:$0x7DB] =	sst s19  }
0x262: {  	s21 =	simm.s32 $0x17C80;
	[smem:$0x7DC] =	sst s20  }
0x263: {  	s22 =	simm.s32 $0x14100;
	[smem:$0x7DD] =	sst s21  }
0x264: {  	s23 =	simm.s32 $0x14500;
	[smem:$0x7DE] =	sst s22  }
0x265: {  	s24 =	simm.s32 $0x14900;
	[smem:$0x7DF] =	sst s23  }
0x266: {  	s25 =	simm.s32 $0x14D00;
	[smem:$0x7E0] =	sst s24  }
0x267: {  	s26 =	simm.s32 $0x15100;
	[smem:$0x7E1] =	sst s25  }
0x268: {  	s28 =	simm.s32 $0x15500;
	[smem:$0x7E2] =	sst s26  }
0x269: {  	s29 =	simm.s32 $0x15900;
	[smem:$0x7E3] =	sst s28  }
0x26a: {  	s30 =	simm.s32 $0x15D00;
	[smem:$0x7E4] =	sst s29  }
0x26b: {  	s31 =	simm.s32 $0x16100;
	[smem:$0x7E5] =	sst s30  }
0x26c: {  	s8 =	simm.s32 $0x16500;
	[smem:$0x7E6] =	sst s31  }
0x26d: {  	s9 =	simm.s32 $0x16900;
	[smem:$0x7E7] =	sst s8  }
0x26e: {  	s10 =	simm.s32 $0x16D00;
	[smem:$0x7E8] =	sst s9  }
0x26f: {  	s11 =	simm.s32 $0x17100;
	[smem:$0x7E9] =	sst s10  }
0x270: {  	s12 =	simm.s32 $0x17500;
	[smem:$0x7EA] =	sst s11  }
0x271: {  	s13 =	simm.s32 $0x17900;
	[smem:$0x7EB] =	sst s12  }
0x272: {  	s14 =	simm.s32 $0x17D00;
	[smem:$0x7EC] =	sst s13  }
0x273: {  	s15 =	simm.s32 $0x14180;
	[smem:$0x7ED] =	sst s14  }
0x274: {  	s16 =	simm.s32 $0x14580;
	[smem:$0x7EE] =	sst s15  }
0x275: {  	s18 =	simm.s32 $0x14980;
	[smem:$0x7EF] =	sst s16  }
0x276: {  	s20 =	simm.s32 $0x15180;
	[smem:$0x7F0] =	sst s18  }
0x277: {  	s22 =	simm.s32 $0x15580;
	[smem:$0x7F2] =	sst s20  }
0x278: {  	s7 =	simm.s32 $0x800000;
	s23 =	simm.s32 $0x15980;
	[smem:$0x7F3] =	sst s22  }
0x279: {  	s17 =	ssub.s32 $0x2, s5;
	s25 =	simm.s32 $0x15D80;
	[smem:$0x7F4] =	sst s23  }
0x27a: {  	s21 =	sshll.u32 s2, $0x1;
	s26 =	simm.s32 $0x16180;
	[smem:$0x7F5] =	sst s25  }
0x27b: {  	s28 =	simm.s32 $0x16580;
	s19 =	sshrl.u32 s17, $0x1;
	[smem:$0x7F6] =	sst s26  }
0x27c: {  	s9 =	simm.s32 $0x14D80;
	s13 =	sor.u32 s5, s21;
	[smem:$0x7F7] =	sst s28  }
0x27d: {  	s10 =	simm.s32 $0x16980;
	s8 =	simm.s32 $0x1;
	[smem:$0x7F1] =	sst s9  }
0x27e: {  	s11 =	simm.s32 $0x16D80;
	s29 =	simm.s32 $0x17180;
	[smem:$0x7F8] =	sst s10  }
0x27f: {  	s14 =	simm.s32 $0x17580;
	s30 =	simm.s32 $0x17980;
	[smem:$0x7F9] =	sst s11  }
0x280: {  	s31 =	simm.s32 $0x17D80;
	s12 =	ssub.s32 s17, s19;
	[smem:$0x7FA] =	sst s29  }
0x281: {  	s24 =	sshll.u32 s13, $0xF;
	s9 =	simm.s32 $0x2;
	[smem:$0x7FB] =	sst s14  }
0x282: {  	s10 =	simm.s32 $0xC000;
	s11 =	simm.s32 $0x4000;
	[smem:$0x7FC] =	sst s30  }
0x283: {  	s13 =	sshll.u32 s13, $0x4;
	[smem:$0x7FD] =	sst s31;
	s5 =	sadd.s32 s1, s24  }
0x284: {  	s14 =	simm.s32 $0x0;
	s12 =	smax.u32 s12, $0x1;
	s6 =	sadd.s32 $0x800, s5  }
.LBB2_1:
0x285: {  	[tilespmem:s3], [sflag:$0x1] =	stream.strided.gather [hbm4b:s5+s11], $0xC000, s7, s11, $0x38;
	[tilespmem:$0x18000] =	vst v63  }
0x286: {  	s15 =	simm.s32 $0x3;
	s16 =	simm.s32 $0x0  }
0x287: {  	[tilespmem:s10], [sflag:$0x1] =	stream.strided.gather [hbm4b:s6+s11], $0xC000, s7, s11, $0x38;
	[tilespmem:$0x18000] =	vst v63  }
.LBB2_2:
0x288: {  	s18 =	rddreg [dreg:$0x4];
	_ =	swait.ge [sflag:s8], $0xC000  }
0x289: {  	s17 =	rddreg [dreg:$0x3];
	[sflag:s8] =	ssyncset.done $0x0  }
0x28a: {  	s19 =	rddreg [dreg:$0x5];
	[sflag:s8] =	ssyncadd.s32 $0xFFFF4000;
	s17 =	sadd.s32 s16, s17  }
0x28b: {  	[hbm4b:s17+s3] =	stream.linear.scatter [tilespmem:s3], [sflag:$0x2], $0x80, $0x38;
	[tilespmem:$0x18000] =	vst v63  }
0x28c: {  	s21 =	rddreg [dreg:$0x6];
	s20 =	sadd.s32 $0x10, s17  }
0x28d: {  	[hbm4b:s20+s3] =	stream.linear.scatter [tilespmem:s19], [sflag:$0x2], $0x80, $0x38;
	[tilespmem:$0x18000] =	vst v63  }
0x28e: {  	s29 =	rddreg [dreg:$0x7];
	s28 =	sadd.s32 $0x20, s17  }
0x28f: {  	[hbm4b:s28+s3] =	stream.linear.scatter [tilespmem:s21], [sflag:$0x2], $0x80, $0x38;
	[tilespmem:$0x18000] =	vst v63  }
0x290: {  	s31 =	rddreg [dreg:$0x8];
	s30 =	sadd.s32 $0x30, s17  }
0x291: {  	[hbm4b:s30+s3] =	stream.linear.scatter [tilespmem:s29], [sflag:$0x2], $0x80, $0x38;
	[tilespmem:$0x18000] =	vst v63  }
0x292: {  	s22 =	rddreg [dreg:$0x9];
	s20 =	sadd.s32 $0x40, s17  }
0x293: {  	[hbm4b:s20+s3] =	stream.linear.scatter [tilespmem:s31], [sflag:$0x2], $0x80, $0x38;
	[tilespmem:$0x18000] =	vst v63  }
0x294: {  	s24 =	rddreg [dreg:$0xa];
	s23 =	sadd.s32 $0x50, s17  }
0x295: {  	[hbm4b:s23+s3] =	stream.linear.scatter [tilespmem:s22], [sflag:$0x2], $0x80, $0x38;
	[tilespmem:$0x18000] =	vst v63  }
0x296: {  	s26 =	rddreg [dreg:$0xb];
	s25 =	sadd.s32 $0x60, s17  }
0x297: {  	[hbm4b:s25+s3] =	stream.linear.scatter [tilespmem:s24], [sflag:$0x2], $0x80, $0x38;
	[tilespmem:$0x18000] =	vst v63  }
0x298: {  	s28 =	sadd.s32 $0x70, s17;
	s29 =	rddreg [dreg:$0xc]  }
0x299: {  	[hbm4b:s28+s3] =	stream.linear.scatter [tilespmem:s26], [sflag:$0x2], $0x80, $0x38;
	[tilespmem:$0x18000] =	vst v63  }
0x29a: {  	s30 =	sadd.s32 $0x80, s17;
	s31 =	rddreg [dreg:$0xd]  }
0x29b: {  	[hbm4b:s30+s3] =	stream.linear.scatter [tilespmem:s29], [sflag:$0x2], $0x80, $0x38;
	[tilespmem:$0x18000] =	vst v63  }
0x29c: {  	s21 =	sadd.s32 $0x90, s17;
	s22 =	rddreg [dreg:$0xe]  }
0x29d: {  	[hbm4b:s21+s3] =	stream.linear.scatter [tilespmem:s31], [sflag:$0x2], $0x80, $0x38;
	[tilespmem:$0x18000] =	vst v63  }
0x29e: {  	s23 =	sadd.s32 $0xA0, s17;
	s24 =	rddreg [dreg:$0xf]  }
0x29f: {  	[hbm4b:s23+s3] =	stream.linear.scatter [tilespmem:s22], [sflag:$0x2], $0x80, $0x38;
	[tilespmem:$0x18000] =	vst v63  }
0x2a0: {  	s25 =	sadd.s32 $0xB0, s17;
	s26 =	rddreg [dreg:$0x10]  }
0x2a1: {  	[hbm4b:s25+s3] =	stream.linear.scatter [tilespmem:s24], [sflag:$0x2], $0x80, $0x38;
	[tilespmem:$0x18000] =	vst v63  }
0x2a2: {  	s28 =	sadd.s32 $0xC0, s17;
	s29 =	rddreg [dreg:$0x11]  }
0x2a3: {  	[hbm4b:s28+s3] =	stream.linear.scatter [tilespmem:s26], [sflag:$0x2], $0x80, $0x38;
	[tilespmem:$0x18000] =	vst v63  }
0x2a4: {  	s30 =	sadd.s32 $0xD0, s17;
	s31 =	rddreg [dreg:$0x12]  }
0x2a5: {  	[hbm4b:s30+s3] =	stream.linear.scatter [tilespmem:s29], [sflag:$0x2], $0x80, $0x38;
	[tilespmem:$0x18000] =	vst v63  }
0x2a6: {  	s18 =	sadd.s32 s16, s18;
	s22 =	sadd.s32 $0xE0, s17;
	s23 =	rddreg [dreg:$0x13]  }
0x2a7: {  	[hbm4b:s22+s3] =	stream.linear.scatter [tilespmem:s31], [sflag:$0x2], $0x80, $0x38;
	[tilespmem:$0x18000] =	vst v63  }
0x2a8: {  	s24 =	sadd.s32 $0xF0, s17;
	s25 =	rddreg [dreg:$0x14];
	s26 =	sor.u32 $0x20000, s18  }
0x2a9: {  	[hbm4b:s24+s3] =	stream.linear.scatter [tilespmem:s23], [sflag:$0x2], $0x80, $0x38;
	[tilespmem:$0x18000] =	vst v63  }
0x2aa: {  	s28 =	rddreg [dreg:$0x15];
	s20 =	sadd.s32 s4, s26  }
0x2ab: {  	[hbm4b:s20+s3] =	stream.linear.scatter [tilespmem:s25], [sflag:$0x2], $0x80, $0x38;
	[tilespmem:$0x18000] =	vst v63  }
0x2ac: {  	s26 =	rddreg [dreg:$0x19];
	s29 =	sadd.s32 $0x10, s20  }
0x2ad: {  	[hbm4b:s29+s3] =	stream.linear.scatter [tilespmem:s28], [sflag:$0x2], $0x80, $0x38;
	[tilespmem:$0x18000] =	vst v63  }
0x2ae: {  	s30 =	sadd.s32 $0x20, s20;
	s22 =	rddreg [dreg:$0x16]  }
0x2af: {  	[hbm4b:s30+s3] =	stream.linear.scatter [tilespmem:s22], [sflag:$0x2], $0x80, $0x38;
	[tilespmem:$0x18000] =	vst v63  }
0x2b0: {  	s31 =	rddreg [dreg:$0x17];
	s23 =	sadd.s32 $0x30, s20  }
0x2b1: {  	[hbm4b:s23+s3] =	stream.linear.scatter [tilespmem:s31], [sflag:$0x2], $0x80, $0x38;
	[tilespmem:$0x18000] =	vst v63  }
0x2b2: {  	s24 =	rddreg [dreg:$0x18];
	s25 =	sadd.s32 $0x40, s20  }
0x2b3: {  	[hbm4b:s25+s3] =	stream.linear.scatter [tilespmem:s24], [sflag:$0x2], $0x80, $0x38;
	[tilespmem:$0x18000] =	vst v63  }
0x2b4: {  	s28 =	sadd.s32 $0x50, s20;
	s29 =	rddreg [dreg:$0x1a]  }
0x2b5: {  	[hbm4b:s28+s3] =	stream.linear.scatter [tilespmem:s26], [sflag:$0x2], $0x80, $0x38;
	[tilespmem:$0x18000] =	vst v63  }
0x2b6: {  	s30 =	sadd.s32 $0x60, s20;
	s31 =	rddreg [dreg:$0x1b]  }
0x2b7: {  	[hbm4b:s30+s3] =	stream.linear.scatter [tilespmem:s29], [sflag:$0x2], $0x80, $0x38;
	[tilespmem:$0x18000] =	vst v63  }
0x2b8: {  	s23 =	sadd.s32 $0x70, s20;
	s24 =	rddreg [dreg:$0x1c]  }
0x2b9: {  	[hbm4b:s23+s3] =	stream.linear.scatter [tilespmem:s31], [sflag:$0x2], $0x80, $0x38;
	[tilespmem:$0x18000] =	vst v63  }
0x2ba: {  	s25 =	sadd.s32 $0x80, s20;
	s26 =	rddreg [dreg:$0x1d]  }
0x2bb: {  	[hbm4b:s25+s3] =	stream.linear.scatter [tilespmem:s24], [sflag:$0x2], $0x80, $0x38;
	[tilespmem:$0x18000] =	vst v63  }
0x2bc: {  	s28 =	sadd.s32 $0x90, s20;
	s29 =	rddreg [dreg:$0x1e]  }
0x2bd: {  	[hbm4b:s28+s3] =	stream.linear.scatter [tilespmem:s26], [sflag:$0x2], $0x80, $0x38;
	[tilespmem:$0x18000] =	vst v63  }
0x2be: {  	s30 =	sadd.s32 $0xA0, s20;
	s31 =	rddreg [dreg:$0x1f]  }
0x2bf: {  	[hbm4b:s30+s3] =	stream.linear.scatter [tilespmem:s29], [sflag:$0x2], $0x80, $0x38;
	[tilespmem:$0x18000] =	vst v63  }
0x2c0: {  	s23 =	sadd.s32 $0xB0, s20;
	s24 =	sld [smem:$0x59C]  }
0x2c1: {  	[hbm4b:s23+s3] =	stream.linear.scatter [tilespmem:s31], [sflag:$0x2], $0x80, $0x38;
	[tilespmem:$0x18000] =	vst v63  }
0x2c2: {  	s25 =	sadd.s32 $0xC0, s20;
	s26 =	sld [smem:$0x59D]  }
0x2c3: {  	[hbm4b:s25+s3] =	stream.linear.scatter [tilespmem:s24], [sflag:$0x2], $0x80, $0x38;
	[tilespmem:$0x18000] =	vst v63  }
0x2c4: {  	s28 =	sadd.s32 $0xD0, s20;
	s29 =	sld [smem:$0x59E]  }
0x2c5: {  	[hbm4b:s28+s3] =	stream.linear.scatter [tilespmem:s26], [sflag:$0x2], $0x80, $0x38;
	[tilespmem:$0x18000] =	vst v63  }
0x2c6: {  	s30 =	sadd.s32 $0xE0, s20;
	s31 =	sld [smem:$0x59F]  }
0x2c7: {  	[hbm4b:s30+s3] =	stream.linear.scatter [tilespmem:s29], [sflag:$0x2], $0x80, $0x38;
	[tilespmem:$0x18000] =	vst v63  }
0x2c8: {  	s23 =	sadd.s32 $0xF0, s20;
	s24 =	sld [smem:$0x5A0];
	s25 =	sor.u32 $0x40000, s18  }
0x2c9: {  	[hbm4b:s23+s3] =	stream.linear.scatter [tilespmem:s31], [sflag:$0x2], $0x80, $0x38;
	[tilespmem:$0x18000] =	vst v63  }
0x2ca: {  	s20 =	sadd.s32 s4, s25;
	s26 =	sld [smem:$0x5A1]  }
0x2cb: {  	[hbm4b:s20+s3] =	stream.linear.scatter [tilespmem:s24], [sflag:$0x2], $0x80, $0x38;
	[tilespmem:$0x18000] =	vst v63  }
0x2cc: {  	s28 =	sadd.s32 $0x10, s20;
	s29 =	sld [smem:$0x5A2]  }
0x2cd: {  	[hbm4b:s28+s3] =	stream.linear.scatter [tilespmem:s26], [sflag:$0x2], $0x80, $0x38;
	[tilespmem:$0x18000] =	vst v63  }
0x2ce: {  	s30 =	sadd.s32 $0x20, s20;
	s31 =	sld [smem:$0x5A3]  }
0x2cf: {  	[hbm4b:s30+s3] =	stream.linear.scatter [tilespmem:s29], [sflag:$0x2], $0x80, $0x38;
	[tilespmem:$0x18000] =	vst v63  }
0x2d0: {  	s23 =	sadd.s32 $0x30, s20;
	s24 =	sld [smem:$0x5A4]  }
0x2d1: {  	[hbm4b:s23+s3] =	stream.linear.scatter [tilespmem:s31], [sflag:$0x2], $0x80, $0x38;
	[tilespmem:$0x18000] =	vst v63  }
0x2d2: {  	s25 =	sadd.s32 $0x40, s20;
	s26 =	sld [smem:$0x5A5]  }
0x2d3: {  	[hbm4b:s25+s3] =	stream.linear.scatter [tilespmem:s24], [sflag:$0x2], $0x80, $0x38;
	[tilespmem:$0x18000] =	vst v63  }
0x2d4: {  	s28 =	sadd.s32 $0x50, s20;
	s29 =	sld [smem:$0x5A6]  }
0x2d5: {  	[hbm4b:s28+s3] =	stream.linear.scatter [tilespmem:s26], [sflag:$0x2], $0x80, $0x38;
	[tilespmem:$0x18000] =	vst v63  }
0x2d6: {  	s30 =	sadd.s32 $0x60, s20;
	s31 =	sld [smem:$0x5A7]  }
0x2d7: {  	[hbm4b:s30+s3] =	stream.linear.scatter [tilespmem:s29], [sflag:$0x2], $0x80, $0x38;
	[tilespmem:$0x18000] =	vst v63  }
0x2d8: {  	s23 =	sadd.s32 $0x70, s20;
	s24 =	sld [smem:$0x5A8]  }
0x2d9: {  	[hbm4b:s23+s3] =	stream.linear.scatter [tilespmem:s31], [sflag:$0x2], $0x80, $0x38;
	[tilespmem:$0x18000] =	vst v63  }
0x2da: {  	s25 =	sadd.s32 $0x80, s20;
	s26 =	sld [smem:$0x5A9]  }
0x2db: {  	[hbm4b:s25+s3] =	stream.linear.scatter [tilespmem:s24], [sflag:$0x2], $0x80, $0x38;
	[tilespmem:$0x18000] =	vst v63  }
0x2dc: {  	s28 =	sadd.s32 $0x90, s20;
	s29 =	sld [smem:$0x5AA]  }
0x2dd: {  	[hbm4b:s28+s3] =	stream.linear.scatter [tilespmem:s26], [sflag:$0x2], $0x80, $0x38;
	[tilespmem:$0x18000] =	vst v63  }
0x2de: {  	s30 =	sadd.s32 $0xA0, s20;
	s31 =	sld [smem:$0x5AB]  }
0x2df: {  	[hbm4b:s30+s3] =	stream.linear.scatter [tilespmem:s29], [sflag:$0x2], $0x80, $0x38;
	[tilespmem:$0x18000] =	vst v63  }
0x2e0: {  	s23 =	sadd.s32 $0xB0, s20;
	s24 =	sld [smem:$0x5AC]  }
0x2e1: {  	[hbm4b:s23+s3] =	stream.linear.scatter [tilespmem:s31], [sflag:$0x2], $0x80, $0x38;
	[tilespmem:$0x18000] =	vst v63  }
0x2e2: {  	s25 =	sadd.s32 $0xC0, s20;
	s26 =	sld [smem:$0x5AD]  }
0x2e3: {  	[hbm4b:s25+s3] =	stream.linear.scatter [tilespmem:s24], [sflag:$0x2], $0x80, $0x38;
	[tilespmem:$0x18000] =	vst v63  }
0x2e4: {  	s28 =	sadd.s32 $0xD0, s20;
	s29 =	sld [smem:$0x5AE]  }
0x2e5: {  	[hbm4b:s28+s3] =	stream.linear.scatter [tilespmem:s26], [sflag:$0x2], $0x80, $0x38;
	[tilespmem:$0x18000] =	vst v63  }
0x2e6: {  	s30 =	sadd.s32 $0xE0, s20;
	s31 =	sld [smem:$0x5AF]  }
0x2e7: {  	[hbm4b:s30+s3] =	stream.linear.scatter [tilespmem:s29], [sflag:$0x2], $0x80, $0x38;
	[tilespmem:$0x18000] =	vst v63  }
0x2e8: {  	s23 =	sadd.s32 $0xF0, s20;
	s24 =	sld [smem:$0x5B0];
	s25 =	sor.u32 $0x60000, s18  }
0x2e9: {  	[hbm4b:s23+s3] =	stream.linear.scatter [tilespmem:s31], [sflag:$0x2], $0x80, $0x38;
	[tilespmem:$0x18000] =	vst v63  }
0x2ea: {  	s20 =	sadd.s32 s4, s25;
	s26 =	sld [smem:$0x5B1]  }
0x2eb: {  	[hbm4b:s20+s3] =	stream.linear.scatter [tilespmem:s24], [sflag:$0x2], $0x80, $0x38;
	[tilespmem:$0x18000] =	vst v63  }
0x2ec: {  	s28 =	sadd.s32 $0x10, s20;
	s29 =	sld [smem:$0x5B2]  }
0x2ed: {  	[hbm4b:s28+s3] =	stream.linear.scatter [tilespmem:s26], [sflag:$0x2], $0x80, $0x38;
	[tilespmem:$0x18000] =	vst v63  }
0x2ee: {  	s30 =	sadd.s32 $0x20, s20;
	s31 =	sld [smem:$0x5B3]  }
0x2ef: {  	[hbm4b:s30+s3] =	stream.linear.scatter [tilespmem:s29], [sflag:$0x2], $0x80, $0x38;
	[tilespmem:$0x18000] =	vst v63  }
0x2f0: {  	s23 =	sadd.s32 $0x30, s20;
	s24 =	sld [smem:$0x5B4]  }
0x2f1: {  	[hbm4b:s23+s3] =	stream.linear.scatter [tilespmem:s31], [sflag:$0x2], $0x80, $0x38;
	[tilespmem:$0x18000] =	vst v63  }
0x2f2: {  	s25 =	sadd.s32 $0x40, s20;
	s26 =	sld [smem:$0x5B5]  }
0x2f3: {  	[hbm4b:s25+s3] =	stream.linear.scatter [tilespmem:s24], [sflag:$0x2], $0x80, $0x38;
	[tilespmem:$0x18000] =	vst v63  }
0x2f4: {  	s28 =	sadd.s32 $0x50, s20;
	s29 =	sld [smem:$0x5B6]  }
0x2f5: {  	[hbm4b:s28+s3] =	stream.linear.scatter [tilespmem:s26], [sflag:$0x2], $0x80, $0x38;
	[tilespmem:$0x18000] =	vst v63  }
0x2f6: {  	s30 =	sadd.s32 $0x60, s20;
	s31 =	sld [smem:$0x5B7]  }
0x2f7: {  	[hbm4b:s30+s3] =	stream.linear.scatter [tilespmem:s29], [sflag:$0x2], $0x80, $0x38;
	[tilespmem:$0x18000] =	vst v63  }
0x2f8: {  	s23 =	sadd.s32 $0x70, s20;
	s24 =	sld [smem:$0x5B8]  }
0x2f9: {  	[hbm4b:s23+s3] =	stream.linear.scatter [tilespmem:s31], [sflag:$0x2], $0x80, $0x38;
	[tilespmem:$0x18000] =	vst v63  }
0x2fa: {  	s25 =	sadd.s32 $0x80, s20;
	s26 =	sld [smem:$0x5B9]  }
0x2fb: {  	[hbm4b:s25+s3] =	stream.linear.scatter [tilespmem:s24], [sflag:$0x2], $0x80, $0x38;
	[tilespmem:$0x18000] =	vst v63  }
0x2fc: {  	s28 =	sadd.s32 $0x90, s20;
	s29 =	sld [smem:$0x5BA]  }
0x2fd: {  	[hbm4b:s28+s3] =	stream.linear.scatter [tilespmem:s26], [sflag:$0x2], $0x80, $0x38;
	[tilespmem:$0x18000] =	vst v63  }
0x2fe: {  	s30 =	sadd.s32 $0xA0, s20;
	s31 =	sld [smem:$0x5BB]  }
0x2ff: {  	[hbm4b:s30+s3] =	stream.linear.scatter [tilespmem:s29], [sflag:$0x2], $0x80, $0x38;
	[tilespmem:$0x18000] =	vst v63  }
0x300: {  	s23 =	sadd.s32 $0xB0, s20;
	s24 =	sld [smem:$0x5BC]  }
0x301: {  	[hbm4b:s23+s3] =	stream.linear.scatter [tilespmem:s31], [sflag:$0x2], $0x80, $0x38;
	[tilespmem:$0x18000] =	vst v63  }
0x302: {  	s25 =	sadd.s32 $0xC0, s20;
	s26 =	sld [smem:$0x5BD]  }
0x303: {  	[hbm4b:s25+s3] =	stream.linear.scatter [tilespmem:s24], [sflag:$0x2], $0x80, $0x38;
	[tilespmem:$0x18000] =	vst v63  }
0x304: {  	s28 =	sadd.s32 $0xD0, s20;
	s29 =	sld [smem:$0x5BE]  }
0x305: {  	[hbm4b:s28+s3] =	stream.linear.scatter [tilespmem:s26], [sflag:$0x2], $0x80, $0x38;
	[tilespmem:$0x18000] =	vst v63  }
0x306: {  	s30 =	sadd.s32 $0xE0, s20;
	s31 =	sld [smem:$0x5BF]  }
0x307: {  	[hbm4b:s30+s3] =	stream.linear.scatter [tilespmem:s29], [sflag:$0x2], $0x80, $0x38;
	[tilespmem:$0x18000] =	vst v63  }
0x308: {  	s23 =	sadd.s32 $0xF0, s20;
	s24 =	sld [smem:$0x5C0];
	s25 =	sor.u32 $0x80000, s18  }
0x309: {  	[hbm4b:s23+s3] =	stream.linear.scatter [tilespmem:s31], [sflag:$0x2], $0x80, $0x38;
	[tilespmem:$0x18000] =	vst v63  }
0x30a: {  	s20 =	sadd.s32 s4, s25;
	s26 =	sld [smem:$0x5C1]  }
0x30b: {  	[hbm4b:s20+s3] =	stream.linear.scatter [tilespmem:s24], [sflag:$0x2], $0x80, $0x38;
	[tilespmem:$0x18000] =	vst v63  }
0x30c: {  	s28 =	sadd.s32 $0x10, s20;
	s29 =	sld [smem:$0x5C2]  }
0x30d: {  	[hbm4b:s28+s3] =	stream.linear.scatter [tilespmem:s26], [sflag:$0x2], $0x80, $0x38;
	[tilespmem:$0x18000] =	vst v63  }
0x30e: {  	s30 =	sadd.s32 $0x20, s20;
	s31 =	sld [smem:$0x5C3]  }
0x30f: {  	[hbm4b:s30+s3] =	stream.linear.scatter [tilespmem:s29], [sflag:$0x2], $0x80, $0x38;
	[tilespmem:$0x18000] =	vst v63  }
0x310: {  	s23 =	sadd.s32 $0x30, s20;
	s24 =	sld [smem:$0x5C4]  }
0x311: {  	[hbm4b:s23+s3] =	stream.linear.scatter [tilespmem:s31], [sflag:$0x2], $0x80, $0x38;
	[tilespmem:$0x18000] =	vst v63  }
0x312: {  	s25 =	sadd.s32 $0x40, s20;
	s26 =	sld [smem:$0x5C5]  }
0x313: {  	[hbm4b:s25+s3] =	stream.linear.scatter [tilespmem:s24], [sflag:$0x2], $0x80, $0x38;
	[tilespmem:$0x18000] =	vst v63  }
0x314: {  	s28 =	sadd.s32 $0x50, s20;
	s29 =	sld [smem:$0x5C6]  }
0x315: {  	[hbm4b:s28+s3] =	stream.linear.scatter [tilespmem:s26], [sflag:$0x2], $0x80, $0x38;
	[tilespmem:$0x18000] =	vst v63  }
0x316: {  	s30 =	sadd.s32 $0x60, s20;
	s31 =	sld [smem:$0x5C7]  }
0x317: {  	[hbm4b:s30+s3] =	stream.linear.scatter [tilespmem:s29], [sflag:$0x2], $0x80, $0x38;
	[tilespmem:$0x18000] =	vst v63  }
0x318: {  	s23 =	sadd.s32 $0x70, s20;
	s24 =	sld [smem:$0x5C8]  }
0x319: {  	[hbm4b:s23+s3] =	stream.linear.scatter [tilespmem:s31], [sflag:$0x2], $0x80, $0x38;
	[tilespmem:$0x18000] =	vst v63  }
0x31a: {  	s25 =	sadd.s32 $0x80, s20;
	s26 =	sld [smem:$0x5C9]  }
0x31b: {  	[hbm4b:s25+s3] =	stream.linear.scatter [tilespmem:s24], [sflag:$0x2], $0x80, $0x38;
	[tilespmem:$0x18000] =	vst v63  }
0x31c: {  	s28 =	sadd.s32 $0x90, s20;
	s29 =	sld [smem:$0x5CA]  }
0x31d: {  	[hbm4b:s28+s3] =	stream.linear.scatter [tilespmem:s26], [sflag:$0x2], $0x80, $0x38;
	[tilespmem:$0x18000] =	vst v63  }
0x31e: {  	s30 =	sadd.s32 $0xA0, s20;
	s31 =	sld [smem:$0x5CB]  }
0x31f: {  	[hbm4b:s30+s3] =	stream.linear.scatter [tilespmem:s29], [sflag:$0x2], $0x80, $0x38;
	[tilespmem:$0x18000] =	vst v63  }
0x320: {  	s23 =	sadd.s32 $0xB0, s20;
	s24 =	sld [smem:$0x5CC]  }
0x321: {  	[hbm4b:s23+s3] =	stream.linear.scatter [tilespmem:s31], [sflag:$0x2], $0x80, $0x38;
	[tilespmem:$0x18000] =	vst v63  }
0x322: {  	s25 =	sadd.s32 $0xC0, s20;
	s26 =	sld [smem:$0x5CD]  }
0x323: {  	[hbm4b:s25+s3] =	stream.linear.scatter [tilespmem:s24], [sflag:$0x2], $0x80, $0x38;
	[tilespmem:$0x18000] =	vst v63  }
0x324: {  	s28 =	sadd.s32 $0xD0, s20;
	s29 =	sld [smem:$0x5CE]  }
0x325: {  	[hbm4b:s28+s3] =	stream.linear.scatter [tilespmem:s26], [sflag:$0x2], $0x80, $0x38;
	[tilespmem:$0x18000] =	vst v63  }
0x326: {  	s30 =	sadd.s32 $0xE0, s20;
	s31 =	sld [smem:$0x5CF]  }
0x327: {  	[hbm4b:s30+s3] =	stream.linear.scatter [tilespmem:s29], [sflag:$0x2], $0x80, $0x38;
	[tilespmem:$0x18000] =	vst v63  }
0x328: {  	s23 =	sadd.s32 $0xF0, s20;
	s24 =	sld [smem:$0x5D0];
	s25 =	sor.u32 $0xA0000, s18  }
0x329: {  	[hbm4b:s23+s3] =	stream.linear.scatter [tilespmem:s31], [sflag:$0x2], $0x80, $0x38;
	[tilespmem:$0x18000] =	vst v63  }
0x32a: {  	s20 =	sadd.s32 s4, s25;
	s26 =	sld [smem:$0x5D1]  }
0x32b: {  	[hbm4b:s20+s3] =	stream.linear.scatter [tilespmem:s24], [sflag:$0x2], $0x80, $0x38;
	[tilespmem:$0x18000] =	vst v63  }
0x32c: {  	s28 =	sadd.s32 $0x10, s20;
	s29 =	sld [smem:$0x5D2]  }
0x32d: {  	[hbm4b:s28+s3] =	stream.linear.scatter [tilespmem:s26], [sflag:$0x2], $0x80, $0x38;
	[tilespmem:$0x18000] =	vst v63  }
0x32e: {  	s30 =	sadd.s32 $0x20, s20;
	s31 =	sld [smem:$0x5D3]  }
0x32f: {  	[hbm4b:s30+s3] =	stream.linear.scatter [tilespmem:s29], [sflag:$0x2], $0x80, $0x38;
	[tilespmem:$0x18000] =	vst v63  }
0x330: {  	s23 =	sadd.s32 $0x30, s20;
	s24 =	sld [smem:$0x5D4]  }
0x331: {  	[hbm4b:s23+s3] =	stream.linear.scatter [tilespmem:s31], [sflag:$0x2], $0x80, $0x38;
	[tilespmem:$0x18000] =	vst v63  }
0x332: {  	s25 =	sadd.s32 $0x40, s20;
	s26 =	sld [smem:$0x5D5]  }
0x333: {  	[hbm4b:s25+s3] =	stream.linear.scatter [tilespmem:s24], [sflag:$0x2], $0x80, $0x38;
	[tilespmem:$0x18000] =	vst v63  }
0x334: {  	s28 =	sadd.s32 $0x50, s20;
	s29 =	sld [smem:$0x5D6]  }
0x335: {  	[hbm4b:s28+s3] =	stream.linear.scatter [tilespmem:s26], [sflag:$0x2], $0x80, $0x38;
	[tilespmem:$0x18000] =	vst v63  }
0x336: {  	s30 =	sadd.s32 $0x60, s20;
	s31 =	sld [smem:$0x5D7]  }
0x337: {  	[hbm4b:s30+s3] =	stream.linear.scatter [tilespmem:s29], [sflag:$0x2], $0x80, $0x38;
	[tilespmem:$0x18000] =	vst v63  }
0x338: {  	s23 =	sadd.s32 $0x70, s20;
	s24 =	sld [smem:$0x5D8]  }
0x339: {  	[hbm4b:s23+s3] =	stream.linear.scatter [tilespmem:s31], [sflag:$0x2], $0x80, $0x38;
	[tilespmem:$0x18000] =	vst v63  }
0x33a: {  	s25 =	sadd.s32 $0x80, s20;
	s26 =	sld [smem:$0x5D9]  }
0x33b: {  	[hbm4b:s25+s3] =	stream.linear.scatter [tilespmem:s24], [sflag:$0x2], $0x80, $0x38;
	[tilespmem:$0x18000] =	vst v63  }
0x33c: {  	s28 =	sadd.s32 $0x90, s20;
	s29 =	sld [smem:$0x5DA]  }
0x33d: {  	[hbm4b:s28+s3] =	stream.linear.scatter [tilespmem:s26], [sflag:$0x2], $0x80, $0x38;
	[tilespmem:$0x18000] =	vst v63  }
0x33e: {  	s30 =	sadd.s32 $0xA0, s20;
	s31 =	sld [smem:$0x5DB]  }
0x33f: {  	[hbm4b:s30+s3] =	stream.linear.scatter [tilespmem:s29], [sflag:$0x2], $0x80, $0x38;
	[tilespmem:$0x18000] =	vst v63  }
0x340: {  	s23 =	sadd.s32 $0xB0, s20;
	s24 =	sld [smem:$0x5DC]  }
0x341: {  	[hbm4b:s23+s3] =	stream.linear.scatter [tilespmem:s31], [sflag:$0x2], $0x80, $0x38;
	[tilespmem:$0x18000] =	vst v63  }
0x342: {  	s25 =	sadd.s32 $0xC0, s20;
	s26 =	sld [smem:$0x5DD]  }
0x343: {  	[hbm4b:s25+s3] =	stream.linear.scatter [tilespmem:s24], [sflag:$0x2], $0x80, $0x38;
	[tilespmem:$0x18000] =	vst v63  }
0x344: {  	s28 =	sadd.s32 $0xD0, s20;
	s29 =	sld [smem:$0x5DE]  }
0x345: {  	[hbm4b:s28+s3] =	stream.linear.scatter [tilespmem:s26], [sflag:$0x2], $0x80, $0x38;
	[tilespmem:$0x18000] =	vst v63  }
0x346: {  	s30 =	sadd.s32 $0xE0, s20;
	s31 =	sld [smem:$0x5DF]  }
0x347: {  	[hbm4b:s30+s3] =	stream.linear.scatter [tilespmem:s29], [sflag:$0x2], $0x80, $0x38;
	[tilespmem:$0x18000] =	vst v63  }
0x348: {  	s23 =	sadd.s32 $0xF0, s20;
	s24 =	sld [smem:$0x5E0];
	s25 =	sor.u32 $0xC0000, s18  }
0x349: {  	[hbm4b:s23+s3] =	stream.linear.scatter [tilespmem:s31], [sflag:$0x2], $0x80, $0x38;
	[tilespmem:$0x18000] =	vst v63  }
0x34a: {  	s20 =	sadd.s32 s4, s25;
	s26 =	sld [smem:$0x5E1]  }
0x34b: {  	[hbm4b:s20+s3] =	stream.linear.scatter [tilespmem:s24], [sflag:$0x2], $0x80, $0x38;
	[tilespmem:$0x18000] =	vst v63  }
0x34c: {  	s28 =	sadd.s32 $0x10, s20;
	s29 =	sld [smem:$0x5E2]  }
0x34d: {  	[hbm4b:s28+s3] =	stream.linear.scatter [tilespmem:s26], [sflag:$0x2], $0x80, $0x38;
	[tilespmem:$0x18000] =	vst v63  }
0x34e: {  	s30 =	sadd.s32 $0x20, s20;
	s31 =	sld [smem:$0x5E3]  }
0x34f: {  	[hbm4b:s30+s3] =	stream.linear.scatter [tilespmem:s29], [sflag:$0x2], $0x80, $0x38;
	[tilespmem:$0x18000] =	vst v63  }
0x350: {  	s23 =	sadd.s32 $0x30, s20;
	s24 =	sld [smem:$0x5E4]  }
0x351: {  	[hbm4b:s23+s3] =	stream.linear.scatter [tilespmem:s31], [sflag:$0x2], $0x80, $0x38;
	[tilespmem:$0x18000] =	vst v63  }
0x352: {  	s25 =	sadd.s32 $0x40, s20;
	s26 =	sld [smem:$0x5E5]  }
0x353: {  	[hbm4b:s25+s3] =	stream.linear.scatter [tilespmem:s24], [sflag:$0x2], $0x80, $0x38;
	[tilespmem:$0x18000] =	vst v63  }
0x354: {  	s28 =	sadd.s32 $0x50, s20;
	s29 =	sld [smem:$0x5E6]  }
0x355: {  	[hbm4b:s28+s3] =	stream.linear.scatter [tilespmem:s26], [sflag:$0x2], $0x80, $0x38;
	[tilespmem:$0x18000] =	vst v63  }
0x356: {  	s30 =	sadd.s32 $0x60, s20;
	s31 =	sld [smem:$0x5E7]  }
0x357: {  	[hbm4b:s30+s3] =	stream.linear.scatter [tilespmem:s29], [sflag:$0x2], $0x80, $0x38;
	[tilespmem:$0x18000] =	vst v63  }
0x358: {  	s23 =	sadd.s32 $0x70, s20;
	s24 =	sld [smem:$0x5E8]  }
0x359: {  	[hbm4b:s23+s3] =	stream.linear.scatter [tilespmem:s31], [sflag:$0x2], $0x80, $0x38;
	[tilespmem:$0x18000] =	vst v63  }
0x35a: {  	s25 =	sadd.s32 $0x80, s20;
	s26 =	sld [smem:$0x5E9]  }
0x35b: {  	[hbm4b:s25+s3] =	stream.linear.scatter [tilespmem:s24], [sflag:$0x2], $0x80, $0x38;
	[tilespmem:$0x18000] =	vst v63  }
0x35c: {  	s28 =	sadd.s32 $0x90, s20;
	s29 =	sld [smem:$0x5EA]  }
0x35d: {  	[hbm4b:s28+s3] =	stream.linear.scatter [tilespmem:s26], [sflag:$0x2], $0x80, $0x38;
	[tilespmem:$0x18000] =	vst v63  }
0x35e: {  	s30 =	sadd.s32 $0xA0, s20;
	s31 =	sld [smem:$0x5EB]  }
0x35f: {  	[hbm4b:s30+s3] =	stream.linear.scatter [tilespmem:s29], [sflag:$0x2], $0x80, $0x38;
	[tilespmem:$0x18000] =	vst v63  }
0x360: {  	s23 =	sadd.s32 $0xB0, s20;
	s24 =	sld [smem:$0x5EC]  }
0x361: {  	[hbm4b:s23+s3] =	stream.linear.scatter [tilespmem:s31], [sflag:$0x2], $0x80, $0x38;
	[tilespmem:$0x18000] =	vst v63  }
0x362: {  	s25 =	sadd.s32 $0xC0, s20;
	s26 =	sld [smem:$0x5ED]  }
0x363: {  	[hbm4b:s25+s3] =	stream.linear.scatter [tilespmem:s24], [sflag:$0x2], $0x80, $0x38;
	[tilespmem:$0x18000] =	vst v63  }
0x364: {  	s28 =	sadd.s32 $0xD0, s20;
	s29 =	sld [smem:$0x5EE]  }
0x365: {  	[hbm4b:s28+s3] =	stream.linear.scatter [tilespmem:s26], [sflag:$0x2], $0x80, $0x38;
	[tilespmem:$0x18000] =	vst v63  }
0x366: {  	s30 =	sadd.s32 $0xE0, s20;
	s31 =	sld [smem:$0x5EF]  }
0x367: {  	[hbm4b:s30+s3] =	stream.linear.scatter [tilespmem:s29], [sflag:$0x2], $0x80, $0x38;
	[tilespmem:$0x18000] =	vst v63  }
0x368: {  	s23 =	sadd.s32 $0xF0, s20;
	s24 =	sld [smem:$0x5F0];
	s25 =	sor.u32 $0xE0000, s18  }
0x369: {  	[hbm4b:s23+s3] =	stream.linear.scatter [tilespmem:s31], [sflag:$0x2], $0x80, $0x38;
	[tilespmem:$0x18000] =	vst v63  }
0x36a: {  	s20 =	sadd.s32 s4, s25;
	s26 =	sld [smem:$0x5F1]  }
0x36b: {  	[hbm4b:s20+s3] =	stream.linear.scatter [tilespmem:s24], [sflag:$0x2], $0x80, $0x38;
	[tilespmem:$0x18000] =	vst v63  }
0x36c: {  	s28 =	sadd.s32 $0x10, s20;
	s29 =	sld [smem:$0x5F2]  }
0x36d: {  	[hbm4b:s28+s3] =	stream.linear.scatter [tilespmem:s26], [sflag:$0x2], $0x80, $0x38;
	[tilespmem:$0x18000] =	vst v63  }
0x36e: {  	s30 =	sadd.s32 $0x20, s20;
	s31 =	sld [smem:$0x5F3]  }
0x36f: {  	[hbm4b:s30+s3] =	stream.linear.scatter [tilespmem:s29], [sflag:$0x2], $0x80, $0x38;
	[tilespmem:$0x18000] =	vst v63  }
0x370: {  	s23 =	sadd.s32 $0x30, s20;
	s24 =	sld [smem:$0x5F4]  }
0x371: {  	[hbm4b:s23+s3] =	stream.linear.scatter [tilespmem:s31], [sflag:$0x2], $0x80, $0x38;
	[tilespmem:$0x18000] =	vst v63  }
0x372: {  	s25 =	sadd.s32 $0x40, s20;
	s26 =	sld [smem:$0x5F5]  }
0x373: {  	[hbm4b:s25+s3] =	stream.linear.scatter [tilespmem:s24], [sflag:$0x2], $0x80, $0x38;
	[tilespmem:$0x18000] =	vst v63  }
0x374: {  	s28 =	sadd.s32 $0x50, s20;
	s29 =	sld [smem:$0x5F6]  }
0x375: {  	[hbm4b:s28+s3] =	stream.linear.scatter [tilespmem:s26], [sflag:$0x2], $0x80, $0x38;
	[tilespmem:$0x18000] =	vst v63  }
0x376: {  	s30 =	sadd.s32 $0x60, s20;
	s31 =	sld [smem:$0x5F7]  }
0x377: {  	[hbm4b:s30+s3] =	stream.linear.scatter [tilespmem:s29], [sflag:$0x2], $0x80, $0x38;
	[tilespmem:$0x18000] =	vst v63  }
0x378: {  	s23 =	sadd.s32 $0x70, s20;
	s24 =	sld [smem:$0x5F8]  }
0x379: {  	[hbm4b:s23+s3] =	stream.linear.scatter [tilespmem:s31], [sflag:$0x2], $0x80, $0x38;
	[tilespmem:$0x18000] =	vst v63  }
0x37a: {  	s25 =	sadd.s32 $0x80, s20;
	s26 =	sld [smem:$0x5F9]  }
0x37b: {  	[hbm4b:s25+s3] =	stream.linear.scatter [tilespmem:s24], [sflag:$0x2], $0x80, $0x38;
	[tilespmem:$0x18000] =	vst v63  }
0x37c: {  	s28 =	sadd.s32 $0x90, s20;
	s29 =	sld [smem:$0x5FA]  }
0x37d: {  	[hbm4b:s28+s3] =	stream.linear.scatter [tilespmem:s26], [sflag:$0x2], $0x80, $0x38;
	[tilespmem:$0x18000] =	vst v63  }
0x37e: {  	s30 =	sadd.s32 $0xA0, s20;
	s31 =	sld [smem:$0x5FB]  }
0x37f: {  	[hbm4b:s30+s3] =	stream.linear.scatter [tilespmem:s29], [sflag:$0x2], $0x80, $0x38;
	[tilespmem:$0x18000] =	vst v63  }
0x380: {  	s23 =	sadd.s32 $0xB0, s20;
	s24 =	sld [smem:$0x5FC]  }
0x381: {  	[hbm4b:s23+s3] =	stream.linear.scatter [tilespmem:s31], [sflag:$0x2], $0x80, $0x38;
	[tilespmem:$0x18000] =	vst v63  }
0x382: {  	s25 =	sadd.s32 $0xC0, s20;
	s26 =	sld [smem:$0x5FD]  }
0x383: {  	[hbm4b:s25+s3] =	stream.linear.scatter [tilespmem:s24], [sflag:$0x2], $0x80, $0x38;
	[tilespmem:$0x18000] =	vst v63  }
0x384: {  	s28 =	sadd.s32 $0xD0, s20;
	s29 =	sld [smem:$0x5FE]  }
0x385: {  	[hbm4b:s28+s3] =	stream.linear.scatter [tilespmem:s26], [sflag:$0x2], $0x80, $0x38;
	[tilespmem:$0x18000] =	vst v63  }
0x386: {  	s30 =	sadd.s32 $0xE0, s20;
	s31 =	sld [smem:$0x5FF]  }
0x387: {  	[hbm4b:s30+s3] =	stream.linear.scatter [tilespmem:s29], [sflag:$0x2], $0x80, $0x38;
	[tilespmem:$0x18000] =	vst v63  }
0x388: {  	s21 =	sor.u32 $0x100000, s18;
	s20 =	sadd.s32 $0xF0, s20  }
0x389: {  	[hbm4b:s20+s3] =	stream.linear.scatter [tilespmem:s31], [sflag:$0x2], $0x80, $0x38;
	[tilespmem:$0x18000] =	vst v63  }
0x38a: {  	s19 =	sadd.s32 s4, s21;
	s22 =	sld [smem:$0x600]  }
0x38b: {  	[hbm4b:s19+s3] =	stream.linear.scatter [tilespmem:s11], [sflag:$0x2], $0x80, $0x38;
	[tilespmem:$0x18000] =	vst v63  }
0x38c: {  	s23 =	sadd.s32 $0x10, s19;
	s24 =	sld [smem:$0x601]  }
0x38d: {  	[hbm4b:s23+s3] =	stream.linear.scatter [tilespmem:s22], [sflag:$0x2], $0x80, $0x38;
	[tilespmem:$0x18000] =	vst v63  }
0x38e: {  	s25 =	sadd.s32 $0x20, s19;
	s26 =	sld [smem:$0x602]  }
0x38f: {  	[hbm4b:s25+s3] =	stream.linear.scatter [tilespmem:s24], [sflag:$0x2], $0x80, $0x38;
	[tilespmem:$0x18000] =	vst v63  }
0x390: {  	s28 =	sadd.s32 $0x30, s19;
	s29 =	sld [smem:$0x603]  }
0x391: {  	[hbm4b:s28+s3] =	stream.linear.scatter [tilespmem:s26], [sflag:$0x2], $0x80, $0x38;
	[tilespmem:$0x18000] =	vst v63  }
0x392: {  	s30 =	sadd.s32 $0x40, s19;
	s31 =	sld [smem:$0x604]  }
0x393: {  	[hbm4b:s30+s3] =	stream.linear.scatter [tilespmem:s29], [sflag:$0x2], $0x80, $0x38;
	[tilespmem:$0x18000] =	vst v63  }
0x394: {  	s23 =	sadd.s32 $0x50, s19;
	s24 =	sld [smem:$0x605]  }
0x395: {  	[hbm4b:s23+s3] =	stream.linear.scatter [tilespmem:s31], [sflag:$0x2], $0x80, $0x38;
	[tilespmem:$0x18000] =	vst v63  }
0x396: {  	s25 =	sadd.s32 $0x60, s19;
	s26 =	sld [smem:$0x606]  }
0x397: {  	[hbm4b:s25+s3] =	stream.linear.scatter [tilespmem:s24], [sflag:$0x2], $0x80, $0x38;
	[tilespmem:$0x18000] =	vst v63  }
0x398: {  	s28 =	sadd.s32 $0x70, s19;
	s29 =	sld [smem:$0x607]  }
0x399: {  	[hbm4b:s28+s3] =	stream.linear.scatter [tilespmem:s26], [sflag:$0x2], $0x80, $0x38;
	[tilespmem:$0x18000] =	vst v63  }
0x39a: {  	s30 =	sadd.s32 $0x80, s19;
	s31 =	sld [smem:$0x608]  }
0x39b: {  	[hbm4b:s30+s3] =	stream.linear.scatter [tilespmem:s29], [sflag:$0x2], $0x80, $0x38;
	[tilespmem:$0x18000] =	vst v63  }
0x39c: {  	s23 =	sadd.s32 $0x90, s19;
	s24 =	sld [smem:$0x609]  }
0x39d: {  	[hbm4b:s23+s3] =	stream.linear.scatter [tilespmem:s31], [sflag:$0x2], $0x80, $0x38;
	[tilespmem:$0x18000] =	vst v63  }
0x39e: {  	s25 =	sadd.s32 $0xA0, s19;
	s26 =	sld [smem:$0x60A]  }
0x39f: {  	[hbm4b:s25+s3] =	stream.linear.scatter [tilespmem:s24], [sflag:$0x2], $0x80, $0x38;
	[tilespmem:$0x18000] =	vst v63  }
0x3a0: {  	s28 =	sadd.s32 $0xB0, s19;
	s29 =	sld [smem:$0x60B]  }
0x3a1: {  	[hbm4b:s28+s3] =	stream.linear.scatter [tilespmem:s26], [sflag:$0x2], $0x80, $0x38;
	[tilespmem:$0x18000] =	vst v63  }
0x3a2: {  	s30 =	sadd.s32 $0xC0, s19;
	s31 =	sld [smem:$0x60C]  }
0x3a3: {  	[hbm4b:s30+s3] =	stream.linear.scatter [tilespmem:s29], [sflag:$0x2], $0x80, $0x38;
	[tilespmem:$0x18000] =	vst v63  }
0x3a4: {  	s22 =	sadd.s32 $0xD0, s19;
	s23 =	sld [smem:$0x60D]  }
0x3a5: {  	[hbm4b:s22+s3] =	stream.linear.scatter [tilespmem:s31], [sflag:$0x2], $0x80, $0x38;
	[tilespmem:$0x18000] =	vst v63  }
0x3a6: {  	s24 =	sadd.s32 $0xE0, s19;
	s25 =	sld [smem:$0x60E]  }
0x3a7: {  	[hbm4b:s24+s3] =	stream.linear.scatter [tilespmem:s23], [sflag:$0x2], $0x80, $0x38;
	[tilespmem:$0x18000] =	vst v63  }
0x3a8: {  	s19 =	sadd.s32 $0xF0, s19;
	s26 =	sld [smem:$0x60F];
	s28 =	sor.u32 $0x120000, s18  }
0x3a9: {  	[hbm4b:s19+s3] =	stream.linear.scatter [tilespmem:s25], [sflag:$0x2], $0x80, $0x38;
	[tilespmem:$0x18000] =	vst v63  }
0x3aa: {  	s20 =	sadd.s32 s4, s28;
	s29 =	sld [smem:$0x610]  }
0x3ab: {  	[hbm4b:s20+s3] =	stream.linear.scatter [tilespmem:s26], [sflag:$0x2], $0x80, $0x38;
	[tilespmem:$0x18000] =	vst v63  }
0x3ac: {  	s30 =	sadd.s32 $0x10, s20;
	s31 =	sld [smem:$0x611]  }
0x3ad: {  	[hbm4b:s30+s3] =	stream.linear.scatter [tilespmem:s29], [sflag:$0x2], $0x80, $0x38;
	[tilespmem:$0x18000] =	vst v63  }
0x3ae: {  	s23 =	sadd.s32 $0x20, s20;
	s24 =	sld [smem:$0x612]  }
0x3af: {  	[hbm4b:s23+s3] =	stream.linear.scatter [tilespmem:s31], [sflag:$0x2], $0x80, $0x38;
	[tilespmem:$0x18000] =	vst v63  }
0x3b0: {  	s25 =	sadd.s32 $0x30, s20;
	s26 =	sld [smem:$0x613]  }
0x3b1: {  	[hbm4b:s25+s3] =	stream.linear.scatter [tilespmem:s24], [sflag:$0x2], $0x80, $0x38;
	[tilespmem:$0x18000] =	vst v63  }
0x3b2: {  	s28 =	sadd.s32 $0x40, s20;
	s29 =	sld [smem:$0x614]  }
0x3b3: {  	[hbm4b:s28+s3] =	stream.linear.scatter [tilespmem:s26], [sflag:$0x2], $0x80, $0x38;
	[tilespmem:$0x18000] =	vst v63  }
0x3b4: {  	s30 =	sadd.s32 $0x50, s20;
	s31 =	sld [smem:$0x615]  }
0x3b5: {  	[hbm4b:s30+s3] =	stream.linear.scatter [tilespmem:s29], [sflag:$0x2], $0x80, $0x38;
	[tilespmem:$0x18000] =	vst v63  }
0x3b6: {  	s23 =	sadd.s32 $0x60, s20;
	s24 =	sld [smem:$0x616]  }
0x3b7: {  	[hbm4b:s23+s3] =	stream.linear.scatter [tilespmem:s31], [sflag:$0x2], $0x80, $0x38;
	[tilespmem:$0x18000] =	vst v63  }
0x3b8: {  	s25 =	sadd.s32 $0x70, s20;
	s26 =	sld [smem:$0x617]  }
0x3b9: {  	[hbm4b:s25+s3] =	stream.linear.scatter [tilespmem:s24], [sflag:$0x2], $0x80, $0x38;
	[tilespmem:$0x18000] =	vst v63  }
0x3ba: {  	s28 =	sadd.s32 $0x80, s20;
	s29 =	sld [smem:$0x618]  }
0x3bb: {  	[hbm4b:s28+s3] =	stream.linear.scatter [tilespmem:s26], [sflag:$0x2], $0x80, $0x38;
	[tilespmem:$0x18000] =	vst v63  }
0x3bc: {  	s30 =	sadd.s32 $0x90, s20;
	s31 =	sld [smem:$0x619]  }
0x3bd: {  	[hbm4b:s30+s3] =	stream.linear.scatter [tilespmem:s29], [sflag:$0x2], $0x80, $0x38;
	[tilespmem:$0x18000] =	vst v63  }
0x3be: {  	s23 =	sadd.s32 $0xA0, s20;
	s24 =	sld [smem:$0x61A]  }
0x3bf: {  	[hbm4b:s23+s3] =	stream.linear.scatter [tilespmem:s31], [sflag:$0x2], $0x80, $0x38;
	[tilespmem:$0x18000] =	vst v63  }
0x3c0: {  	s25 =	sadd.s32 $0xB0, s20;
	s26 =	sld [smem:$0x61B]  }
0x3c1: {  	[hbm4b:s25+s3] =	stream.linear.scatter [tilespmem:s24], [sflag:$0x2], $0x80, $0x38;
	[tilespmem:$0x18000] =	vst v63  }
0x3c2: {  	s28 =	sadd.s32 $0xC0, s20;
	s29 =	sld [smem:$0x61C]  }
0x3c3: {  	[hbm4b:s28+s3] =	stream.linear.scatter [tilespmem:s26], [sflag:$0x2], $0x80, $0x38;
	[tilespmem:$0x18000] =	vst v63  }
0x3c4: {  	s30 =	sadd.s32 $0xD0, s20;
	s31 =	sld [smem:$0x61D]  }
0x3c5: {  	[hbm4b:s30+s3] =	stream.linear.scatter [tilespmem:s29], [sflag:$0x2], $0x80, $0x38;
	[tilespmem:$0x18000] =	vst v63  }
0x3c6: {  	s23 =	sadd.s32 $0xE0, s20;
	s24 =	sld [smem:$0x61E]  }
0x3c7: {  	[hbm4b:s23+s3] =	stream.linear.scatter [tilespmem:s31], [sflag:$0x2], $0x80, $0x38;
	[tilespmem:$0x18000] =	vst v63  }
0x3c8: {  	s25 =	sadd.s32 $0xF0, s20;
	s26 =	sld [smem:$0x61F];
	s28 =	sor.u32 $0x140000, s18  }
0x3c9: {  	[hbm4b:s25+s3] =	stream.linear.scatter [tilespmem:s24], [sflag:$0x2], $0x80, $0x38;
	[tilespmem:$0x18000] =	vst v63  }
0x3ca: {  	s20 =	sadd.s32 s4, s28;
	s29 =	sld [smem:$0x620]  }
0x3cb: {  	[hbm4b:s20+s3] =	stream.linear.scatter [tilespmem:s26], [sflag:$0x2], $0x80, $0x38;
	[tilespmem:$0x18000] =	vst v63  }
0x3cc: {  	s30 =	sadd.s32 $0x10, s20;
	s31 =	sld [smem:$0x621]  }
0x3cd: {  	[hbm4b:s30+s3] =	stream.linear.scatter [tilespmem:s29], [sflag:$0x2], $0x80, $0x38;
	[tilespmem:$0x18000] =	vst v63  }
0x3ce: {  	s23 =	sadd.s32 $0x20, s20;
	s24 =	sld [smem:$0x622]  }
0x3cf: {  	[hbm4b:s23+s3] =	stream.linear.scatter [tilespmem:s31], [sflag:$0x2], $0x80, $0x38;
	[tilespmem:$0x18000] =	vst v63  }
0x3d0: {  	s25 =	sadd.s32 $0x30, s20;
	s26 =	sld [smem:$0x623]  }
0x3d1: {  	[hbm4b:s25+s3] =	stream.linear.scatter [tilespmem:s24], [sflag:$0x2], $0x80, $0x38;
	[tilespmem:$0x18000] =	vst v63  }
0x3d2: {  	s28 =	sadd.s32 $0x40, s20;
	s29 =	sld [smem:$0x624]  }
0x3d3: {  	[hbm4b:s28+s3] =	stream.linear.scatter [tilespmem:s26], [sflag:$0x2], $0x80, $0x38;
	[tilespmem:$0x18000] =	vst v63  }
0x3d4: {  	s30 =	sadd.s32 $0x50, s20;
	s31 =	sld [smem:$0x625]  }
0x3d5: {  	[hbm4b:s30+s3] =	stream.linear.scatter [tilespmem:s29], [sflag:$0x2], $0x80, $0x38;
	[tilespmem:$0x18000] =	vst v63  }
0x3d6: {  	s23 =	sadd.s32 $0x60, s20;
	s24 =	sld [smem:$0x626]  }
0x3d7: {  	[hbm4b:s23+s3] =	stream.linear.scatter [tilespmem:s31], [sflag:$0x2], $0x80, $0x38;
	[tilespmem:$0x18000] =	vst v63  }
0x3d8: {  	s25 =	sadd.s32 $0x70, s20;
	s26 =	sld [smem:$0x627]  }
0x3d9: {  	[hbm4b:s25+s3] =	stream.linear.scatter [tilespmem:s24], [sflag:$0x2], $0x80, $0x38;
	[tilespmem:$0x18000] =	vst v63  }
0x3da: {  	s28 =	sadd.s32 $0x80, s20;
	s29 =	sld [smem:$0x628]  }
0x3db: {  	[hbm4b:s28+s3] =	stream.linear.scatter [tilespmem:s26], [sflag:$0x2], $0x80, $0x38;
	[tilespmem:$0x18000] =	vst v63  }
0x3dc: {  	s30 =	sadd.s32 $0x90, s20;
	s31 =	sld [smem:$0x629]  }
0x3dd: {  	[hbm4b:s30+s3] =	stream.linear.scatter [tilespmem:s29], [sflag:$0x2], $0x80, $0x38;
	[tilespmem:$0x18000] =	vst v63  }
0x3de: {  	s23 =	sadd.s32 $0xA0, s20;
	s24 =	sld [smem:$0x62A]  }
0x3df: {  	[hbm4b:s23+s3] =	stream.linear.scatter [tilespmem:s31], [sflag:$0x2], $0x80, $0x38;
	[tilespmem:$0x18000] =	vst v63  }
0x3e0: {  	s25 =	sadd.s32 $0xB0, s20;
	s26 =	sld [smem:$0x62B]  }
0x3e1: {  	[hbm4b:s25+s3] =	stream.linear.scatter [tilespmem:s24], [sflag:$0x2], $0x80, $0x38;
	[tilespmem:$0x18000] =	vst v63  }
0x3e2: {  	s28 =	sadd.s32 $0xC0, s20;
	s29 =	sld [smem:$0x62C]  }
0x3e3: {  	[hbm4b:s28+s3] =	stream.linear.scatter [tilespmem:s26], [sflag:$0x2], $0x80, $0x38;
	[tilespmem:$0x18000] =	vst v63  }
0x3e4: {  	s30 =	sadd.s32 $0xD0, s20;
	s31 =	sld [smem:$0x62D]  }
0x3e5: {  	[hbm4b:s30+s3] =	stream.linear.scatter [tilespmem:s29], [sflag:$0x2], $0x80, $0x38;
	[tilespmem:$0x18000] =	vst v63  }
0x3e6: {  	s23 =	sadd.s32 $0xE0, s20;
	s24 =	sld [smem:$0x62E]  }
0x3e7: {  	[hbm4b:s23+s3] =	stream.linear.scatter [tilespmem:s31], [sflag:$0x2], $0x80, $0x38;
	[tilespmem:$0x18000] =	vst v63  }
0x3e8: {  	s25 =	sadd.s32 $0xF0, s20;
	s26 =	sld [smem:$0x62F];
	s28 =	sor.u32 $0x160000, s18  }
0x3e9: {  	[hbm4b:s25+s3] =	stream.linear.scatter [tilespmem:s24], [sflag:$0x2], $0x80, $0x38;
	[tilespmem:$0x18000] =	vst v63  }
0x3ea: {  	s20 =	sadd.s32 s4, s28;
	s29 =	sld [smem:$0x630]  }
0x3eb: {  	[hbm4b:s20+s3] =	stream.linear.scatter [tilespmem:s26], [sflag:$0x2], $0x80, $0x38;
	[tilespmem:$0x18000] =	vst v63  }
0x3ec: {  	s30 =	sadd.s32 $0x10, s20;
	s31 =	sld [smem:$0x631]  }
0x3ed: {  	[hbm4b:s30+s3] =	stream.linear.scatter [tilespmem:s29], [sflag:$0x2], $0x80, $0x38;
	[tilespmem:$0x18000] =	vst v63  }
0x3ee: {  	s21 =	sadd.s32 $0x20, s20;
	s23 =	sld [smem:$0x632]  }
0x3ef: {  	[hbm4b:s21+s3] =	stream.linear.scatter [tilespmem:s31], [sflag:$0x2], $0x80, $0x38;
	[tilespmem:$0x18000] =	vst v63  }
0x3f0: {  	s24 =	sadd.s32 $0x30, s20;
	s25 =	sld [smem:$0x633]  }
0x3f1: {  	[hbm4b:s24+s3] =	stream.linear.scatter [tilespmem:s23], [sflag:$0x2], $0x80, $0x38;
	[tilespmem:$0x18000] =	vst v63  }
0x3f2: {  	s28 =	sld [smem:$0x634];
	s26 =	sadd.s32 $0x40, s20  }
0x3f3: {  	[hbm4b:s26+s3] =	stream.linear.scatter [tilespmem:s25], [sflag:$0x2], $0x80, $0x38;
	[tilespmem:$0x18000] =	vst v63  }
0x3f4: {  	s29 =	sadd.s32 $0x50, s20  }
0x3f5: {  	[hbm4b:s29+s3] =	stream.linear.scatter [tilespmem:s28], [sflag:$0x2], $0x80, $0x38;
	[tilespmem:$0x18000] =	vst v63  }
0x3f6: {  	s19 =	sld [smem:$0x635];
	_ =	sdelay $0x1  }
0x3f7: {  	s30 =	sadd.s32 $0x60, s20;
	s31 =	sld [smem:$0x636]  }
0x3f8: {  	[hbm4b:s30+s3] =	stream.linear.scatter [tilespmem:s19], [sflag:$0x2], $0x80, $0x38;
	[tilespmem:$0x18000] =	vst v63  }
0x3f9: {  	s23 =	sadd.s32 $0x70, s20;
	s24 =	sld [smem:$0x637]  }
0x3fa: {  	[hbm4b:s23+s3] =	stream.linear.scatter [tilespmem:s31], [sflag:$0x2], $0x80, $0x38;
	[tilespmem:$0x18000] =	vst v63  }
0x3fb: {  	s25 =	sadd.s32 $0x80, s20;
	s26 =	sld [smem:$0x638]  }
0x3fc: {  	[hbm4b:s25+s3] =	stream.linear.scatter [tilespmem:s24], [sflag:$0x2], $0x80, $0x38;
	[tilespmem:$0x18000] =	vst v63  }
0x3fd: {  	s28 =	sadd.s32 $0x90, s20;
	s29 =	sld [smem:$0x639]  }
0x3fe: {  	[hbm4b:s28+s3] =	stream.linear.scatter [tilespmem:s26], [sflag:$0x2], $0x80, $0x38;
	[tilespmem:$0x18000] =	vst v63  }
0x3ff: {  	s30 =	sadd.s32 $0xA0, s20;
	s31 =	sld [smem:$0x63A]  }
0x400: {  	[hbm4b:s30+s3] =	stream.linear.scatter [tilespmem:s29], [sflag:$0x2], $0x80, $0x38;
	[tilespmem:$0x18000] =	vst v63  }
0x401: {  	s23 =	sadd.s32 $0xB0, s20;
	s24 =	sld [smem:$0x63B]  }
0x402: {  	[hbm4b:s23+s3] =	stream.linear.scatter [tilespmem:s31], [sflag:$0x2], $0x80, $0x38;
	[tilespmem:$0x18000] =	vst v63  }
0x403: {  	s25 =	sadd.s32 $0xC0, s20;
	s26 =	sld [smem:$0x63C]  }
0x404: {  	[hbm4b:s25+s3] =	stream.linear.scatter [tilespmem:s24], [sflag:$0x2], $0x80, $0x38;
	[tilespmem:$0x18000] =	vst v63  }
0x405: {  	s28 =	sadd.s32 $0xD0, s20;
	s29 =	sld [smem:$0x63D]  }
0x406: {  	[hbm4b:s28+s3] =	stream.linear.scatter [tilespmem:s26], [sflag:$0x2], $0x80, $0x38;
	[tilespmem:$0x18000] =	vst v63  }
0x407: {  	s30 =	sadd.s32 $0xE0, s20;
	s31 =	sld [smem:$0x63E]  }
0x408: {  	[hbm4b:s30+s3] =	stream.linear.scatter [tilespmem:s29], [sflag:$0x2], $0x80, $0x38;
	[tilespmem:$0x18000] =	vst v63  }
0x409: {  	s23 =	sadd.s32 $0xF0, s20;
	s24 =	sld [smem:$0x63F];
	s25 =	sor.u32 $0x180000, s18  }
0x40a: {  	[hbm4b:s23+s3] =	stream.linear.scatter [tilespmem:s31], [sflag:$0x2], $0x80, $0x38;
	[tilespmem:$0x18000] =	vst v63  }
0x40b: {  	s20 =	sadd.s32 s4, s25;
	s26 =	sld [smem:$0x640]  }
0x40c: {  	[hbm4b:s20+s3] =	stream.linear.scatter [tilespmem:s24], [sflag:$0x2], $0x80, $0x38;
	[tilespmem:$0x18000] =	vst v63  }
0x40d: {  	s28 =	sadd.s32 $0x10, s20;
	s29 =	sld [smem:$0x641]  }
0x40e: {  	[hbm4b:s28+s3] =	stream.linear.scatter [tilespmem:s26], [sflag:$0x2], $0x80, $0x38;
	[tilespmem:$0x18000] =	vst v63  }
0x40f: {  	s30 =	sadd.s32 $0x20, s20;
	s31 =	sld [smem:$0x642]  }
0x410: {  	[hbm4b:s30+s3] =	stream.linear.scatter [tilespmem:s29], [sflag:$0x2], $0x80, $0x38;
	[tilespmem:$0x18000] =	vst v63  }
0x411: {  	s23 =	sadd.s32 $0x30, s20;
	s24 =	sld [smem:$0x643]  }
0x412: {  	[hbm4b:s23+s3] =	stream.linear.scatter [tilespmem:s31], [sflag:$0x2], $0x80, $0x38;
	[tilespmem:$0x18000] =	vst v63  }
0x413: {  	s25 =	sadd.s32 $0x40, s20;
	s26 =	sld [smem:$0x644]  }
0x414: {  	[hbm4b:s25+s3] =	stream.linear.scatter [tilespmem:s24], [sflag:$0x2], $0x80, $0x38;
	[tilespmem:$0x18000] =	vst v63  }
0x415: {  	s28 =	sadd.s32 $0x50, s20;
	s29 =	sld [smem:$0x645]  }
0x416: {  	[hbm4b:s28+s3] =	stream.linear.scatter [tilespmem:s26], [sflag:$0x2], $0x80, $0x38;
	[tilespmem:$0x18000] =	vst v63  }
0x417: {  	s30 =	sadd.s32 $0x60, s20;
	s31 =	sld [smem:$0x646]  }
0x418: {  	[hbm4b:s30+s3] =	stream.linear.scatter [tilespmem:s29], [sflag:$0x2], $0x80, $0x38;
	[tilespmem:$0x18000] =	vst v63  }
0x419: {  	s23 =	sadd.s32 $0x70, s20;
	s24 =	sld [smem:$0x647]  }
0x41a: {  	[hbm4b:s23+s3] =	stream.linear.scatter [tilespmem:s31], [sflag:$0x2], $0x80, $0x38;
	[tilespmem:$0x18000] =	vst v63  }
0x41b: {  	s25 =	sadd.s32 $0x80, s20;
	s26 =	sld [smem:$0x648]  }
0x41c: {  	[hbm4b:s25+s3] =	stream.linear.scatter [tilespmem:s24], [sflag:$0x2], $0x80, $0x38;
	[tilespmem:$0x18000] =	vst v63  }
0x41d: {  	s28 =	sadd.s32 $0x90, s20;
	s29 =	sld [smem:$0x649]  }
0x41e: {  	[hbm4b:s28+s3] =	stream.linear.scatter [tilespmem:s26], [sflag:$0x2], $0x80, $0x38;
	[tilespmem:$0x18000] =	vst v63  }
0x41f: {  	s30 =	sadd.s32 $0xA0, s20;
	s31 =	sld [smem:$0x64A]  }
0x420: {  	[hbm4b:s30+s3] =	stream.linear.scatter [tilespmem:s29], [sflag:$0x2], $0x80, $0x38;
	[tilespmem:$0x18000] =	vst v63  }
0x421: {  	s23 =	sadd.s32 $0xB0, s20;
	s24 =	sld [smem:$0x64B]  }
0x422: {  	[hbm4b:s23+s3] =	stream.linear.scatter [tilespmem:s31], [sflag:$0x2], $0x80, $0x38;
	[tilespmem:$0x18000] =	vst v63  }
0x423: {  	s25 =	sadd.s32 $0xC0, s20;
	s26 =	sld [smem:$0x64C]  }
0x424: {  	[hbm4b:s25+s3] =	stream.linear.scatter [tilespmem:s24], [sflag:$0x2], $0x80, $0x38;
	[tilespmem:$0x18000] =	vst v63  }
0x425: {  	s28 =	sadd.s32 $0xD0, s20;
	s29 =	sld [smem:$0x64D]  }
0x426: {  	[hbm4b:s28+s3] =	stream.linear.scatter [tilespmem:s26], [sflag:$0x2], $0x80, $0x38;
	[tilespmem:$0x18000] =	vst v63  }
0x427: {  	s30 =	sadd.s32 $0xE0, s20;
	s31 =	sld [smem:$0x64E]  }
0x428: {  	[hbm4b:s30+s3] =	stream.linear.scatter [tilespmem:s29], [sflag:$0x2], $0x80, $0x38;
	[tilespmem:$0x18000] =	vst v63  }
0x429: {  	s23 =	sadd.s32 $0xF0, s20;
	s24 =	sld [smem:$0x64F];
	s25 =	sor.u32 $0x1A0000, s18  }
0x42a: {  	[hbm4b:s23+s3] =	stream.linear.scatter [tilespmem:s31], [sflag:$0x2], $0x80, $0x38;
	[tilespmem:$0x18000] =	vst v63  }
0x42b: {  	s20 =	sadd.s32 s4, s25;
	s26 =	sld [smem:$0x650]  }
0x42c: {  	[hbm4b:s20+s3] =	stream.linear.scatter [tilespmem:s24], [sflag:$0x2], $0x80, $0x38;
	[tilespmem:$0x18000] =	vst v63  }
0x42d: {  	s28 =	sadd.s32 $0x10, s20;
	s29 =	sld [smem:$0x651]  }
0x42e: {  	[hbm4b:s28+s3] =	stream.linear.scatter [tilespmem:s26], [sflag:$0x2], $0x80, $0x38;
	[tilespmem:$0x18000] =	vst v63  }
0x42f: {  	s30 =	sadd.s32 $0x20, s20;
	s31 =	sld [smem:$0x652]  }
0x430: {  	[hbm4b:s30+s3] =	stream.linear.scatter [tilespmem:s29], [sflag:$0x2], $0x80, $0x38;
	[tilespmem:$0x18000] =	vst v63  }
0x431: {  	s23 =	sadd.s32 $0x30, s20;
	s24 =	sld [smem:$0x653]  }
0x432: {  	[hbm4b:s23+s3] =	stream.linear.scatter [tilespmem:s31], [sflag:$0x2], $0x80, $0x38;
	[tilespmem:$0x18000] =	vst v63  }
0x433: {  	s25 =	sadd.s32 $0x40, s20;
	s26 =	sld [smem:$0x654]  }
0x434: {  	[hbm4b:s25+s3] =	stream.linear.scatter [tilespmem:s24], [sflag:$0x2], $0x80, $0x38;
	[tilespmem:$0x18000] =	vst v63  }
0x435: {  	s28 =	sadd.s32 $0x50, s20;
	s29 =	sld [smem:$0x655]  }
0x436: {  	[hbm4b:s28+s3] =	stream.linear.scatter [tilespmem:s26], [sflag:$0x2], $0x80, $0x38;
	[tilespmem:$0x18000] =	vst v63  }
0x437: {  	s30 =	sadd.s32 $0x60, s20;
	s31 =	sld [smem:$0x656]  }
0x438: {  	[hbm4b:s30+s3] =	stream.linear.scatter [tilespmem:s29], [sflag:$0x2], $0x80, $0x38;
	[tilespmem:$0x18000] =	vst v63  }
0x439: {  	s23 =	sadd.s32 $0x70, s20;
	s24 =	sld [smem:$0x657]  }
0x43a: {  	[hbm4b:s23+s3] =	stream.linear.scatter [tilespmem:s31], [sflag:$0x2], $0x80, $0x38;
	[tilespmem:$0x18000] =	vst v63  }
0x43b: {  	s25 =	sadd.s32 $0x80, s20;
	s26 =	sld [smem:$0x658]  }
0x43c: {  	[hbm4b:s25+s3] =	stream.linear.scatter [tilespmem:s24], [sflag:$0x2], $0x80, $0x38;
	[tilespmem:$0x18000] =	vst v63  }
0x43d: {  	s28 =	sadd.s32 $0x90, s20;
	s29 =	sld [smem:$0x659]  }
0x43e: {  	[hbm4b:s28+s3] =	stream.linear.scatter [tilespmem:s26], [sflag:$0x2], $0x80, $0x38;
	[tilespmem:$0x18000] =	vst v63  }
0x43f: {  	s30 =	sadd.s32 $0xA0, s20;
	s31 =	sld [smem:$0x65A]  }
0x440: {  	[hbm4b:s30+s3] =	stream.linear.scatter [tilespmem:s29], [sflag:$0x2], $0x80, $0x38;
	[tilespmem:$0x18000] =	vst v63  }
0x441: {  	s23 =	sadd.s32 $0xB0, s20;
	s24 =	sld [smem:$0x65B]  }
0x442: {  	[hbm4b:s23+s3] =	stream.linear.scatter [tilespmem:s31], [sflag:$0x2], $0x80, $0x38;
	[tilespmem:$0x18000] =	vst v63  }
0x443: {  	s25 =	sadd.s32 $0xC0, s20;
	s26 =	sld [smem:$0x65C]  }
0x444: {  	[hbm4b:s25+s3] =	stream.linear.scatter [tilespmem:s24], [sflag:$0x2], $0x80, $0x38;
	[tilespmem:$0x18000] =	vst v63  }
0x445: {  	s28 =	sadd.s32 $0xD0, s20;
	s29 =	sld [smem:$0x65D]  }
0x446: {  	[hbm4b:s28+s3] =	stream.linear.scatter [tilespmem:s26], [sflag:$0x2], $0x80, $0x38;
	[tilespmem:$0x18000] =	vst v63  }
0x447: {  	s30 =	sadd.s32 $0xE0, s20;
	s31 =	sld [smem:$0x65E]  }
0x448: {  	[hbm4b:s30+s3] =	stream.linear.scatter [tilespmem:s29], [sflag:$0x2], $0x80, $0x38;
	[tilespmem:$0x18000] =	vst v63  }
0x449: {  	s23 =	sadd.s32 $0xF0, s20;
	s24 =	sld [smem:$0x65F];
	s25 =	sor.u32 $0x1C0000, s18  }
0x44a: {  	[hbm4b:s23+s3] =	stream.linear.scatter [tilespmem:s31], [sflag:$0x2], $0x80, $0x38;
	[tilespmem:$0x18000] =	vst v63  }
0x44b: {  	s20 =	sadd.s32 s4, s25;
	s26 =	sld [smem:$0x660]  }
0x44c: {  	[hbm4b:s20+s3] =	stream.linear.scatter [tilespmem:s24], [sflag:$0x2], $0x80, $0x38;
	[tilespmem:$0x18000] =	vst v63  }
0x44d: {  	s28 =	sadd.s32 $0x10, s20;
	s29 =	sld [smem:$0x661]  }
0x44e: {  	[hbm4b:s28+s3] =	stream.linear.scatter [tilespmem:s26], [sflag:$0x2], $0x80, $0x38;
	[tilespmem:$0x18000] =	vst v63  }
0x44f: {  	s30 =	sadd.s32 $0x20, s20;
	s31 =	sld [smem:$0x662]  }
0x450: {  	[hbm4b:s30+s3] =	stream.linear.scatter [tilespmem:s29], [sflag:$0x2], $0x80, $0x38;
	[tilespmem:$0x18000] =	vst v63  }
0x451: {  	s23 =	sadd.s32 $0x30, s20;
	s24 =	sld [smem:$0x663]  }
0x452: {  	[hbm4b:s23+s3] =	stream.linear.scatter [tilespmem:s31], [sflag:$0x2], $0x80, $0x38;
	[tilespmem:$0x18000] =	vst v63  }
0x453: {  	s25 =	sadd.s32 $0x40, s20;
	s26 =	sld [smem:$0x664]  }
0x454: {  	[hbm4b:s25+s3] =	stream.linear.scatter [tilespmem:s24], [sflag:$0x2], $0x80, $0x38;
	[tilespmem:$0x18000] =	vst v63  }
0x455: {  	s28 =	sadd.s32 $0x50, s20;
	s29 =	sld [smem:$0x665]  }
0x456: {  	[hbm4b:s28+s3] =	stream.linear.scatter [tilespmem:s26], [sflag:$0x2], $0x80, $0x38;
	[tilespmem:$0x18000] =	vst v63  }
0x457: {  	s30 =	sadd.s32 $0x60, s20;
	s31 =	sld [smem:$0x666]  }
0x458: {  	[hbm4b:s30+s3] =	stream.linear.scatter [tilespmem:s29], [sflag:$0x2], $0x80, $0x38;
	[tilespmem:$0x18000] =	vst v63  }
0x459: {  	s23 =	sadd.s32 $0x70, s20;
	s24 =	sld [smem:$0x667]  }
0x45a: {  	[hbm4b:s23+s3] =	stream.linear.scatter [tilespmem:s31], [sflag:$0x2], $0x80, $0x38;
	[tilespmem:$0x18000] =	vst v63  }
0x45b: {  	s25 =	sadd.s32 $0x80, s20;
	s26 =	sld [smem:$0x668]  }
0x45c: {  	[hbm4b:s25+s3] =	stream.linear.scatter [tilespmem:s24], [sflag:$0x2], $0x80, $0x38;
	[tilespmem:$0x18000] =	vst v63  }
0x45d: {  	s28 =	sadd.s32 $0x90, s20;
	s29 =	sld [smem:$0x669]  }
0x45e: {  	[hbm4b:s28+s3] =	stream.linear.scatter [tilespmem:s26], [sflag:$0x2], $0x80, $0x38;
	[tilespmem:$0x18000] =	vst v63  }
0x45f: {  	s30 =	sadd.s32 $0xA0, s20;
	s31 =	sld [smem:$0x66A]  }
0x460: {  	[hbm4b:s30+s3] =	stream.linear.scatter [tilespmem:s29], [sflag:$0x2], $0x80, $0x38;
	[tilespmem:$0x18000] =	vst v63  }
0x461: {  	s23 =	sadd.s32 $0xB0, s20;
	s24 =	sld [smem:$0x66B]  }
0x462: {  	[hbm4b:s23+s3] =	stream.linear.scatter [tilespmem:s31], [sflag:$0x2], $0x80, $0x38;
	[tilespmem:$0x18000] =	vst v63  }
0x463: {  	s25 =	sadd.s32 $0xC0, s20;
	s26 =	sld [smem:$0x66C]  }
0x464: {  	[hbm4b:s25+s3] =	stream.linear.scatter [tilespmem:s24], [sflag:$0x2], $0x80, $0x38;
	[tilespmem:$0x18000] =	vst v63  }
0x465: {  	s28 =	sadd.s32 $0xD0, s20;
	s29 =	sld [smem:$0x66D]  }
0x466: {  	[hbm4b:s28+s3] =	stream.linear.scatter [tilespmem:s26], [sflag:$0x2], $0x80, $0x38;
	[tilespmem:$0x18000] =	vst v63  }
0x467: {  	s30 =	sadd.s32 $0xE0, s20;
	s31 =	sld [smem:$0x66E]  }
0x468: {  	[hbm4b:s30+s3] =	stream.linear.scatter [tilespmem:s29], [sflag:$0x2], $0x80, $0x38;
	[tilespmem:$0x18000] =	vst v63  }
0x469: {  	s23 =	sadd.s32 $0xF0, s20;
	s24 =	sld [smem:$0x66F];
	s25 =	sor.u32 $0x1E0000, s18  }
0x46a: {  	[hbm4b:s23+s3] =	stream.linear.scatter [tilespmem:s31], [sflag:$0x2], $0x80, $0x38;
	[tilespmem:$0x18000] =	vst v63  }
0x46b: {  	s20 =	sadd.s32 s4, s25;
	s26 =	sld [smem:$0x670]  }
0x46c: {  	[hbm4b:s20+s3] =	stream.linear.scatter [tilespmem:s24], [sflag:$0x2], $0x80, $0x38;
	[tilespmem:$0x18000] =	vst v63  }
0x46d: {  	s28 =	sadd.s32 $0x10, s20;
	s29 =	sld [smem:$0x671]  }
0x46e: {  	[hbm4b:s28+s3] =	stream.linear.scatter [tilespmem:s26], [sflag:$0x2], $0x80, $0x38;
	[tilespmem:$0x18000] =	vst v63  }
0x46f: {  	s30 =	sadd.s32 $0x20, s20;
	s31 =	sld [smem:$0x672]  }
0x470: {  	[hbm4b:s30+s3] =	stream.linear.scatter [tilespmem:s29], [sflag:$0x2], $0x80, $0x38;
	[tilespmem:$0x18000] =	vst v63  }
0x471: {  	s23 =	sadd.s32 $0x30, s20;
	s24 =	sld [smem:$0x673]  }
0x472: {  	[hbm4b:s23+s3] =	stream.linear.scatter [tilespmem:s31], [sflag:$0x2], $0x80, $0x38;
	[tilespmem:$0x18000] =	vst v63  }
0x473: {  	s25 =	sadd.s32 $0x40, s20;
	s26 =	sld [smem:$0x674]  }
0x474: {  	[hbm4b:s25+s3] =	stream.linear.scatter [tilespmem:s24], [sflag:$0x2], $0x80, $0x38;
	[tilespmem:$0x18000] =	vst v63  }
0x475: {  	s28 =	sadd.s32 $0x50, s20;
	s29 =	sld [smem:$0x675]  }
0x476: {  	[hbm4b:s28+s3] =	stream.linear.scatter [tilespmem:s26], [sflag:$0x2], $0x80, $0x38;
	[tilespmem:$0x18000] =	vst v63  }
0x477: {  	s30 =	sadd.s32 $0x60, s20;
	s31 =	sld [smem:$0x676]  }
0x478: {  	[hbm4b:s30+s3] =	stream.linear.scatter [tilespmem:s29], [sflag:$0x2], $0x80, $0x38;
	[tilespmem:$0x18000] =	vst v63  }
0x479: {  	s23 =	sadd.s32 $0x70, s20;
	s24 =	sld [smem:$0x677]  }
0x47a: {  	[hbm4b:s23+s3] =	stream.linear.scatter [tilespmem:s31], [sflag:$0x2], $0x80, $0x38;
	[tilespmem:$0x18000] =	vst v63  }
0x47b: {  	s25 =	sadd.s32 $0x80, s20;
	s26 =	sld [smem:$0x678]  }
0x47c: {  	[hbm4b:s25+s3] =	stream.linear.scatter [tilespmem:s24], [sflag:$0x2], $0x80, $0x38;
	[tilespmem:$0x18000] =	vst v63  }
0x47d: {  	s28 =	sadd.s32 $0x90, s20;
	s29 =	sld [smem:$0x679]  }
0x47e: {  	[hbm4b:s28+s3] =	stream.linear.scatter [tilespmem:s26], [sflag:$0x2], $0x80, $0x38;
	[tilespmem:$0x18000] =	vst v63  }
0x47f: {  	s30 =	sadd.s32 $0xA0, s20;
	s31 =	sld [smem:$0x67A]  }
0x480: {  	[hbm4b:s30+s3] =	stream.linear.scatter [tilespmem:s29], [sflag:$0x2], $0x80, $0x38;
	[tilespmem:$0x18000] =	vst v63  }
0x481: {  	s23 =	sadd.s32 $0xB0, s20;
	s24 =	sld [smem:$0x67B]  }
0x482: {  	[hbm4b:s23+s3] =	stream.linear.scatter [tilespmem:s31], [sflag:$0x2], $0x80, $0x38;
	[tilespmem:$0x18000] =	vst v63  }
0x483: {  	s25 =	sadd.s32 $0xC0, s20;
	s26 =	sld [smem:$0x67C]  }
0x484: {  	[hbm4b:s25+s3] =	stream.linear.scatter [tilespmem:s24], [sflag:$0x2], $0x80, $0x38;
	[tilespmem:$0x18000] =	vst v63  }
0x485: {  	s28 =	sadd.s32 $0xD0, s20;
	s29 =	sld [smem:$0x67D]  }
0x486: {  	[hbm4b:s28+s3] =	stream.linear.scatter [tilespmem:s26], [sflag:$0x2], $0x80, $0x38;
	[tilespmem:$0x18000] =	vst v63  }
0x487: {  	s30 =	sadd.s32 $0xE0, s20;
	s31 =	sld [smem:$0x67E]  }
0x488: {  	[hbm4b:s30+s3] =	stream.linear.scatter [tilespmem:s29], [sflag:$0x2], $0x80, $0x38;
	[tilespmem:$0x18000] =	vst v63  }
0x489: {  	s23 =	sadd.s32 $0xF0, s20;
	s24 =	sld [smem:$0x67F];
	s25 =	sor.u32 $0x200000, s18  }
0x48a: {  	[hbm4b:s23+s3] =	stream.linear.scatter [tilespmem:s31], [sflag:$0x2], $0x80, $0x38;
	[tilespmem:$0x18000] =	vst v63  }
0x48b: {  	s20 =	sadd.s32 s4, s25;
	s26 =	sld [smem:$0x680]  }
0x48c: {  	[hbm4b:s20+s3] =	stream.linear.scatter [tilespmem:s24], [sflag:$0x2], $0x80, $0x38;
	[tilespmem:$0x18000] =	vst v63  }
0x48d: {  	s28 =	sadd.s32 $0x10, s20;
	s29 =	sld [smem:$0x681]  }
0x48e: {  	[hbm4b:s28+s3] =	stream.linear.scatter [tilespmem:s26], [sflag:$0x2], $0x80, $0x38;
	[tilespmem:$0x18000] =	vst v63  }
0x48f: {  	s30 =	sadd.s32 $0x20, s20;
	s31 =	sld [smem:$0x682]  }
0x490: {  	[hbm4b:s30+s3] =	stream.linear.scatter [tilespmem:s29], [sflag:$0x2], $0x80, $0x38;
	[tilespmem:$0x18000] =	vst v63  }
0x491: {  	s23 =	sadd.s32 $0x30, s20;
	s24 =	sld [smem:$0x683]  }
0x492: {  	[hbm4b:s23+s3] =	stream.linear.scatter [tilespmem:s31], [sflag:$0x2], $0x80, $0x38;
	[tilespmem:$0x18000] =	vst v63  }
0x493: {  	s25 =	sadd.s32 $0x40, s20;
	s26 =	sld [smem:$0x684]  }
0x494: {  	[hbm4b:s25+s3] =	stream.linear.scatter [tilespmem:s24], [sflag:$0x2], $0x80, $0x38;
	[tilespmem:$0x18000] =	vst v63  }
0x495: {  	s28 =	sadd.s32 $0x50, s20;
	s29 =	sld [smem:$0x685]  }
0x496: {  	[hbm4b:s28+s3] =	stream.linear.scatter [tilespmem:s26], [sflag:$0x2], $0x80, $0x38;
	[tilespmem:$0x18000] =	vst v63  }
0x497: {  	s30 =	sadd.s32 $0x60, s20;
	s31 =	sld [smem:$0x686]  }
0x498: {  	[hbm4b:s30+s3] =	stream.linear.scatter [tilespmem:s29], [sflag:$0x2], $0x80, $0x38;
	[tilespmem:$0x18000] =	vst v63  }
0x499: {  	s23 =	sadd.s32 $0x70, s20;
	s24 =	sld [smem:$0x687]  }
0x49a: {  	[hbm4b:s23+s3] =	stream.linear.scatter [tilespmem:s31], [sflag:$0x2], $0x80, $0x38;
	[tilespmem:$0x18000] =	vst v63  }
0x49b: {  	s25 =	sadd.s32 $0x80, s20;
	s26 =	sld [smem:$0x688]  }
0x49c: {  	[hbm4b:s25+s3] =	stream.linear.scatter [tilespmem:s24], [sflag:$0x2], $0x80, $0x38;
	[tilespmem:$0x18000] =	vst v63  }
0x49d: {  	s28 =	sadd.s32 $0x90, s20;
	s29 =	sld [smem:$0x689]  }
0x49e: {  	[hbm4b:s28+s3] =	stream.linear.scatter [tilespmem:s26], [sflag:$0x2], $0x80, $0x38;
	[tilespmem:$0x18000] =	vst v63  }
0x49f: {  	s30 =	sadd.s32 $0xA0, s20;
	s31 =	sld [smem:$0x68A]  }
0x4a0: {  	[hbm4b:s30+s3] =	stream.linear.scatter [tilespmem:s29], [sflag:$0x2], $0x80, $0x38;
	[tilespmem:$0x18000] =	vst v63  }
0x4a1: {  	s23 =	sadd.s32 $0xB0, s20;
	s24 =	sld [smem:$0x68B]  }
0x4a2: {  	[hbm4b:s23+s3] =	stream.linear.scatter [tilespmem:s31], [sflag:$0x2], $0x80, $0x38;
	[tilespmem:$0x18000] =	vst v63  }
0x4a3: {  	s25 =	sadd.s32 $0xC0, s20;
	s26 =	sld [smem:$0x68C]  }
0x4a4: {  	[hbm4b:s25+s3] =	stream.linear.scatter [tilespmem:s24], [sflag:$0x2], $0x80, $0x38;
	[tilespmem:$0x18000] =	vst v63  }
0x4a5: {  	s28 =	sadd.s32 $0xD0, s20;
	s29 =	sld [smem:$0x68D]  }
0x4a6: {  	[hbm4b:s28+s3] =	stream.linear.scatter [tilespmem:s26], [sflag:$0x2], $0x80, $0x38;
	[tilespmem:$0x18000] =	vst v63  }
0x4a7: {  	s30 =	sadd.s32 $0xE0, s20;
	s31 =	sld [smem:$0x68E]  }
0x4a8: {  	[hbm4b:s30+s3] =	stream.linear.scatter [tilespmem:s29], [sflag:$0x2], $0x80, $0x38;
	[tilespmem:$0x18000] =	vst v63  }
0x4a9: {  	s22 =	sld [smem:$0x68F];
	s20 =	sadd.s32 $0xF0, s20;
	s23 =	sor.u32 $0x220000, s18  }
0x4aa: {  	[hbm4b:s20+s3] =	stream.linear.scatter [tilespmem:s31], [sflag:$0x2], $0x80, $0x38;
	[tilespmem:$0x18000] =	vst v63  }
0x4ab: {  	s24 =	sld [smem:$0x690];
	s20 =	sadd.s32 s4, s23  }
0x4ac: {  	[hbm4b:s20+s3] =	stream.linear.scatter [tilespmem:s22], [sflag:$0x2], $0x80, $0x38;
	[tilespmem:$0x18000] =	vst v63  }
0x4ad: {  	s26 =	sld [smem:$0x691];
	s25 =	sadd.s32 $0x10, s20  }
0x4ae: {  	[hbm4b:s25+s3] =	stream.linear.scatter [tilespmem:s24], [sflag:$0x2], $0x80, $0x38;
	[tilespmem:$0x18000] =	vst v63  }
0x4af: {  	s29 =	sld [smem:$0x692];
	s28 =	sadd.s32 $0x20, s20  }
0x4b0: {  	[hbm4b:s28+s3] =	stream.linear.scatter [tilespmem:s26], [sflag:$0x2], $0x80, $0x38;
	[tilespmem:$0x18000] =	vst v63  }
0x4b1: {  	s31 =	sld [smem:$0x693];
	s30 =	sadd.s32 $0x30, s20  }
0x4b2: {  	[hbm4b:s30+s3] =	stream.linear.scatter [tilespmem:s29], [sflag:$0x2], $0x80, $0x38;
	[tilespmem:$0x18000] =	vst v63  }
0x4b3: {  	s23 =	sadd.s32 $0x40, s20;
	s24 =	sld [smem:$0x694]  }
0x4b4: {  	[hbm4b:s23+s3] =	stream.linear.scatter [tilespmem:s31], [sflag:$0x2], $0x80, $0x38;
	[tilespmem:$0x18000] =	vst v63  }
0x4b5: {  	s25 =	sadd.s32 $0x50, s20;
	s26 =	sld [smem:$0x695]  }
0x4b6: {  	[hbm4b:s25+s3] =	stream.linear.scatter [tilespmem:s24], [sflag:$0x2], $0x80, $0x38;
	[tilespmem:$0x18000] =	vst v63  }
0x4b7: {  	s28 =	sadd.s32 $0x60, s20;
	s29 =	sld [smem:$0x696]  }
0x4b8: {  	[hbm4b:s28+s3] =	stream.linear.scatter [tilespmem:s26], [sflag:$0x2], $0x80, $0x38;
	[tilespmem:$0x18000] =	vst v63  }
0x4b9: {  	s30 =	sadd.s32 $0x70, s20;
	s31 =	sld [smem:$0x697]  }
0x4ba: {  	[hbm4b:s30+s3] =	stream.linear.scatter [tilespmem:s29], [sflag:$0x2], $0x80, $0x38;
	[tilespmem:$0x18000] =	vst v63  }
0x4bb: {  	s23 =	sadd.s32 $0x80, s20;
	s24 =	sld [smem:$0x698]  }
0x4bc: {  	[hbm4b:s23+s3] =	stream.linear.scatter [tilespmem:s31], [sflag:$0x2], $0x80, $0x38;
	[tilespmem:$0x18000] =	vst v63  }
0x4bd: {  	s25 =	sadd.s32 $0x90, s20;
	s26 =	sld [smem:$0x699]  }
0x4be: {  	[hbm4b:s25+s3] =	stream.linear.scatter [tilespmem:s24], [sflag:$0x2], $0x80, $0x38;
	[tilespmem:$0x18000] =	vst v63  }
0x4bf: {  	s28 =	sadd.s32 $0xA0, s20;
	s29 =	sld [smem:$0x69A]  }
0x4c0: {  	[hbm4b:s28+s3] =	stream.linear.scatter [tilespmem:s26], [sflag:$0x2], $0x80, $0x38;
	[tilespmem:$0x18000] =	vst v63  }
0x4c1: {  	s30 =	sadd.s32 $0xB0, s20;
	s31 =	sld [smem:$0x69B]  }
0x4c2: {  	[hbm4b:s30+s3] =	stream.linear.scatter [tilespmem:s29], [sflag:$0x2], $0x80, $0x38;
	[tilespmem:$0x18000] =	vst v63  }
0x4c3: {  	s23 =	sadd.s32 $0xC0, s20;
	s24 =	sld [smem:$0x69C]  }
0x4c4: {  	[hbm4b:s23+s3] =	stream.linear.scatter [tilespmem:s31], [sflag:$0x2], $0x80, $0x38;
	[tilespmem:$0x18000] =	vst v63  }
0x4c5: {  	s25 =	sadd.s32 $0xD0, s20;
	s26 =	sld [smem:$0x69D]  }
0x4c6: {  	[hbm4b:s25+s3] =	stream.linear.scatter [tilespmem:s24], [sflag:$0x2], $0x80, $0x38;
	[tilespmem:$0x18000] =	vst v63  }
0x4c7: {  	s28 =	sadd.s32 $0xE0, s20;
	s29 =	sld [smem:$0x69E]  }
0x4c8: {  	[hbm4b:s28+s3] =	stream.linear.scatter [tilespmem:s26], [sflag:$0x2], $0x80, $0x38;
	[tilespmem:$0x18000] =	vst v63  }
0x4c9: {  	s21 =	sor.u32 $0x240000, s18;
	s30 =	sadd.s32 $0xF0, s20;
	s31 =	sld [smem:$0x69F]  }
0x4ca: {  	[hbm4b:s30+s3] =	stream.linear.scatter [tilespmem:s29], [sflag:$0x2], $0x80, $0x38;
	[tilespmem:$0x18000] =	vst v63  }
0x4cb: {  	s22 =	sld [smem:$0x6A0];
	s20 =	sadd.s32 s4, s21  }
0x4cc: {  	[hbm4b:s20+s3] =	stream.linear.scatter [tilespmem:s31], [sflag:$0x2], $0x80, $0x38;
	[tilespmem:$0x18000] =	vst v63  }
0x4cd: {  	s23 =	sadd.s32 $0x10, s20;
	s24 =	sld [smem:$0x6A1]  }
0x4ce: {  	[hbm4b:s23+s3] =	stream.linear.scatter [tilespmem:s22], [sflag:$0x2], $0x80, $0x38;
	[tilespmem:$0x18000] =	vst v63  }
0x4cf: {  	s25 =	sadd.s32 $0x20, s20;
	s26 =	sld [smem:$0x6A2]  }
0x4d0: {  	[hbm4b:s25+s3] =	stream.linear.scatter [tilespmem:s24], [sflag:$0x2], $0x80, $0x38;
	[tilespmem:$0x18000] =	vst v63  }
0x4d1: {  	s28 =	sadd.s32 $0x30, s20;
	s29 =	sld [smem:$0x6A3]  }
0x4d2: {  	[hbm4b:s28+s3] =	stream.linear.scatter [tilespmem:s26], [sflag:$0x2], $0x80, $0x38;
	[tilespmem:$0x18000] =	vst v63  }
0x4d3: {  	s30 =	sadd.s32 $0x40, s20;
	s31 =	sld [smem:$0x6A4]  }
0x4d4: {  	[hbm4b:s30+s3] =	stream.linear.scatter [tilespmem:s29], [sflag:$0x2], $0x80, $0x38;
	[tilespmem:$0x18000] =	vst v63  }
0x4d5: {  	s23 =	sadd.s32 $0x50, s20;
	s24 =	sld [smem:$0x6A5]  }
0x4d6: {  	[hbm4b:s23+s3] =	stream.linear.scatter [tilespmem:s31], [sflag:$0x2], $0x80, $0x38;
	[tilespmem:$0x18000] =	vst v63  }
0x4d7: {  	s25 =	sadd.s32 $0x60, s20;
	s26 =	sld [smem:$0x6A6]  }
0x4d8: {  	[hbm4b:s25+s3] =	stream.linear.scatter [tilespmem:s24], [sflag:$0x2], $0x80, $0x38;
	[tilespmem:$0x18000] =	vst v63  }
0x4d9: {  	s28 =	sadd.s32 $0x70, s20;
	s29 =	sld [smem:$0x6A7]  }
0x4da: {  	[hbm4b:s28+s3] =	stream.linear.scatter [tilespmem:s26], [sflag:$0x2], $0x80, $0x38;
	[tilespmem:$0x18000] =	vst v63  }
0x4db: {  	s30 =	sadd.s32 $0x80, s20;
	s31 =	sld [smem:$0x6A8]  }
0x4dc: {  	[hbm4b:s30+s3] =	stream.linear.scatter [tilespmem:s29], [sflag:$0x2], $0x80, $0x38;
	[tilespmem:$0x18000] =	vst v63  }
0x4dd: {  	s23 =	sadd.s32 $0x90, s20;
	s24 =	sld [smem:$0x6A9]  }
0x4de: {  	[hbm4b:s23+s3] =	stream.linear.scatter [tilespmem:s31], [sflag:$0x2], $0x80, $0x38;
	[tilespmem:$0x18000] =	vst v63  }
0x4df: {  	s25 =	sadd.s32 $0xA0, s20;
	s26 =	sld [smem:$0x6AA]  }
0x4e0: {  	[hbm4b:s25+s3] =	stream.linear.scatter [tilespmem:s24], [sflag:$0x2], $0x80, $0x38;
	[tilespmem:$0x18000] =	vst v63  }
0x4e1: {  	s28 =	sadd.s32 $0xB0, s20;
	s29 =	sld [smem:$0x6AB]  }
0x4e2: {  	[hbm4b:s28+s3] =	stream.linear.scatter [tilespmem:s26], [sflag:$0x2], $0x80, $0x38;
	[tilespmem:$0x18000] =	vst v63  }
0x4e3: {  	s30 =	sadd.s32 $0xC0, s20;
	s31 =	sld [smem:$0x6AC]  }
0x4e4: {  	[hbm4b:s30+s3] =	stream.linear.scatter [tilespmem:s29], [sflag:$0x2], $0x80, $0x38;
	[tilespmem:$0x18000] =	vst v63  }
0x4e5: {  	s22 =	sadd.s32 $0xD0, s20;
	s23 =	sld [smem:$0x6AD]  }
0x4e6: {  	[hbm4b:s22+s3] =	stream.linear.scatter [tilespmem:s31], [sflag:$0x2], $0x80, $0x38;
	[tilespmem:$0x18000] =	vst v63  }
0x4e7: {  	s24 =	sadd.s32 $0xE0, s20;
	s25 =	sld [smem:$0x6AE]  }
0x4e8: {  	[hbm4b:s24+s3] =	stream.linear.scatter [tilespmem:s23], [sflag:$0x2], $0x80, $0x38;
	[tilespmem:$0x18000] =	vst v63  }
0x4e9: {  	s26 =	sadd.s32 $0xF0, s20;
	s28 =	sld [smem:$0x6AF]  }
0x4ea: {  	[hbm4b:s26+s3] =	stream.linear.scatter [tilespmem:s25], [sflag:$0x2], $0x80, $0x38;
	[tilespmem:$0x18000] =	vst v63  }
0x4eb: {  	s19 =	sadd.s32 $0x260000, s17;
	s29 =	sld [smem:$0x6B0]  }
0x4ec: {  	[hbm4b:s19+s3] =	stream.linear.scatter [tilespmem:s28], [sflag:$0x2], $0x80, $0x38;
	[tilespmem:$0x18000] =	vst v63  }
0x4ed: {  	s30 =	sadd.s32 $0x10, s19;
	s31 =	sld [smem:$0x6B1]  }
0x4ee: {  	[hbm4b:s30+s3] =	stream.linear.scatter [tilespmem:s29], [sflag:$0x2], $0x80, $0x38;
	[tilespmem:$0x18000] =	vst v63  }
0x4ef: {  	s23 =	sadd.s32 $0x20, s19;
	s24 =	sld [smem:$0x6B2]  }
0x4f0: {  	[hbm4b:s23+s3] =	stream.linear.scatter [tilespmem:s31], [sflag:$0x2], $0x80, $0x38;
	[tilespmem:$0x18000] =	vst v63  }
0x4f1: {  	s25 =	sadd.s32 $0x30, s19;
	s26 =	sld [smem:$0x6B3]  }
0x4f2: {  	[hbm4b:s25+s3] =	stream.linear.scatter [tilespmem:s24], [sflag:$0x2], $0x80, $0x38;
	[tilespmem:$0x18000] =	vst v63  }
0x4f3: {  	s28 =	sadd.s32 $0x40, s19;
	s29 =	sld [smem:$0x6B4]  }
0x4f4: {  	[hbm4b:s28+s3] =	stream.linear.scatter [tilespmem:s26], [sflag:$0x2], $0x80, $0x38;
	[tilespmem:$0x18000] =	vst v63  }
0x4f5: {  	s30 =	sadd.s32 $0x50, s19;
	s31 =	sld [smem:$0x6B5]  }
0x4f6: {  	[hbm4b:s30+s3] =	stream.linear.scatter [tilespmem:s29], [sflag:$0x2], $0x80, $0x38;
	[tilespmem:$0x18000] =	vst v63  }
0x4f7: {  	s23 =	sadd.s32 $0x60, s19;
	s24 =	sld [smem:$0x6B6]  }
0x4f8: {  	[hbm4b:s23+s3] =	stream.linear.scatter [tilespmem:s31], [sflag:$0x2], $0x80, $0x38;
	[tilespmem:$0x18000] =	vst v63  }
0x4f9: {  	s25 =	sadd.s32 $0x70, s19;
	s26 =	sld [smem:$0x6B7]  }
0x4fa: {  	[hbm4b:s25+s3] =	stream.linear.scatter [tilespmem:s24], [sflag:$0x2], $0x80, $0x38;
	[tilespmem:$0x18000] =	vst v63  }
0x4fb: {  	s28 =	sadd.s32 $0x80, s19;
	s29 =	sld [smem:$0x6B8]  }
0x4fc: {  	[hbm4b:s28+s3] =	stream.linear.scatter [tilespmem:s26], [sflag:$0x2], $0x80, $0x38;
	[tilespmem:$0x18000] =	vst v63  }
0x4fd: {  	s30 =	sadd.s32 $0x90, s19;
	s31 =	sld [smem:$0x6B9]  }
0x4fe: {  	[hbm4b:s30+s3] =	stream.linear.scatter [tilespmem:s29], [sflag:$0x2], $0x80, $0x38;
	[tilespmem:$0x18000] =	vst v63  }
0x4ff: {  	s23 =	sadd.s32 $0xA0, s19;
	s24 =	sld [smem:$0x6BA]  }
0x500: {  	[hbm4b:s23+s3] =	stream.linear.scatter [tilespmem:s31], [sflag:$0x2], $0x80, $0x38;
	[tilespmem:$0x18000] =	vst v63  }
0x501: {  	s25 =	sadd.s32 $0xB0, s19;
	s26 =	sld [smem:$0x6BB]  }
0x502: {  	[hbm4b:s25+s3] =	stream.linear.scatter [tilespmem:s24], [sflag:$0x2], $0x80, $0x38;
	[tilespmem:$0x18000] =	vst v63  }
0x503: {  	s28 =	sadd.s32 $0xC0, s19;
	s29 =	sld [smem:$0x6BC]  }
0x504: {  	[hbm4b:s28+s3] =	stream.linear.scatter [tilespmem:s26], [sflag:$0x2], $0x80, $0x38;
	[tilespmem:$0x18000] =	vst v63  }
0x505: {  	s30 =	sadd.s32 $0xD0, s19;
	s31 =	sld [smem:$0x6BD]  }
0x506: {  	[hbm4b:s30+s3] =	stream.linear.scatter [tilespmem:s29], [sflag:$0x2], $0x80, $0x38;
	[tilespmem:$0x18000] =	vst v63  }
0x507: {  	s21 =	sadd.s32 $0xE0, s19;
	s23 =	sld [smem:$0x6BE]  }
0x508: {  	[hbm4b:s21+s3] =	stream.linear.scatter [tilespmem:s31], [sflag:$0x2], $0x80, $0x38;
	[tilespmem:$0x18000] =	vst v63  }
0x509: {  	s19 =	sadd.s32 $0xF0, s19  }
0x50a: {  	[hbm4b:s19+s3] =	stream.linear.scatter [tilespmem:s23], [sflag:$0x2], $0x80, $0x38;
	[tilespmem:$0x18000] =	vst v63  }
0x50b: {  	_ =	swait.ge [sflag:s9], $0x800  }
0x50c: {  	[sflag:s9] =	ssyncset.done $0x0  }
0x50d: {  	[sflag:s9] =	ssyncadd.s32 $0xFFFFF800  }
0x50e: {  	_ =	swait.ge [sflag:s9], $0x800  }
0x50f: {  	[sflag:s9] =	ssyncset.done $0x0  }
0x510: {  	[sflag:s9] =	ssyncadd.s32 $0xFFFFF800  }
0x511: {  	_ =	swait.ge [sflag:s9], $0x800  }
0x512: {  	[sflag:s9] =	ssyncset.done $0x0  }
0x513: {  	[sflag:s9] =	ssyncadd.s32 $0xFFFFF800  }
0x514: {  	_ =	swait.ge [sflag:s9], $0x800  }
0x515: {  	[sflag:s9] =	ssyncset.done $0x0  }
0x516: {  	[sflag:s9] =	ssyncadd.s32 $0xFFFFF800  }
0x517: {  	_ =	swait.ge [sflag:s9], $0x800  }
0x518: {  	[sflag:s9] =	ssyncset.done $0x0  }
0x519: {  	[sflag:s9] =	ssyncadd.s32 $0xFFFFF800  }
0x51a: {  	_ =	swait.ge [sflag:s9], $0x800  }
0x51b: {  	[sflag:s9] =	ssyncset.done $0x0  }
0x51c: {  	[sflag:s9] =	ssyncadd.s32 $0xFFFFF800  }
0x51d: {  	_ =	swait.ge [sflag:s9], $0x800  }
0x51e: {  	[sflag:s9] =	ssyncset.done $0x0  }
0x51f: {  	[sflag:s9] =	ssyncadd.s32 $0xFFFFF800  }
0x520: {  	_ =	swait.ge [sflag:s9], $0x800  }
0x521: {  	[sflag:s9] =	ssyncset.done $0x0  }
0x522: {  	[sflag:s9] =	ssyncadd.s32 $0xFFFFF800  }
0x523: {  	_ =	swait.ge [sflag:s9], $0x800  }
0x524: {  	[sflag:s9] =	ssyncset.done $0x0  }
0x525: {  	[sflag:s9] =	ssyncadd.s32 $0xFFFFF800  }
0x526: {  	_ =	swait.ge [sflag:s9], $0x800  }
0x527: {  	[sflag:s9] =	ssyncset.done $0x0  }
0x528: {  	[sflag:s9] =	ssyncadd.s32 $0xFFFFF800  }
0x529: {  	_ =	swait.ge [sflag:s9], $0x800  }
0x52a: {  	[sflag:s9] =	ssyncset.done $0x0  }
0x52b: {  	[sflag:s9] =	ssyncadd.s32 $0xFFFFF800  }
0x52c: {  	_ =	swait.ge [sflag:s9], $0x800  }
0x52d: {  	[sflag:s9] =	ssyncset.done $0x0  }
0x52e: {  	[sflag:s9] =	ssyncadd.s32 $0xFFFFF800  }
0x52f: {  	_ =	swait.ge [sflag:s9], $0x800  }
0x530: {  	[sflag:s9] =	ssyncset.done $0x0  }
0x531: {  	[sflag:s9] =	ssyncadd.s32 $0xFFFFF800  }
0x532: {  	_ =	swait.ge [sflag:s9], $0x800  }
0x533: {  	[sflag:s9] =	ssyncset.done $0x0  }
0x534: {  	[sflag:s9] =	ssyncadd.s32 $0xFFFFF800  }
0x535: {  	_ =	swait.ge [sflag:s9], $0x800  }
0x536: {  	[sflag:s9] =	ssyncset.done $0x0  }
0x537: {  	[sflag:s9] =	ssyncadd.s32 $0xFFFFF800  }
0x538: {  	_ =	swait.ge [sflag:s9], $0x800  }
0x539: {  	[sflag:s9] =	ssyncset.done $0x0  }
0x53a: {  	[sflag:s9] =	ssyncadd.s32 $0xFFFFF800  }
0x53b: {  	_ =	swait.ge [sflag:s9], $0x800  }
0x53c: {  	[sflag:s9] =	ssyncset.done $0x0  }
0x53d: {  	[sflag:s9] =	ssyncadd.s32 $0xFFFFF800  }
0x53e: {  	_ =	swait.ge [sflag:s9], $0x800  }
0x53f: {  	[sflag:s9] =	ssyncset.done $0x0  }
0x540: {  	[sflag:s9] =	ssyncadd.s32 $0xFFFFF800  }
0x541: {  	s24 =	sadd.s32 $0xFFFFFFFF, s15;
	_ =	swait.ge [sflag:s9], $0x800  }
0x542: {  	s19 =	sand.u32 $0xE, s24;
	[sflag:s9] =	ssyncset.done $0x0  }
0x543: {  	s19 =	sor.u32 s13, s19;
	[sflag:s9] =	ssyncadd.s32 $0xFFFFF800  }
0x544: {  	s19 =	sshll.u32 s19, $0xB;
	_ =	swait.ge [sflag:s9], $0x800  }
0x545: {  	s19 =	sand.u32 $0xFF000, s19;
	[sflag:s9] =	ssyncset.done $0x0  }
0x546: {  	s19 =	sadd.s32 s1, s19;
	[sflag:s9] =	ssyncadd.s32 $0xFFFFF800  }
0x547: {  	[tilespmem:s3], [sflag:$0x1] =	stream.strided.gather [hbm4b:s19+s11], $0xC000, s7, s11, $0x38;
	[tilespmem:$0x18000] =	vst v63  }
0x548: {  	_ =	swait.ge [sflag:s8], $0xC000  }
0x549: {  	[sflag:s8] =	ssyncset.done $0x0  }
0x54a: {  	s25 =	sadd.s32 $0x100, s17;
	s26 =	sld [smem:$0x6BF];
	[sflag:s8] =	ssyncadd.s32 $0xFFFF4000  }
0x54b: {  	[hbm4b:s25+s3] =	stream.linear.scatter [tilespmem:s10], [sflag:$0x2], $0x80, $0x38;
	[tilespmem:$0x18000] =	vst v63  }
0x54c: {  	s28 =	sadd.s32 $0x110, s17;
	s29 =	sld [smem:$0x6C0]  }
0x54d: {  	[hbm4b:s28+s3] =	stream.linear.scatter [tilespmem:s26], [sflag:$0x2], $0x80, $0x38;
	[tilespmem:$0x18000] =	vst v63  }
0x54e: {  	s30 =	sadd.s32 $0x120, s17;
	s31 =	sld [smem:$0x6C1]  }
0x54f: {  	[hbm4b:s30+s3] =	stream.linear.scatter [tilespmem:s29], [sflag:$0x2], $0x80, $0x38;
	[tilespmem:$0x18000] =	vst v63  }
0x550: {  	s21 =	sadd.s32 $0x130, s17;
	s22 =	sld [smem:$0x6C2]  }
0x551: {  	[hbm4b:s21+s3] =	stream.linear.scatter [tilespmem:s31], [sflag:$0x2], $0x80, $0x38;
	[tilespmem:$0x18000] =	vst v63  }
0x552: {  	s23 =	sadd.s32 $0x140, s17;
	s24 =	sld [smem:$0x6C3]  }
0x553: {  	[hbm4b:s23+s3] =	stream.linear.scatter [tilespmem:s22], [sflag:$0x2], $0x80, $0x38;
	[tilespmem:$0x18000] =	vst v63  }
0x554: {  	s25 =	sadd.s32 $0x150, s17;
	s26 =	sld [smem:$0x6C4]  }
0x555: {  	[hbm4b:s25+s3] =	stream.linear.scatter [tilespmem:s24], [sflag:$0x2], $0x80, $0x38;
	[tilespmem:$0x18000] =	vst v63  }
0x556: {  	s28 =	sadd.s32 $0x160, s17;
	s29 =	sld [smem:$0x6C5]  }
0x557: {  	[hbm4b:s28+s3] =	stream.linear.scatter [tilespmem:s26], [sflag:$0x2], $0x80, $0x38;
	[tilespmem:$0x18000] =	vst v63  }
0x558: {  	s30 =	sadd.s32 $0x170, s17;
	s31 =	sld [smem:$0x6C6]  }
0x559: {  	[hbm4b:s30+s3] =	stream.linear.scatter [tilespmem:s29], [sflag:$0x2], $0x80, $0x38;
	[tilespmem:$0x18000] =	vst v63  }
0x55a: {  	s20 =	sadd.s32 $0x180, s17;
	s22 =	sld [smem:$0x6C7]  }
0x55b: {  	[hbm4b:s20+s3] =	stream.linear.scatter [tilespmem:s31], [sflag:$0x2], $0x80, $0x38;
	[tilespmem:$0x18000] =	vst v63  }
0x55c: {  	s23 =	sadd.s32 $0x190, s17;
	s24 =	sld [smem:$0x6C8]  }
0x55d: {  	[hbm4b:s23+s3] =	stream.linear.scatter [tilespmem:s22], [sflag:$0x2], $0x80, $0x38;
	[tilespmem:$0x18000] =	vst v63  }
0x55e: {  	s25 =	sadd.s32 $0x1A0, s17;
	s26 =	sld [smem:$0x6C9]  }
0x55f: {  	[hbm4b:s25+s3] =	stream.linear.scatter [tilespmem:s24], [sflag:$0x2], $0x80, $0x38;
	[tilespmem:$0x18000] =	vst v63  }
0x560: {  	s28 =	sadd.s32 $0x1B0, s17;
	s29 =	sld [smem:$0x6CA]  }
0x561: {  	[hbm4b:s28+s3] =	stream.linear.scatter [tilespmem:s26], [sflag:$0x2], $0x80, $0x38;
	[tilespmem:$0x18000] =	vst v63  }
0x562: {  	s30 =	sadd.s32 $0x1C0, s17;
	s31 =	sld [smem:$0x6CB]  }
0x563: {  	[hbm4b:s30+s3] =	stream.linear.scatter [tilespmem:s29], [sflag:$0x2], $0x80, $0x38;
	[tilespmem:$0x18000] =	vst v63  }
0x564: {  	s21 =	sadd.s32 $0x1D0, s17;
	s22 =	sld [smem:$0x6CC]  }
0x565: {  	[hbm4b:s21+s3] =	stream.linear.scatter [tilespmem:s31], [sflag:$0x2], $0x80, $0x38;
	[tilespmem:$0x18000] =	vst v63  }
0x566: {  	s23 =	sadd.s32 $0x1E0, s17;
	s24 =	sld [smem:$0x6CD]  }
0x567: {  	[hbm4b:s23+s3] =	stream.linear.scatter [tilespmem:s22], [sflag:$0x2], $0x80, $0x38;
	[tilespmem:$0x18000] =	vst v63  }
0x568: {  	s25 =	sadd.s32 $0x1F0, s17;
	s26 =	sld [smem:$0x6CE];
	s28 =	sor.u32 $0x20100, s18  }
0x569: {  	[hbm4b:s25+s3] =	stream.linear.scatter [tilespmem:s24], [sflag:$0x2], $0x80, $0x38;
	[tilespmem:$0x18000] =	vst v63  }
0x56a: {  	s20 =	sadd.s32 s4, s28;
	s29 =	sld [smem:$0x6CF]  }
0x56b: {  	[hbm4b:s20+s3] =	stream.linear.scatter [tilespmem:s26], [sflag:$0x2], $0x80, $0x38;
	[tilespmem:$0x18000] =	vst v63  }
0x56c: {  	s30 =	sadd.s32 $0x10, s20;
	s31 =	sld [smem:$0x6D0]  }
0x56d: {  	[hbm4b:s30+s3] =	stream.linear.scatter [tilespmem:s29], [sflag:$0x2], $0x80, $0x38;
	[tilespmem:$0x18000] =	vst v63  }
0x56e: {  	s23 =	sadd.s32 $0x20, s20;
	s24 =	sld [smem:$0x6D1]  }
0x56f: {  	[hbm4b:s23+s3] =	stream.linear.scatter [tilespmem:s31], [sflag:$0x2], $0x80, $0x38;
	[tilespmem:$0x18000] =	vst v63  }
0x570: {  	s25 =	sadd.s32 $0x30, s20;
	s26 =	sld [smem:$0x6D2]  }
0x571: {  	[hbm4b:s25+s3] =	stream.linear.scatter [tilespmem:s24], [sflag:$0x2], $0x80, $0x38;
	[tilespmem:$0x18000] =	vst v63  }
0x572: {  	s28 =	sadd.s32 $0x40, s20;
	s29 =	sld [smem:$0x6D3]  }
0x573: {  	[hbm4b:s28+s3] =	stream.linear.scatter [tilespmem:s26], [sflag:$0x2], $0x80, $0x38;
	[tilespmem:$0x18000] =	vst v63  }
0x574: {  	s30 =	sadd.s32 $0x50, s20;
	s31 =	sld [smem:$0x6D4]  }
0x575: {  	[hbm4b:s30+s3] =	stream.linear.scatter [tilespmem:s29], [sflag:$0x2], $0x80, $0x38;
	[tilespmem:$0x18000] =	vst v63  }
0x576: {  	s23 =	sadd.s32 $0x60, s20;
	s24 =	sld [smem:$0x6D5]  }
0x577: {  	[hbm4b:s23+s3] =	stream.linear.scatter [tilespmem:s31], [sflag:$0x2], $0x80, $0x38;
	[tilespmem:$0x18000] =	vst v63  }
0x578: {  	s25 =	sadd.s32 $0x70, s20;
	s26 =	sld [smem:$0x6D6]  }
0x579: {  	[hbm4b:s25+s3] =	stream.linear.scatter [tilespmem:s24], [sflag:$0x2], $0x80, $0x38;
	[tilespmem:$0x18000] =	vst v63  }
0x57a: {  	s28 =	sadd.s32 $0x80, s20;
	s29 =	sld [smem:$0x6D7]  }
0x57b: {  	[hbm4b:s28+s3] =	stream.linear.scatter [tilespmem:s26], [sflag:$0x2], $0x80, $0x38;
	[tilespmem:$0x18000] =	vst v63  }
0x57c: {  	s30 =	sadd.s32 $0x90, s20;
	s31 =	sld [smem:$0x6D8]  }
0x57d: {  	[hbm4b:s30+s3] =	stream.linear.scatter [tilespmem:s29], [sflag:$0x2], $0x80, $0x38;
	[tilespmem:$0x18000] =	vst v63  }
0x57e: {  	s23 =	sadd.s32 $0xA0, s20;
	s24 =	sld [smem:$0x6D9]  }
0x57f: {  	[hbm4b:s23+s3] =	stream.linear.scatter [tilespmem:s31], [sflag:$0x2], $0x80, $0x38;
	[tilespmem:$0x18000] =	vst v63  }
0x580: {  	s25 =	sadd.s32 $0xB0, s20;
	s26 =	sld [smem:$0x6DA]  }
0x581: {  	[hbm4b:s25+s3] =	stream.linear.scatter [tilespmem:s24], [sflag:$0x2], $0x80, $0x38;
	[tilespmem:$0x18000] =	vst v63  }
0x582: {  	s28 =	sadd.s32 $0xC0, s20;
	s29 =	sld [smem:$0x6DB]  }
0x583: {  	[hbm4b:s28+s3] =	stream.linear.scatter [tilespmem:s26], [sflag:$0x2], $0x80, $0x38;
	[tilespmem:$0x18000] =	vst v63  }
0x584: {  	s30 =	sadd.s32 $0xD0, s20;
	s31 =	sld [smem:$0x6DC]  }
0x585: {  	[hbm4b:s30+s3] =	stream.linear.scatter [tilespmem:s29], [sflag:$0x2], $0x80, $0x38;
	[tilespmem:$0x18000] =	vst v63  }
0x586: {  	s23 =	sadd.s32 $0xE0, s20;
	s24 =	sld [smem:$0x6DD]  }
0x587: {  	[hbm4b:s23+s3] =	stream.linear.scatter [tilespmem:s31], [sflag:$0x2], $0x80, $0x38;
	[tilespmem:$0x18000] =	vst v63  }
0x588: {  	s25 =	sadd.s32 $0xF0, s20;
	s26 =	sld [smem:$0x6DE];
	s28 =	sor.u32 $0x40100, s18  }
0x589: {  	[hbm4b:s25+s3] =	stream.linear.scatter [tilespmem:s24], [sflag:$0x2], $0x80, $0x38;
	[tilespmem:$0x18000] =	vst v63  }
0x58a: {  	s20 =	sadd.s32 s4, s28;
	s29 =	sld [smem:$0x6DF]  }
0x58b: {  	[hbm4b:s20+s3] =	stream.linear.scatter [tilespmem:s26], [sflag:$0x2], $0x80, $0x38;
	[tilespmem:$0x18000] =	vst v63  }
0x58c: {  	s30 =	sadd.s32 $0x10, s20;
	s31 =	sld [smem:$0x6E0]  }
0x58d: {  	[hbm4b:s30+s3] =	stream.linear.scatter [tilespmem:s29], [sflag:$0x2], $0x80, $0x38;
	[tilespmem:$0x18000] =	vst v63  }
0x58e: {  	s23 =	sadd.s32 $0x20, s20;
	s24 =	sld [smem:$0x6E1]  }
0x58f: {  	[hbm4b:s23+s3] =	stream.linear.scatter [tilespmem:s31], [sflag:$0x2], $0x80, $0x38;
	[tilespmem:$0x18000] =	vst v63  }
0x590: {  	s25 =	sadd.s32 $0x30, s20;
	s26 =	sld [smem:$0x6E2]  }
0x591: {  	[hbm4b:s25+s3] =	stream.linear.scatter [tilespmem:s24], [sflag:$0x2], $0x80, $0x38;
	[tilespmem:$0x18000] =	vst v63  }
0x592: {  	s28 =	sadd.s32 $0x40, s20;
	s29 =	sld [smem:$0x6E3]  }
0x593: {  	[hbm4b:s28+s3] =	stream.linear.scatter [tilespmem:s26], [sflag:$0x2], $0x80, $0x38;
	[tilespmem:$0x18000] =	vst v63  }
0x594: {  	s30 =	sadd.s32 $0x50, s20;
	s31 =	sld [smem:$0x6E4]  }
0x595: {  	[hbm4b:s30+s3] =	stream.linear.scatter [tilespmem:s29], [sflag:$0x2], $0x80, $0x38;
	[tilespmem:$0x18000] =	vst v63  }
0x596: {  	s23 =	sadd.s32 $0x60, s20;
	s24 =	sld [smem:$0x6E5]  }
0x597: {  	[hbm4b:s23+s3] =	stream.linear.scatter [tilespmem:s31], [sflag:$0x2], $0x80, $0x38;
	[tilespmem:$0x18000] =	vst v63  }
0x598: {  	s25 =	sadd.s32 $0x70, s20;
	s26 =	sld [smem:$0x6E6]  }
0x599: {  	[hbm4b:s25+s3] =	stream.linear.scatter [tilespmem:s24], [sflag:$0x2], $0x80, $0x38;
	[tilespmem:$0x18000] =	vst v63  }
0x59a: {  	s28 =	sadd.s32 $0x80, s20;
	s29 =	sld [smem:$0x6E7]  }
0x59b: {  	[hbm4b:s28+s3] =	stream.linear.scatter [tilespmem:s26], [sflag:$0x2], $0x80, $0x38;
	[tilespmem:$0x18000] =	vst v63  }
0x59c: {  	s30 =	sadd.s32 $0x90, s20;
	s31 =	sld [smem:$0x6E8]  }
0x59d: {  	[hbm4b:s30+s3] =	stream.linear.scatter [tilespmem:s29], [sflag:$0x2], $0x80, $0x38;
	[tilespmem:$0x18000] =	vst v63  }
0x59e: {  	s23 =	sadd.s32 $0xA0, s20;
	s24 =	sld [smem:$0x6E9]  }
0x59f: {  	[hbm4b:s23+s3] =	stream.linear.scatter [tilespmem:s31], [sflag:$0x2], $0x80, $0x38;
	[tilespmem:$0x18000] =	vst v63  }
0x5a0: {  	s25 =	sadd.s32 $0xB0, s20;
	s26 =	sld [smem:$0x6EA]  }
0x5a1: {  	[hbm4b:s25+s3] =	stream.linear.scatter [tilespmem:s24], [sflag:$0x2], $0x80, $0x38;
	[tilespmem:$0x18000] =	vst v63  }
0x5a2: {  	s28 =	sadd.s32 $0xC0, s20;
	s29 =	sld [smem:$0x6EB]  }
0x5a3: {  	[hbm4b:s28+s3] =	stream.linear.scatter [tilespmem:s26], [sflag:$0x2], $0x80, $0x38;
	[tilespmem:$0x18000] =	vst v63  }
0x5a4: {  	s30 =	sadd.s32 $0xD0, s20;
	s31 =	sld [smem:$0x6EC]  }
0x5a5: {  	[hbm4b:s30+s3] =	stream.linear.scatter [tilespmem:s29], [sflag:$0x2], $0x80, $0x38;
	[tilespmem:$0x18000] =	vst v63  }
0x5a6: {  	s23 =	sadd.s32 $0xE0, s20;
	s24 =	sld [smem:$0x6ED]  }
0x5a7: {  	[hbm4b:s23+s3] =	stream.linear.scatter [tilespmem:s31], [sflag:$0x2], $0x80, $0x38;
	[tilespmem:$0x18000] =	vst v63  }
0x5a8: {  	s25 =	sadd.s32 $0xF0, s20;
	s26 =	sld [smem:$0x6EE];
	s28 =	sor.u32 $0x60100, s18  }
0x5a9: {  	[hbm4b:s25+s3] =	stream.linear.scatter [tilespmem:s24], [sflag:$0x2], $0x80, $0x38;
	[tilespmem:$0x18000] =	vst v63  }
0x5aa: {  	s20 =	sadd.s32 s4, s28;
	s29 =	sld [smem:$0x6EF]  }
0x5ab: {  	[hbm4b:s20+s3] =	stream.linear.scatter [tilespmem:s26], [sflag:$0x2], $0x80, $0x38;
	[tilespmem:$0x18000] =	vst v63  }
0x5ac: {  	s30 =	sadd.s32 $0x10, s20;
	s31 =	sld [smem:$0x6F0]  }
0x5ad: {  	[hbm4b:s30+s3] =	stream.linear.scatter [tilespmem:s29], [sflag:$0x2], $0x80, $0x38;
	[tilespmem:$0x18000] =	vst v63  }
0x5ae: {  	s23 =	sadd.s32 $0x20, s20;
	s24 =	sld [smem:$0x6F1]  }
0x5af: {  	[hbm4b:s23+s3] =	stream.linear.scatter [tilespmem:s31], [sflag:$0x2], $0x80, $0x38;
	[tilespmem:$0x18000] =	vst v63  }
0x5b0: {  	s25 =	sadd.s32 $0x30, s20;
	s26 =	sld [smem:$0x6F2]  }
0x5b1: {  	[hbm4b:s25+s3] =	stream.linear.scatter [tilespmem:s24], [sflag:$0x2], $0x80, $0x38;
	[tilespmem:$0x18000] =	vst v63  }
0x5b2: {  	s28 =	sadd.s32 $0x40, s20;
	s29 =	sld [smem:$0x6F3]  }
0x5b3: {  	[hbm4b:s28+s3] =	stream.linear.scatter [tilespmem:s26], [sflag:$0x2], $0x80, $0x38;
	[tilespmem:$0x18000] =	vst v63  }
0x5b4: {  	s30 =	sadd.s32 $0x50, s20;
	s31 =	sld [smem:$0x6F4]  }
0x5b5: {  	[hbm4b:s30+s3] =	stream.linear.scatter [tilespmem:s29], [sflag:$0x2], $0x80, $0x38;
	[tilespmem:$0x18000] =	vst v63  }
0x5b6: {  	s23 =	sadd.s32 $0x60, s20;
	s24 =	sld [smem:$0x6F5]  }
0x5b7: {  	[hbm4b:s23+s3] =	stream.linear.scatter [tilespmem:s31], [sflag:$0x2], $0x80, $0x38;
	[tilespmem:$0x18000] =	vst v63  }
0x5b8: {  	s25 =	sadd.s32 $0x70, s20;
	s26 =	sld [smem:$0x6F6]  }
0x5b9: {  	[hbm4b:s25+s3] =	stream.linear.scatter [tilespmem:s24], [sflag:$0x2], $0x80, $0x38;
	[tilespmem:$0x18000] =	vst v63  }
0x5ba: {  	s28 =	sadd.s32 $0x80, s20;
	s29 =	sld [smem:$0x6F7]  }
0x5bb: {  	[hbm4b:s28+s3] =	stream.linear.scatter [tilespmem:s26], [sflag:$0x2], $0x80, $0x38;
	[tilespmem:$0x18000] =	vst v63  }
0x5bc: {  	s30 =	sadd.s32 $0x90, s20;
	s31 =	sld [smem:$0x6F8]  }
0x5bd: {  	[hbm4b:s30+s3] =	stream.linear.scatter [tilespmem:s29], [sflag:$0x2], $0x80, $0x38;
	[tilespmem:$0x18000] =	vst v63  }
0x5be: {  	s23 =	sadd.s32 $0xA0, s20;
	s24 =	sld [smem:$0x6F9]  }
0x5bf: {  	[hbm4b:s23+s3] =	stream.linear.scatter [tilespmem:s31], [sflag:$0x2], $0x80, $0x38;
	[tilespmem:$0x18000] =	vst v63  }
0x5c0: {  	s25 =	sadd.s32 $0xB0, s20;
	s26 =	sld [smem:$0x6FA]  }
0x5c1: {  	[hbm4b:s25+s3] =	stream.linear.scatter [tilespmem:s24], [sflag:$0x2], $0x80, $0x38;
	[tilespmem:$0x18000] =	vst v63  }
0x5c2: {  	s28 =	sadd.s32 $0xC0, s20;
	s29 =	sld [smem:$0x6FB]  }
0x5c3: {  	[hbm4b:s28+s3] =	stream.linear.scatter [tilespmem:s26], [sflag:$0x2], $0x80, $0x38;
	[tilespmem:$0x18000] =	vst v63  }
0x5c4: {  	s30 =	sadd.s32 $0xD0, s20;
	s31 =	sld [smem:$0x6FC]  }
0x5c5: {  	[hbm4b:s30+s3] =	stream.linear.scatter [tilespmem:s29], [sflag:$0x2], $0x80, $0x38;
	[tilespmem:$0x18000] =	vst v63  }
0x5c6: {  	s23 =	sadd.s32 $0xE0, s20;
	s24 =	sld [smem:$0x6FD]  }
0x5c7: {  	[hbm4b:s23+s3] =	stream.linear.scatter [tilespmem:s31], [sflag:$0x2], $0x80, $0x38;
	[tilespmem:$0x18000] =	vst v63  }
0x5c8: {  	s25 =	sadd.s32 $0xF0, s20;
	s26 =	sld [smem:$0x6FE];
	s28 =	sor.u32 $0x80100, s18  }
0x5c9: {  	[hbm4b:s25+s3] =	stream.linear.scatter [tilespmem:s24], [sflag:$0x2], $0x80, $0x38;
	[tilespmem:$0x18000] =	vst v63  }
0x5ca: {  	s20 =	sadd.s32 s4, s28;
	s29 =	sld [smem:$0x6FF]  }
0x5cb: {  	[hbm4b:s20+s3] =	stream.linear.scatter [tilespmem:s26], [sflag:$0x2], $0x80, $0x38;
	[tilespmem:$0x18000] =	vst v63  }
0x5cc: {  	s30 =	sadd.s32 $0x10, s20;
	s31 =	sld [smem:$0x700]  }
0x5cd: {  	[hbm4b:s30+s3] =	stream.linear.scatter [tilespmem:s29], [sflag:$0x2], $0x80, $0x38;
	[tilespmem:$0x18000] =	vst v63  }
0x5ce: {  	s23 =	sadd.s32 $0x20, s20;
	s24 =	sld [smem:$0x701]  }
0x5cf: {  	[hbm4b:s23+s3] =	stream.linear.scatter [tilespmem:s31], [sflag:$0x2], $0x80, $0x38;
	[tilespmem:$0x18000] =	vst v63  }
0x5d0: {  	s25 =	sadd.s32 $0x30, s20;
	s26 =	sld [smem:$0x702]  }
0x5d1: {  	[hbm4b:s25+s3] =	stream.linear.scatter [tilespmem:s24], [sflag:$0x2], $0x80, $0x38;
	[tilespmem:$0x18000] =	vst v63  }
0x5d2: {  	s28 =	sadd.s32 $0x40, s20;
	s29 =	sld [smem:$0x703]  }
0x5d3: {  	[hbm4b:s28+s3] =	stream.linear.scatter [tilespmem:s26], [sflag:$0x2], $0x80, $0x38;
	[tilespmem:$0x18000] =	vst v63  }
0x5d4: {  	s30 =	sadd.s32 $0x50, s20;
	s31 =	sld [smem:$0x704]  }
0x5d5: {  	[hbm4b:s30+s3] =	stream.linear.scatter [tilespmem:s29], [sflag:$0x2], $0x80, $0x38;
	[tilespmem:$0x18000] =	vst v63  }
0x5d6: {  	s23 =	sadd.s32 $0x60, s20;
	s24 =	sld [smem:$0x705]  }
0x5d7: {  	[hbm4b:s23+s3] =	stream.linear.scatter [tilespmem:s31], [sflag:$0x2], $0x80, $0x38;
	[tilespmem:$0x18000] =	vst v63  }
0x5d8: {  	s25 =	sadd.s32 $0x70, s20;
	s26 =	sld [smem:$0x706]  }
0x5d9: {  	[hbm4b:s25+s3] =	stream.linear.scatter [tilespmem:s24], [sflag:$0x2], $0x80, $0x38;
	[tilespmem:$0x18000] =	vst v63  }
0x5da: {  	s28 =	sadd.s32 $0x80, s20;
	s29 =	sld [smem:$0x707]  }
0x5db: {  	[hbm4b:s28+s3] =	stream.linear.scatter [tilespmem:s26], [sflag:$0x2], $0x80, $0x38;
	[tilespmem:$0x18000] =	vst v63  }
0x5dc: {  	s30 =	sadd.s32 $0x90, s20;
	s31 =	sld [smem:$0x708]  }
0x5dd: {  	[hbm4b:s30+s3] =	stream.linear.scatter [tilespmem:s29], [sflag:$0x2], $0x80, $0x38;
	[tilespmem:$0x18000] =	vst v63  }
0x5de: {  	s23 =	sadd.s32 $0xA0, s20;
	s24 =	sld [smem:$0x709]  }
0x5df: {  	[hbm4b:s23+s3] =	stream.linear.scatter [tilespmem:s31], [sflag:$0x2], $0x80, $0x38;
	[tilespmem:$0x18000] =	vst v63  }
0x5e0: {  	s25 =	sadd.s32 $0xB0, s20;
	s26 =	sld [smem:$0x70A]  }
0x5e1: {  	[hbm4b:s25+s3] =	stream.linear.scatter [tilespmem:s24], [sflag:$0x2], $0x80, $0x38;
	[tilespmem:$0x18000] =	vst v63  }
0x5e2: {  	s28 =	sadd.s32 $0xC0, s20;
	s29 =	sld [smem:$0x70B]  }
0x5e3: {  	[hbm4b:s28+s3] =	stream.linear.scatter [tilespmem:s26], [sflag:$0x2], $0x80, $0x38;
	[tilespmem:$0x18000] =	vst v63  }
0x5e4: {  	s30 =	sadd.s32 $0xD0, s20;
	s31 =	sld [smem:$0x70C]  }
0x5e5: {  	[hbm4b:s30+s3] =	stream.linear.scatter [tilespmem:s29], [sflag:$0x2], $0x80, $0x38;
	[tilespmem:$0x18000] =	vst v63  }
0x5e6: {  	s23 =	sadd.s32 $0xE0, s20;
	s24 =	sld [smem:$0x70D]  }
0x5e7: {  	[hbm4b:s23+s3] =	stream.linear.scatter [tilespmem:s31], [sflag:$0x2], $0x80, $0x38;
	[tilespmem:$0x18000] =	vst v63  }
0x5e8: {  	s25 =	sadd.s32 $0xF0, s20;
	s26 =	sld [smem:$0x70E];
	s28 =	sor.u32 $0xA0100, s18  }
0x5e9: {  	[hbm4b:s25+s3] =	stream.linear.scatter [tilespmem:s24], [sflag:$0x2], $0x80, $0x38;
	[tilespmem:$0x18000] =	vst v63  }
0x5ea: {  	s20 =	sadd.s32 s4, s28;
	s29 =	sld [smem:$0x70F]  }
0x5eb: {  	[hbm4b:s20+s3] =	stream.linear.scatter [tilespmem:s26], [sflag:$0x2], $0x80, $0x38;
	[tilespmem:$0x18000] =	vst v63  }
0x5ec: {  	s30 =	sadd.s32 $0x10, s20;
	s31 =	sld [smem:$0x710]  }
0x5ed: {  	[hbm4b:s30+s3] =	stream.linear.scatter [tilespmem:s29], [sflag:$0x2], $0x80, $0x38;
	[tilespmem:$0x18000] =	vst v63  }
0x5ee: {  	s23 =	sadd.s32 $0x20, s20;
	s24 =	sld [smem:$0x711]  }
0x5ef: {  	[hbm4b:s23+s3] =	stream.linear.scatter [tilespmem:s31], [sflag:$0x2], $0x80, $0x38;
	[tilespmem:$0x18000] =	vst v63  }
0x5f0: {  	s25 =	sadd.s32 $0x30, s20;
	s26 =	sld [smem:$0x712]  }
0x5f1: {  	[hbm4b:s25+s3] =	stream.linear.scatter [tilespmem:s24], [sflag:$0x2], $0x80, $0x38;
	[tilespmem:$0x18000] =	vst v63  }
0x5f2: {  	s28 =	sadd.s32 $0x40, s20;
	s29 =	sld [smem:$0x713]  }
0x5f3: {  	[hbm4b:s28+s3] =	stream.linear.scatter [tilespmem:s26], [sflag:$0x2], $0x80, $0x38;
	[tilespmem:$0x18000] =	vst v63  }
0x5f4: {  	s30 =	sadd.s32 $0x50, s20;
	s31 =	sld [smem:$0x714]  }
0x5f5: {  	[hbm4b:s30+s3] =	stream.linear.scatter [tilespmem:s29], [sflag:$0x2], $0x80, $0x38;
	[tilespmem:$0x18000] =	vst v63  }
0x5f6: {  	s23 =	sadd.s32 $0x60, s20;
	s24 =	sld [smem:$0x715]  }
0x5f7: {  	[hbm4b:s23+s3] =	stream.linear.scatter [tilespmem:s31], [sflag:$0x2], $0x80, $0x38;
	[tilespmem:$0x18000] =	vst v63  }
0x5f8: {  	s25 =	sadd.s32 $0x70, s20;
	s26 =	sld [smem:$0x716]  }
0x5f9: {  	[hbm4b:s25+s3] =	stream.linear.scatter [tilespmem:s24], [sflag:$0x2], $0x80, $0x38;
	[tilespmem:$0x18000] =	vst v63  }
0x5fa: {  	s28 =	sadd.s32 $0x80, s20;
	s29 =	sld [smem:$0x717]  }
0x5fb: {  	[hbm4b:s28+s3] =	stream.linear.scatter [tilespmem:s26], [sflag:$0x2], $0x80, $0x38;
	[tilespmem:$0x18000] =	vst v63  }
0x5fc: {  	s30 =	sadd.s32 $0x90, s20;
	s31 =	sld [smem:$0x718]  }
0x5fd: {  	[hbm4b:s30+s3] =	stream.linear.scatter [tilespmem:s29], [sflag:$0x2], $0x80, $0x38;
	[tilespmem:$0x18000] =	vst v63  }
0x5fe: {  	s23 =	sadd.s32 $0xA0, s20  }
0x5ff: {  	[hbm4b:s23+s3] =	stream.linear.scatter [tilespmem:s31], [sflag:$0x2], $0x80, $0x38;
	[tilespmem:$0x18000] =	vst v63  }
0x600: {  	s19 =	sld [smem:$0x719];
	_ =	sdelay $0x1  }
0x601: {  	s24 =	sadd.s32 $0xB0, s20;
	s22 =	sld [smem:$0x71A]  }
0x602: {  	[hbm4b:s24+s3] =	stream.linear.scatter [tilespmem:s19], [sflag:$0x2], $0x80, $0x38;
	[tilespmem:$0x18000] =	vst v63  }
0x603: {  	s25 =	sadd.s32 $0xC0, s20;
	s26 =	sld [smem:$0x71B]  }
0x604: {  	[hbm4b:s25+s3] =	stream.linear.scatter [tilespmem:s22], [sflag:$0x2], $0x80, $0x38;
	[tilespmem:$0x18000] =	vst v63  }
0x605: {  	s28 =	sadd.s32 $0xD0, s20;
	s29 =	sld [smem:$0x71C]  }
0x606: {  	[hbm4b:s28+s3] =	stream.linear.scatter [tilespmem:s26], [sflag:$0x2], $0x80, $0x38;
	[tilespmem:$0x18000] =	vst v63  }
0x607: {  	s30 =	sadd.s32 $0xE0, s20;
	s31 =	sld [smem:$0x71D]  }
0x608: {  	[hbm4b:s30+s3] =	stream.linear.scatter [tilespmem:s29], [sflag:$0x2], $0x80, $0x38;
	[tilespmem:$0x18000] =	vst v63  }
0x609: {  	s23 =	sadd.s32 $0xF0, s20;
	s24 =	sld [smem:$0x71E];
	s25 =	sor.u32 $0xC0100, s18  }
0x60a: {  	[hbm4b:s23+s3] =	stream.linear.scatter [tilespmem:s31], [sflag:$0x2], $0x80, $0x38;
	[tilespmem:$0x18000] =	vst v63  }
0x60b: {  	s20 =	sadd.s32 s4, s25;
	s26 =	sld [smem:$0x71F]  }
0x60c: {  	[hbm4b:s20+s3] =	stream.linear.scatter [tilespmem:s24], [sflag:$0x2], $0x80, $0x38;
	[tilespmem:$0x18000] =	vst v63  }
0x60d: {  	s28 =	sadd.s32 $0x10, s20;
	s29 =	sld [smem:$0x720]  }
0x60e: {  	[hbm4b:s28+s3] =	stream.linear.scatter [tilespmem:s26], [sflag:$0x2], $0x80, $0x38;
	[tilespmem:$0x18000] =	vst v63  }
0x60f: {  	s30 =	sadd.s32 $0x20, s20;
	s31 =	sld [smem:$0x721]  }
0x610: {  	[hbm4b:s30+s3] =	stream.linear.scatter [tilespmem:s29], [sflag:$0x2], $0x80, $0x38;
	[tilespmem:$0x18000] =	vst v63  }
0x611: {  	s23 =	sadd.s32 $0x30, s20;
	s24 =	sld [smem:$0x722]  }
0x612: {  	[hbm4b:s23+s3] =	stream.linear.scatter [tilespmem:s31], [sflag:$0x2], $0x80, $0x38;
	[tilespmem:$0x18000] =	vst v63  }
0x613: {  	s25 =	sadd.s32 $0x40, s20;
	s26 =	sld [smem:$0x723]  }
0x614: {  	[hbm4b:s25+s3] =	stream.linear.scatter [tilespmem:s24], [sflag:$0x2], $0x80, $0x38;
	[tilespmem:$0x18000] =	vst v63  }
0x615: {  	s28 =	sadd.s32 $0x50, s20;
	s29 =	sld [smem:$0x724]  }
0x616: {  	[hbm4b:s28+s3] =	stream.linear.scatter [tilespmem:s26], [sflag:$0x2], $0x80, $0x38;
	[tilespmem:$0x18000] =	vst v63  }
0x617: {  	s30 =	sadd.s32 $0x60, s20;
	s31 =	sld [smem:$0x725]  }
0x618: {  	[hbm4b:s30+s3] =	stream.linear.scatter [tilespmem:s29], [sflag:$0x2], $0x80, $0x38;
	[tilespmem:$0x18000] =	vst v63  }
0x619: {  	s23 =	sadd.s32 $0x70, s20;
	s24 =	sld [smem:$0x726]  }
0x61a: {  	[hbm4b:s23+s3] =	stream.linear.scatter [tilespmem:s31], [sflag:$0x2], $0x80, $0x38;
	[tilespmem:$0x18000] =	vst v63  }
0x61b: {  	s25 =	sadd.s32 $0x80, s20;
	s26 =	sld [smem:$0x727]  }
0x61c: {  	[hbm4b:s25+s3] =	stream.linear.scatter [tilespmem:s24], [sflag:$0x2], $0x80, $0x38;
	[tilespmem:$0x18000] =	vst v63  }
0x61d: {  	s28 =	sadd.s32 $0x90, s20;
	s29 =	sld [smem:$0x728]  }
0x61e: {  	[hbm4b:s28+s3] =	stream.linear.scatter [tilespmem:s26], [sflag:$0x2], $0x80, $0x38;
	[tilespmem:$0x18000] =	vst v63  }
0x61f: {  	s30 =	sadd.s32 $0xA0, s20;
	s31 =	sld [smem:$0x729]  }
0x620: {  	[hbm4b:s30+s3] =	stream.linear.scatter [tilespmem:s29], [sflag:$0x2], $0x80, $0x38;
	[tilespmem:$0x18000] =	vst v63  }
0x621: {  	s23 =	sadd.s32 $0xB0, s20;
	s24 =	sld [smem:$0x72A]  }
0x622: {  	[hbm4b:s23+s3] =	stream.linear.scatter [tilespmem:s31], [sflag:$0x2], $0x80, $0x38;
	[tilespmem:$0x18000] =	vst v63  }
0x623: {  	s25 =	sadd.s32 $0xC0, s20;
	s26 =	sld [smem:$0x72B]  }
0x624: {  	[hbm4b:s25+s3] =	stream.linear.scatter [tilespmem:s24], [sflag:$0x2], $0x80, $0x38;
	[tilespmem:$0x18000] =	vst v63  }
0x625: {  	s28 =	sadd.s32 $0xD0, s20;
	s29 =	sld [smem:$0x72C]  }
0x626: {  	[hbm4b:s28+s3] =	stream.linear.scatter [tilespmem:s26], [sflag:$0x2], $0x80, $0x38;
	[tilespmem:$0x18000] =	vst v63  }
0x627: {  	s30 =	sadd.s32 $0xE0, s20;
	s31 =	sld [smem:$0x72D]  }
0x628: {  	[hbm4b:s30+s3] =	stream.linear.scatter [tilespmem:s29], [sflag:$0x2], $0x80, $0x38;
	[tilespmem:$0x18000] =	vst v63  }
0x629: {  	s23 =	sadd.s32 $0xF0, s20;
	s24 =	sld [smem:$0x72E];
	s25 =	sor.u32 $0xE0100, s18  }
0x62a: {  	[hbm4b:s23+s3] =	stream.linear.scatter [tilespmem:s31], [sflag:$0x2], $0x80, $0x38;
	[tilespmem:$0x18000] =	vst v63  }
0x62b: {  	s20 =	sadd.s32 s4, s25;
	s26 =	sld [smem:$0x72F]  }
0x62c: {  	[hbm4b:s20+s3] =	stream.linear.scatter [tilespmem:s24], [sflag:$0x2], $0x80, $0x38;
	[tilespmem:$0x18000] =	vst v63  }
0x62d: {  	s28 =	sadd.s32 $0x10, s20;
	s29 =	sld [smem:$0x730]  }
0x62e: {  	[hbm4b:s28+s3] =	stream.linear.scatter [tilespmem:s26], [sflag:$0x2], $0x80, $0x38;
	[tilespmem:$0x18000] =	vst v63  }
0x62f: {  	s30 =	sadd.s32 $0x20, s20;
	s31 =	sld [smem:$0x731]  }
0x630: {  	[hbm4b:s30+s3] =	stream.linear.scatter [tilespmem:s29], [sflag:$0x2], $0x80, $0x38;
	[tilespmem:$0x18000] =	vst v63  }
0x631: {  	s23 =	sadd.s32 $0x30, s20;
	s24 =	sld [smem:$0x732]  }
0x632: {  	[hbm4b:s23+s3] =	stream.linear.scatter [tilespmem:s31], [sflag:$0x2], $0x80, $0x38;
	[tilespmem:$0x18000] =	vst v63  }
0x633: {  	s25 =	sadd.s32 $0x40, s20;
	s26 =	sld [smem:$0x733]  }
0x634: {  	[hbm4b:s25+s3] =	stream.linear.scatter [tilespmem:s24], [sflag:$0x2], $0x80, $0x38;
	[tilespmem:$0x18000] =	vst v63  }
0x635: {  	s28 =	sadd.s32 $0x50, s20;
	s29 =	sld [smem:$0x734]  }
0x636: {  	[hbm4b:s28+s3] =	stream.linear.scatter [tilespmem:s26], [sflag:$0x2], $0x80, $0x38;
	[tilespmem:$0x18000] =	vst v63  }
0x637: {  	s30 =	sadd.s32 $0x60, s20;
	s31 =	sld [smem:$0x735]  }
0x638: {  	[hbm4b:s30+s3] =	stream.linear.scatter [tilespmem:s29], [sflag:$0x2], $0x80, $0x38;
	[tilespmem:$0x18000] =	vst v63  }
0x639: {  	s23 =	sadd.s32 $0x70, s20;
	s24 =	sld [smem:$0x736]  }
0x63a: {  	[hbm4b:s23+s3] =	stream.linear.scatter [tilespmem:s31], [sflag:$0x2], $0x80, $0x38;
	[tilespmem:$0x18000] =	vst v63  }
0x63b: {  	s25 =	sadd.s32 $0x80, s20;
	s26 =	sld [smem:$0x737]  }
0x63c: {  	[hbm4b:s25+s3] =	stream.linear.scatter [tilespmem:s24], [sflag:$0x2], $0x80, $0x38;
	[tilespmem:$0x18000] =	vst v63  }
0x63d: {  	s28 =	sadd.s32 $0x90, s20;
	s29 =	sld [smem:$0x738]  }
0x63e: {  	[hbm4b:s28+s3] =	stream.linear.scatter [tilespmem:s26], [sflag:$0x2], $0x80, $0x38;
	[tilespmem:$0x18000] =	vst v63  }
0x63f: {  	s30 =	sadd.s32 $0xA0, s20;
	s31 =	sld [smem:$0x739]  }
0x640: {  	[hbm4b:s30+s3] =	stream.linear.scatter [tilespmem:s29], [sflag:$0x2], $0x80, $0x38;
	[tilespmem:$0x18000] =	vst v63  }
0x641: {  	s23 =	sadd.s32 $0xB0, s20;
	s24 =	sld [smem:$0x73A]  }
0x642: {  	[hbm4b:s23+s3] =	stream.linear.scatter [tilespmem:s31], [sflag:$0x2], $0x80, $0x38;
	[tilespmem:$0x18000] =	vst v63  }
0x643: {  	s25 =	sadd.s32 $0xC0, s20;
	s26 =	sld [smem:$0x73B]  }
0x644: {  	[hbm4b:s25+s3] =	stream.linear.scatter [tilespmem:s24], [sflag:$0x2], $0x80, $0x38;
	[tilespmem:$0x18000] =	vst v63  }
0x645: {  	s28 =	sadd.s32 $0xD0, s20;
	s29 =	sld [smem:$0x73C]  }
0x646: {  	[hbm4b:s28+s3] =	stream.linear.scatter [tilespmem:s26], [sflag:$0x2], $0x80, $0x38;
	[tilespmem:$0x18000] =	vst v63  }
0x647: {  	s30 =	sadd.s32 $0xE0, s20;
	s31 =	sld [smem:$0x73D]  }
0x648: {  	[hbm4b:s30+s3] =	stream.linear.scatter [tilespmem:s29], [sflag:$0x2], $0x80, $0x38;
	[tilespmem:$0x18000] =	vst v63  }
0x649: {  	s23 =	sadd.s32 $0xF0, s20;
	s24 =	sld [smem:$0x73E];
	s25 =	sor.u32 $0x100100, s18  }
0x64a: {  	[hbm4b:s23+s3] =	stream.linear.scatter [tilespmem:s31], [sflag:$0x2], $0x80, $0x38;
	[tilespmem:$0x18000] =	vst v63  }
0x64b: {  	s20 =	sadd.s32 s4, s25;
	s26 =	sld [smem:$0x73F]  }
0x64c: {  	[hbm4b:s20+s3] =	stream.linear.scatter [tilespmem:s24], [sflag:$0x2], $0x80, $0x38;
	[tilespmem:$0x18000] =	vst v63  }
0x64d: {  	s28 =	sadd.s32 $0x10, s20;
	s29 =	sld [smem:$0x740]  }
0x64e: {  	[hbm4b:s28+s3] =	stream.linear.scatter [tilespmem:s26], [sflag:$0x2], $0x80, $0x38;
	[tilespmem:$0x18000] =	vst v63  }
0x64f: {  	s30 =	sadd.s32 $0x20, s20;
	s31 =	sld [smem:$0x741]  }
0x650: {  	[hbm4b:s30+s3] =	stream.linear.scatter [tilespmem:s29], [sflag:$0x2], $0x80, $0x38;
	[tilespmem:$0x18000] =	vst v63  }
0x651: {  	s23 =	sadd.s32 $0x30, s20;
	s24 =	sld [smem:$0x742]  }
0x652: {  	[hbm4b:s23+s3] =	stream.linear.scatter [tilespmem:s31], [sflag:$0x2], $0x80, $0x38;
	[tilespmem:$0x18000] =	vst v63  }
0x653: {  	s25 =	sadd.s32 $0x40, s20;
	s26 =	sld [smem:$0x743]  }
0x654: {  	[hbm4b:s25+s3] =	stream.linear.scatter [tilespmem:s24], [sflag:$0x2], $0x80, $0x38;
	[tilespmem:$0x18000] =	vst v63  }
0x655: {  	s28 =	sadd.s32 $0x50, s20;
	s29 =	sld [smem:$0x744]  }
0x656: {  	[hbm4b:s28+s3] =	stream.linear.scatter [tilespmem:s26], [sflag:$0x2], $0x80, $0x38;
	[tilespmem:$0x18000] =	vst v63  }
0x657: {  	s30 =	sadd.s32 $0x60, s20;
	s31 =	sld [smem:$0x745]  }
0x658: {  	[hbm4b:s30+s3] =	stream.linear.scatter [tilespmem:s29], [sflag:$0x2], $0x80, $0x38;
	[tilespmem:$0x18000] =	vst v63  }
0x659: {  	s23 =	sadd.s32 $0x70, s20;
	s24 =	sld [smem:$0x746]  }
0x65a: {  	[hbm4b:s23+s3] =	stream.linear.scatter [tilespmem:s31], [sflag:$0x2], $0x80, $0x38;
	[tilespmem:$0x18000] =	vst v63  }
0x65b: {  	s25 =	sadd.s32 $0x80, s20;
	s26 =	sld [smem:$0x747]  }
0x65c: {  	[hbm4b:s25+s3] =	stream.linear.scatter [tilespmem:s24], [sflag:$0x2], $0x80, $0x38;
	[tilespmem:$0x18000] =	vst v63  }
0x65d: {  	s28 =	sadd.s32 $0x90, s20;
	s29 =	sld [smem:$0x748]  }
0x65e: {  	[hbm4b:s28+s3] =	stream.linear.scatter [tilespmem:s26], [sflag:$0x2], $0x80, $0x38;
	[tilespmem:$0x18000] =	vst v63  }
0x65f: {  	s30 =	sadd.s32 $0xA0, s20;
	s31 =	sld [smem:$0x749]  }
0x660: {  	[hbm4b:s30+s3] =	stream.linear.scatter [tilespmem:s29], [sflag:$0x2], $0x80, $0x38;
	[tilespmem:$0x18000] =	vst v63  }
0x661: {  	s23 =	sadd.s32 $0xB0, s20;
	s24 =	sld [smem:$0x74A]  }
0x662: {  	[hbm4b:s23+s3] =	stream.linear.scatter [tilespmem:s31], [sflag:$0x2], $0x80, $0x38;
	[tilespmem:$0x18000] =	vst v63  }
0x663: {  	s25 =	sadd.s32 $0xC0, s20;
	s26 =	sld [smem:$0x74B]  }
0x664: {  	[hbm4b:s25+s3] =	stream.linear.scatter [tilespmem:s24], [sflag:$0x2], $0x80, $0x38;
	[tilespmem:$0x18000] =	vst v63  }
0x665: {  	s28 =	sadd.s32 $0xD0, s20;
	s29 =	sld [smem:$0x74C]  }
0x666: {  	[hbm4b:s28+s3] =	stream.linear.scatter [tilespmem:s26], [sflag:$0x2], $0x80, $0x38;
	[tilespmem:$0x18000] =	vst v63  }
0x667: {  	s30 =	sadd.s32 $0xE0, s20;
	s31 =	sld [smem:$0x74D]  }
0x668: {  	[hbm4b:s30+s3] =	stream.linear.scatter [tilespmem:s29], [sflag:$0x2], $0x80, $0x38;
	[tilespmem:$0x18000] =	vst v63  }
0x669: {  	s23 =	sadd.s32 $0xF0, s20;
	s24 =	sld [smem:$0x74E];
	s25 =	sor.u32 $0x120100, s18  }
0x66a: {  	[hbm4b:s23+s3] =	stream.linear.scatter [tilespmem:s31], [sflag:$0x2], $0x80, $0x38;
	[tilespmem:$0x18000] =	vst v63  }
0x66b: {  	s20 =	sadd.s32 s4, s25;
	s26 =	sld [smem:$0x74F]  }
0x66c: {  	[hbm4b:s20+s3] =	stream.linear.scatter [tilespmem:s24], [sflag:$0x2], $0x80, $0x38;
	[tilespmem:$0x18000] =	vst v63  }
0x66d: {  	s28 =	sadd.s32 $0x10, s20;
	s29 =	sld [smem:$0x750]  }
0x66e: {  	[hbm4b:s28+s3] =	stream.linear.scatter [tilespmem:s26], [sflag:$0x2], $0x80, $0x38;
	[tilespmem:$0x18000] =	vst v63  }
0x66f: {  	s30 =	sadd.s32 $0x20, s20;
	s31 =	sld [smem:$0x751]  }
0x670: {  	[hbm4b:s30+s3] =	stream.linear.scatter [tilespmem:s29], [sflag:$0x2], $0x80, $0x38;
	[tilespmem:$0x18000] =	vst v63  }
0x671: {  	s23 =	sadd.s32 $0x30, s20;
	s24 =	sld [smem:$0x752]  }
0x672: {  	[hbm4b:s23+s3] =	stream.linear.scatter [tilespmem:s31], [sflag:$0x2], $0x80, $0x38;
	[tilespmem:$0x18000] =	vst v63  }
0x673: {  	s25 =	sadd.s32 $0x40, s20;
	s26 =	sld [smem:$0x753]  }
0x674: {  	[hbm4b:s25+s3] =	stream.linear.scatter [tilespmem:s24], [sflag:$0x2], $0x80, $0x38;
	[tilespmem:$0x18000] =	vst v63  }
0x675: {  	s28 =	sadd.s32 $0x50, s20;
	s29 =	sld [smem:$0x754]  }
0x676: {  	[hbm4b:s28+s3] =	stream.linear.scatter [tilespmem:s26], [sflag:$0x2], $0x80, $0x38;
	[tilespmem:$0x18000] =	vst v63  }
0x677: {  	s30 =	sadd.s32 $0x60, s20;
	s31 =	sld [smem:$0x755]  }
0x678: {  	[hbm4b:s30+s3] =	stream.linear.scatter [tilespmem:s29], [sflag:$0x2], $0x80, $0x38;
	[tilespmem:$0x18000] =	vst v63  }
0x679: {  	s23 =	sadd.s32 $0x70, s20;
	s24 =	sld [smem:$0x756]  }
0x67a: {  	[hbm4b:s23+s3] =	stream.linear.scatter [tilespmem:s31], [sflag:$0x2], $0x80, $0x38;
	[tilespmem:$0x18000] =	vst v63  }
0x67b: {  	s25 =	sadd.s32 $0x80, s20;
	s26 =	sld [smem:$0x757]  }
0x67c: {  	[hbm4b:s25+s3] =	stream.linear.scatter [tilespmem:s24], [sflag:$0x2], $0x80, $0x38;
	[tilespmem:$0x18000] =	vst v63  }
0x67d: {  	s28 =	sadd.s32 $0x90, s20;
	s29 =	sld [smem:$0x758]  }
0x67e: {  	[hbm4b:s28+s3] =	stream.linear.scatter [tilespmem:s26], [sflag:$0x2], $0x80, $0x38;
	[tilespmem:$0x18000] =	vst v63  }
0x67f: {  	s30 =	sadd.s32 $0xA0, s20;
	s31 =	sld [smem:$0x759]  }
0x680: {  	[hbm4b:s30+s3] =	stream.linear.scatter [tilespmem:s29], [sflag:$0x2], $0x80, $0x38;
	[tilespmem:$0x18000] =	vst v63  }
0x681: {  	s23 =	sadd.s32 $0xB0, s20;
	s24 =	sld [smem:$0x75A]  }
0x682: {  	[hbm4b:s23+s3] =	stream.linear.scatter [tilespmem:s31], [sflag:$0x2], $0x80, $0x38;
	[tilespmem:$0x18000] =	vst v63  }
0x683: {  	s25 =	sadd.s32 $0xC0, s20;
	s26 =	sld [smem:$0x75B]  }
0x684: {  	[hbm4b:s25+s3] =	stream.linear.scatter [tilespmem:s24], [sflag:$0x2], $0x80, $0x38;
	[tilespmem:$0x18000] =	vst v63  }
0x685: {  	s28 =	sadd.s32 $0xD0, s20;
	s29 =	sld [smem:$0x75C]  }
0x686: {  	[hbm4b:s28+s3] =	stream.linear.scatter [tilespmem:s26], [sflag:$0x2], $0x80, $0x38;
	[tilespmem:$0x18000] =	vst v63  }
0x687: {  	s30 =	sadd.s32 $0xE0, s20;
	s31 =	sld [smem:$0x75D]  }
0x688: {  	[hbm4b:s30+s3] =	stream.linear.scatter [tilespmem:s29], [sflag:$0x2], $0x80, $0x38;
	[tilespmem:$0x18000] =	vst v63  }
0x689: {  	s23 =	sadd.s32 $0xF0, s20;
	s24 =	sld [smem:$0x75E];
	s25 =	sor.u32 $0x140100, s18  }
0x68a: {  	[hbm4b:s23+s3] =	stream.linear.scatter [tilespmem:s31], [sflag:$0x2], $0x80, $0x38;
	[tilespmem:$0x18000] =	vst v63  }
0x68b: {  	s20 =	sadd.s32 s4, s25;
	s26 =	sld [smem:$0x75F]  }
0x68c: {  	[hbm4b:s20+s3] =	stream.linear.scatter [tilespmem:s24], [sflag:$0x2], $0x80, $0x38;
	[tilespmem:$0x18000] =	vst v63  }
0x68d: {  	s28 =	sadd.s32 $0x10, s20;
	s29 =	sld [smem:$0x760]  }
0x68e: {  	[hbm4b:s28+s3] =	stream.linear.scatter [tilespmem:s26], [sflag:$0x2], $0x80, $0x38;
	[tilespmem:$0x18000] =	vst v63  }
0x68f: {  	s30 =	sadd.s32 $0x20, s20;
	s31 =	sld [smem:$0x761]  }
0x690: {  	[hbm4b:s30+s3] =	stream.linear.scatter [tilespmem:s29], [sflag:$0x2], $0x80, $0x38;
	[tilespmem:$0x18000] =	vst v63  }
0x691: {  	s23 =	sadd.s32 $0x30, s20;
	s24 =	sld [smem:$0x762]  }
0x692: {  	[hbm4b:s23+s3] =	stream.linear.scatter [tilespmem:s31], [sflag:$0x2], $0x80, $0x38;
	[tilespmem:$0x18000] =	vst v63  }
0x693: {  	s25 =	sadd.s32 $0x40, s20;
	s26 =	sld [smem:$0x763]  }
0x694: {  	[hbm4b:s25+s3] =	stream.linear.scatter [tilespmem:s24], [sflag:$0x2], $0x80, $0x38;
	[tilespmem:$0x18000] =	vst v63  }
0x695: {  	s28 =	sadd.s32 $0x50, s20;
	s29 =	sld [smem:$0x764]  }
0x696: {  	[hbm4b:s28+s3] =	stream.linear.scatter [tilespmem:s26], [sflag:$0x2], $0x80, $0x38;
	[tilespmem:$0x18000] =	vst v63  }
0x697: {  	s30 =	sadd.s32 $0x60, s20;
	s31 =	sld [smem:$0x765]  }
0x698: {  	[hbm4b:s30+s3] =	stream.linear.scatter [tilespmem:s29], [sflag:$0x2], $0x80, $0x38;
	[tilespmem:$0x18000] =	vst v63  }
0x699: {  	s23 =	sadd.s32 $0x70, s20;
	s24 =	sld [smem:$0x766]  }
0x69a: {  	[hbm4b:s23+s3] =	stream.linear.scatter [tilespmem:s31], [sflag:$0x2], $0x80, $0x38;
	[tilespmem:$0x18000] =	vst v63  }
0x69b: {  	s25 =	sadd.s32 $0x80, s20;
	s26 =	sld [smem:$0x767]  }
0x69c: {  	[hbm4b:s25+s3] =	stream.linear.scatter [tilespmem:s24], [sflag:$0x2], $0x80, $0x38;
	[tilespmem:$0x18000] =	vst v63  }
0x69d: {  	s28 =	sadd.s32 $0x90, s20;
	s29 =	sld [smem:$0x768]  }
0x69e: {  	[hbm4b:s28+s3] =	stream.linear.scatter [tilespmem:s26], [sflag:$0x2], $0x80, $0x38;
	[tilespmem:$0x18000] =	vst v63  }
0x69f: {  	s30 =	sadd.s32 $0xA0, s20;
	s31 =	sld [smem:$0x769]  }
0x6a0: {  	[hbm4b:s30+s3] =	stream.linear.scatter [tilespmem:s29], [sflag:$0x2], $0x80, $0x38;
	[tilespmem:$0x18000] =	vst v63  }
0x6a1: {  	s23 =	sadd.s32 $0xB0, s20;
	s24 =	sld [smem:$0x76A]  }
0x6a2: {  	[hbm4b:s23+s3] =	stream.linear.scatter [tilespmem:s31], [sflag:$0x2], $0x80, $0x38;
	[tilespmem:$0x18000] =	vst v63  }
0x6a3: {  	s25 =	sadd.s32 $0xC0, s20;
	s26 =	sld [smem:$0x76B]  }
0x6a4: {  	[hbm4b:s25+s3] =	stream.linear.scatter [tilespmem:s24], [sflag:$0x2], $0x80, $0x38;
	[tilespmem:$0x18000] =	vst v63  }
0x6a5: {  	s28 =	sadd.s32 $0xD0, s20;
	s29 =	sld [smem:$0x76C]  }
0x6a6: {  	[hbm4b:s28+s3] =	stream.linear.scatter [tilespmem:s26], [sflag:$0x2], $0x80, $0x38;
	[tilespmem:$0x18000] =	vst v63  }
0x6a7: {  	s30 =	sadd.s32 $0xE0, s20;
	s31 =	sld [smem:$0x76D]  }
0x6a8: {  	[hbm4b:s30+s3] =	stream.linear.scatter [tilespmem:s29], [sflag:$0x2], $0x80, $0x38;
	[tilespmem:$0x18000] =	vst v63  }
0x6a9: {  	s23 =	sadd.s32 $0xF0, s20;
	s24 =	sld [smem:$0x76E];
	s25 =	sor.u32 $0x160100, s18  }
0x6aa: {  	[hbm4b:s23+s3] =	stream.linear.scatter [tilespmem:s31], [sflag:$0x2], $0x80, $0x38;
	[tilespmem:$0x18000] =	vst v63  }
0x6ab: {  	s20 =	sadd.s32 s4, s25;
	s26 =	sld [smem:$0x76F]  }
0x6ac: {  	[hbm4b:s20+s3] =	stream.linear.scatter [tilespmem:s24], [sflag:$0x2], $0x80, $0x38;
	[tilespmem:$0x18000] =	vst v63  }
0x6ad: {  	s28 =	sadd.s32 $0x10, s20;
	s29 =	sld [smem:$0x770]  }
0x6ae: {  	[hbm4b:s28+s3] =	stream.linear.scatter [tilespmem:s26], [sflag:$0x2], $0x80, $0x38;
	[tilespmem:$0x18000] =	vst v63  }
0x6af: {  	s30 =	sadd.s32 $0x20, s20;
	s31 =	sld [smem:$0x771]  }
0x6b0: {  	[hbm4b:s30+s3] =	stream.linear.scatter [tilespmem:s29], [sflag:$0x2], $0x80, $0x38;
	[tilespmem:$0x18000] =	vst v63  }
0x6b1: {  	s23 =	sadd.s32 $0x30, s20;
	s24 =	sld [smem:$0x772]  }
0x6b2: {  	[hbm4b:s23+s3] =	stream.linear.scatter [tilespmem:s31], [sflag:$0x2], $0x80, $0x38;
	[tilespmem:$0x18000] =	vst v63  }
0x6b3: {  	s25 =	sadd.s32 $0x40, s20;
	s26 =	sld [smem:$0x773]  }
0x6b4: {  	[hbm4b:s25+s3] =	stream.linear.scatter [tilespmem:s24], [sflag:$0x2], $0x80, $0x38;
	[tilespmem:$0x18000] =	vst v63  }
0x6b5: {  	s28 =	sadd.s32 $0x50, s20;
	s29 =	sld [smem:$0x774]  }
0x6b6: {  	[hbm4b:s28+s3] =	stream.linear.scatter [tilespmem:s26], [sflag:$0x2], $0x80, $0x38;
	[tilespmem:$0x18000] =	vst v63  }
0x6b7: {  	s30 =	sadd.s32 $0x60, s20;
	s31 =	sld [smem:$0x775]  }
0x6b8: {  	[hbm4b:s30+s3] =	stream.linear.scatter [tilespmem:s29], [sflag:$0x2], $0x80, $0x38;
	[tilespmem:$0x18000] =	vst v63  }
0x6b9: {  	s23 =	sadd.s32 $0x70, s20;
	s24 =	sld [smem:$0x776]  }
0x6ba: {  	[hbm4b:s23+s3] =	stream.linear.scatter [tilespmem:s31], [sflag:$0x2], $0x80, $0x38;
	[tilespmem:$0x18000] =	vst v63  }
0x6bb: {  	s25 =	sadd.s32 $0x80, s20;
	s26 =	sld [smem:$0x777]  }
0x6bc: {  	[hbm4b:s25+s3] =	stream.linear.scatter [tilespmem:s24], [sflag:$0x2], $0x80, $0x38;
	[tilespmem:$0x18000] =	vst v63  }
0x6bd: {  	s28 =	sadd.s32 $0x90, s20;
	s29 =	sld [smem:$0x778]  }
0x6be: {  	[hbm4b:s28+s3] =	stream.linear.scatter [tilespmem:s26], [sflag:$0x2], $0x80, $0x38;
	[tilespmem:$0x18000] =	vst v63  }
0x6bf: {  	s30 =	sadd.s32 $0xA0, s20;
	s31 =	sld [smem:$0x779]  }
0x6c0: {  	[hbm4b:s30+s3] =	stream.linear.scatter [tilespmem:s29], [sflag:$0x2], $0x80, $0x38;
	[tilespmem:$0x18000] =	vst v63  }
0x6c1: {  	s23 =	sadd.s32 $0xB0, s20;
	s24 =	sld [smem:$0x77A]  }
0x6c2: {  	[hbm4b:s23+s3] =	stream.linear.scatter [tilespmem:s31], [sflag:$0x2], $0x80, $0x38;
	[tilespmem:$0x18000] =	vst v63  }
0x6c3: {  	s25 =	sadd.s32 $0xC0, s20;
	s26 =	sld [smem:$0x77B]  }
0x6c4: {  	[hbm4b:s25+s3] =	stream.linear.scatter [tilespmem:s24], [sflag:$0x2], $0x80, $0x38;
	[tilespmem:$0x18000] =	vst v63  }
0x6c5: {  	s28 =	sadd.s32 $0xD0, s20;
	s29 =	sld [smem:$0x77C]  }
0x6c6: {  	[hbm4b:s28+s3] =	stream.linear.scatter [tilespmem:s26], [sflag:$0x2], $0x80, $0x38;
	[tilespmem:$0x18000] =	vst v63  }
0x6c7: {  	s30 =	sadd.s32 $0xE0, s20;
	s31 =	sld [smem:$0x77D]  }
0x6c8: {  	[hbm4b:s30+s3] =	stream.linear.scatter [tilespmem:s29], [sflag:$0x2], $0x80, $0x38;
	[tilespmem:$0x18000] =	vst v63  }
0x6c9: {  	s23 =	sadd.s32 $0xF0, s20;
	s24 =	sld [smem:$0x77E];
	s25 =	sor.u32 $0x180100, s18  }
0x6ca: {  	[hbm4b:s23+s3] =	stream.linear.scatter [tilespmem:s31], [sflag:$0x2], $0x80, $0x38;
	[tilespmem:$0x18000] =	vst v63  }
0x6cb: {  	s20 =	sadd.s32 s4, s25;
	s26 =	sld [smem:$0x77F]  }
0x6cc: {  	[hbm4b:s20+s3] =	stream.linear.scatter [tilespmem:s24], [sflag:$0x2], $0x80, $0x38;
	[tilespmem:$0x18000] =	vst v63  }
0x6cd: {  	s28 =	sadd.s32 $0x10, s20;
	s29 =	sld [smem:$0x780]  }
0x6ce: {  	[hbm4b:s28+s3] =	stream.linear.scatter [tilespmem:s26], [sflag:$0x2], $0x80, $0x38;
	[tilespmem:$0x18000] =	vst v63  }
0x6cf: {  	s30 =	sadd.s32 $0x20, s20;
	s31 =	sld [smem:$0x781]  }
0x6d0: {  	[hbm4b:s30+s3] =	stream.linear.scatter [tilespmem:s29], [sflag:$0x2], $0x80, $0x38;
	[tilespmem:$0x18000] =	vst v63  }
0x6d1: {  	s23 =	sadd.s32 $0x30, s20;
	s24 =	sld [smem:$0x782]  }
0x6d2: {  	[hbm4b:s23+s3] =	stream.linear.scatter [tilespmem:s31], [sflag:$0x2], $0x80, $0x38;
	[tilespmem:$0x18000] =	vst v63  }
0x6d3: {  	s25 =	sadd.s32 $0x40, s20;
	s26 =	sld [smem:$0x783]  }
0x6d4: {  	[hbm4b:s25+s3] =	stream.linear.scatter [tilespmem:s24], [sflag:$0x2], $0x80, $0x38;
	[tilespmem:$0x18000] =	vst v63  }
0x6d5: {  	s28 =	sadd.s32 $0x50, s20;
	s29 =	sld [smem:$0x784]  }
0x6d6: {  	[hbm4b:s28+s3] =	stream.linear.scatter [tilespmem:s26], [sflag:$0x2], $0x80, $0x38;
	[tilespmem:$0x18000] =	vst v63  }
0x6d7: {  	s30 =	sadd.s32 $0x60, s20;
	s31 =	sld [smem:$0x785]  }
0x6d8: {  	[hbm4b:s30+s3] =	stream.linear.scatter [tilespmem:s29], [sflag:$0x2], $0x80, $0x38;
	[tilespmem:$0x18000] =	vst v63  }
0x6d9: {  	s23 =	sadd.s32 $0x70, s20;
	s24 =	sld [smem:$0x786]  }
0x6da: {  	[hbm4b:s23+s3] =	stream.linear.scatter [tilespmem:s31], [sflag:$0x2], $0x80, $0x38;
	[tilespmem:$0x18000] =	vst v63  }
0x6db: {  	s25 =	sadd.s32 $0x80, s20;
	s26 =	sld [smem:$0x787]  }
0x6dc: {  	[hbm4b:s25+s3] =	stream.linear.scatter [tilespmem:s24], [sflag:$0x2], $0x80, $0x38;
	[tilespmem:$0x18000] =	vst v63  }
0x6dd: {  	s28 =	sadd.s32 $0x90, s20;
	s29 =	sld [smem:$0x788]  }
0x6de: {  	[hbm4b:s28+s3] =	stream.linear.scatter [tilespmem:s26], [sflag:$0x2], $0x80, $0x38;
	[tilespmem:$0x18000] =	vst v63  }
0x6df: {  	s30 =	sadd.s32 $0xA0, s20;
	s31 =	sld [smem:$0x789]  }
0x6e0: {  	[hbm4b:s30+s3] =	stream.linear.scatter [tilespmem:s29], [sflag:$0x2], $0x80, $0x38;
	[tilespmem:$0x18000] =	vst v63  }
0x6e1: {  	s23 =	sadd.s32 $0xB0, s20;
	s24 =	sld [smem:$0x78A]  }
0x6e2: {  	[hbm4b:s23+s3] =	stream.linear.scatter [tilespmem:s31], [sflag:$0x2], $0x80, $0x38;
	[tilespmem:$0x18000] =	vst v63  }
0x6e3: {  	s25 =	sadd.s32 $0xC0, s20;
	s26 =	sld [smem:$0x78B]  }
0x6e4: {  	[hbm4b:s25+s3] =	stream.linear.scatter [tilespmem:s24], [sflag:$0x2], $0x80, $0x38;
	[tilespmem:$0x18000] =	vst v63  }
0x6e5: {  	s28 =	sadd.s32 $0xD0, s20;
	s29 =	sld [smem:$0x78C]  }
0x6e6: {  	[hbm4b:s28+s3] =	stream.linear.scatter [tilespmem:s26], [sflag:$0x2], $0x80, $0x38;
	[tilespmem:$0x18000] =	vst v63  }
0x6e7: {  	s30 =	sadd.s32 $0xE0, s20;
	s31 =	sld [smem:$0x78D]  }
0x6e8: {  	[hbm4b:s30+s3] =	stream.linear.scatter [tilespmem:s29], [sflag:$0x2], $0x80, $0x38;
	[tilespmem:$0x18000] =	vst v63  }
0x6e9: {  	s23 =	sadd.s32 $0xF0, s20;
	s24 =	sld [smem:$0x78E];
	s25 =	sor.u32 $0x1A0100, s18  }
0x6ea: {  	[hbm4b:s23+s3] =	stream.linear.scatter [tilespmem:s31], [sflag:$0x2], $0x80, $0x38;
	[tilespmem:$0x18000] =	vst v63  }
0x6eb: {  	s20 =	sadd.s32 s4, s25;
	s26 =	sld [smem:$0x78F]  }
0x6ec: {  	[hbm4b:s20+s3] =	stream.linear.scatter [tilespmem:s24], [sflag:$0x2], $0x80, $0x38;
	[tilespmem:$0x18000] =	vst v63  }
0x6ed: {  	s28 =	sadd.s32 $0x10, s20;
	s29 =	sld [smem:$0x790]  }
0x6ee: {  	[hbm4b:s28+s3] =	stream.linear.scatter [tilespmem:s26], [sflag:$0x2], $0x80, $0x38;
	[tilespmem:$0x18000] =	vst v63  }
0x6ef: {  	s30 =	sadd.s32 $0x20, s20;
	s31 =	sld [smem:$0x791]  }
0x6f0: {  	[hbm4b:s30+s3] =	stream.linear.scatter [tilespmem:s29], [sflag:$0x2], $0x80, $0x38;
	[tilespmem:$0x18000] =	vst v63  }
0x6f1: {  	s23 =	sadd.s32 $0x30, s20;
	s24 =	sld [smem:$0x792]  }
0x6f2: {  	[hbm4b:s23+s3] =	stream.linear.scatter [tilespmem:s31], [sflag:$0x2], $0x80, $0x38;
	[tilespmem:$0x18000] =	vst v63  }
0x6f3: {  	s25 =	sadd.s32 $0x40, s20;
	s26 =	sld [smem:$0x793]  }
0x6f4: {  	[hbm4b:s25+s3] =	stream.linear.scatter [tilespmem:s24], [sflag:$0x2], $0x80, $0x38;
	[tilespmem:$0x18000] =	vst v63  }
0x6f5: {  	s28 =	sadd.s32 $0x50, s20;
	s29 =	sld [smem:$0x794]  }
0x6f6: {  	[hbm4b:s28+s3] =	stream.linear.scatter [tilespmem:s26], [sflag:$0x2], $0x80, $0x38;
	[tilespmem:$0x18000] =	vst v63  }
0x6f7: {  	s30 =	sadd.s32 $0x60, s20;
	s31 =	sld [smem:$0x795]  }
0x6f8: {  	[hbm4b:s30+s3] =	stream.linear.scatter [tilespmem:s29], [sflag:$0x2], $0x80, $0x38;
	[tilespmem:$0x18000] =	vst v63  }
0x6f9: {  	s23 =	sadd.s32 $0x70, s20;
	s24 =	sld [smem:$0x796]  }
0x6fa: {  	[hbm4b:s23+s3] =	stream.linear.scatter [tilespmem:s31], [sflag:$0x2], $0x80, $0x38;
	[tilespmem:$0x18000] =	vst v63  }
0x6fb: {  	s25 =	sadd.s32 $0x80, s20;
	s26 =	sld [smem:$0x797]  }
0x6fc: {  	[hbm4b:s25+s3] =	stream.linear.scatter [tilespmem:s24], [sflag:$0x2], $0x80, $0x38;
	[tilespmem:$0x18000] =	vst v63  }
0x6fd: {  	s28 =	sadd.s32 $0x90, s20;
	s29 =	sld [smem:$0x798]  }
0x6fe: {  	[hbm4b:s28+s3] =	stream.linear.scatter [tilespmem:s26], [sflag:$0x2], $0x80, $0x38;
	[tilespmem:$0x18000] =	vst v63  }
0x6ff: {  	s30 =	sadd.s32 $0xA0, s20;
	s31 =	sld [smem:$0x799]  }
0x700: {  	[hbm4b:s30+s3] =	stream.linear.scatter [tilespmem:s29], [sflag:$0x2], $0x80, $0x38;
	[tilespmem:$0x18000] =	vst v63  }
0x701: {  	s23 =	sadd.s32 $0xB0, s20;
	s24 =	sld [smem:$0x79A]  }
0x702: {  	[hbm4b:s23+s3] =	stream.linear.scatter [tilespmem:s31], [sflag:$0x2], $0x80, $0x38;
	[tilespmem:$0x18000] =	vst v63  }
0x703: {  	s25 =	sadd.s32 $0xC0, s20;
	s26 =	sld [smem:$0x79B]  }
0x704: {  	[hbm4b:s25+s3] =	stream.linear.scatter [tilespmem:s24], [sflag:$0x2], $0x80, $0x38;
	[tilespmem:$0x18000] =	vst v63  }
0x705: {  	s28 =	sadd.s32 $0xD0, s20;
	s29 =	sld [smem:$0x79C]  }
0x706: {  	[hbm4b:s28+s3] =	stream.linear.scatter [tilespmem:s26], [sflag:$0x2], $0x80, $0x38;
	[tilespmem:$0x18000] =	vst v63  }
0x707: {  	s30 =	sadd.s32 $0xE0, s20;
	s31 =	sld [smem:$0x79D]  }
0x708: {  	[hbm4b:s30+s3] =	stream.linear.scatter [tilespmem:s29], [sflag:$0x2], $0x80, $0x38;
	[tilespmem:$0x18000] =	vst v63  }
0x709: {  	s23 =	sadd.s32 $0xF0, s20;
	s24 =	sld [smem:$0x79E];
	s25 =	sor.u32 $0x1C0100, s18  }
0x70a: {  	[hbm4b:s23+s3] =	stream.linear.scatter [tilespmem:s31], [sflag:$0x2], $0x80, $0x38;
	[tilespmem:$0x18000] =	vst v63  }
0x70b: {  	s20 =	sadd.s32 s4, s25;
	s26 =	sld [smem:$0x79F]  }
0x70c: {  	[hbm4b:s20+s3] =	stream.linear.scatter [tilespmem:s24], [sflag:$0x2], $0x80, $0x38;
	[tilespmem:$0x18000] =	vst v63  }
0x70d: {  	s28 =	sadd.s32 $0x10, s20;
	s29 =	sld [smem:$0x7A0]  }
0x70e: {  	[hbm4b:s28+s3] =	stream.linear.scatter [tilespmem:s26], [sflag:$0x2], $0x80, $0x38;
	[tilespmem:$0x18000] =	vst v63  }
0x70f: {  	s30 =	sadd.s32 $0x20, s20;
	s31 =	sld [smem:$0x7A1]  }
0x710: {  	[hbm4b:s30+s3] =	stream.linear.scatter [tilespmem:s29], [sflag:$0x2], $0x80, $0x38;
	[tilespmem:$0x18000] =	vst v63  }
0x711: {  	s23 =	sadd.s32 $0x30, s20;
	s24 =	sld [smem:$0x7A2]  }
0x712: {  	[hbm4b:s23+s3] =	stream.linear.scatter [tilespmem:s31], [sflag:$0x2], $0x80, $0x38;
	[tilespmem:$0x18000] =	vst v63  }
0x713: {  	s25 =	sadd.s32 $0x40, s20;
	s26 =	sld [smem:$0x7A3]  }
0x714: {  	[hbm4b:s25+s3] =	stream.linear.scatter [tilespmem:s24], [sflag:$0x2], $0x80, $0x38;
	[tilespmem:$0x18000] =	vst v63  }
0x715: {  	s28 =	sadd.s32 $0x50, s20;
	s29 =	sld [smem:$0x7A4]  }
0x716: {  	[hbm4b:s28+s3] =	stream.linear.scatter [tilespmem:s26], [sflag:$0x2], $0x80, $0x38;
	[tilespmem:$0x18000] =	vst v63  }
0x717: {  	s30 =	sadd.s32 $0x60, s20;
	s31 =	sld [smem:$0x7A5]  }
0x718: {  	[hbm4b:s30+s3] =	stream.linear.scatter [tilespmem:s29], [sflag:$0x2], $0x80, $0x38;
	[tilespmem:$0x18000] =	vst v63  }
0x719: {  	s23 =	sadd.s32 $0x70, s20;
	s24 =	sld [smem:$0x7A6]  }
0x71a: {  	[hbm4b:s23+s3] =	stream.linear.scatter [tilespmem:s31], [sflag:$0x2], $0x80, $0x38;
	[tilespmem:$0x18000] =	vst v63  }
0x71b: {  	s25 =	sadd.s32 $0x80, s20;
	s26 =	sld [smem:$0x7A7]  }
0x71c: {  	[hbm4b:s25+s3] =	stream.linear.scatter [tilespmem:s24], [sflag:$0x2], $0x80, $0x38;
	[tilespmem:$0x18000] =	vst v63  }
0x71d: {  	s28 =	sadd.s32 $0x90, s20;
	s29 =	sld [smem:$0x7A8]  }
0x71e: {  	[hbm4b:s28+s3] =	stream.linear.scatter [tilespmem:s26], [sflag:$0x2], $0x80, $0x38;
	[tilespmem:$0x18000] =	vst v63  }
0x71f: {  	s30 =	sadd.s32 $0xA0, s20;
	s31 =	sld [smem:$0x7A9]  }
0x720: {  	[hbm4b:s30+s3] =	stream.linear.scatter [tilespmem:s29], [sflag:$0x2], $0x80, $0x38;
	[tilespmem:$0x18000] =	vst v63  }
0x721: {  	s23 =	sadd.s32 $0xB0, s20;
	s24 =	sld [smem:$0x7AA]  }
0x722: {  	[hbm4b:s23+s3] =	stream.linear.scatter [tilespmem:s31], [sflag:$0x2], $0x80, $0x38;
	[tilespmem:$0x18000] =	vst v63  }
0x723: {  	s25 =	sadd.s32 $0xC0, s20;
	s26 =	sld [smem:$0x7AB]  }
0x724: {  	[hbm4b:s25+s3] =	stream.linear.scatter [tilespmem:s24], [sflag:$0x2], $0x80, $0x38;
	[tilespmem:$0x18000] =	vst v63  }
0x725: {  	s28 =	sadd.s32 $0xD0, s20;
	s29 =	sld [smem:$0x7AC]  }
0x726: {  	[hbm4b:s28+s3] =	stream.linear.scatter [tilespmem:s26], [sflag:$0x2], $0x80, $0x38;
	[tilespmem:$0x18000] =	vst v63  }
0x727: {  	s30 =	sadd.s32 $0xE0, s20;
	s31 =	sld [smem:$0x7AD]  }
0x728: {  	[hbm4b:s30+s3] =	stream.linear.scatter [tilespmem:s29], [sflag:$0x2], $0x80, $0x38;
	[tilespmem:$0x18000] =	vst v63  }
0x729: {  	s23 =	sadd.s32 $0xF0, s20;
	s24 =	sld [smem:$0x7AE];
	s25 =	sor.u32 $0x1E0100, s18  }
0x72a: {  	[hbm4b:s23+s3] =	stream.linear.scatter [tilespmem:s31], [sflag:$0x2], $0x80, $0x38;
	[tilespmem:$0x18000] =	vst v63  }
0x72b: {  	s20 =	sadd.s32 s4, s25;
	s26 =	sld [smem:$0x7AF]  }
0x72c: {  	[hbm4b:s20+s3] =	stream.linear.scatter [tilespmem:s24], [sflag:$0x2], $0x80, $0x38;
	[tilespmem:$0x18000] =	vst v63  }
0x72d: {  	s28 =	sadd.s32 $0x10, s20;
	s29 =	sld [smem:$0x7B0]  }
0x72e: {  	[hbm4b:s28+s3] =	stream.linear.scatter [tilespmem:s26], [sflag:$0x2], $0x80, $0x38;
	[tilespmem:$0x18000] =	vst v63  }
0x72f: {  	s30 =	sadd.s32 $0x20, s20;
	s31 =	sld [smem:$0x7B1]  }
0x730: {  	[hbm4b:s30+s3] =	stream.linear.scatter [tilespmem:s29], [sflag:$0x2], $0x80, $0x38;
	[tilespmem:$0x18000] =	vst v63  }
0x731: {  	s23 =	sadd.s32 $0x30, s20;
	s24 =	sld [smem:$0x7B2]  }
0x732: {  	[hbm4b:s23+s3] =	stream.linear.scatter [tilespmem:s31], [sflag:$0x2], $0x80, $0x38;
	[tilespmem:$0x18000] =	vst v63  }
0x733: {  	s25 =	sadd.s32 $0x40, s20;
	s26 =	sld [smem:$0x7B3]  }
0x734: {  	[hbm4b:s25+s3] =	stream.linear.scatter [tilespmem:s24], [sflag:$0x2], $0x80, $0x38;
	[tilespmem:$0x18000] =	vst v63  }
0x735: {  	s28 =	sadd.s32 $0x50, s20;
	s29 =	sld [smem:$0x7B4]  }
0x736: {  	[hbm4b:s28+s3] =	stream.linear.scatter [tilespmem:s26], [sflag:$0x2], $0x80, $0x38;
	[tilespmem:$0x18000] =	vst v63  }
0x737: {  	s30 =	sadd.s32 $0x60, s20;
	s31 =	sld [smem:$0x7B5]  }
0x738: {  	[hbm4b:s30+s3] =	stream.linear.scatter [tilespmem:s29], [sflag:$0x2], $0x80, $0x38;
	[tilespmem:$0x18000] =	vst v63  }
0x739: {  	s23 =	sadd.s32 $0x70, s20;
	s24 =	sld [smem:$0x7B6]  }
0x73a: {  	[hbm4b:s23+s3] =	stream.linear.scatter [tilespmem:s31], [sflag:$0x2], $0x80, $0x38;
	[tilespmem:$0x18000] =	vst v63  }
0x73b: {  	s25 =	sadd.s32 $0x80, s20;
	s26 =	sld [smem:$0x7B7]  }
0x73c: {  	[hbm4b:s25+s3] =	stream.linear.scatter [tilespmem:s24], [sflag:$0x2], $0x80, $0x38;
	[tilespmem:$0x18000] =	vst v63  }
0x73d: {  	s28 =	sadd.s32 $0x90, s20;
	s29 =	sld [smem:$0x7B8]  }
0x73e: {  	[hbm4b:s28+s3] =	stream.linear.scatter [tilespmem:s26], [sflag:$0x2], $0x80, $0x38;
	[tilespmem:$0x18000] =	vst v63  }
0x73f: {  	s30 =	sadd.s32 $0xA0, s20;
	s31 =	sld [smem:$0x7B9]  }
0x740: {  	[hbm4b:s30+s3] =	stream.linear.scatter [tilespmem:s29], [sflag:$0x2], $0x80, $0x38;
	[tilespmem:$0x18000] =	vst v63  }
0x741: {  	s23 =	sadd.s32 $0xB0, s20;
	s24 =	sld [smem:$0x7BA]  }
0x742: {  	[hbm4b:s23+s3] =	stream.linear.scatter [tilespmem:s31], [sflag:$0x2], $0x80, $0x38;
	[tilespmem:$0x18000] =	vst v63  }
0x743: {  	s25 =	sadd.s32 $0xC0, s20;
	s26 =	sld [smem:$0x7BB]  }
0x744: {  	[hbm4b:s25+s3] =	stream.linear.scatter [tilespmem:s24], [sflag:$0x2], $0x80, $0x38;
	[tilespmem:$0x18000] =	vst v63  }
0x745: {  	s28 =	sadd.s32 $0xD0, s20;
	s29 =	sld [smem:$0x7BC]  }
0x746: {  	[hbm4b:s28+s3] =	stream.linear.scatter [tilespmem:s26], [sflag:$0x2], $0x80, $0x38;
	[tilespmem:$0x18000] =	vst v63  }
0x747: {  	s30 =	sadd.s32 $0xE0, s20;
	s31 =	sld [smem:$0x7BD]  }
0x748: {  	[hbm4b:s30+s3] =	stream.linear.scatter [tilespmem:s29], [sflag:$0x2], $0x80, $0x38;
	[tilespmem:$0x18000] =	vst v63  }
0x749: {  	s23 =	sadd.s32 $0xF0, s20;
	s24 =	sld [smem:$0x7BE];
	s25 =	sor.u32 $0x200100, s18  }
0x74a: {  	[hbm4b:s23+s3] =	stream.linear.scatter [tilespmem:s31], [sflag:$0x2], $0x80, $0x38;
	[tilespmem:$0x18000] =	vst v63  }
0x74b: {  	s20 =	sadd.s32 s4, s25;
	s26 =	sld [smem:$0x7BF]  }
0x74c: {  	[hbm4b:s20+s3] =	stream.linear.scatter [tilespmem:s24], [sflag:$0x2], $0x80, $0x38;
	[tilespmem:$0x18000] =	vst v63  }
0x74d: {  	s28 =	sadd.s32 $0x10, s20;
	s29 =	sld [smem:$0x7C0]  }
0x74e: {  	[hbm4b:s28+s3] =	stream.linear.scatter [tilespmem:s26], [sflag:$0x2], $0x80, $0x38;
	[tilespmem:$0x18000] =	vst v63  }
0x74f: {  	s30 =	sadd.s32 $0x20, s20;
	s31 =	sld [smem:$0x7C1]  }
0x750: {  	[hbm4b:s30+s3] =	stream.linear.scatter [tilespmem:s29], [sflag:$0x2], $0x80, $0x38;
	[tilespmem:$0x18000] =	vst v63  }
0x751: {  	s23 =	sadd.s32 $0x30, s20;
	s24 =	sld [smem:$0x7C2]  }
0x752: {  	[hbm4b:s23+s3] =	stream.linear.scatter [tilespmem:s31], [sflag:$0x2], $0x80, $0x38;
	[tilespmem:$0x18000] =	vst v63  }
0x753: {  	s25 =	sadd.s32 $0x40, s20;
	s26 =	sld [smem:$0x7C3]  }
0x754: {  	[hbm4b:s25+s3] =	stream.linear.scatter [tilespmem:s24], [sflag:$0x2], $0x80, $0x38;
	[tilespmem:$0x18000] =	vst v63  }
0x755: {  	s28 =	sadd.s32 $0x50, s20;
	s29 =	sld [smem:$0x7C4]  }
0x756: {  	[hbm4b:s28+s3] =	stream.linear.scatter [tilespmem:s26], [sflag:$0x2], $0x80, $0x38;
	[tilespmem:$0x18000] =	vst v63  }
0x757: {  	s30 =	sadd.s32 $0x60, s20;
	s31 =	sld [smem:$0x7C5]  }
0x758: {  	[hbm4b:s30+s3] =	stream.linear.scatter [tilespmem:s29], [sflag:$0x2], $0x80, $0x38;
	[tilespmem:$0x18000] =	vst v63  }
0x759: {  	s23 =	sadd.s32 $0x70, s20;
	s24 =	sld [smem:$0x7C6]  }
0x75a: {  	[hbm4b:s23+s3] =	stream.linear.scatter [tilespmem:s31], [sflag:$0x2], $0x80, $0x38;
	[tilespmem:$0x18000] =	vst v63  }
0x75b: {  	s25 =	sadd.s32 $0x80, s20;
	s26 =	sld [smem:$0x7C7]  }
0x75c: {  	[hbm4b:s25+s3] =	stream.linear.scatter [tilespmem:s24], [sflag:$0x2], $0x80, $0x38;
	[tilespmem:$0x18000] =	vst v63  }
0x75d: {  	s28 =	sadd.s32 $0x90, s20;
	s29 =	sld [smem:$0x7C8]  }
0x75e: {  	[hbm4b:s28+s3] =	stream.linear.scatter [tilespmem:s26], [sflag:$0x2], $0x80, $0x38;
	[tilespmem:$0x18000] =	vst v63  }
0x75f: {  	s30 =	sadd.s32 $0xA0, s20;
	s31 =	sld [smem:$0x7C9]  }
0x760: {  	[hbm4b:s30+s3] =	stream.linear.scatter [tilespmem:s29], [sflag:$0x2], $0x80, $0x38;
	[tilespmem:$0x18000] =	vst v63  }
0x761: {  	s23 =	sadd.s32 $0xB0, s20;
	s24 =	sld [smem:$0x7CA]  }
0x762: {  	[hbm4b:s23+s3] =	stream.linear.scatter [tilespmem:s31], [sflag:$0x2], $0x80, $0x38;
	[tilespmem:$0x18000] =	vst v63  }
0x763: {  	s25 =	sadd.s32 $0xC0, s20;
	s26 =	sld [smem:$0x7CB]  }
0x764: {  	[hbm4b:s25+s3] =	stream.linear.scatter [tilespmem:s24], [sflag:$0x2], $0x80, $0x38;
	[tilespmem:$0x18000] =	vst v63  }
0x765: {  	s28 =	sadd.s32 $0xD0, s20;
	s29 =	sld [smem:$0x7CC]  }
0x766: {  	[hbm4b:s28+s3] =	stream.linear.scatter [tilespmem:s26], [sflag:$0x2], $0x80, $0x38;
	[tilespmem:$0x18000] =	vst v63  }
0x767: {  	s30 =	sadd.s32 $0xE0, s20;
	s31 =	sld [smem:$0x7CD]  }
0x768: {  	[hbm4b:s30+s3] =	stream.linear.scatter [tilespmem:s29], [sflag:$0x2], $0x80, $0x38;
	[tilespmem:$0x18000] =	vst v63  }
0x769: {  	s23 =	sadd.s32 $0xF0, s20;
	s24 =	sld [smem:$0x7CE];
	s25 =	sor.u32 $0x220100, s18  }
0x76a: {  	[hbm4b:s23+s3] =	stream.linear.scatter [tilespmem:s31], [sflag:$0x2], $0x80, $0x38;
	[tilespmem:$0x18000] =	vst v63  }
0x76b: {  	s20 =	sadd.s32 s4, s25;
	s26 =	sld [smem:$0x7CF]  }
0x76c: {  	[hbm4b:s20+s3] =	stream.linear.scatter [tilespmem:s24], [sflag:$0x2], $0x80, $0x38;
	[tilespmem:$0x18000] =	vst v63  }
0x76d: {  	s28 =	sadd.s32 $0x10, s20;
	s29 =	sld [smem:$0x7D0]  }
0x76e: {  	[hbm4b:s28+s3] =	stream.linear.scatter [tilespmem:s26], [sflag:$0x2], $0x80, $0x38;
	[tilespmem:$0x18000] =	vst v63  }
0x76f: {  	s30 =	sadd.s32 $0x20, s20;
	s31 =	sld [smem:$0x7D1]  }
0x770: {  	[hbm4b:s30+s3] =	stream.linear.scatter [tilespmem:s29], [sflag:$0x2], $0x80, $0x38;
	[tilespmem:$0x18000] =	vst v63  }
0x771: {  	s23 =	sadd.s32 $0x30, s20;
	s24 =	sld [smem:$0x7D2]  }
0x772: {  	[hbm4b:s23+s3] =	stream.linear.scatter [tilespmem:s31], [sflag:$0x2], $0x80, $0x38;
	[tilespmem:$0x18000] =	vst v63  }
0x773: {  	s25 =	sadd.s32 $0x40, s20;
	s26 =	sld [smem:$0x7D3]  }
0x774: {  	[hbm4b:s25+s3] =	stream.linear.scatter [tilespmem:s24], [sflag:$0x2], $0x80, $0x38;
	[tilespmem:$0x18000] =	vst v63  }
0x775: {  	s28 =	sadd.s32 $0x50, s20;
	s29 =	sld [smem:$0x7D4]  }
0x776: {  	[hbm4b:s28+s3] =	stream.linear.scatter [tilespmem:s26], [sflag:$0x2], $0x80, $0x38;
	[tilespmem:$0x18000] =	vst v63  }
0x777: {  	s30 =	sadd.s32 $0x60, s20;
	s31 =	sld [smem:$0x7D5]  }
0x778: {  	[hbm4b:s30+s3] =	stream.linear.scatter [tilespmem:s29], [sflag:$0x2], $0x80, $0x38;
	[tilespmem:$0x18000] =	vst v63  }
0x779: {  	s23 =	sadd.s32 $0x70, s20;
	s24 =	sld [smem:$0x7D6]  }
0x77a: {  	[hbm4b:s23+s3] =	stream.linear.scatter [tilespmem:s31], [sflag:$0x2], $0x80, $0x38;
	[tilespmem:$0x18000] =	vst v63  }
0x77b: {  	s25 =	sadd.s32 $0x80, s20;
	s26 =	sld [smem:$0x7D7]  }
0x77c: {  	[hbm4b:s25+s3] =	stream.linear.scatter [tilespmem:s24], [sflag:$0x2], $0x80, $0x38;
	[tilespmem:$0x18000] =	vst v63  }
0x77d: {  	s28 =	sadd.s32 $0x90, s20;
	s29 =	sld [smem:$0x7D8]  }
0x77e: {  	[hbm4b:s28+s3] =	stream.linear.scatter [tilespmem:s26], [sflag:$0x2], $0x80, $0x38;
	[tilespmem:$0x18000] =	vst v63  }
0x77f: {  	s30 =	sadd.s32 $0xA0, s20;
	s31 =	sld [smem:$0x7D9]  }
0x780: {  	[hbm4b:s30+s3] =	stream.linear.scatter [tilespmem:s29], [sflag:$0x2], $0x80, $0x38;
	[tilespmem:$0x18000] =	vst v63  }
0x781: {  	s23 =	sadd.s32 $0xB0, s20;
	s24 =	sld [smem:$0x7DA]  }
0x782: {  	[hbm4b:s23+s3] =	stream.linear.scatter [tilespmem:s31], [sflag:$0x2], $0x80, $0x38;
	[tilespmem:$0x18000] =	vst v63  }
0x783: {  	s25 =	sadd.s32 $0xC0, s20;
	s26 =	sld [smem:$0x7DB]  }
0x784: {  	[hbm4b:s25+s3] =	stream.linear.scatter [tilespmem:s24], [sflag:$0x2], $0x80, $0x38;
	[tilespmem:$0x18000] =	vst v63  }
0x785: {  	s28 =	sadd.s32 $0xD0, s20;
	s29 =	sld [smem:$0x7DC]  }
0x786: {  	[hbm4b:s28+s3] =	stream.linear.scatter [tilespmem:s26], [sflag:$0x2], $0x80, $0x38;
	[tilespmem:$0x18000] =	vst v63  }
0x787: {  	s30 =	sadd.s32 $0xE0, s20;
	s31 =	sld [smem:$0x7DD]  }
0x788: {  	[hbm4b:s30+s3] =	stream.linear.scatter [tilespmem:s29], [sflag:$0x2], $0x80, $0x38;
	[tilespmem:$0x18000] =	vst v63  }
0x789: {  	s21 =	sld [smem:$0x7DE];
	s18 =	sor.u32 $0x240100, s18;
	s20 =	sadd.s32 $0xF0, s20  }
0x78a: {  	[hbm4b:s20+s3] =	stream.linear.scatter [tilespmem:s31], [sflag:$0x2], $0x80, $0x38;
	[tilespmem:$0x18000] =	vst v63  }
0x78b: {  	s22 =	sld [smem:$0x7DF];
	s18 =	sadd.s32 s4, s18  }
0x78c: {  	[hbm4b:s18+s3] =	stream.linear.scatter [tilespmem:s21], [sflag:$0x2], $0x80, $0x38;
	[tilespmem:$0x18000] =	vst v63  }
0x78d: {  	s23 =	sadd.s32 $0x10, s18;
	s24 =	sld [smem:$0x7E0]  }
0x78e: {  	[hbm4b:s23+s3] =	stream.linear.scatter [tilespmem:s22], [sflag:$0x2], $0x80, $0x38;
	[tilespmem:$0x18000] =	vst v63  }
0x78f: {  	s25 =	sadd.s32 $0x20, s18;
	s26 =	sld [smem:$0x7E1]  }
0x790: {  	[hbm4b:s25+s3] =	stream.linear.scatter [tilespmem:s24], [sflag:$0x2], $0x80, $0x38;
	[tilespmem:$0x18000] =	vst v63  }
0x791: {  	s28 =	sadd.s32 $0x30, s18;
	s29 =	sld [smem:$0x7E2]  }
0x792: {  	[hbm4b:s28+s3] =	stream.linear.scatter [tilespmem:s26], [sflag:$0x2], $0x80, $0x38;
	[tilespmem:$0x18000] =	vst v63  }
0x793: {  	s30 =	sadd.s32 $0x40, s18;
	s31 =	sld [smem:$0x7E3]  }
0x794: {  	[hbm4b:s30+s3] =	stream.linear.scatter [tilespmem:s29], [sflag:$0x2], $0x80, $0x38;
	[tilespmem:$0x18000] =	vst v63  }
0x795: {  	s21 =	sadd.s32 $0x50, s18;
	s22 =	sld [smem:$0x7E4]  }
0x796: {  	[hbm4b:s21+s3] =	stream.linear.scatter [tilespmem:s31], [sflag:$0x2], $0x80, $0x38;
	[tilespmem:$0x18000] =	vst v63  }
0x797: {  	s23 =	sadd.s32 $0x60, s18;
	s24 =	sld [smem:$0x7E5]  }
0x798: {  	[hbm4b:s23+s3] =	stream.linear.scatter [tilespmem:s22], [sflag:$0x2], $0x80, $0x38;
	[tilespmem:$0x18000] =	vst v63  }
0x799: {  	s25 =	sadd.s32 $0x70, s18;
	s26 =	sld [smem:$0x7E6]  }
0x79a: {  	[hbm4b:s25+s3] =	stream.linear.scatter [tilespmem:s24], [sflag:$0x2], $0x80, $0x38;
	[tilespmem:$0x18000] =	vst v63  }
0x79b: {  	s28 =	sadd.s32 $0x80, s18;
	s29 =	sld [smem:$0x7E7]  }
0x79c: {  	[hbm4b:s28+s3] =	stream.linear.scatter [tilespmem:s26], [sflag:$0x2], $0x80, $0x38;
	[tilespmem:$0x18000] =	vst v63  }
0x79d: {  	s30 =	sadd.s32 $0x90, s18;
	s31 =	sld [smem:$0x7E8]  }
0x79e: {  	[hbm4b:s30+s3] =	stream.linear.scatter [tilespmem:s29], [sflag:$0x2], $0x80, $0x38;
	[tilespmem:$0x18000] =	vst v63  }
0x79f: {  	s20 =	sadd.s32 $0xA0, s18;
	s22 =	sld [smem:$0x7E9]  }
0x7a0: {  	[hbm4b:s20+s3] =	stream.linear.scatter [tilespmem:s31], [sflag:$0x2], $0x80, $0x38;
	[tilespmem:$0x18000] =	vst v63  }
0x7a1: {  	s23 =	sadd.s32 $0xB0, s18;
	s24 =	sld [smem:$0x7EA]  }
0x7a2: {  	[hbm4b:s23+s3] =	stream.linear.scatter [tilespmem:s22], [sflag:$0x2], $0x80, $0x38;
	[tilespmem:$0x18000] =	vst v63  }
0x7a3: {  	s25 =	sadd.s32 $0xC0, s18;
	s26 =	sld [smem:$0x7EB]  }
0x7a4: {  	[hbm4b:s25+s3] =	stream.linear.scatter [tilespmem:s24], [sflag:$0x2], $0x80, $0x38;
	[tilespmem:$0x18000] =	vst v63  }
0x7a5: {  	s28 =	sadd.s32 $0xD0, s18;
	s29 =	sld [smem:$0x7EC]  }
0x7a6: {  	[hbm4b:s28+s3] =	stream.linear.scatter [tilespmem:s26], [sflag:$0x2], $0x80, $0x38;
	[tilespmem:$0x18000] =	vst v63  }
0x7a7: {  	s30 =	sadd.s32 $0xE0, s18;
	s31 =	sld [smem:$0x7ED]  }
0x7a8: {  	[hbm4b:s30+s3] =	stream.linear.scatter [tilespmem:s29], [sflag:$0x2], $0x80, $0x38;
	[tilespmem:$0x18000] =	vst v63  }
0x7a9: {  	s21 =	sld [smem:$0x7EE];
	s18 =	sadd.s32 $0xF0, s18  }
0x7aa: {  	[hbm4b:s18+s3] =	stream.linear.scatter [tilespmem:s31], [sflag:$0x2], $0x80, $0x38;
	[tilespmem:$0x18000] =	vst v63  }
0x7ab: {  	s17 =	sadd.s32 $0x260100, s17;
	s22 =	sld [smem:$0x7EF]  }
0x7ac: {  	[hbm4b:s17+s3] =	stream.linear.scatter [tilespmem:s21], [sflag:$0x2], $0x80, $0x38;
	[tilespmem:$0x18000] =	vst v63  }
0x7ad: {  	s23 =	sadd.s32 $0x10, s17;
	s24 =	sld [smem:$0x7F0]  }
0x7ae: {  	[hbm4b:s23+s3] =	stream.linear.scatter [tilespmem:s22], [sflag:$0x2], $0x80, $0x38;
	[tilespmem:$0x18000] =	vst v63  }
0x7af: {  	s25 =	sadd.s32 $0x20, s17;
	s26 =	sld [smem:$0x7F1]  }
0x7b0: {  	[hbm4b:s25+s3] =	stream.linear.scatter [tilespmem:s24], [sflag:$0x2], $0x80, $0x38;
	[tilespmem:$0x18000] =	vst v63  }
0x7b1: {  	s28 =	sadd.s32 $0x30, s17;
	s29 =	sld [smem:$0x7F2]  }
0x7b2: {  	[hbm4b:s28+s3] =	stream.linear.scatter [tilespmem:s26], [sflag:$0x2], $0x80, $0x38;
	[tilespmem:$0x18000] =	vst v63  }
0x7b3: {  	s30 =	sadd.s32 $0x40, s17;
	s31 =	sld [smem:$0x7F3]  }
0x7b4: {  	[hbm4b:s30+s3] =	stream.linear.scatter [tilespmem:s29], [sflag:$0x2], $0x80, $0x38;
	[tilespmem:$0x18000] =	vst v63  }
0x7b5: {  	s21 =	sadd.s32 $0x50, s17;
	s22 =	sld [smem:$0x7F4]  }
0x7b6: {  	[hbm4b:s21+s3] =	stream.linear.scatter [tilespmem:s31], [sflag:$0x2], $0x80, $0x38;
	[tilespmem:$0x18000] =	vst v63  }
0x7b7: {  	s23 =	sadd.s32 $0x60, s17;
	s24 =	sld [smem:$0x7F5]  }
0x7b8: {  	[hbm4b:s23+s3] =	stream.linear.scatter [tilespmem:s22], [sflag:$0x2], $0x80, $0x38;
	[tilespmem:$0x18000] =	vst v63  }
0x7b9: {  	s25 =	sadd.s32 $0x70, s17;
	s26 =	sld [smem:$0x7F6]  }
0x7ba: {  	[hbm4b:s25+s3] =	stream.linear.scatter [tilespmem:s24], [sflag:$0x2], $0x80, $0x38;
	[tilespmem:$0x18000] =	vst v63  }
0x7bb: {  	s28 =	sadd.s32 $0x80, s17;
	s29 =	sld [smem:$0x7F7]  }
0x7bc: {  	[hbm4b:s28+s3] =	stream.linear.scatter [tilespmem:s26], [sflag:$0x2], $0x80, $0x38;
	[tilespmem:$0x18000] =	vst v63  }
0x7bd: {  	s30 =	sadd.s32 $0x90, s17;
	s31 =	sld [smem:$0x7F8]  }
0x7be: {  	[hbm4b:s30+s3] =	stream.linear.scatter [tilespmem:s29], [sflag:$0x2], $0x80, $0x38;
	[tilespmem:$0x18000] =	vst v63  }
0x7bf: {  	s19 =	sadd.s32 $0xA0, s17;
	s21 =	sld [smem:$0x7F9]  }
0x7c0: {  	[hbm4b:s19+s3] =	stream.linear.scatter [tilespmem:s31], [sflag:$0x2], $0x80, $0x38;
	[tilespmem:$0x18000] =	vst v63  }
0x7c1: {  	s22 =	sadd.s32 $0xB0, s17;
	s23 =	sld [smem:$0x7FA]  }
0x7c2: {  	[hbm4b:s22+s3] =	stream.linear.scatter [tilespmem:s21], [sflag:$0x2], $0x80, $0x38;
	[tilespmem:$0x18000] =	vst v63  }
0x7c3: {  	s24 =	sadd.s32 $0xC0, s17;
	s25 =	sld [smem:$0x7FB]  }
0x7c4: {  	[hbm4b:s24+s3] =	stream.linear.scatter [tilespmem:s23], [sflag:$0x2], $0x80, $0x38;
	[tilespmem:$0x18000] =	vst v63  }
0x7c5: {  	s26 =	sadd.s32 $0xD0, s17;
	s28 =	sld [smem:$0x7FC]  }
0x7c6: {  	[hbm4b:s26+s3] =	stream.linear.scatter [tilespmem:s25], [sflag:$0x2], $0x80, $0x38;
	[tilespmem:$0x18000] =	vst v63  }
0x7c7: {  	s29 =	sadd.s32 $0xE0, s17;
	s30 =	sld [smem:$0x7FD]  }
0x7c8: {  	[hbm4b:s29+s3] =	stream.linear.scatter [tilespmem:s28], [sflag:$0x2], $0x80, $0x38;
	[tilespmem:$0x18000] =	vst v63  }
0x7c9: {  	s17 =	sadd.s32 $0xF0, s17  }
0x7ca: {  	[hbm4b:s17+s3] =	stream.linear.scatter [tilespmem:s30], [sflag:$0x2], $0x80, $0x38;
	[tilespmem:$0x18000] =	vst v63  }
0x7cb: {  	_ =	swait.ge [sflag:s9], $0x800  }
0x7cc: {  	[sflag:s9] =	ssyncset.done $0x0  }
0x7cd: {  	[sflag:s9] =	ssyncadd.s32 $0xFFFFF800  }
0x7ce: {  	_ =	swait.ge [sflag:s9], $0x800  }
0x7cf: {  	[sflag:s9] =	ssyncset.done $0x0  }
0x7d0: {  	[sflag:s9] =	ssyncadd.s32 $0xFFFFF800  }
0x7d1: {  	_ =	swait.ge [sflag:s9], $0x800  }
0x7d2: {  	[sflag:s9] =	ssyncset.done $0x0  }
0x7d3: {  	[sflag:s9] =	ssyncadd.s32 $0xFFFFF800  }
0x7d4: {  	_ =	swait.ge [sflag:s9], $0x800  }
0x7d5: {  	[sflag:s9] =	ssyncset.done $0x0  }
0x7d6: {  	[sflag:s9] =	ssyncadd.s32 $0xFFFFF800  }
0x7d7: {  	_ =	swait.ge [sflag:s9], $0x800  }
0x7d8: {  	[sflag:s9] =	ssyncset.done $0x0  }
0x7d9: {  	[sflag:s9] =	ssyncadd.s32 $0xFFFFF800  }
0x7da: {  	_ =	swait.ge [sflag:s9], $0x800  }
0x7db: {  	[sflag:s9] =	ssyncset.done $0x0  }
0x7dc: {  	[sflag:s9] =	ssyncadd.s32 $0xFFFFF800  }
0x7dd: {  	_ =	swait.ge [sflag:s9], $0x800  }
0x7de: {  	[sflag:s9] =	ssyncset.done $0x0  }
0x7df: {  	[sflag:s9] =	ssyncadd.s32 $0xFFFFF800  }
0x7e0: {  	_ =	swait.ge [sflag:s9], $0x800  }
0x7e1: {  	[sflag:s9] =	ssyncset.done $0x0  }
0x7e2: {  	[sflag:s9] =	ssyncadd.s32 $0xFFFFF800  }
0x7e3: {  	_ =	swait.ge [sflag:s9], $0x800  }
0x7e4: {  	[sflag:s9] =	ssyncset.done $0x0  }
0x7e5: {  	[sflag:s9] =	ssyncadd.s32 $0xFFFFF800  }
0x7e6: {  	_ =	swait.ge [sflag:s9], $0x800  }
0x7e7: {  	[sflag:s9] =	ssyncset.done $0x0  }
0x7e8: {  	[sflag:s9] =	ssyncadd.s32 $0xFFFFF800  }
0x7e9: {  	_ =	swait.ge [sflag:s9], $0x800  }
0x7ea: {  	[sflag:s9] =	ssyncset.done $0x0  }
0x7eb: {  	[sflag:s9] =	ssyncadd.s32 $0xFFFFF800  }
0x7ec: {  	_ =	swait.ge [sflag:s9], $0x800  }
0x7ed: {  	[sflag:s9] =	ssyncset.done $0x0  }
0x7ee: {  	[sflag:s9] =	ssyncadd.s32 $0xFFFFF800  }
0x7ef: {  	_ =	swait.ge [sflag:s9], $0x800  }
0x7f0: {  	[sflag:s9] =	ssyncset.done $0x0  }
0x7f1: {  	[sflag:s9] =	ssyncadd.s32 $0xFFFFF800  }
0x7f2: {  	_ =	swait.ge [sflag:s9], $0x800  }
0x7f3: {  	[sflag:s9] =	ssyncset.done $0x0  }
0x7f4: {  	[sflag:s9] =	ssyncadd.s32 $0xFFFFF800  }
0x7f5: {  	_ =	swait.ge [sflag:s9], $0x800  }
0x7f6: {  	[sflag:s9] =	ssyncset.done $0x0  }
0x7f7: {  	[sflag:s9] =	ssyncadd.s32 $0xFFFFF800  }
0x7f8: {  	_ =	swait.ge [sflag:s9], $0x800  }
0x7f9: {  	[sflag:s9] =	ssyncset.done $0x0  }
0x7fa: {  	[sflag:s9] =	ssyncadd.s32 $0xFFFFF800  }
0x7fb: {  	_ =	swait.ge [sflag:s9], $0x800  }
0x7fc: {  	[sflag:s9] =	ssyncset.done $0x0  }
0x7fd: {  	[sflag:s9] =	ssyncadd.s32 $0xFFFFF800  }
0x7fe: {  	_ =	swait.ge [sflag:s9], $0x800  }
0x7ff: {  	[sflag:s9] =	ssyncset.done $0x0  }
0x800: {  	[sflag:s9] =	ssyncadd.s32 $0xFFFFF800  }
0x801: {  	_ =	swait.ge [sflag:s9], $0x800  }
0x802: {  	p0 =	sne.s32 s16, $0xE00;
	[sflag:s9] =	ssyncset.done $0x0  }
.Ltmp0:
0x803: {  	s31 =	sand.u32 $0xF, s15;
	[sflag:s9] =	ssyncadd.s32 $0xFFFFF800;
	(pc) =	sbr.rel @p0 .LBB2_2-.Ltmp0, $4  }
0x804: {  	s17 =	sor.u32 s13, s31;
	_ =	swait.ge [sflag:s9], $0x800  }
0x805: {  	s16 =	sadd.s32 $0x200, s16;
	s17 =	sshll.u32 s17, $0xB;
	[sflag:s9] =	ssyncset.done $0x0  }
0x806: {  	s15 =	sadd.s32 $0x2, s15;
	s17 =	sadd.s32 s1, s17;
	[sflag:s9] =	ssyncadd.s32 $0xFFFFF800  }
0x807: {  	[tilespmem:s10], [sflag:$0x1] =	stream.strided.gather [hbm4b:s17+s11], $0xC000, s7, s11, $0x38;
	[tilespmem:$0x18000] =	vst v63  }
0x808: {  	s14 =	sadd.s32 $0x1, s14  }
0x809: {  	_ =	swait.ge [sflag:s8], $0xC000;
	p0 =	sne.s32 s14, s12  }
.Ltmp1:
0x80a: {  	[sflag:s8] =	ssyncset.done $0x0;
	(pc) =	sbr.rel @p0 .LBB2_1-.Ltmp1, $4  }
0x80b: {  	[sflag:s8] =	ssyncadd.s32 $0xFFFF4000  }
0x80c: {  	_ =	swait.ge [sflag:s8], $0xC000  }
0x80d: {  	[sflag:s8] =	ssyncset.done $0x0  }
0x80e: {  	[sflag:s8] =	ssyncadd.s32 $0xFFFF4000  }
0x80f: {  	_ =	sfence.sel $0x180000  }
0x810: {  	[bflag:$0x0] =	sbarrier.arrive $0xFFFF  }
0x811: {  	p0 =	sne.s32 s2, $0x0;
	_ =	strace $0x90000047  }
0x812: {  	s0 =	sadd.s32 @!p0 $0x100000, s0;
	[bflag:$0x2] =	sbarrier.arrive $0xFFFF  }
0x813: {  	[sflag:s0] =	ssyncadd.tile.s32 @!p0 $0x1;
	_ =	shalt  }
.Lfunc_end2:
_tile_overlayer_lowered:
.L_overlay_start_2:
0x814: {  	(tag) =	ssettag $0x2  }
0x815: {  	s0 =	rddreg [dreg:$0x0];
	s2 =	stileid.u32  }
0x816: {  	s1 =	rddreg [dreg:$0x1];
	p0 =	sne.s32 s2, $0x0  }
0x817: {  	s3 =	rddreg [dreg:$0x2];
	[bflag:$0x3] =	sbarrier.arrive $0xFFFF;
	s2 =	simm.s32 @!p0 $0x1C03  }
0x818: {  	[timem:s3], [sflag:s2] =	dma.local @!p0 [hbm:s0], s1  }
0x819: {  	s0 =	simm.s32 @!p0 $0x3  }
0x81a: {  	_ =	swait.ge @!p0 [sflag:s0], s1  }
0x81b: {  	s1 =	ssub.s32 @!p0 $0x0, s1;
	[sflag:s0] =	ssyncset.done @!p0 $0x0  }
0x81c: {  	[sflag:s0] =	ssyncadd.s32 @!p0 s1  }
0x81d: {  	[bflag:$0x3] =	sbarrier.arrive $0xFFFF  }
0x81e: {  	_ =	shalt  }

// kernel: kernel.8.cloned.1.call-start
scs
__scs_entry_jumppad:
0x0: {  	(pc) =	sbr.rel $0x88, $3  }
0x1: {  	(tag) =	ssettag $0x0;
	lr =	simm.s32 $0x1  }
0x2: {  	[smem:$0x3F9F] =	sst lr;
	_ =	strace $0xD0000000  }
0x3: {  	_ = 	snop  }
0x4: {  	_ = 	snop  }
0x5: {  	_ = 	snop  }
0x6: {  	_ = 	snop  }
0x7: {  	_ = 	snop  }
__scs_overlays_trampoline_lowered:
0x8: {  	[smem:$0x3FAE] =	sst s0  }
0x9: {  	[smem:$0x3FAF] =	sst s1  }
0xa: {  	[smem:$0x3FB0] =	sst s2  }
0xb: {  	[smem:$0x3FB1] =	sst s3  }
0xc: {  	[smem:$0x3FB2] =	sst s4  }
0xd: {  	[smem:$0x3FB3] =	sst s5  }
0xe: {  	[smem:$0x3FB4] =	sst s6  }
0xf: {  	[smem:$0x3FB5] =	sst s7  }
0x10: {  	[smem:$0x3FB6] =	sst s8  }
0x11: {  	[smem:$0x3FB7] =	sst s9;
	s0 =	simm.s32 @!p0 $0x0  }
0x12: {  	s1 =	sld [smem:$0x3F9D];
	s0 =	simm.s32 @p0 $0x1  }
0x13: {  	[smem:$0x3FB8] =	sst s0;
	s0 =	simm.s32 @!p1 $0x0  }
0x14: {  	s2 =	sld [smem:$0x3F9C];
	s0 =	simm.s32 @p1 $0x1  }
0x15: {  	[smem:$0x3FB9] =	sst s0;
	s0 =	simm.s32 @!p2 $0x0  }
0x16: {  	s3 =	sld [smem:$0x3FDB];
	s0 =	simm.s32 @p2 $0x1  }
0x17: {  	s4 =	simm.s32 $0x1BF5;
	[smem:$0x3FBB] =	sst s0  }
0x18: {  	s0 =	sld [smem:$0x3F9E];
	_ =	swait.ge [sflag:s4], $0x0  }
0x19: {  	s7 =	sld [smem:$0x3F9F]  }
0x1a: {  	s8 =	sadd.s32 $0xFFFFE003, lr  }
0x1b: {  	s9 =	sadd.s32 $0xFFFFFEF7, lr;
	s5 =	simm.s32 $0xFFFFFFFF;
	p2 =	slt.u32 s8, $0xFFFFF086  }
0x1c: {  	p1 =	slt.u32 s9, $0xF7A;
	s5 =	simm.s32 @!p2 $0x0  }
0x1d: {  	s5 =	simm.s32 @p1 $0x1;
	p0 =	seq.s32 s7, s2  }
0x1e: {  	s7 =	smul.u32 @!p0 $0xF7A, s2;
	p2 =	seq.s32 @!p0 s5, $0x0  }
0x1f: {  	s9 =	smul.u32 $0xF7A, s1;
	s8 =	simm.s32 @!p0 $0x1BF5;
	p2 =	por !p2, p0  }
0x20: {  	[sflag:s8] =	ssyncset.s32 @!p0 $0xFFFFF086;
	s6 =	sadd.s32 @!p0 s3, s7;
	s7 =	simm.s32 @!p0 $0x108  }
0x21: {  	s3 =	sadd.s32 s3, s9;
	s6 =	sadd.s32 @!p0 $0x88, s6;
	s7 =	simm.s32 @p2 $0x1082  }
0x22: {  	[simem:s7], [sflag:s8] =	dma.local @!p0 [hbm:s6], $0xF7A  }
0x23: {  	s9 =	sor.u32 $0xD0000000, s2;
	s6 =	simm.s32 $0x108;
	_ =	swait.ge @!p0 [sflag:s8], $0x0  }
0x24: {  	s3 =	sadd.s32 $0x88, s3;
	s6 =	simm.s32 @!p1 $0x1082;
	[sflag:s4] =	ssyncset.s32 $0xFFFFF086  }
0x25: {  	[simem:s6], [sflag:s4] =	dma.local [hbm:s3], $0xF7A  }
0x26: {  	[smem:$0x3F9F] =	sst s1;
	(tag) =	ssettag s2;
	_ =	strace s9  }
0x27: {  	s1 =	sld [smem:$0x3FAF]  }
0x28: {  	s2 =	sld [smem:$0x3FB0]  }
0x29: {  	s4 =	sld [smem:$0x3FB2]  }
0x2a: {  	p0 =	seq.s32 s5, $0x0;
	s5 =	sld [smem:$0x3FB3]  }
0x2b: {  	s6 =	sld [smem:$0x3FB4]  }
0x2c: {  	s7 =	sld [smem:$0x3FB5]  }
0x2d: {  	s3 =	simm.s32 $0x108;
	s8 =	sld [smem:$0x3FB6]  }
0x2e: {  	s3 =	simm.s32 @!p0 $0x1082;
	s9 =	sld [smem:$0x3FB7]  }
0x2f: {  	lr =	sadd.s32 s0, s3;
	s0 =	sld [smem:$0x3FAE]  }
0x30: {  	s3 =	sld [smem:$0x3FB1]  }
0x31: {  	[smem:$0x3FBA] =	sst s10  }
0x32: {  	s10 =	sld [smem:$0x3FB8];
	_ =	sdelay $0x3  }
0x33: {  	p0 =	seq.s32 s10, $0x1;
	s10 =	sld [smem:$0x3FBA];
	_ =	sdelay $0x3  }
0x34: {  	[smem:$0x3FBA] =	sst s10  }
0x35: {  	s10 =	sld [smem:$0x3FB9];
	_ =	sdelay $0x3  }
0x36: {  	p1 =	seq.s32 s10, $0x1;
	s10 =	sld [smem:$0x3FBA];
	_ =	sdelay $0x3  }
0x37: {  	[smem:$0x3FBA] =	sst s10  }
0x38: {  	s10 =	sld [smem:$0x3FBB]  }
0x39: {  	_ = 	snop;
	(pc) =	sbr.ind lr, $3  }
0x3a: {  	_ = 	snop  }
0x3b: {  	_ = 	snop  }
0x3c: {  	p2 =	seq.s32 s10, $0x1;
	s10 =	sld [smem:$0x3FBA]  }
0x3d: {  	_ =	shalt  }
0x3e: {  	_ =	shalt  }
0x3f: {  	_ =	shalt  }
0x40: {  	_ =	shalt  }
0x41: {  	_ =	shalt  }
0x42: {  	_ =	shalt  }
0x43: {  	_ =	shalt  }
0x44: {  	_ =	shalt  }
0x45: {  	_ =	shalt  }
0x46: {  	_ =	shalt  }
0x47: {  	_ =	shalt  }
0x48: {  	_ =	shalt  }
0x49: {  	_ =	shalt  }
0x4a: {  	_ =	shalt  }
0x4b: {  	_ =	shalt  }
0x4c: {  	_ =	shalt  }
0x4d: {  	_ =	shalt  }
0x4e: {  	_ =	shalt  }
0x4f: {  	_ =	shalt  }
0x50: {  	_ =	shalt  }
0x51: {  	_ =	shalt  }
0x52: {  	_ =	shalt  }
0x53: {  	_ =	shalt  }
0x54: {  	_ =	shalt  }
0x55: {  	_ =	shalt  }
0x56: {  	_ =	shalt  }
0x57: {  	_ =	shalt  }
0x58: {  	_ =	shalt  }
0x59: {  	_ =	shalt  }
0x5a: {  	_ =	shalt  }
0x5b: {  	_ =	shalt  }
0x5c: {  	_ =	shalt  }
0x5d: {  	_ =	shalt  }
0x5e: {  	_ =	shalt  }
0x5f: {  	_ =	shalt  }
0x60: {  	_ =	shalt  }
0x61: {  	_ =	shalt  }
0x62: {  	_ =	shalt  }
0x63: {  	_ =	shalt  }
0x64: {  	_ =	shalt  }
0x65: {  	_ =	shalt  }
0x66: {  	_ =	shalt  }
0x67: {  	_ =	shalt  }
0x68: {  	_ =	shalt  }
0x69: {  	_ =	shalt  }
0x6a: {  	_ =	shalt  }
0x6b: {  	_ =	shalt  }
0x6c: {  	_ =	shalt  }
0x6d: {  	_ =	shalt  }
0x6e: {  	_ =	shalt  }
0x6f: {  	_ =	shalt  }
0x70: {  	_ =	shalt  }
0x71: {  	_ =	shalt  }
0x72: {  	_ =	shalt  }
0x73: {  	_ =	shalt  }
0x74: {  	_ =	shalt  }
0x75: {  	_ =	shalt  }
0x76: {  	_ =	shalt  }
0x77: {  	_ =	shalt  }
0x78: {  	_ =	shalt  }
0x79: {  	_ =	shalt  }
0x7a: {  	_ =	shalt  }
0x7b: {  	_ =	shalt  }
0x7c: {  	_ =	shalt  }
0x7d: {  	_ =	shalt  }
0x7e: {  	_ =	shalt  }
0x7f: {  	_ =	shalt  }
0x80: {  	_ =	shalt  }
0x81: {  	_ =	shalt  }
0x82: {  	_ =	shalt  }
0x83: {  	_ =	shalt  }
0x84: {  	_ =	shalt  }
0x85: {  	_ =	shalt  }
0x86: {  	_ =	shalt  }
0x87: {  	_ =	shalt  }
.Lfunc_end0:
.L_simem_size_0:
called_computation.1_lowered:
.L_overlay_start_0:
0x88: {  	s2 =	sld [smem:$0x3FD9]  }
0x89: {  	s3 =	sld [smem:$0x3FFE];
	_ =	sdelay $0x1  }
0x8a: {  	s1 =	srdreg.scid  }
0x8b: {  	s0 =	sand.u32 $0x1, s1  }
0x8c: {  	s17 =	sshll.u32 s0, $0xA;
	s2 =	sadd.s32 s3, s2  }
0x8d: {  	s2 =	sadd.s32 s2, s17  }
0x8e: {  	[smem:$0x3FC6] =	sst s2  }
0x8f: {  	_ = 	snop  }
0x90: {  	s2 =	sld [smem:$0x3FD0];
	(tm) =	ssettm $0x1  }
0x91: {  	s18 =	sld [smem:$0x3FFB];
	_ =	sdelay $0x3  }
0x92: {  	_ =	strace s18  }
0x93: {  	s3 =	sld [smem:$0x3FFC];
	_ =	sdelay $0x3  }
0x94: {  	_ =	strace s3  }
0x95: {  	s3 =	sld [smem:$0x3FFD];
	_ =	sdelay $0x3  }
0x96: {  	_ =	strace s3  }
0x97: {  	_ =	strace $0x8FFFFFFF  }
0x98: {  	s19 =	sld [smem:$0x3FDB];
	_ =	sdelay $0x1  }
0x99: {  	s4 =	simm.s32 $_scs_section_size  }
0x9a: {  	s5 =	simm.s32 $_size__tile_overlayer_lowered;
	s6 =	simm.s32 $_tile_overlayer_lowered  }
0x9b: {  	s22 =	simm.s32 $0x1BFF;
	s21 =	sshll.u32 s6, $0x1;
	s3 =	sadd.s32 s4, s19  }
0x9c: {  	s7 =	simm.s32 $0x0;
	s20 =	sshll.u32 s5, $0x1;
	s5 =	sadd.s32 s21, s3  }
0x9d: {  	[timem:s7], [sflag:s22] =	dma.local [hbm:s5], s20  }
0x9e: {  	_ =	swait.ge [sflag:s22], s20  }
0x9f: {  	s4 =	ssub.s32 $0x0, s20;
	[sflag:s22] =	ssyncset.done $0x0  }
0xa0: {  	[sflag:s22] =	ssyncadd.s32 s4;
	_ =	sdelay $0x1  }
0xa1: {  	s23 =	simm.s32 $0x1B8B  }
0xa2: {  	_ =	swait.ge [sflag:s23], $0x1  }
0xa3: {  	[sflag:s23] =	ssyncset.done $0x0  }
0xa4: {  	s25 =	simm.s32 $0x1B8E;
	s24 =	sld [smem:$0x3FFE];
	[sflag:s23] =	ssyncadd.s32 $0xFFFFFFFF  }
0xa5: {  	s26 =	simm.s32 $execute0_lowered;
	[smem:$0x3FD2] =	sst s25  }
0xa6: {  	s5 =	sshll.u32 s26, $0x1;
	_ =	strace $0x80000049;
	[dreg:$0x1] =	wrdreg $0xFFFFFFFF  }
0xa7: {  	s28 =	simm.s32 $_size_execute0_lowered;
	s3 =	sadd.s32 s3, s5;
	[dreg:$0x0] =	wrdreg $0x0  }
0xa8: {  	s5 =	sshll.u32 s28, $0x1;
	[dreg:$0x2] =	wrdreg s3  }
0xa9: {  	[dreg:$0x3] =	wrdreg s5  }
0xaa: {  	[dreg:$0x4] =	wrdreg $0xC0  }
0xab: {  	_ =	task [dreg:s7], $0x5FFFF  }
0xac: {  	[dreg:$0x1] =	wrdreg $0xFFFFFFFF  }
0xad: {  	[dreg:$0x0] =	wrdreg $0x60  }
0xae: {  	[dreg:$0x2] =	wrdreg s24  }
0xaf: {  	[dreg:$0x3] =	wrdreg s2  }
0xb0: {  	[dreg:$0x4] =	wrdreg $0x9  }
0xb1: {  	_ =	task.clear_ibuf [dreg:s7], $0x5FFFF;
	_ =	strace $0x90000049  }
0xb2: {  	s29 =	simm.s32 $0x9;
	_ =	strace $0x8000004B  }
0xb3: {  	_ =	swait.ge [sflag:s29], $0x1  }
0xb4: {  	[sflag:s29] =	ssyncadd.s32 $0xFFFFFFFF  }
0xb5: {  	_ =	strace $0x9000004B  }
0xb6: {  	_ =	sfence  }
0xb7: {  	s30 =	sld [smem:$0x0];
	_ =	sdelay $0x2  }
0xb8: {  	s31 =	sshll.u32 s1, $0xD;
	s1 =	sshrl.u32 s1, $0x2  }
0xb9: {  	s3 =	sand.u32 $0x4000, s31;
	s1 =	sadd.s32 s1, s30  }
0xba: {  	s0 =	sor.u32 s3, s0;
	s1 =	sshll.u32 s1, $0x11  }
0xbb: {  	s0 =	sor.u32 s1, s0  }
0xbc: {  	s0 =	sadd.s32 $0x8F2B, s0  }
0xbd: {  	[sflag:s0] =	ssyncadd.remote.s32 $0x1  }
0xbe: {  	_ =	sfence.sel $0xFFFF  }
0xbf: {  	[dreg:$0x0] =	wrdreg $0xFFFFFFFF;
	(pc) =	sbr.abs _section_cstart, $3  }
0xc0: {  	[dreg:$0x1] =	wrdreg $0xFFFFFFFF  }
0xc1: {  	_ =	task.clear_ibuf [dreg:s7], $0x2FFFF;
	_ =	strace $0x9FFFFFFF  }
0xc2: {  	(tm) =	ssettm $0x7FFFFFFF  }
0xc3: {  	_ =	shalt  }
tec
execute0_lowered:
.L_overlay_start_1:
0x0: {  	(tag) =	ssettag $0x1  }
0x1: {  	s4 =	rddreg [dreg:$0x0]  }
0x2: {  	s5 =	rddreg [dreg:$0x1]  }
0x3: {  	s0 =	rddreg [dreg:$0x2];
	s2 =	simm.s32 $0x0;
	s3 =	srdreg.scid  }
0x4: {  	s1 =	stileid.u32;
	s9 =	simm.s32 $0x2;
	s10 =	simm.s32 $0x80  }
0x5: {  	s11 =	simm.s32 $0x3000;
	s12 =	simm.s32 $0x0;
	s3 =	sand.u32 $0x1, s3  }
0x6: {  	[smem:$0x7FF] =	sst s2;
	s6 =	sshll.u32 s1, $0xA;
	s7 =	sshll.u32 s3, $0x9  }
0x7: {  	s8 =	ssub.s32 $0x2, s3;
	_ =	strace $0x8000004A;
	s6 =	sor.u32 s7, s6  }
0x8: {  	s3 =	sadd.s32 $0xC00, s4;
	s31 =	sshrl.u32 s8, $0x1;
	s4 =	sadd.s32 s6, s4  }
0x9: {  	s7 =	ssub.s32 s8, s31;
	s5 =	sadd.s32 s5, s6;
	s8 =	simm.s32 $0x20000  }
0xa: {  	s4 =	sadd.s32 $0x280C00, s4;
	s6 =	smax.u32 s7, $0x1;
	s7 =	simm.s32 $0x1000  }
.LBB2_1:
0xb: {  	[tilespmem:s2], [sflag:$0x2] =	stream.strided.gather [hbm4b:s4+s7], $0x3000, s8, s7, $0x38;
	[tilespmem:$0x6000] =	vst v63  }
0xc: {  	_ =	swait.ge [sflag:s9], $0x3000  }
0xd: {  	[sflag:s9] =	ssyncset.done $0x0  }
0xe: {  	p0 =	por $0x1, $0x1;
	s13 =	simm.s32 $0x0;
	[sflag:s9] =	ssyncadd.s32 $0xFFFFD000  }
.LBB2_2:
0xf: {  	s16 =	smul.u32 $0x1400, s13;
	_ =	sdelay $0x1  }
0x10: {  	s15 =	sshll.u32 s13, $0x8;
	s14 =	sand.u32 $0x1000, s16  }
0x11: {  	s17 =	sor.u32 s15, s14  }
0x12: {  	s18 =	sadd.s32 $0x3000, s17  }
0x13: {  	[tilespmem:s18], [sflag:$0x1] =	stream.indirect.gather [hbm4b:s3+s10], $0x1, s17, s10, $0xb8;
	[tilespmem:$0x6000] =	vst v63  }
0x14: {  	s16 =	sor.u32 s15, s16;
	s24 =	sor.u32 $0x400, s17;
	s19 =	sadd.s32 $0x3400, s17  }
0x15: {  	[tilespmem:s19], [sflag:$0x1] =	stream.indirect.gather [hbm4b:s3+s10], $0x1, s24, s10, $0xb8;
	[tilespmem:$0x6000] =	vst v63  }
0x16: {  	s28 =	sor.u32 $0xC00, s16;
	s25 =	sor.u32 $0x800, s17;
	s26 =	sadd.s32 $0x3800, s17  }
0x17: {  	[tilespmem:s26], [sflag:$0x1] =	stream.indirect.gather [hbm4b:s3+s10], $0x1, s25, s10, $0xb8;
	[tilespmem:$0x6000] =	vst v63  }
0x18: {  	s29 =	sadd.s32 $0x3000, s28  }
0x19: {  	[tilespmem:s29], [sflag:$0x1] =	stream.indirect.gather [hbm4b:s3+s10], $0x1, s28, s10, $0xb8;
	[tilespmem:$0x6000] =	vst v63  }
0x1a: {  	s30 =	sor.u32 $0x80, s17;
	s31 =	sadd.s32 $0x3080, s17  }
0x1b: {  	[tilespmem:s31], [sflag:$0x1] =	stream.indirect.gather [hbm4b:s3+s10], $0x1, s30, s10, $0xb8;
	[tilespmem:$0x6000] =	vst v63  }
0x1c: {  	s13 =	smul.u32 $0x28, s13;
	s20 =	sor.u32 $0x480, s17;
	s21 =	sadd.s32 $0x3480, s17  }
0x1d: {  	[tilespmem:s21], [sflag:$0x1] =	stream.indirect.gather [hbm4b:s3+s10], $0x1, s20, s10, $0xb8;
	[tilespmem:$0x6000] =	vst v63  }
0x1e: {  	s16 =	sor.u32 $0xC80, s16;
	s22 =	sor.u32 $0x880, s17;
	s17 =	sadd.s32 $0x3880, s17  }
0x1f: {  	[tilespmem:s17], [sflag:$0x1] =	stream.indirect.gather [hbm4b:s3+s10], $0x1, s22, s10, $0xb8;
	[tilespmem:$0x6000] =	vst v63  }
0x20: {  	s23 =	sadd.s32 $0x3000, s16;
	s24 =	sadd.s32 $0x8, s13  }
0x21: {  	[tilespmem:s23], [sflag:$0x1] =	stream.indirect.gather [hbm4b:s3+s10], $0x1, s16, s10, $0xb8;
	[tilespmem:$0x6000] =	vst v63  }
0x22: {  	s25 =	sshll.u32 s24, $0x7;
	s16 =	sshll.u32 s24, $0x5  }
0x23: {  	s26 =	sand.u32 $0x3000, s25;
	s16 =	sand.u32 $0x300, s16  }
0x24: {  	s18 =	sor.u32 s16, s26  }
0x25: {  	s28 =	sadd.s32 $0x3000, s18  }
0x26: {  	[tilespmem:s28], [sflag:$0x1] =	stream.indirect.gather [hbm4b:s3+s10], $0x1, s18, s10, $0xb8;
	[tilespmem:$0x6000] =	vst v63  }
0x27: {  	s16 =	sor.u32 s16, s25;
	s29 =	sor.u32 $0x400, s18;
	s20 =	sadd.s32 $0x3400, s18  }
0x28: {  	[tilespmem:s20], [sflag:$0x1] =	stream.indirect.gather [hbm4b:s3+s10], $0x1, s29, s10, $0xb8;
	[tilespmem:$0x6000] =	vst v63  }
0x29: {  	s30 =	sor.u32 $0x800, s18;
	s16 =	sor.u32 $0xC00, s16;
	s18 =	sadd.s32 $0x3800, s18  }
0x2a: {  	[tilespmem:s18], [sflag:$0x1] =	stream.indirect.gather [hbm4b:s3+s10], $0x1, s30, s10, $0xb8;
	[tilespmem:$0x6000] =	vst v63  }
0x2b: {  	s17 =	sadd.s32 $0xC, s13;
	s31 =	sadd.s32 $0x3000, s16  }
0x2c: {  	[tilespmem:s31], [sflag:$0x1] =	stream.indirect.gather [hbm4b:s3+s10], $0x1, s16, s10, $0xb8;
	[tilespmem:$0x6000] =	vst v63  }
0x2d: {  	s18 =	sshll.u32 s17, $0x7;
	s16 =	sshll.u32 s17, $0x5  }
0x2e: {  	s17 =	sand.u32 $0x3000, s18;
	s16 =	sand.u32 $0x380, s16  }
0x2f: {  	s16 =	sor.u32 s16, s17  }
0x30: {  	s17 =	sadd.s32 $0x3000, s16  }
0x31: {  	[tilespmem:s17], [sflag:$0x1] =	stream.indirect.gather [hbm4b:s3+s10], $0x1, s16, s10, $0xb8;
	[tilespmem:$0x6000] =	vst v63  }
0x32: {  	s19 =	sor.u32 $0x400, s16;
	s20 =	sadd.s32 $0x3400, s16  }
0x33: {  	[tilespmem:s20], [sflag:$0x1] =	stream.indirect.gather [hbm4b:s3+s10], $0x1, s19, s10, $0xb8;
	[tilespmem:$0x6000] =	vst v63  }
0x34: {  	s21 =	sor.u32 $0x800, s16;
	s22 =	sadd.s32 $0x3800, s16  }
0x35: {  	[tilespmem:s22], [sflag:$0x1] =	stream.indirect.gather [hbm4b:s3+s10], $0x1, s21, s10, $0xb8;
	[tilespmem:$0x6000] =	vst v63  }
0x36: {  	s24 =	sadd.s32 $0x10, s13;
	s23 =	sor.u32 $0xC00, s16;
	s16 =	sadd.s32 $0x3C00, s16  }
0x37: {  	[tilespmem:s16], [sflag:$0x1] =	stream.indirect.gather [hbm4b:s3+s10], $0x1, s23, s10, $0xb8;
	[tilespmem:$0x6000] =	vst v63  }
0x38: {  	s25 =	sshll.u32 s24, $0x7;
	s16 =	sshll.u32 s24, $0x5  }
0x39: {  	s26 =	sand.u32 $0x3000, s25;
	s16 =	sand.u32 $0x300, s16  }
0x3a: {  	s18 =	sor.u32 s16, s26  }
0x3b: {  	s28 =	sadd.s32 $0x3000, s18  }
0x3c: {  	[tilespmem:s28], [sflag:$0x1] =	stream.indirect.gather [hbm4b:s3+s10], $0x1, s18, s10, $0xb8;
	[tilespmem:$0x6000] =	vst v63  }
0x3d: {  	s16 =	sor.u32 s16, s25;
	s29 =	sor.u32 $0x400, s18;
	s30 =	sadd.s32 $0x3400, s18  }
0x3e: {  	[tilespmem:s30], [sflag:$0x1] =	stream.indirect.gather [hbm4b:s3+s10], $0x1, s29, s10, $0xb8;
	[tilespmem:$0x6000] =	vst v63  }
0x3f: {  	s31 =	sor.u32 $0x800, s18;
	s16 =	sor.u32 $0xC00, s16;
	s18 =	sadd.s32 $0x3800, s18  }
0x40: {  	[tilespmem:s18], [sflag:$0x1] =	stream.indirect.gather [hbm4b:s3+s10], $0x1, s31, s10, $0xb8;
	[tilespmem:$0x6000] =	vst v63  }
0x41: {  	s20 =	sadd.s32 $0x14, s13;
	s19 =	sadd.s32 $0x3000, s16  }
0x42: {  	[tilespmem:s19], [sflag:$0x1] =	stream.indirect.gather [hbm4b:s3+s10], $0x1, s16, s10, $0xb8;
	[tilespmem:$0x6000] =	vst v63  }
0x43: {  	s21 =	sshll.u32 s20, $0x7;
	s16 =	sshll.u32 s20, $0x5  }
0x44: {  	s17 =	sand.u32 $0x3000, s21;
	s16 =	sand.u32 $0x380, s16  }
0x45: {  	s16 =	sor.u32 s16, s17  }
0x46: {  	s17 =	sadd.s32 $0x3000, s16  }
0x47: {  	[tilespmem:s17], [sflag:$0x1] =	stream.indirect.gather [hbm4b:s3+s10], $0x1, s16, s10, $0xb8;
	[tilespmem:$0x6000] =	vst v63  }
0x48: {  	s22 =	sor.u32 $0x400, s16;
	s23 =	sadd.s32 $0x3400, s16  }
0x49: {  	[tilespmem:s23], [sflag:$0x1] =	stream.indirect.gather [hbm4b:s3+s10], $0x1, s22, s10, $0xb8;
	[tilespmem:$0x6000] =	vst v63  }
0x4a: {  	s24 =	sor.u32 $0x800, s16;
	s25 =	sadd.s32 $0x3800, s16  }
0x4b: {  	[tilespmem:s25], [sflag:$0x1] =	stream.indirect.gather [hbm4b:s3+s10], $0x1, s24, s10, $0xb8;
	[tilespmem:$0x6000] =	vst v63  }
0x4c: {  	s28 =	sadd.s32 $0x18, s13;
	s26 =	sor.u32 $0xC00, s16;
	s16 =	sadd.s32 $0x3C00, s16  }
0x4d: {  	[tilespmem:s16], [sflag:$0x1] =	stream.indirect.gather [hbm4b:s3+s10], $0x1, s26, s10, $0xb8;
	[tilespmem:$0x6000] =	vst v63  }
0x4e: {  	s29 =	sshll.u32 s28, $0x7;
	s16 =	sshll.u32 s28, $0x5  }
0x4f: {  	s30 =	sand.u32 $0x3000, s29;
	s16 =	sand.u32 $0x300, s16  }
0x50: {  	s18 =	sor.u32 s16, s30  }
0x51: {  	s31 =	sadd.s32 $0x3000, s18  }
0x52: {  	[tilespmem:s31], [sflag:$0x1] =	stream.indirect.gather [hbm4b:s3+s10], $0x1, s18, s10, $0xb8;
	[tilespmem:$0x6000] =	vst v63  }
0x53: {  	s16 =	sor.u32 s16, s29;
	s20 =	sor.u32 $0x400, s18;
	s21 =	sadd.s32 $0x3400, s18  }
0x54: {  	[tilespmem:s21], [sflag:$0x1] =	stream.indirect.gather [hbm4b:s3+s10], $0x1, s20, s10, $0xb8;
	[tilespmem:$0x6000] =	vst v63  }
0x55: {  	s22 =	sor.u32 $0x800, s18;
	s16 =	sor.u32 $0xC00, s16;
	s18 =	sadd.s32 $0x3800, s18  }
0x56: {  	[tilespmem:s18], [sflag:$0x1] =	stream.indirect.gather [hbm4b:s3+s10], $0x1, s22, s10, $0xb8;
	[tilespmem:$0x6000] =	vst v63  }
0x57: {  	s24 =	sadd.s32 $0x1C, s13;
	s23 =	sadd.s32 $0x3000, s16  }
0x58: {  	[tilespmem:s23], [sflag:$0x1] =	stream.indirect.gather [hbm4b:s3+s10], $0x1, s16, s10, $0xb8;
	[tilespmem:$0x6000] =	vst v63  }
0x59: {  	s25 =	sshll.u32 s24, $0x7;
	s16 =	sshll.u32 s24, $0x5  }
0x5a: {  	s17 =	sand.u32 $0x3000, s25;
	s16 =	sand.u32 $0x380, s16  }
0x5b: {  	s16 =	sor.u32 s16, s17  }
0x5c: {  	s17 =	sadd.s32 $0x3000, s16  }
0x5d: {  	[tilespmem:s17], [sflag:$0x1] =	stream.indirect.gather [hbm4b:s3+s10], $0x1, s16, s10, $0xb8;
	[tilespmem:$0x6000] =	vst v63  }
0x5e: {  	s26 =	sor.u32 $0x400, s16;
	s28 =	sadd.s32 $0x3400, s16  }
0x5f: {  	[tilespmem:s28], [sflag:$0x1] =	stream.indirect.gather [hbm4b:s3+s10], $0x1, s26, s10, $0xb8;
	[tilespmem:$0x6000] =	vst v63  }
0x60: {  	s29 =	sor.u32 $0x800, s16;
	s30 =	sadd.s32 $0x3800, s16  }
0x61: {  	[tilespmem:s30], [sflag:$0x1] =	stream.indirect.gather [hbm4b:s3+s10], $0x1, s29, s10, $0xb8;
	[tilespmem:$0x6000] =	vst v63  }
0x62: {  	s14 =	sadd.s32 s15, s14;
	s31 =	sor.u32 $0xC00, s16;
	s16 =	sadd.s32 $0x3C00, s16  }
0x63: {  	[tilespmem:s16], [sflag:$0x1] =	stream.indirect.gather [hbm4b:s3+s10], $0x1, s31, s10, $0xb8;
	[tilespmem:$0x6000] =	vst v63  }
0x64: {  	s15 =	sadd.s32 $0x1000, s14;
	s14 =	sadd.s32 $0x4000, s14;
	s18 =	sadd.s32 $0x20, s13  }
0x65: {  	[tilespmem:s14], [sflag:$0x1] =	stream.indirect.gather [hbm4b:s3+s10], $0x1, s15, s10, $0xb8;
	[tilespmem:$0x6000] =	vst v63  }
0x66: {  	s19 =	sshll.u32 s18, $0x7;
	s14 =	sshll.u32 s18, $0x5  }
0x67: {  	s20 =	sand.u32 $0x3000, s19;
	s14 =	sand.u32 $0x300, s14  }
0x68: {  	s13 =	sadd.s32 $0x24, s13;
	s16 =	sor.u32 s14, s20  }
0x69: {  	s14 =	sor.u32 s14, s19;
	s21 =	sor.u32 $0x400, s16;
	s22 =	sadd.s32 $0x3400, s16  }
0x6a: {  	[tilespmem:s22], [sflag:$0x1] =	stream.indirect.gather [hbm4b:s3+s10], $0x1, s21, s10, $0xb8;
	[tilespmem:$0x6000] =	vst v63  }
0x6b: {  	s23 =	sor.u32 $0x800, s16;
	s16 =	sadd.s32 $0x3800, s16;
	s14 =	sor.u32 $0xC00, s14  }
0x6c: {  	[tilespmem:s16], [sflag:$0x1] =	stream.indirect.gather [hbm4b:s3+s10], $0x1, s23, s10, $0xb8;
	[tilespmem:$0x6000] =	vst v63  }
0x6d: {  	s25 =	sshll.u32 s13, $0x7;
	s13 =	sshll.u32 s13, $0x5;
	s24 =	sadd.s32 $0x3000, s14  }
0x6e: {  	[tilespmem:s24], [sflag:$0x1] =	stream.indirect.gather [hbm4b:s3+s10], $0x1, s14, s10, $0xb8;
	[tilespmem:$0x6000] =	vst v63  }
0x6f: {  	s13 =	sand.u32 $0x380, s13;
	s14 =	sand.u32 $0x3000, s25  }
0x70: {  	s13 =	sor.u32 s13, s14  }
0x71: {  	s14 =	sadd.s32 $0x3000, s13  }
0x72: {  	[tilespmem:s14], [sflag:$0x1] =	stream.indirect.gather [hbm4b:s3+s10], $0x1, s13, s10, $0xb8;
	[tilespmem:$0x6000] =	vst v63  }
0x73: {  	s26 =	sor.u32 $0x400, s13;
	s28 =	sadd.s32 $0x3400, s13  }
0x74: {  	[tilespmem:s28], [sflag:$0x1] =	stream.indirect.gather [hbm4b:s3+s10], $0x1, s26, s10, $0xb8;
	[tilespmem:$0x6000] =	vst v63  }
0x75: {  	s29 =	sor.u32 $0x800, s13;
	s30 =	sadd.s32 $0x3800, s13  }
0x76: {  	[tilespmem:s30], [sflag:$0x1] =	stream.indirect.gather [hbm4b:s3+s10], $0x1, s29, s10, $0xb8;
	[tilespmem:$0x6000] =	vst v63  }
0x77: {  	s31 =	sor.u32 $0xC00, s13;
	s13 =	sadd.s32 $0x3C00, s13  }
0x78: {  	[tilespmem:s13], [sflag:$0x1] =	stream.indirect.gather [hbm4b:s3+s10], $0x1, s31, s10, $0xb8;
	[tilespmem:$0x6000] =	vst v63  }
0x79: {  	s13 =	simm.s32 $0x1  }
0x7a: {  	_ =	swait.ge [sflag:s13], $0x80  }
0x7b: {  	[sflag:s13] =	ssyncset.done $0x0  }
0x7c: {  	[sflag:s13] =	ssyncadd.s32 $0xFFFFFF80  }
0x7d: {  	_ =	swait.ge [sflag:s13], $0x80  }
0x7e: {  	[sflag:s13] =	ssyncset.done $0x0  }
0x7f: {  	[sflag:s13] =	ssyncadd.s32 $0xFFFFFF80  }
0x80: {  	_ =	swait.ge [sflag:s13], $0x80  }
0x81: {  	[sflag:s13] =	ssyncset.done $0x0  }
0x82: {  	[sflag:s13] =	ssyncadd.s32 $0xFFFFFF80  }
0x83: {  	_ =	swait.ge [sflag:s13], $0x80  }
0x84: {  	[sflag:s13] =	ssyncset.done $0x0  }
0x85: {  	[sflag:s13] =	ssyncadd.s32 $0xFFFFFF80  }
0x86: {  	_ =	swait.ge [sflag:s13], $0x80  }
0x87: {  	[sflag:s13] =	ssyncset.done $0x0  }
0x88: {  	[sflag:s13] =	ssyncadd.s32 $0xFFFFFF80  }
0x89: {  	_ =	swait.ge [sflag:s13], $0x80  }
0x8a: {  	[sflag:s13] =	ssyncset.done $0x0  }
0x8b: {  	[sflag:s13] =	ssyncadd.s32 $0xFFFFFF80  }
0x8c: {  	_ =	swait.ge [sflag:s13], $0x80  }
0x8d: {  	[sflag:s13] =	ssyncset.done $0x0  }
0x8e: {  	[sflag:s13] =	ssyncadd.s32 $0xFFFFFF80  }
0x8f: {  	_ =	swait.ge [sflag:s13], $0x80  }
0x90: {  	[sflag:s13] =	ssyncset.done $0x0  }
0x91: {  	[sflag:s13] =	ssyncadd.s32 $0xFFFFFF80  }
0x92: {  	_ =	swait.ge [sflag:s13], $0x80  }
0x93: {  	[sflag:s13] =	ssyncset.done $0x0  }
0x94: {  	[sflag:s13] =	ssyncadd.s32 $0xFFFFFF80  }
0x95: {  	_ =	swait.ge [sflag:s13], $0x80  }
0x96: {  	[sflag:s13] =	ssyncset.done $0x0  }
0x97: {  	[sflag:s13] =	ssyncadd.s32 $0xFFFFFF80  }
0x98: {  	_ =	swait.ge [sflag:s13], $0x80  }
0x99: {  	[sflag:s13] =	ssyncset.done $0x0  }
0x9a: {  	[sflag:s13] =	ssyncadd.s32 $0xFFFFFF80  }
0x9b: {  	_ =	swait.ge [sflag:s13], $0x80  }
0x9c: {  	[sflag:s13] =	ssyncset.done $0x0  }
0x9d: {  	[sflag:s13] =	ssyncadd.s32 $0xFFFFFF80  }
0x9e: {  	_ =	swait.ge [sflag:s13], $0x80  }
0x9f: {  	[sflag:s13] =	ssyncset.done $0x0  }
0xa0: {  	[sflag:s13] =	ssyncadd.s32 $0xFFFFFF80  }
0xa1: {  	_ =	swait.ge [sflag:s13], $0x80  }
0xa2: {  	[sflag:s13] =	ssyncset.done $0x0  }
0xa3: {  	[sflag:s13] =	ssyncadd.s32 $0xFFFFFF80  }
0xa4: {  	_ =	swait.ge [sflag:s13], $0x80  }
0xa5: {  	[sflag:s13] =	ssyncset.done $0x0  }
0xa6: {  	[sflag:s13] =	ssyncadd.s32 $0xFFFFFF80  }
0xa7: {  	_ =	swait.ge [sflag:s13], $0x80  }
0xa8: {  	[sflag:s13] =	ssyncset.done $0x0  }
0xa9: {  	[sflag:s13] =	ssyncadd.s32 $0xFFFFFF80  }
0xaa: {  	_ =	swait.ge [sflag:s13], $0x80  }
0xab: {  	[sflag:s13] =	ssyncset.done $0x0  }
0xac: {  	[sflag:s13] =	ssyncadd.s32 $0xFFFFFF80  }
0xad: {  	_ =	swait.ge [sflag:s13], $0x80  }
0xae: {  	[sflag:s13] =	ssyncset.done $0x0  }
0xaf: {  	[sflag:s13] =	ssyncadd.s32 $0xFFFFFF80  }
0xb0: {  	_ =	swait.ge [sflag:s13], $0x80  }
0xb1: {  	[sflag:s13] =	ssyncset.done $0x0  }
0xb2: {  	[sflag:s13] =	ssyncadd.s32 $0xFFFFFF80  }
0xb3: {  	_ =	swait.ge [sflag:s13], $0x80  }
0xb4: {  	[sflag:s13] =	ssyncset.done $0x0  }
0xb5: {  	[sflag:s13] =	ssyncadd.s32 $0xFFFFFF80  }
0xb6: {  	_ =	swait.ge [sflag:s13], $0x80  }
0xb7: {  	[sflag:s13] =	ssyncset.done $0x0  }
0xb8: {  	[sflag:s13] =	ssyncadd.s32 $0xFFFFFF80  }
0xb9: {  	_ =	swait.ge [sflag:s13], $0x80  }
0xba: {  	[sflag:s13] =	ssyncset.done $0x0  }
0xbb: {  	[sflag:s13] =	ssyncadd.s32 $0xFFFFFF80  }
0xbc: {  	_ =	swait.ge [sflag:s13], $0x80  }
0xbd: {  	[sflag:s13] =	ssyncset.done $0x0  }
0xbe: {  	[sflag:s13] =	ssyncadd.s32 $0xFFFFFF80  }
0xbf: {  	_ =	swait.ge [sflag:s13], $0x80  }
0xc0: {  	[sflag:s13] =	ssyncset.done $0x0  }
0xc1: {  	[sflag:s13] =	ssyncadd.s32 $0xFFFFFF80  }
0xc2: {  	_ =	swait.ge [sflag:s13], $0x80  }
0xc3: {  	[sflag:s13] =	ssyncset.done $0x0  }
0xc4: {  	[sflag:s13] =	ssyncadd.s32 $0xFFFFFF80  }
0xc5: {  	_ =	swait.ge [sflag:s13], $0x80  }
0xc6: {  	[sflag:s13] =	ssyncset.done $0x0  }
0xc7: {  	[sflag:s13] =	ssyncadd.s32 $0xFFFFFF80  }
0xc8: {  	_ =	swait.ge [sflag:s13], $0x80  }
0xc9: {  	[sflag:s13] =	ssyncset.done $0x0  }
0xca: {  	[sflag:s13] =	ssyncadd.s32 $0xFFFFFF80  }
0xcb: {  	_ =	swait.ge [sflag:s13], $0x80  }
0xcc: {  	[sflag:s13] =	ssyncset.done $0x0  }
0xcd: {  	[sflag:s13] =	ssyncadd.s32 $0xFFFFFF80  }
0xce: {  	_ =	swait.ge [sflag:s13], $0x80  }
0xcf: {  	[sflag:s13] =	ssyncset.done $0x0  }
0xd0: {  	[sflag:s13] =	ssyncadd.s32 $0xFFFFFF80  }
0xd1: {  	_ =	swait.ge [sflag:s13], $0x80  }
0xd2: {  	[sflag:s13] =	ssyncset.done $0x0  }
0xd3: {  	[sflag:s13] =	ssyncadd.s32 $0xFFFFFF80  }
0xd4: {  	_ =	swait.ge [sflag:s13], $0x80  }
0xd5: {  	[sflag:s13] =	ssyncset.done $0x0  }
0xd6: {  	[sflag:s13] =	ssyncadd.s32 $0xFFFFFF80  }
0xd7: {  	_ =	swait.ge [sflag:s13], $0x80  }
0xd8: {  	[sflag:s13] =	ssyncset.done $0x0  }
0xd9: {  	[sflag:s13] =	ssyncadd.s32 $0xFFFFFF80  }
0xda: {  	_ =	swait.ge [sflag:s13], $0x80  }
0xdb: {  	[sflag:s13] =	ssyncset.done $0x0  }
0xdc: {  	[sflag:s13] =	ssyncadd.s32 $0xFFFFFF80  }
0xdd: {  	_ =	swait.ge [sflag:s13], $0x80  }
0xde: {  	[sflag:s13] =	ssyncset.done $0x0  }
0xdf: {  	[sflag:s13] =	ssyncadd.s32 $0xFFFFFF80  }
0xe0: {  	_ =	swait.ge [sflag:s13], $0x80  }
0xe1: {  	[sflag:s13] =	ssyncset.done $0x0  }
0xe2: {  	[sflag:s13] =	ssyncadd.s32 $0xFFFFFF80  }
0xe3: {  	_ =	swait.ge [sflag:s13], $0x80  }
0xe4: {  	[sflag:s13] =	ssyncset.done $0x0  }
0xe5: {  	[sflag:s13] =	ssyncadd.s32 $0xFFFFFF80  }
0xe6: {  	_ =	swait.ge [sflag:s13], $0x80  }
0xe7: {  	[sflag:s13] =	ssyncset.done $0x0  }
0xe8: {  	[sflag:s13] =	ssyncadd.s32 $0xFFFFFF80  }
0xe9: {  	_ =	swait.ge [sflag:s13], $0x80  }
0xea: {  	[sflag:s13] =	ssyncset.done $0x0  }
0xeb: {  	[sflag:s13] =	ssyncadd.s32 $0xFFFFFF80  }
0xec: {  	p1 =	por p0, p0;
	_ =	swait.ge [sflag:s13], $0x80  }
.Ltmp0:
0xed: {  	[sflag:s13] =	ssyncset.done $0x0;
	(pc) =	sbr.rel @p1 .LBB2_2-.Ltmp0, $4  }
0xee: {  	[sflag:s13] =	ssyncadd.s32 $0xFFFFFF80  }
0xef: {  	_ =	swait.ge [sflag:s13], $0x80  }
0xf0: {  	[sflag:s13] =	ssyncset.done $0x0  }
0xf1: {  	p0 =	por $0x0, $0x0;
	[sflag:s13] =	ssyncadd.s32 $0xFFFFFF80  }
0xf2: {  	s12 =	sadd.s32 $0x1, s12  }
0xf3: {  	p0 =	sne.s32 s12, s6  }
.Ltmp1:
0xf4: {  	_ = 	snop;
	(pc) =	sbr.rel @p0 .LBB2_1-.Ltmp1, $4  }
0xf5: {  	[hbm4b:s5+s7] =	stream.strided.scatter [tilespmem:s11], [sflag:$0x2], $0x3000, s8, s7, $0x38;
	[tilespmem:$0x6000] =	vst v63  }
0xf6: {  	_ =	swait.ge [sflag:s9], $0x3000  }
0xf7: {  	[sflag:s9] =	ssyncset.done $0x0  }
0xf8: {  	[sflag:s9] =	ssyncadd.s32 $0xFFFFD000  }
0xf9: {  	_ =	sfence.sel $0x180000  }
0xfa: {  	[bflag:$0x0] =	sbarrier.arrive $0xFFFF  }
0xfb: {  	p0 =	sne.s32 s1, $0x0;
	_ =	strace $0x9000004A  }
0xfc: {  	s0 =	sadd.s32 @!p0 $0x100000, s0;
	[bflag:$0x2] =	sbarrier.arrive $0xFFFF  }
0xfd: {  	[sflag:s0] =	ssyncadd.tile.s32 @!p0 $0x1;
	_ =	shalt  }
.Lfunc_end2:
_tile_overlayer_lowered:
.L_overlay_start_2:
0xfe: {  	(tag) =	ssettag $0x2  }
0xff: {  	s0 =	rddreg [dreg:$0x0];
	s2 =	stileid.u32  }
0x100: {  	s1 =	rddreg [dreg:$0x1];
	p0 =	sne.s32 s2, $0x0  }
0x101: {  	s3 =	rddreg [dreg:$0x2];
	[bflag:$0x3] =	sbarrier.arrive $0xFFFF;
	s2 =	simm.s32 @!p0 $0x1C02  }
0x102: {  	[timem:s3], [sflag:s2] =	dma.local @!p0 [hbm:s0], s1  }
0x103: {  	s0 =	simm.s32 @!p0 $0x2  }
0x104: {  	_ =	swait.ge @!p0 [sflag:s0], s1  }
0x105: {  	s1 =	ssub.s32 @!p0 $0x0, s1;
	[sflag:s0] =	ssyncset.done @!p0 $0x0  }
0x106: {  	[sflag:s0] =	ssyncadd.s32 @!p0 s1  }
0x107: {  	[bflag:$0x3] =	sbarrier.arrive $0xFFFF  }
0x108: {  	_ =	shalt  }

</sc_bundles>
